<compile_context>
chip_gen: v7x
topology: tpu7x:2x2x1
jax: 0.10.2.dev20260603
libtpu: 0.0.44.dev20260713+nightly
codegen_flags: <defaults>
</compile_context>

<pallas_src>
import dataclasses
import functools

import jax
import jax.numpy as jnp
from jax import lax
from jax.experimental import pallas as pl
from jax.experimental.pallas import tpu as pltpu
from jax.experimental.pallas import tpu_sc as plsc

_KEEP = 0.7
_BINS = 2048
_ROWL = 2049
_HSZ = 64 * 513
_NTILES = 32
_CH = 8192
_BH = 256

_SC_CP = pltpu.CompilerParams()
if "needs_layout_passes" in getattr(pltpu.CompilerParams, "__dataclass_fields__", {}):
    _SC_CP = dataclasses.replace(_SC_CP, needs_layout_passes=False)


def _nll_body(x_ref, t_ref, o_ref):
    xb = x_ref[0]
    s = jnp.sum(jnp.exp(xb), axis=0)
    tb = t_ref[0]
    cio = lax.broadcasted_iota(jnp.int32, xb.shape, 0)
    xt = jnp.sum(jnp.where(cio == tb[None], xb, 0.0), axis=0)
    nll = jnp.maximum(jnp.log(s) - xt, 0.0)
    o_ref[0] = lax.bitcast_convert_type(nll, jnp.int32)


def _nll_keys(x4, t4):
    b, c, h, w = x4.shape
    nblk = h // _BH
    return pl.pallas_call(
        _nll_body,
        grid=(b, nblk),
        in_specs=[
            pl.BlockSpec((1, c, _BH, w), lambda i, j: (i, 0, j, 0)),
            pl.BlockSpec((1, _BH, w), lambda i, j: (i, j, 0)),
        ],
        out_specs=pl.BlockSpec((1, _BH, w), lambda i, j: (i, j, 0)),
        out_shape=jax.ShapeDtypeStruct((b, h, w), jnp.int32),
    )(x4, t4)


def _sc_hist(keys, prefix_rep, n, mask_shift, bkt_shift, bkt_mask):
    rows_chunk = _CH // 512
    per_tile_rows = (n // 512) // _NTILES
    nchunk = per_tile_rows // rows_chunk
    mesh = plsc.VectorSubcoreMesh(core_axis_name="c", subcore_axis_name="s")

    @functools.partial(
        pl.kernel,
        mesh=mesh,
        out_type=jax.ShapeDtypeStruct((_NTILES, _BINS), jnp.int32),
        scratch_types=(
            [pltpu.VMEM((rows_chunk, 512), jnp.int32) for _ in range(nchunk)]
            + [
                pltpu.VMEM((_HSZ,), jnp.int32),
                pltpu.VMEM((_BINS,), jnp.int32),
                pltpu.VMEM((16,), jnp.int32),
                pltpu.SemaphoreType.DMA,
            ]
        ),
        compiler_params=_SC_CP,
    )
    def hist_kernel(keys_hbm, pref_hbm, cnt_hbm, *scratch):
        bufs = scratch[:nchunk]
        hc, mc, pv, sem = scratch[nchunk:]
        wid = lax.axis_index("c") * 16 + lax.axis_index("s")
        base = wid * per_tile_rows

        pltpu.sync_copy(pref_hbm.at[0], pv)
        pvec = pv[...]

        zi = jnp.zeros((16,), jnp.int32)

        @pl.loop(0, _HSZ, step=64)
        def _zero(j):
            for u in range(4):
                hc[pl.ds(j + u * 16, 16)] = zi

        laneoff = lax.iota(jnp.int32, 16) * _ROWL
        ones_i = jnp.ones((16,), jnp.int32)

        def process(buf):
            @pl.loop(0, rows_chunk)
            def _rows(r):

                @pl.loop(0, 512, step=128)
                def _proc(j):
                    ks = [buf[r, pl.ds(j + u * 16, 16)] for u in range(8)]
                    bs = [lax.shift_right_logical(k, bkt_shift) for k in ks]
                    if bkt_mask is not None:
                        bs = [jnp.bitwise_and(b, bkt_mask) for b in bs]
                    idxs = [laneoff + b for b in bs]
                    if mask_shift is None:
                        for idx in idxs:
                            plsc.addupdate_scatter(hc, [idx], ones_i)
                    else:
                        msks = [lax.shift_right_logical(k, mask_shift) == pvec
                                for k in ks]
                        for idx, msk in zip(idxs, msks):
                            plsc.addupdate_scatter(hc, [idx], ones_i,
                                                   mask=msk)

        copies = [
            pltpu.async_copy(
                keys_hbm.at[pl.ds(base + i * rows_chunk, rows_chunk), :],
                bufs[i], sem)
            for i in range(nchunk)
        ]
        for i in range(nchunk):
            copies[i].wait()
            process(bufs[i])

        @pl.loop(0, _BINS, step=16)
        def _red(c):
            acc = hc[pl.ds(c, 16)]
            for r in range(1, 16):
                acc = acc + hc[pl.ds(r * _ROWL + c, 16)]
            mc[pl.ds(c, 16)] = acc

        pltpu.sync_copy(mc, cnt_hbm.at[wid])

    return hist_kernel(keys, prefix_rep)


def _suffix_inc_lane(x):
    n = x.shape[-1]
    s = 1
    while s < n:
        pad = jnp.zeros(x.shape[:-1] + (s,), x.dtype)
        x = x + jnp.concatenate([x[..., s:], pad], axis=-1)
        s *= 2
    return x


def _suffix_counts(cnt_ref):
    hm = jnp.sum(cnt_ref[...], axis=0)
    cw = _suffix_inc_lane(hm)
    rtot = jnp.sum(hm, axis=1, keepdims=True)
    ii = lax.broadcasted_iota(jnp.int32, (16, 16), 0)
    jj = lax.broadcasted_iota(jnp.int32, (16, 16), 1)
    sr = jnp.sum(jnp.where(jj > ii, rtot.reshape(1, 16), 0), axis=1,
                 keepdims=True)
    return cw + sr


def _pick_bin(c, r_in):
    nge = jnp.sum(jnp.sum((c >= r_in).astype(jnp.int32), axis=1,
                          keepdims=True), axis=0, keepdims=True)
    bi = (lax.broadcasted_iota(jnp.int32, (16, 128), 0) * 128
          + lax.broadcasted_iota(jnp.int32, (16, 128), 1))
    cnt_above = jnp.sum(jnp.sum(jnp.where(bi == nge, c, 0), axis=1,
                                keepdims=True), axis=0, keepdims=True)
    return nge - 1, cnt_above


def _search1_body(kk, cnt_ref, prep_ref, p_ref, r_ref):
    c = _suffix_counts(cnt_ref)
    bstar, cnt_above = _pick_bin(c, kk)
    prep_ref[...] = jnp.broadcast_to(bstar, (1, 16))
    p_ref[...] = bstar
    r_ref[...] = jnp.full((1, 1), kk, jnp.int32) - cnt_above


def _masked_sum(kv, t22):
    above = lax.shift_right_logical(kv, 9) > t22.reshape(1, 1, 1)
    vals = lax.bitcast_convert_type(kv, jnp.float32)
    return jnp.sum(jnp.sum(jnp.sum(jnp.where(above, vals, 0.0), axis=2,
                                   keepdims=True), axis=1, keepdims=True),
                   axis=0)


def _search2_body(kk, cnt_ref, ka_ref, kb_ref, p_ref, r_ref, ans_ref):
    c = _suffix_counts(cnt_ref)
    r_in = r_ref[...]
    bstar, cnt_above = _pick_bin(c, r_in)
    t22 = jnp.bitwise_or(lax.shift_left(p_ref[...], 11), bstar)
    r_out = r_in - cnt_above
    thr = lax.bitcast_convert_type(lax.shift_left(t22, 9), jnp.float32)

    s = _masked_sum(ka_ref[...], t22) + _masked_sum(kb_ref[...], t22)
    ans_ref[...] = (s + r_out.astype(jnp.float32) * thr) / float(kk)


def _tc_search1(cnt, kk):
    return pl.pallas_call(
        functools.partial(_search1_body, kk),
        out_shape=[
            jax.ShapeDtypeStruct((1, 16), jnp.int32),
            jax.ShapeDtypeStruct((1, 1), jnp.int32),
            jax.ShapeDtypeStruct((1, 1), jnp.int32),
        ],
    )(cnt)


def _tc_search2(cnt, keysa, keysb, p, r, kk):
    return pl.pallas_call(
        functools.partial(_search2_body, kk),
        out_shape=jax.ShapeDtypeStruct((1, 1), jnp.float32),
    )(cnt, keysa, keysb, p, r)


def kernel(inputs, targets):
    b, c, h, w = inputs.shape
    n = b * h * w
    kk = int(n * _KEEP)

    keys3 = _nll_keys(inputs, targets.astype(jnp.int32))
    keys2 = keys3.reshape(b * h, w)

    zero16 = jnp.zeros((1, 16), jnp.int32)
    cnt1 = _sc_hist(keys2, zero16, n, None, 20, None)
    prep1, p1, r1 = _tc_search1(cnt1.reshape(_NTILES, 16, 128), kk)
    cnt2 = _sc_hist(keys2, prep1, n, 20, 9, 0x7FF)
    ans = _tc_search2(cnt2.reshape(_NTILES, 16, 128), keys3[:b // 2],
                      keys3[b // 2:], p1, r1, kk)
    return ans[0, 0]

# --- scband reference (transcript-rebuilt; emitter-appended) ---
"""Pipeline reference for scband-ohemcross-entropy-loss-78477642433013 (READ-ONLY COPY).

The authoritative reference and input builder live on the scoring server;
editing this copy changes nothing except your own understanding.
"""

import jax, jax.numpy as jnp
import numpy as np

KEEP_RATIO = 0.7
IGNORE_INDEX = 255

def setup_inputs(seed: int = 0) -> dict:
    key = jax.random.key(seed)
    k1, k2 = jax.random.split(key)
    inputs = jax.random.normal(k1, (8, 19, 512, 512), dtype=jnp.float32)
    targets = jax.random.randint(k2, (8, 512, 512), 0, 19, dtype=jnp.int64)
    return {"inputs": inputs, "targets": targets}

def reference(inputs, targets):
    # mask of valid (non-ignored) pixels; kept traced, fixed-shape handling below
    mask = targets != IGNORE_INDEX
    # per-pixel cross entropy with reduction='none' (channel dim = 1)
    logp = jax.nn.log_softmax(inputs, axis=1)
    tgt = jnp.clip(targets, 0, inputs.shape[1] - 1)
    nll = -jnp.take_along_axis(logp, tgt[:, None, :, :], axis=1)[:, 0]  # [B,H,W]
    losses = jnp.where(mask, nll, -jnp.inf).reshape(-1)  # flattened, invalid pushed last
    # OHEM: keep hardest keep_ratio fraction (descending sort, take top)
    sorted_desc = jnp.sort(losses)[::-1]
    valid_count = int(np.prod(targets.shape))
    kept_count = int(valid_count * KEEP_RATIO)
    kept = sorted_desc[:kept_count]
    return jnp.mean(kept)

if __name__ == "__main__":
    import jax
    _d = setup_inputs()
    print(jax.jit(kernel)(*tuple(_d.values())))

</pallas_src>

<mosaic_0001>
#map = affine_map<(d0, d1) -> (0, 0)>
module attributes {stable_mosaic.version = 14 : i64} {
  func.func @hist_kernel(%arg0: i32, %arg1: i32, %arg2: memref<4096x512xi32, #tpu.memory_space<hbm>>, %arg3: memref<1x16xi32, #tpu.memory_space<hbm>>, %arg4: memref<32x2048xi32, #tpu.memory_space<hbm>>, %arg5: memref<16x512xi32, #tpu.memory_space<vmem>>, %arg6: memref<16x512xi32, #tpu.memory_space<vmem>>, %arg7: memref<16x512xi32, #tpu.memory_space<vmem>>, %arg8: memref<16x512xi32, #tpu.memory_space<vmem>>, %arg9: memref<16x512xi32, #tpu.memory_space<vmem>>, %arg10: memref<16x512xi32, #tpu.memory_space<vmem>>, %arg11: memref<16x512xi32, #tpu.memory_space<vmem>>, %arg12: memref<16x512xi32, #tpu.memory_space<vmem>>, %arg13: memref<32832xi32, #tpu.memory_space<vmem>>, %arg14: memref<2048xi32, #tpu.memory_space<vmem>>, %arg15: memref<16xi32, #tpu.memory_space<vmem>>, %arg16: memref<!tpu.dma_semaphore, #tpu.memory_space<semaphore_mem>>) attributes {dimension_semantics = [#tpu.dimension_semantics<core_parallel>, #tpu.dimension_semantics<subcore_parallel>], iteration_bounds = array<i64: 2, 16>, scalar_prefetch = 0 : i64, scratch_operands = 12 : i64, tpu.core_type = #tpu.core_type<sc_vector_subcore>, window_params = [{transform_indices = #map}, {transform_indices = #map}, {transform_indices = #map}]} {
    %mul3A = arith.constant 16 : i32
    %mul3A_0 = arith.muli %arg0, %mul3A : i32
    %add3A = arith.addi %mul3A_0, %arg1 : i32
    %mul3A_1 = arith.constant 128 : i32
    %mul3A_2 = arith.muli %add3A, %mul3A_1 : i32
    %run_scoped3A = arith.constant 0 : i32
    "tpu.region"() ({
      %run_scoped3A_137 = tpu.sem_alloc : memref<!tpu.dma_semaphore, #tpu.memory_space<semaphore_mem>>
      %dma_start3A_138 = arith.constant 0 : i32
      %dma_start3A_139 = tpu.memref_slice %arg3[%run_scoped3A, %dma_start3A_138] : memref<1x16xi32, #tpu.memory_space<hbm>> -> memref<1x16xi32, #tpu.memory_space<hbm>>
      %dma_start3A_140 = tpu.memref_squeeze %dma_start3A_139 : memref<1x16xi32, #tpu.memory_space<hbm>> -> memref<16xi32, #tpu.memory_space<hbm>>
      %dma_start3A_141 = arith.constant 0 : i32
      %dma_start3A_142 = tpu.memref_slice %arg3[%run_scoped3A, %dma_start3A_141] : memref<1x16xi32, #tpu.memory_space<hbm>> -> memref<1x16xi32, #tpu.memory_space<hbm>>
      %dma_start3A_143 = tpu.memref_squeeze %dma_start3A_142 : memref<1x16xi32, #tpu.memory_space<hbm>> -> memref<16xi32, #tpu.memory_space<hbm>>
      tpu.enqueue_dma source(%dma_start3A_143 : memref<16xi32, #tpu.memory_space<hbm>>) target(%arg15 : memref<16xi32, #tpu.memory_space<vmem>>) target_semaphore(%run_scoped3A_137 : memref<!tpu.dma_semaphore, #tpu.memory_space<semaphore_mem>>)
      %dma_wait3A_144 = arith.constant 0 : i32
      %dma_wait3A_145 = tpu.memref_slice %arg3[%run_scoped3A, %dma_wait3A_144] : memref<1x16xi32, #tpu.memory_space<hbm>> -> memref<1x16xi32, #tpu.memory_space<hbm>>
      %dma_wait3A_146 = tpu.memref_squeeze %dma_wait3A_145 : memref<1x16xi32, #tpu.memory_space<hbm>> -> memref<16xi32, #tpu.memory_space<hbm>>
      %dma_wait3A_147 = arith.constant 0 : i32
      %dma_wait3A_148 = tpu.memref_slice %arg3[%run_scoped3A, %dma_wait3A_147] : memref<1x16xi32, #tpu.memory_space<hbm>> -> memref<1x16xi32, #tpu.memory_space<hbm>>
      %dma_wait3A_149 = tpu.memref_squeeze %dma_wait3A_148 : memref<1x16xi32, #tpu.memory_space<hbm>> -> memref<16xi32, #tpu.memory_space<hbm>>
      tpu.wait_dma2 semaphore(%run_scoped3A_137 : memref<!tpu.dma_semaphore, #tpu.memory_space<semaphore_mem>>) src(%dma_wait3A_149 : memref<16xi32, #tpu.memory_space<hbm>>) dst(%arg15 : memref<16xi32, #tpu.memory_space<vmem>>)
      tpu.yield
    }) : () -> ()
    %get3A = arith.constant 0 : index
    %get3A_3 = tpu.vector_load %arg15[%get3A] {strides = array<i32>} : memref<16xi32, #tpu.memory_space<vmem>>, vector<16xi32>,
    %broadcast_in_dim3A = arith.constant 0 : i32
    %broadcast_in_dim3A_4 = vector.broadcast %broadcast_in_dim3A : i32 to vector<16xi32>
    %scan3A = arith.constant 0 : i32
    %scan3A_5 = arith.constant 513 : i32
    %scan3A_6 = arith.addi %scan3A, %scan3A_5 : i32
    %scan3A_7 = arith.constant 1 : i32
    scf.for %scan3A_137 = %scan3A to %scan3A_6 step %scan3A_7  : i32 {
      %mul3A_138 = arith.constant 64 : i32
      %mul3A_139 = arith.muli %scan3A_137, %mul3A_138 : i32
      %add3A_140 = arith.constant 0 : i32
      %add3A_141 = arith.addi %add3A_140, %mul3A_139 : i32
      %add3A_142 = arith.constant 0 : i32
      %add3A_143 = arith.addi %add3A_141, %add3A_142 : i32
      %swap3A = arith.index_cast %add3A_143 : i32 to index
      %swap3A_144 = tpu.vector_load %arg13[%swap3A] {strides = array<i32>} : memref<32832xi32, #tpu.memory_space<vmem>>, vector<16xi32>,
      tpu.vector_store %arg13[%swap3A], %broadcast_in_dim3A_4 {strides = array<i32>} : memref<32832xi32, #tpu.memory_space<vmem>>, vector<16xi32>,
      %add3A_145 = arith.constant 16 : i32
      %add3A_146 = arith.addi %add3A_141, %add3A_145 : i32
      %swap3A_147 = arith.index_cast %add3A_146 : i32 to index
      %swap3A_148 = tpu.vector_load %arg13[%swap3A_147] {strides = array<i32>} : memref<32832xi32, #tpu.memory_space<vmem>>, vector<16xi32>,
      tpu.vector_store %arg13[%swap3A_147], %broadcast_in_dim3A_4 {strides = array<i32>} : memref<32832xi32, #tpu.memory_space<vmem>>, vector<16xi32>,
      %add3A_149 = arith.constant 32 : i32
      %add3A_150 = arith.addi %add3A_141, %add3A_149 : i32
      %swap3A_151 = arith.index_cast %add3A_150 : i32 to index
      %swap3A_152 = tpu.vector_load %arg13[%swap3A_151] {strides = array<i32>} : memref<32832xi32, #tpu.memory_space<vmem>>, vector<16xi32>,
      tpu.vector_store %arg13[%swap3A_151], %broadcast_in_dim3A_4 {strides = array<i32>} : memref<32832xi32, #tpu.memory_space<vmem>>, vector<16xi32>,
      %add3A_153 = arith.constant 48 : i32
      %add3A_154 = arith.addi %add3A_141, %add3A_153 : i32
      %swap3A_155 = arith.index_cast %add3A_154 : i32 to index
      %swap3A_156 = tpu.vector_load %arg13[%swap3A_155] {strides = array<i32>} : memref<32832xi32, #tpu.memory_space<vmem>>, vector<16xi32>,
      tpu.vector_store %arg13[%swap3A_155], %broadcast_in_dim3A_4 {strides = array<i32>} : memref<32832xi32, #tpu.memory_space<vmem>>, vector<16xi32>,
    }
    %scan3A_8 = arith.constant 513 : i32
    %iota3A = tpu.iota {dimensions = array<i32: 0>} : vector<16xi32>
    %mul3A_9 = arith.constant 2049 : i32
    %mul3A_10 = vector.broadcast %mul3A_9 : i32 to vector<16xi32>
    %mul3A_11 = arith.muli %iota3A, %mul3A_10 : vector<16xi32>
    %broadcast_in_dim3A_12 = arith.constant 1 : i32
    %broadcast_in_dim3A_13 = vector.broadcast %broadcast_in_dim3A_12 : i32 to vector<16xi32>
    %add3A_14 = arith.constant 0 : i32
    %add3A_15 = arith.addi %mul3A_2, %add3A_14 : i32
    %dma_start3A = arith.constant 0 : i32
    %dma_start3A_16 = tpu.memref_slice %arg2[%add3A_15, %dma_start3A] : memref<4096x512xi32, #tpu.memory_space<hbm>> -> memref<16x512xi32, #tpu.memory_space<hbm>>
    %dma_start3A_17 = arith.constant 0 : i32
    %dma_start3A_18 = tpu.memref_slice %arg2[%add3A_15, %dma_start3A_17] : memref<4096x512xi32, #tpu.memory_space<hbm>> -> memref<16x512xi32, #tpu.memory_space<hbm>>
    tpu.enqueue_dma source(%dma_start3A_18 : memref<16x512xi32, #tpu.memory_space<hbm>>) target(%arg5 : memref<16x512xi32, #tpu.memory_space<vmem>>) target_semaphore(%arg16 : memref<!tpu.dma_semaphore, #tpu.memory_space<semaphore_mem>>)
    %add3A_19 = arith.constant 16 : i32
    %add3A_20 = arith.addi %mul3A_2, %add3A_19 : i32
    %dma_start3A_21 = arith.constant 0 : i32
    %dma_start3A_22 = tpu.memref_slice %arg2[%add3A_20, %dma_start3A_21] : memref<4096x512xi32, #tpu.memory_space<hbm>> -> memref<16x512xi32, #tpu.memory_space<hbm>>
    %dma_start3A_23 = arith.constant 0 : i32
    %dma_start3A_24 = tpu.memref_slice %arg2[%add3A_20, %dma_start3A_23] : memref<4096x512xi32, #tpu.memory_space<hbm>> -> memref<16x512xi32, #tpu.memory_space<hbm>>
    tpu.enqueue_dma source(%dma_start3A_24 : memref<16x512xi32, #tpu.memory_space<hbm>>) target(%arg6 : memref<16x512xi32, #tpu.memory_space<vmem>>) target_semaphore(%arg16 : memref<!tpu.dma_semaphore, #tpu.memory_space<semaphore_mem>>)
    %add3A_25 = arith.constant 32 : i32
    %add3A_26 = arith.addi %mul3A_2, %add3A_25 : i32
    %dma_start3A_27 = arith.constant 0 : i32
    %dma_start3A_28 = tpu.memref_slice %arg2[%add3A_26, %dma_start3A_27] : memref<4096x512xi32, #tpu.memory_space<hbm>> -> memref<16x512xi32, #tpu.memory_space<hbm>>
    %dma_start3A_29 = arith.constant 0 : i32
    %dma_start3A_30 = tpu.memref_slice %arg2[%add3A_26, %dma_start3A_29] : memref<4096x512xi32, #tpu.memory_space<hbm>> -> memref<16x512xi32, #tpu.memory_space<hbm>>
    tpu.enqueue_dma source(%dma_start3A_30 : memref<16x512xi32, #tpu.memory_space<hbm>>) target(%arg7 : memref<16x512xi32, #tpu.memory_space<vmem>>) target_semaphore(%arg16 : memref<!tpu.dma_semaphore, #tpu.memory_space<semaphore_mem>>)
    %add3A_31 = arith.constant 48 : i32
    %add3A_32 = arith.addi %mul3A_2, %add3A_31 : i32
    %dma_start3A_33 = arith.constant 0 : i32
    %dma_start3A_34 = tpu.memref_slice %arg2[%add3A_32, %dma_start3A_33] : memref<4096x512xi32, #tpu.memory_space<hbm>> -> memref<16x512xi32, #tpu.memory_space<hbm>>
    %dma_start3A_35 = arith.constant 0 : i32
    %dma_start3A_36 = tpu.memref_slice %arg2[%add3A_32, %dma_start3A_35] : memref<4096x512xi32, #tpu.memory_space<hbm>> -> memref<16x512xi32, #tpu.memory_space<hbm>>
    tpu.enqueue_dma source(%dma_start3A_36 : memref<16x512xi32, #tpu.memory_space<hbm>>) target(%arg8 : memref<16x512xi32, #tpu.memory_space<vmem>>) target_semaphore(%arg16 : memref<!tpu.dma_semaphore, #tpu.memory_space<semaphore_mem>>)
    %add3A_37 = arith.constant 64 : i32
    %add3A_38 = arith.addi %mul3A_2, %add3A_37 : i32
    %dma_start3A_39 = arith.constant 0 : i32
    %dma_start3A_40 = tpu.memref_slice %arg2[%add3A_38, %dma_start3A_39] : memref<4096x512xi32, #tpu.memory_space<hbm>> -> memref<16x512xi32, #tpu.memory_space<hbm>>
    %dma_start3A_41 = arith.constant 0 : i32
    %dma_start3A_42 = tpu.memref_slice %arg2[%add3A_38, %dma_start3A_41] : memref<4096x512xi32, #tpu.memory_space<hbm>> -> memref<16x512xi32, #tpu.memory_space<hbm>>
    tpu.enqueue_dma source(%dma_start3A_42 : memref<16x512xi32, #tpu.memory_space<hbm>>) target(%arg9 : memref<16x512xi32, #tpu.memory_space<vmem>>) target_semaphore(%arg16 : memref<!tpu.dma_semaphore, #tpu.memory_space<semaphore_mem>>)
    %add3A_43 = arith.constant 80 : i32
    %add3A_44 = arith.addi %mul3A_2, %add3A_43 : i32
    %dma_start3A_45 = arith.constant 0 : i32
    %dma_start3A_46 = tpu.memref_slice %arg2[%add3A_44, %dma_start3A_45] : memref<4096x512xi32, #tpu.memory_space<hbm>> -> memref<16x512xi32, #tpu.memory_space<hbm>>
    %dma_start3A_47 = arith.constant 0 : i32
    %dma_start3A_48 = tpu.memref_slice %arg2[%add3A_44, %dma_start3A_47] : memref<4096x512xi32, #tpu.memory_space<hbm>> -> memref<16x512xi32, #tpu.memory_space<hbm>>
    tpu.enqueue_dma source(%dma_start3A_48 : memref<16x512xi32, #tpu.memory_space<hbm>>) target(%arg10 : memref<16x512xi32, #tpu.memory_space<vmem>>) target_semaphore(%arg16 : memref<!tpu.dma_semaphore, #tpu.memory_space<semaphore_mem>>)
    %add3A_49 = arith.constant 96 : i32
    %add3A_50 = arith.addi %mul3A_2, %add3A_49 : i32
    %dma_start3A_51 = arith.constant 0 : i32
    %dma_start3A_52 = tpu.memref_slice %arg2[%add3A_50, %dma_start3A_51] : memref<4096x512xi32, #tpu.memory_space<hbm>> -> memref<16x512xi32, #tpu.memory_space<hbm>>
    %dma_start3A_53 = arith.constant 0 : i32
    %dma_start3A_54 = tpu.memref_slice %arg2[%add3A_50, %dma_start3A_53] : memref<4096x512xi32, #tpu.memory_space<hbm>> -> memref<16x512xi32, #tpu.memory_space<hbm>>
    tpu.enqueue_dma source(%dma_start3A_54 : memref<16x512xi32, #tpu.memory_space<hbm>>) target(%arg11 : memref<16x512xi32, #tpu.memory_space<vmem>>) target_semaphore(%arg16 : memref<!tpu.dma_semaphore, #tpu.memory_space<semaphore_mem>>)
    %add3A_55 = arith.constant 112 : i32
    %add3A_56 = arith.addi %mul3A_2, %add3A_55 : i32
    %dma_start3A_57 = arith.constant 0 : i32
    %dma_start3A_58 = tpu.memref_slice %arg2[%add3A_56, %dma_start3A_57] : memref<4096x512xi32, #tpu.memory_space<hbm>> -> memref<16x512xi32, #tpu.memory_space<hbm>>
    %dma_start3A_59 = arith.constant 0 : i32
    %dma_start3A_60 = tpu.memref_slice %arg2[%add3A_56, %dma_start3A_59] : memref<4096x512xi32, #tpu.memory_space<hbm>> -> memref<16x512xi32, #tpu.memory_space<hbm>>
    tpu.enqueue_dma source(%dma_start3A_60 : memref<16x512xi32, #tpu.memory_space<hbm>>) target(%arg12 : memref<16x512xi32, #tpu.memory_space<vmem>>) target_semaphore(%arg16 : memref<!tpu.dma_semaphore, #tpu.memory_space<semaphore_mem>>)
    %dma_wait3A = arith.constant 0 : i32
    %dma_wait3A_61 = tpu.memref_slice %arg2[%add3A_15, %dma_wait3A] : memref<4096x512xi32, #tpu.memory_space<hbm>> -> memref<16x512xi32, #tpu.memory_space<hbm>>
    %dma_wait3A_62 = arith.constant 0 : i32
    %dma_wait3A_63 = tpu.memref_slice %arg2[%add3A_15, %dma_wait3A_62] : memref<4096x512xi32, #tpu.memory_space<hbm>> -> memref<16x512xi32, #tpu.memory_space<hbm>>
    tpu.wait_dma2 semaphore(%arg16 : memref<!tpu.dma_semaphore, #tpu.memory_space<semaphore_mem>>) src(%dma_wait3A_63 : memref<16x512xi32, #tpu.memory_space<hbm>>) dst(%arg5 : memref<16x512xi32, #tpu.memory_space<vmem>>)
    %scan3A_64 = arith.constant 0 : i32
    %scan3A_65 = arith.constant 16 : i32
    %scan3A_66 = arith.addi %scan3A_64, %scan3A_65 : i32
    %scan3A_67 = arith.constant 1 : i32
    scf.for %scan3A_137 = %scan3A_64 to %scan3A_66 step %scan3A_67  : i32 {
      %mul3A_138 = arith.constant 1 : i32
      %mul3A_139 = arith.muli %scan3A_137, %mul3A_138 : i32
      %add3A_140 = arith.constant 0 : i32
      %add3A_141 = arith.addi %add3A_140, %mul3A_139 : i32
      %scan3A_142 = arith.constant 0 : i32
      %scan3A_143 = arith.constant 4 : i32
      %scan3A_144 = arith.addi %scan3A_142, %scan3A_143 : i32
      %scan3A_145 = arith.constant 1 : i32
      scf.for %scan3A_147 = %scan3A_142 to %scan3A_144 step %scan3A_145  : i32 {
        %mul3A_148 = arith.constant 128 : i32
        %mul3A_149 = arith.muli %scan3A_147, %mul3A_148 : i32
        %add3A_150 = arith.constant 0 : i32
        %add3A_151 = arith.addi %add3A_150, %mul3A_149 : i32
        %add3A_152 = arith.constant 0 : i32
        %add3A_153 = arith.addi %add3A_151, %add3A_152 : i32
        %get3A_154 = arith.index_cast %add3A_141 : i32 to index
        %get3A_155 = arith.index_cast %add3A_153 : i32 to index
        %get3A_156 = tpu.vector_load %arg5[%get3A_154, %get3A_155] {strides = array<i32>} : memref<16x512xi32, #tpu.memory_space<vmem>>, vector<16xi32>,
        %add3A_157 = arith.constant 16 : i32
        %add3A_158 = arith.addi %add3A_151, %add3A_157 : i32
        %get3A_159 = arith.index_cast %add3A_141 : i32 to index
        %get3A_160 = arith.index_cast %add3A_158 : i32 to index
        %get3A_161 = tpu.vector_load %arg5[%get3A_159, %get3A_160] {strides = array<i32>} : memref<16x512xi32, #tpu.memory_space<vmem>>, vector<16xi32>,
        %add3A_162 = arith.constant 32 : i32
        %add3A_163 = arith.addi %add3A_151, %add3A_162 : i32
        %get3A_164 = arith.index_cast %add3A_141 : i32 to index
        %get3A_165 = arith.index_cast %add3A_163 : i32 to index
        %get3A_166 = tpu.vector_load %arg5[%get3A_164, %get3A_165] {strides = array<i32>} : memref<16x512xi32, #tpu.memory_space<vmem>>, vector<16xi32>,
        %add3A_167 = arith.constant 48 : i32
        %add3A_168 = arith.addi %add3A_151, %add3A_167 : i32
        %get3A_169 = arith.index_cast %add3A_141 : i32 to index
        %get3A_170 = arith.index_cast %add3A_168 : i32 to index
        %get3A_171 = tpu.vector_load %arg5[%get3A_169, %get3A_170] {strides = array<i32>} : memref<16x512xi32, #tpu.memory_space<vmem>>, vector<16xi32>,
        %add3A_172 = arith.constant 64 : i32
        %add3A_173 = arith.addi %add3A_151, %add3A_172 : i32
        %get3A_174 = arith.index_cast %add3A_141 : i32 to index
        %get3A_175 = arith.index_cast %add3A_173 : i32 to index
        %get3A_176 = tpu.vector_load %arg5[%get3A_174, %get3A_175] {strides = array<i32>} : memref<16x512xi32, #tpu.memory_space<vmem>>, vector<16xi32>,
        %add3A_177 = arith.constant 80 : i32
        %add3A_178 = arith.addi %add3A_151, %add3A_177 : i32
        %get3A_179 = arith.index_cast %add3A_141 : i32 to index
        %get3A_180 = arith.index_cast %add3A_178 : i32 to index
        %get3A_181 = tpu.vector_load %arg5[%get3A_179, %get3A_180] {strides = array<i32>} : memref<16x512xi32, #tpu.memory_space<vmem>>, vector<16xi32>,
        %add3A_182 = arith.constant 96 : i32
        %add3A_183 = arith.addi %add3A_151, %add3A_182 : i32
        %get3A_184 = arith.index_cast %add3A_141 : i32 to index
        %get3A_185 = arith.index_cast %add3A_183 : i32 to index
        %get3A_186 = tpu.vector_load %arg5[%get3A_184, %get3A_185] {strides = array<i32>} : memref<16x512xi32, #tpu.memory_space<vmem>>, vector<16xi32>,
        %add3A_187 = arith.constant 112 : i32
        %add3A_188 = arith.addi %add3A_151, %add3A_187 : i32
        %get3A_189 = arith.index_cast %add3A_141 : i32 to index
        %get3A_190 = arith.index_cast %add3A_188 : i32 to index
        %get3A_191 = tpu.vector_load %arg5[%get3A_189, %get3A_190] {strides = array<i32>} : memref<16x512xi32, #tpu.memory_space<vmem>>, vector<16xi32>,
        %shift_right_logical3A = arith.constant 9 : i32
        %shift_right_logical3A_192 = vector.broadcast %shift_right_logical3A : i32 to vector<16xi32>
        %shift_right_logical3A_193 = arith.shrui %get3A_156, %shift_right_logical3A_192 : vector<16xi32>
        %shift_right_logical3A_194 = arith.constant 9 : i32
        %shift_right_logical3A_195 = vector.broadcast %shift_right_logical3A_194 : i32 to vector<16xi32>
        %shift_right_logical3A_196 = arith.shrui %get3A_161, %shift_right_logical3A_195 : vector<16xi32>
        %shift_right_logical3A_197 = arith.constant 9 : i32
        %shift_right_logical3A_198 = vector.broadcast %shift_right_logical3A_197 : i32 to vector<16xi32>
        %shift_right_logical3A_199 = arith.shrui %get3A_166, %shift_right_logical3A_198 : vector<16xi32>
        %shift_right_logical3A_200 = arith.constant 9 : i32
        %shift_right_logical3A_201 = vector.broadcast %shift_right_logical3A_200 : i32 to vector<16xi32>
        %shift_right_logical3A_202 = arith.shrui %get3A_171, %shift_right_logical3A_201 : vector<16xi32>
        %shift_right_logical3A_203 = arith.constant 9 : i32
        %shift_right_logical3A_204 = vector.broadcast %shift_right_logical3A_203 : i32 to vector<16xi32>
        %shift_right_logical3A_205 = arith.shrui %get3A_176, %shift_right_logical3A_204 : vector<16xi32>
        %shift_right_logical3A_206 = arith.constant 9 : i32
        %shift_right_logical3A_207 = vector.broadcast %shift_right_logical3A_206 : i32 to vector<16xi32>
        %shift_right_logical3A_208 = arith.shrui %get3A_181, %shift_right_logical3A_207 : vector<16xi32>
        %shift_right_logical3A_209 = arith.constant 9 : i32
        %shift_right_logical3A_210 = vector.broadcast %shift_right_logical3A_209 : i32 to vector<16xi32>
        %shift_right_logical3A_211 = arith.shrui %get3A_186, %shift_right_logical3A_210 : vector<16xi32>
        %shift_right_logical3A_212 = arith.constant 9 : i32
        %shift_right_logical3A_213 = vector.broadcast %shift_right_logical3A_212 : i32 to vector<16xi32>
        %shift_right_logical3A_214 = arith.shrui %get3A_191, %shift_right_logical3A_213 : vector<16xi32>
        %and3A = arith.constant 2047 : i32
        %and3A_215 = vector.broadcast %and3A : i32 to vector<16xi32>
        %and3A_216 = arith.andi %shift_right_logical3A_193, %and3A_215 : vector<16xi32>
        %and3A_217 = arith.constant 2047 : i32
        %and3A_218 = vector.broadcast %and3A_217 : i32 to vector<16xi32>
        %and3A_219 = arith.andi %shift_right_logical3A_196, %and3A_218 : vector<16xi32>
        %and3A_220 = arith.constant 2047 : i32
        %and3A_221 = vector.broadcast %and3A_220 : i32 to vector<16xi32>
        %and3A_222 = arith.andi %shift_right_logical3A_199, %and3A_221 : vector<16xi32>
        %and3A_223 = arith.constant 2047 : i32
        %and3A_224 = vector.broadcast %and3A_223 : i32 to vector<16xi32>
        %and3A_225 = arith.andi %shift_right_logical3A_202, %and3A_224 : vector<16xi32>
        %and3A_226 = arith.constant 2047 : i32
        %and3A_227 = vector.broadcast %and3A_226 : i32 to vector<16xi32>
        %and3A_228 = arith.andi %shift_right_logical3A_205, %and3A_227 : vector<16xi32>
        %and3A_229 = arith.constant 2047 : i32
        %and3A_230 = vector.broadcast %and3A_229 : i32 to vector<16xi32>
        %and3A_231 = arith.andi %shift_right_logical3A_208, %and3A_230 : vector<16xi32>
        %and3A_232 = arith.constant 2047 : i32
        %and3A_233 = vector.broadcast %and3A_232 : i32 to vector<16xi32>
        %and3A_234 = arith.andi %shift_right_logical3A_211, %and3A_233 : vector<16xi32>
        %and3A_235 = arith.constant 2047 : i32
        %and3A_236 = vector.broadcast %and3A_235 : i32 to vector<16xi32>
        %and3A_237 = arith.andi %shift_right_logical3A_214, %and3A_236 : vector<16xi32>
        %add3A_238 = arith.addi %mul3A_11, %and3A_216 : vector<16xi32>
        %add3A_239 = arith.addi %mul3A_11, %and3A_219 : vector<16xi32>
        %add3A_240 = arith.addi %mul3A_11, %and3A_222 : vector<16xi32>
        %add3A_241 = arith.addi %mul3A_11, %and3A_225 : vector<16xi32>
        %add3A_242 = arith.addi %mul3A_11, %and3A_228 : vector<16xi32>
        %add3A_243 = arith.addi %mul3A_11, %and3A_231 : vector<16xi32>
        %add3A_244 = arith.addi %mul3A_11, %and3A_234 : vector<16xi32>
        %add3A_245 = arith.addi %mul3A_11, %and3A_237 : vector<16xi32>
        %shift_right_logical3A_246 = arith.constant 20 : i32
        %shift_right_logical3A_247 = vector.broadcast %shift_right_logical3A_246 : i32 to vector<16xi32>
        %shift_right_logical3A_248 = arith.shrui %get3A_156, %shift_right_logical3A_247 : vector<16xi32>
        %eq3A = arith.cmpi eq, %shift_right_logical3A_248, %get3A_3 : vector<16xi32>
        %shift_right_logical3A_249 = arith.constant 20 : i32
        %shift_right_logical3A_250 = vector.broadcast %shift_right_logical3A_249 : i32 to vector<16xi32>
        %shift_right_logical3A_251 = arith.shrui %get3A_161, %shift_right_logical3A_250 : vector<16xi32>
        %eq3A_252 = arith.cmpi eq, %shift_right_logical3A_251, %get3A_3 : vector<16xi32>
        %shift_right_logical3A_253 = arith.constant 20 : i32
        %shift_right_logical3A_254 = vector.broadcast %shift_right_logical3A_253 : i32 to vector<16xi32>
        %shift_right_logical3A_255 = arith.shrui %get3A_166, %shift_right_logical3A_254 : vector<16xi32>
        %eq3A_256 = arith.cmpi eq, %shift_right_logical3A_255, %get3A_3 : vector<16xi32>
        %shift_right_logical3A_257 = arith.constant 20 : i32
        %shift_right_logical3A_258 = vector.broadcast %shift_right_logical3A_257 : i32 to vector<16xi32>
        %shift_right_logical3A_259 = arith.shrui %get3A_171, %shift_right_logical3A_258 : vector<16xi32>
        %eq3A_260 = arith.cmpi eq, %shift_right_logical3A_259, %get3A_3 : vector<16xi32>
        %shift_right_logical3A_261 = arith.constant 20 : i32
        %shift_right_logical3A_262 = vector.broadcast %shift_right_logical3A_261 : i32 to vector<16xi32>
        %shift_right_logical3A_263 = arith.shrui %get3A_176, %shift_right_logical3A_262 : vector<16xi32>
        %eq3A_264 = arith.cmpi eq, %shift_right_logical3A_263, %get3A_3 : vector<16xi32>
        %shift_right_logical3A_265 = arith.constant 20 : i32
        %shift_right_logical3A_266 = vector.broadcast %shift_right_logical3A_265 : i32 to vector<16xi32>
        %shift_right_logical3A_267 = arith.shrui %get3A_181, %shift_right_logical3A_266 : vector<16xi32>
        %eq3A_268 = arith.cmpi eq, %shift_right_logical3A_267, %get3A_3 : vector<16xi32>
        %shift_right_logical3A_269 = arith.constant 20 : i32
        %shift_right_logical3A_270 = vector.broadcast %shift_right_logical3A_269 : i32 to vector<16xi32>
        %shift_right_logical3A_271 = arith.shrui %get3A_186, %shift_right_logical3A_270 : vector<16xi32>
        %eq3A_272 = arith.cmpi eq, %shift_right_logical3A_271, %get3A_3 : vector<16xi32>
        %shift_right_logical3A_273 = arith.constant 20 : i32
        %shift_right_logical3A_274 = vector.broadcast %shift_right_logical3A_273 : i32 to vector<16xi32>
        %shift_right_logical3A_275 = arith.shrui %get3A_191, %shift_right_logical3A_274 : vector<16xi32>
        %eq3A_276 = arith.cmpi eq, %shift_right_logical3A_275, %get3A_3 : vector<16xi32>
        tpu.vector_store_idx %arg13[%add3A_238], %broadcast_in_dim3A_13 masked %eq3A {add = true} : memref<32832xi32, #tpu.memory_space<vmem>>[vector<16xi32>], vector<16xi32>, vector<16xi1>
        tpu.vector_store_idx %arg13[%add3A_239], %broadcast_in_dim3A_13 masked %eq3A_252 {add = true} : memref<32832xi32, #tpu.memory_space<vmem>>[vector<16xi32>], vector<16xi32>, vector<16xi1>
        tpu.vector_store_idx %arg13[%add3A_240], %broadcast_in_dim3A_13 masked %eq3A_256 {add = true} : memref<32832xi32, #tpu.memory_space<vmem>>[vector<16xi32>], vector<16xi32>, vector<16xi1>
        tpu.vector_store_idx %arg13[%add3A_241], %broadcast_in_dim3A_13 masked %eq3A_260 {add = true} : memref<32832xi32, #tpu.memory_space<vmem>>[vector<16xi32>], vector<16xi32>, vector<16xi1>
        tpu.vector_store_idx %arg13[%add3A_242], %broadcast_in_dim3A_13 masked %eq3A_264 {add = true} : memref<32832xi32, #tpu.memory_space<vmem>>[vector<16xi32>], vector<16xi32>, vector<16xi1>
        tpu.vector_store_idx %arg13[%add3A_243], %broadcast_in_dim3A_13 masked %eq3A_268 {add = true} : memref<32832xi32, #tpu.memory_space<vmem>>[vector<16xi32>], vector<16xi32>, vector<16xi1>
        tpu.vector_store_idx %arg13[%add3A_244], %broadcast_in_dim3A_13 masked %eq3A_272 {add = true} : memref<32832xi32, #tpu.memory_space<vmem>>[vector<16xi32>], vector<16xi32>, vector<16xi1>
        tpu.vector_store_idx %arg13[%add3A_245], %broadcast_in_dim3A_13 masked %eq3A_276 {add = true} : memref<32832xi32, #tpu.memory_space<vmem>>[vector<16xi32>], vector<16xi32>, vector<16xi1>
      }
      %scan3A_146 = arith.constant 4 : i32
    }
    %scan3A_68 = arith.constant 16 : i32
    %dma_wait3A_69 = arith.constant 0 : i32
    %dma_wait3A_70 = tpu.memref_slice %arg2[%add3A_20, %dma_wait3A_69] : memref<4096x512xi32, #tpu.memory_space<hbm>> -> memref<16x512xi32, #tpu.memory_space<hbm>>
    %dma_wait3A_71 = arith.constant 0 : i32
    %dma_wait3A_72 = tpu.memref_slice %arg2[%add3A_20, %dma_wait3A_71] : memref<4096x512xi32, #tpu.memory_space<hbm>> -> memref<16x512xi32, #tpu.memory_space<hbm>>
    tpu.wait_dma2 semaphore(%arg16 : memref<!tpu.dma_semaphore, #tpu.memory_space<semaphore_mem>>) src(%dma_wait3A_72 : memref<16x512xi32, #tpu.memory_space<hbm>>) dst(%arg6 : memref<16x512xi32, #tpu.memory_space<vmem>>)
    %scan3A_73 = arith.constant 0 : i32
    %scan3A_74 = arith.constant 16 : i32
    %scan3A_75 = arith.addi %scan3A_73, %scan3A_74 : i32
    %scan3A_76 = arith.constant 1 : i32
    scf.for %scan3A_137 = %scan3A_73 to %scan3A_75 step %scan3A_76  : i32 {
      %mul3A_138 = arith.constant 1 : i32
      %mul3A_139 = arith.muli %scan3A_137, %mul3A_138 : i32
      %add3A_140 = arith.constant 0 : i32
      %add3A_141 = arith.addi %add3A_140, %mul3A_139 : i32
      %scan3A_142 = arith.constant 0 : i32
      %scan3A_143 = arith.constant 4 : i32
      %scan3A_144 = arith.addi %scan3A_142, %scan3A_143 : i32
      %scan3A_145 = arith.constant 1 : i32
      scf.for %scan3A_147 = %scan3A_142 to %scan3A_144 step %scan3A_145  : i32 {
        %mul3A_148 = arith.constant 128 : i32
        %mul3A_149 = arith.muli %scan3A_147, %mul3A_148 : i32
        %add3A_150 = arith.constant 0 : i32
        %add3A_151 = arith.addi %add3A_150, %mul3A_149 : i32
        %add3A_152 = arith.constant 0 : i32
        %add3A_153 = arith.addi %add3A_151, %add3A_152 : i32
        %get3A_154 = arith.index_cast %add3A_141 : i32 to index
        %get3A_155 = arith.index_cast %add3A_153 : i32 to index
        %get3A_156 = tpu.vector_load %arg6[%get3A_154, %get3A_155] {strides = array<i32>} : memref<16x512xi32, #tpu.memory_space<vmem>>, vector<16xi32>,
        %add3A_157 = arith.constant 16 : i32
        %add3A_158 = arith.addi %add3A_151, %add3A_157 : i32
        %get3A_159 = arith.index_cast %add3A_141 : i32 to index
        %get3A_160 = arith.index_cast %add3A_158 : i32 to index
        %get3A_161 = tpu.vector_load %arg6[%get3A_159, %get3A_160] {strides = array<i32>} : memref<16x512xi32, #tpu.memory_space<vmem>>, vector<16xi32>,
        %add3A_162 = arith.constant 32 : i32
        %add3A_163 = arith.addi %add3A_151, %add3A_162 : i32
        %get3A_164 = arith.index_cast %add3A_141 : i32 to index
        %get3A_165 = arith.index_cast %add3A_163 : i32 to index
        %get3A_166 = tpu.vector_load %arg6[%get3A_164, %get3A_165] {strides = array<i32>} : memref<16x512xi32, #tpu.memory_space<vmem>>, vector<16xi32>,
        %add3A_167 = arith.constant 48 : i32
        %add3A_168 = arith.addi %add3A_151, %add3A_167 : i32
        %get3A_169 = arith.index_cast %add3A_141 : i32 to index
        %get3A_170 = arith.index_cast %add3A_168 : i32 to index
        %get3A_171 = tpu.vector_load %arg6[%get3A_169, %get3A_170] {strides = array<i32>} : memref<16x512xi32, #tpu.memory_space<vmem>>, vector<16xi32>,
        %add3A_172 = arith.constant 64 : i32
        %add3A_173 = arith.addi %add3A_151, %add3A_172 : i32
        %get3A_174 = arith.index_cast %add3A_141 : i32 to index
        %get3A_175 = arith.index_cast %add3A_173 : i32 to index
        %get3A_176 = tpu.vector_load %arg6[%get3A_174, %get3A_175] {strides = array<i32>} : memref<16x512xi32, #tpu.memory_space<vmem>>, vector<16xi32>,
        %add3A_177 = arith.constant 80 : i32
        %add3A_178 = arith.addi %add3A_151, %add3A_177 : i32
        %get3A_179 = arith.index_cast %add3A_141 : i32 to index
        %get3A_180 = arith.index_cast %add3A_178 : i32 to index
        %get3A_181 = tpu.vector_load %arg6[%get3A_179, %get3A_180] {strides = array<i32>} : memref<16x512xi32, #tpu.memory_space<vmem>>, vector<16xi32>,
        %add3A_182 = arith.constant 96 : i32
        %add3A_183 = arith.addi %add3A_151, %add3A_182 : i32
        %get3A_184 = arith.index_cast %add3A_141 : i32 to index
        %get3A_185 = arith.index_cast %add3A_183 : i32 to index
        %get3A_186 = tpu.vector_load %arg6[%get3A_184, %get3A_185] {strides = array<i32>} : memref<16x512xi32, #tpu.memory_space<vmem>>, vector<16xi32>,
        %add3A_187 = arith.constant 112 : i32
        %add3A_188 = arith.addi %add3A_151, %add3A_187 : i32
        %get3A_189 = arith.index_cast %add3A_141 : i32 to index
        %get3A_190 = arith.index_cast %add3A_188 : i32 to index
        %get3A_191 = tpu.vector_load %arg6[%get3A_189, %get3A_190] {strides = array<i32>} : memref<16x512xi32, #tpu.memory_space<vmem>>, vector<16xi32>,
        %shift_right_logical3A = arith.constant 9 : i32
        %shift_right_logical3A_192 = vector.broadcast %shift_right_logical3A : i32 to vector<16xi32>
        %shift_right_logical3A_193 = arith.shrui %get3A_156, %shift_right_logical3A_192 : vector<16xi32>
        %shift_right_logical3A_194 = arith.constant 9 : i32
        %shift_right_logical3A_195 = vector.broadcast %shift_right_logical3A_194 : i32 to vector<16xi32>
        %shift_right_logical3A_196 = arith.shrui %get3A_161, %shift_right_logical3A_195 : vector<16xi32>
        %shift_right_logical3A_197 = arith.constant 9 : i32
        %shift_right_logical3A_198 = vector.broadcast %shift_right_logical3A_197 : i32 to vector<16xi32>
        %shift_right_logical3A_199 = arith.shrui %get3A_166, %shift_right_logical3A_198 : vector<16xi32>
        %shift_right_logical3A_200 = arith.constant 9 : i32
        %shift_right_logical3A_201 = vector.broadcast %shift_right_logical3A_200 : i32 to vector<16xi32>
        %shift_right_logical3A_202 = arith.shrui %get3A_171, %shift_right_logical3A_201 : vector<16xi32>
        %shift_right_logical3A_203 = arith.constant 9 : i32
        %shift_right_logical3A_204 = vector.broadcast %shift_right_logical3A_203 : i32 to vector<16xi32>
        %shift_right_logical3A_205 = arith.shrui %get3A_176, %shift_right_logical3A_204 : vector<16xi32>
        %shift_right_logical3A_206 = arith.constant 9 : i32
        %shift_right_logical3A_207 = vector.broadcast %shift_right_logical3A_206 : i32 to vector<16xi32>
        %shift_right_logical3A_208 = arith.shrui %get3A_181, %shift_right_logical3A_207 : vector<16xi32>
        %shift_right_logical3A_209 = arith.constant 9 : i32
        %shift_right_logical3A_210 = vector.broadcast %shift_right_logical3A_209 : i32 to vector<16xi32>
        %shift_right_logical3A_211 = arith.shrui %get3A_186, %shift_right_logical3A_210 : vector<16xi32>
        %shift_right_logical3A_212 = arith.constant 9 : i32
        %shift_right_logical3A_213 = vector.broadcast %shift_right_logical3A_212 : i32 to vector<16xi32>
        %shift_right_logical3A_214 = arith.shrui %get3A_191, %shift_right_logical3A_213 : vector<16xi32>
        %and3A = arith.constant 2047 : i32
        %and3A_215 = vector.broadcast %and3A : i32 to vector<16xi32>
        %and3A_216 = arith.andi %shift_right_logical3A_193, %and3A_215 : vector<16xi32>
        %and3A_217 = arith.constant 2047 : i32
        %and3A_218 = vector.broadcast %and3A_217 : i32 to vector<16xi32>
        %and3A_219 = arith.andi %shift_right_logical3A_196, %and3A_218 : vector<16xi32>
        %and3A_220 = arith.constant 2047 : i32
        %and3A_221 = vector.broadcast %and3A_220 : i32 to vector<16xi32>
        %and3A_222 = arith.andi %shift_right_logical3A_199, %and3A_221 : vector<16xi32>
        %and3A_223 = arith.constant 2047 : i32
        %and3A_224 = vector.broadcast %and3A_223 : i32 to vector<16xi32>
        %and3A_225 = arith.andi %shift_right_logical3A_202, %and3A_224 : vector<16xi32>
        %and3A_226 = arith.constant 2047 : i32
        %and3A_227 = vector.broadcast %and3A_226 : i32 to vector<16xi32>
        %and3A_228 = arith.andi %shift_right_logical3A_205, %and3A_227 : vector<16xi32>
        %and3A_229 = arith.constant 2047 : i32
        %and3A_230 = vector.broadcast %and3A_229 : i32 to vector<16xi32>
        %and3A_231 = arith.andi %shift_right_logical3A_208, %and3A_230 : vector<16xi32>
        %and3A_232 = arith.constant 2047 : i32
        %and3A_233 = vector.broadcast %and3A_232 : i32 to vector<16xi32>
        %and3A_234 = arith.andi %shift_right_logical3A_211, %and3A_233 : vector<16xi32>
        %and3A_235 = arith.constant 2047 : i32
        %and3A_236 = vector.broadcast %and3A_235 : i32 to vector<16xi32>
        %and3A_237 = arith.andi %shift_right_logical3A_214, %and3A_236 : vector<16xi32>
        %add3A_238 = arith.addi %mul3A_11, %and3A_216 : vector<16xi32>
        %add3A_239 = arith.addi %mul3A_11, %and3A_219 : vector<16xi32>
        %add3A_240 = arith.addi %mul3A_11, %and3A_222 : vector<16xi32>
        %add3A_241 = arith.addi %mul3A_11, %and3A_225 : vector<16xi32>
        %add3A_242 = arith.addi %mul3A_11, %and3A_228 : vector<16xi32>
        %add3A_243 = arith.addi %mul3A_11, %and3A_231 : vector<16xi32>
        %add3A_244 = arith.addi %mul3A_11, %and3A_234 : vector<16xi32>
        %add3A_245 = arith.addi %mul3A_11, %and3A_237 : vector<16xi32>
        %shift_right_logical3A_246 = arith.constant 20 : i32
        %shift_right_logical3A_247 = vector.broadcast %shift_right_logical3A_246 : i32 to vector<16xi32>
        %shift_right_logical3A_248 = arith.shrui %get3A_156, %shift_right_logical3A_247 : vector<16xi32>
        %eq3A = arith.cmpi eq, %shift_right_logical3A_248, %get3A_3 : vector<16xi32>
        %shift_right_logical3A_249 = arith.constant 20 : i32
        %shift_right_logical3A_250 = vector.broadcast %shift_right_logical3A_249 : i32 to vector<16xi32>
        %shift_right_logical3A_251 = arith.shrui %get3A_161, %shift_right_logical3A_250 : vector<16xi32>
        %eq3A_252 = arith.cmpi eq, %shift_right_logical3A_251, %get3A_3 : vector<16xi32>
        %shift_right_logical3A_253 = arith.constant 20 : i32
        %shift_right_logical3A_254 = vector.broadcast %shift_right_logical3A_253 : i32 to vector<16xi32>
        %shift_right_logical3A_255 = arith.shrui %get3A_166, %shift_right_logical3A_254 : vector<16xi32>
        %eq3A_256 = arith.cmpi eq, %shift_right_logical3A_255, %get3A_3 : vector<16xi32>
        %shift_right_logical3A_257 = arith.constant 20 : i32
        %shift_right_logical3A_258 = vector.broadcast %shift_right_logical3A_257 : i32 to vector<16xi32>
        %shift_right_logical3A_259 = arith.shrui %get3A_171, %shift_right_logical3A_258 : vector<16xi32>
        %eq3A_260 = arith.cmpi eq, %shift_right_logical3A_259, %get3A_3 : vector<16xi32>
        %shift_right_logical3A_261 = arith.constant 20 : i32
        %shift_right_logical3A_262 = vector.broadcast %shift_right_logical3A_261 : i32 to vector<16xi32>
        %shift_right_logical3A_263 = arith.shrui %get3A_176, %shift_right_logical3A_262 : vector<16xi32>
        %eq3A_264 = arith.cmpi eq, %shift_right_logical3A_263, %get3A_3 : vector<16xi32>
        %shift_right_logical3A_265 = arith.constant 20 : i32
        %shift_right_logical3A_266 = vector.broadcast %shift_right_logical3A_265 : i32 to vector<16xi32>
        %shift_right_logical3A_267 = arith.shrui %get3A_181, %shift_right_logical3A_266 : vector<16xi32>
        %eq3A_268 = arith.cmpi eq, %shift_right_logical3A_267, %get3A_3 : vector<16xi32>
        %shift_right_logical3A_269 = arith.constant 20 : i32
        %shift_right_logical3A_270 = vector.broadcast %shift_right_logical3A_269 : i32 to vector<16xi32>
        %shift_right_logical3A_271 = arith.shrui %get3A_186, %shift_right_logical3A_270 : vector<16xi32>
        %eq3A_272 = arith.cmpi eq, %shift_right_logical3A_271, %get3A_3 : vector<16xi32>
        %shift_right_logical3A_273 = arith.constant 20 : i32
        %shift_right_logical3A_274 = vector.broadcast %shift_right_logical3A_273 : i32 to vector<16xi32>
        %shift_right_logical3A_275 = arith.shrui %get3A_191, %shift_right_logical3A_274 : vector<16xi32>
        %eq3A_276 = arith.cmpi eq, %shift_right_logical3A_275, %get3A_3 : vector<16xi32>
        tpu.vector_store_idx %arg13[%add3A_238], %broadcast_in_dim3A_13 masked %eq3A {add = true} : memref<32832xi32, #tpu.memory_space<vmem>>[vector<16xi32>], vector<16xi32>, vector<16xi1>
        tpu.vector_store_idx %arg13[%add3A_239], %broadcast_in_dim3A_13 masked %eq3A_252 {add = true} : memref<32832xi32, #tpu.memory_space<vmem>>[vector<16xi32>], vector<16xi32>, vector<16xi1>
        tpu.vector_store_idx %arg13[%add3A_240], %broadcast_in_dim3A_13 masked %eq3A_256 {add = true} : memref<32832xi32, #tpu.memory_space<vmem>>[vector<16xi32>], vector<16xi32>, vector<16xi1>
        tpu.vector_store_idx %arg13[%add3A_241], %broadcast_in_dim3A_13 masked %eq3A_260 {add = true} : memref<32832xi32, #tpu.memory_space<vmem>>[vector<16xi32>], vector<16xi32>, vector<16xi1>
        tpu.vector_store_idx %arg13[%add3A_242], %broadcast_in_dim3A_13 masked %eq3A_264 {add = true} : memref<32832xi32, #tpu.memory_space<vmem>>[vector<16xi32>], vector<16xi32>, vector<16xi1>
        tpu.vector_store_idx %arg13[%add3A_243], %broadcast_in_dim3A_13 masked %eq3A_268 {add = true} : memref<32832xi32, #tpu.memory_space<vmem>>[vector<16xi32>], vector<16xi32>, vector<16xi1>
        tpu.vector_store_idx %arg13[%add3A_244], %broadcast_in_dim3A_13 masked %eq3A_272 {add = true} : memref<32832xi32, #tpu.memory_space<vmem>>[vector<16xi32>], vector<16xi32>, vector<16xi1>
        tpu.vector_store_idx %arg13[%add3A_245], %broadcast_in_dim3A_13 masked %eq3A_276 {add = true} : memref<32832xi32, #tpu.memory_space<vmem>>[vector<16xi32>], vector<16xi32>, vector<16xi1>
      }
      %scan3A_146 = arith.constant 4 : i32
    }
    %scan3A_77 = arith.constant 16 : i32
    %dma_wait3A_78 = arith.constant 0 : i32
    %dma_wait3A_79 = tpu.memref_slice %arg2[%add3A_26, %dma_wait3A_78] : memref<4096x512xi32, #tpu.memory_space<hbm>> -> memref<16x512xi32, #tpu.memory_space<hbm>>
    %dma_wait3A_80 = arith.constant 0 : i32
    %dma_wait3A_81 = tpu.memref_slice %arg2[%add3A_26, %dma_wait3A_80] : memref<4096x512xi32, #tpu.memory_space<hbm>> -> memref<16x512xi32, #tpu.memory_space<hbm>>
    tpu.wait_dma2 semaphore(%arg16 : memref<!tpu.dma_semaphore, #tpu.memory_space<semaphore_mem>>) src(%dma_wait3A_81 : memref<16x512xi32, #tpu.memory_space<hbm>>) dst(%arg7 : memref<16x512xi32, #tpu.memory_space<vmem>>)
    %scan3A_82 = arith.constant 0 : i32
    %scan3A_83 = arith.constant 16 : i32
    %scan3A_84 = arith.addi %scan3A_82, %scan3A_83 : i32
    %scan3A_85 = arith.constant 1 : i32
    scf.for %scan3A_137 = %scan3A_82 to %scan3A_84 step %scan3A_85  : i32 {
      %mul3A_138 = arith.constant 1 : i32
      %mul3A_139 = arith.muli %scan3A_137, %mul3A_138 : i32
      %add3A_140 = arith.constant 0 : i32
      %add3A_141 = arith.addi %add3A_140, %mul3A_139 : i32
      %scan3A_142 = arith.constant 0 : i32
      %scan3A_143 = arith.constant 4 : i32
      %scan3A_144 = arith.addi %scan3A_142, %scan3A_143 : i32
      %scan3A_145 = arith.constant 1 : i32
      scf.for %scan3A_147 = %scan3A_142 to %scan3A_144 step %scan3A_145  : i32 {
        %mul3A_148 = arith.constant 128 : i32
        %mul3A_149 = arith.muli %scan3A_147, %mul3A_148 : i32
        %add3A_150 = arith.constant 0 : i32
        %add3A_151 = arith.addi %add3A_150, %mul3A_149 : i32
        %add3A_152 = arith.constant 0 : i32
        %add3A_153 = arith.addi %add3A_151, %add3A_152 : i32
        %get3A_154 = arith.index_cast %add3A_141 : i32 to index
        %get3A_155 = arith.index_cast %add3A_153 : i32 to index
        %get3A_156 = tpu.vector_load %arg7[%get3A_154, %get3A_155] {strides = array<i32>} : memref<16x512xi32, #tpu.memory_space<vmem>>, vector<16xi32>,
        %add3A_157 = arith.constant 16 : i32
        %add3A_158 = arith.addi %add3A_151, %add3A_157 : i32
        %get3A_159 = arith.index_cast %add3A_141 : i32 to index
        %get3A_160 = arith.index_cast %add3A_158 : i32 to index
        %get3A_161 = tpu.vector_load %arg7[%get3A_159, %get3A_160] {strides = array<i32>} : memref<16x512xi32, #tpu.memory_space<vmem>>, vector<16xi32>,
        %add3A_162 = arith.constant 32 : i32
        %add3A_163 = arith.addi %add3A_151, %add3A_162 : i32
        %get3A_164 = arith.index_cast %add3A_141 : i32 to index
        %get3A_165 = arith.index_cast %add3A_163 : i32 to index
        %get3A_166 = tpu.vector_load %arg7[%get3A_164, %get3A_165] {strides = array<i32>} : memref<16x512xi32, #tpu.memory_space<vmem>>, vector<16xi32>,
        %add3A_167 = arith.constant 48 : i32
        %add3A_168 = arith.addi %add3A_151, %add3A_167 : i32
        %get3A_169 = arith.index_cast %add3A_141 : i32 to index
        %get3A_170 = arith.index_cast %add3A_168 : i32 to index
        %get3A_171 = tpu.vector_load %arg7[%get3A_169, %get3A_170] {strides = array<i32>} : memref<16x512xi32, #tpu.memory_space<vmem>>, vector<16xi32>,
        %add3A_172 = arith.constant 64 : i32
        %add3A_173 = arith.addi %add3A_151, %add3A_172 : i32
        %get3A_174 = arith.index_cast %add3A_141 : i32 to index
        %get3A_175 = arith.index_cast %add3A_173 : i32 to index
        %get3A_176 = tpu.vector_load %arg7[%get3A_174, %get3A_175] {strides = array<i32>} : memref<16x512xi32, #tpu.memory_space<vmem>>, vector<16xi32>,
        %add3A_177 = arith.constant 80 : i32
        %add3A_178 = arith.addi %add3A_151, %add3A_177 : i32
        %get3A_179 = arith.index_cast %add3A_141 : i32 to index
        %get3A_180 = arith.index_cast %add3A_178 : i32 to index
        %get3A_181 = tpu.vector_load %arg7[%get3A_179, %get3A_180] {strides = array<i32>} : memref<16x512xi32, #tpu.memory_space<vmem>>, vector<16xi32>,
        %add3A_182 = arith.constant 96 : i32
        %add3A_183 = arith.addi %add3A_151, %add3A_182 : i32
        %get3A_184 = arith.index_cast %add3A_141 : i32 to index
        %get3A_185 = arith.index_cast %add3A_183 : i32 to index
        %get3A_186 = tpu.vector_load %arg7[%get3A_184, %get3A_185] {strides = array<i32>} : memref<16x512xi32, #tpu.memory_space<vmem>>, vector<16xi32>,
        %add3A_187 = arith.constant 112 : i32
        %add3A_188 = arith.addi %add3A_151, %add3A_187 : i32
        %get3A_189 = arith.index_cast %add3A_141 : i32 to index
        %get3A_190 = arith.index_cast %add3A_188 : i32 to index
        %get3A_191 = tpu.vector_load %arg7[%get3A_189, %get3A_190] {strides = array<i32>} : memref<16x512xi32, #tpu.memory_space<vmem>>, vector<16xi32>,
        %shift_right_logical3A = arith.constant 9 : i32
        %shift_right_logical3A_192 = vector.broadcast %shift_right_logical3A : i32 to vector<16xi32>
        %shift_right_logical3A_193 = arith.shrui %get3A_156, %shift_right_logical3A_192 : vector<16xi32>
        %shift_right_logical3A_194 = arith.constant 9 : i32
        %shift_right_logical3A_195 = vector.broadcast %shift_right_logical3A_194 : i32 to vector<16xi32>
        %shift_right_logical3A_196 = arith.shrui %get3A_161, %shift_right_logical3A_195 : vector<16xi32>
        %shift_right_logical3A_197 = arith.constant 9 : i32
        %shift_right_logical3A_198 = vector.broadcast %shift_right_logical3A_197 : i32 to vector<16xi32>
        %shift_right_logical3A_199 = arith.shrui %get3A_166, %shift_right_logical3A_198 : vector<16xi32>
        %shift_right_logical3A_200 = arith.constant 9 : i32
        %shift_right_logical3A_201 = vector.broadcast %shift_right_logical3A_200 : i32 to vector<16xi32>
        %shift_right_logical3A_202 = arith.shrui %get3A_171, %shift_right_logical3A_201 : vector<16xi32>
        %shift_right_logical3A_203 = arith.constant 9 : i32
        %shift_right_logical3A_204 = vector.broadcast %shift_right_logical3A_203 : i32 to vector<16xi32>
        %shift_right_logical3A_205 = arith.shrui %get3A_176, %shift_right_logical3A_204 : vector<16xi32>
        %shift_right_logical3A_206 = arith.constant 9 : i32
        %shift_right_logical3A_207 = vector.broadcast %shift_right_logical3A_206 : i32 to vector<16xi32>
        %shift_right_logical3A_208 = arith.shrui %get3A_181, %shift_right_logical3A_207 : vector<16xi32>
        %shift_right_logical3A_209 = arith.constant 9 : i32
        %shift_right_logical3A_210 = vector.broadcast %shift_right_logical3A_209 : i32 to vector<16xi32>
        %shift_right_logical3A_211 = arith.shrui %get3A_186, %shift_right_logical3A_210 : vector<16xi32>
        %shift_right_logical3A_212 = arith.constant 9 : i32
        %shift_right_logical3A_213 = vector.broadcast %shift_right_logical3A_212 : i32 to vector<16xi32>
        %shift_right_logical3A_214 = arith.shrui %get3A_191, %shift_right_logical3A_213 : vector<16xi32>
        %and3A = arith.constant 2047 : i32
        %and3A_215 = vector.broadcast %and3A : i32 to vector<16xi32>
        %and3A_216 = arith.andi %shift_right_logical3A_193, %and3A_215 : vector<16xi32>
        %and3A_217 = arith.constant 2047 : i32
        %and3A_218 = vector.broadcast %and3A_217 : i32 to vector<16xi32>
        %and3A_219 = arith.andi %shift_right_logical3A_196, %and3A_218 : vector<16xi32>
        %and3A_220 = arith.constant 2047 : i32
        %and3A_221 = vector.broadcast %and3A_220 : i32 to vector<16xi32>
        %and3A_222 = arith.andi %shift_right_logical3A_199, %and3A_221 : vector<16xi32>
        %and3A_223 = arith.constant 2047 : i32
        %and3A_224 = vector.broadcast %and3A_223 : i32 to vector<16xi32>
        %and3A_225 = arith.andi %shift_right_logical3A_202, %and3A_224 : vector<16xi32>
        %and3A_226 = arith.constant 2047 : i32
        %and3A_227 = vector.broadcast %and3A_226 : i32 to vector<16xi32>
        %and3A_228 = arith.andi %shift_right_logical3A_205, %and3A_227 : vector<16xi32>
        %and3A_229 = arith.constant 2047 : i32
        %and3A_230 = vector.broadcast %and3A_229 : i32 to vector<16xi32>
        %and3A_231 = arith.andi %shift_right_logical3A_208, %and3A_230 : vector<16xi32>
        %and3A_232 = arith.constant 2047 : i32
        %and3A_233 = vector.broadcast %and3A_232 : i32 to vector<16xi32>
        %and3A_234 = arith.andi %shift_right_logical3A_211, %and3A_233 : vector<16xi32>
        %and3A_235 = arith.constant 2047 : i32
        %and3A_236 = vector.broadcast %and3A_235 : i32 to vector<16xi32>
        %and3A_237 = arith.andi %shift_right_logical3A_214, %and3A_236 : vector<16xi32>
        %add3A_238 = arith.addi %mul3A_11, %and3A_216 : vector<16xi32>
        %add3A_239 = arith.addi %mul3A_11, %and3A_219 : vector<16xi32>
        %add3A_240 = arith.addi %mul3A_11, %and3A_222 : vector<16xi32>
        %add3A_241 = arith.addi %mul3A_11, %and3A_225 : vector<16xi32>
        %add3A_242 = arith.addi %mul3A_11, %and3A_228 : vector<16xi32>
        %add3A_243 = arith.addi %mul3A_11, %and3A_231 : vector<16xi32>
        %add3A_244 = arith.addi %mul3A_11, %and3A_234 : vector<16xi32>
        %add3A_245 = arith.addi %mul3A_11, %and3A_237 : vector<16xi32>
        %shift_right_logical3A_246 = arith.constant 20 : i32
        %shift_right_logical3A_247 = vector.broadcast %shift_right_logical3A_246 : i32 to vector<16xi32>
        %shift_right_logical3A_248 = arith.shrui %get3A_156, %shift_right_logical3A_247 : vector<16xi32>
        %eq3A = arith.cmpi eq, %shift_right_logical3A_248, %get3A_3 : vector<16xi32>
        %shift_right_logical3A_249 = arith.constant 20 : i32
        %shift_right_logical3A_250 = vector.broadcast %shift_right_logical3A_249 : i32 to vector<16xi32>
        %shift_right_logical3A_251 = arith.shrui %get3A_161, %shift_right_logical3A_250 : vector<16xi32>
        %eq3A_252 = arith.cmpi eq, %shift_right_logical3A_251, %get3A_3 : vector<16xi32>
        %shift_right_logical3A_253 = arith.constant 20 : i32
        %shift_right_logical3A_254 = vector.broadcast %shift_right_logical3A_253 : i32 to vector<16xi32>
        %shift_right_logical3A_255 = arith.shrui %get3A_166, %shift_right_logical3A_254 : vector<16xi32>
        %eq3A_256 = arith.cmpi eq, %shift_right_logical3A_255, %get3A_3 : vector<16xi32>
        %shift_right_logical3A_257 = arith.constant 20 : i32
        %shift_right_logical3A_258 = vector.broadcast %shift_right_logical3A_257 : i32 to vector<16xi32>
        %shift_right_logical3A_259 = arith.shrui %get3A_171, %shift_right_logical3A_258 : vector<16xi32>
        %eq3A_260 = arith.cmpi eq, %shift_right_logical3A_259, %get3A_3 : vector<16xi32>
        %shift_right_logical3A_261 = arith.constant 20 : i32
        %shift_right_logical3A_262 = vector.broadcast %shift_right_logical3A_261 : i32 to vector<16xi32>
        %shift_right_logical3A_263 = arith.shrui %get3A_176, %shift_right_logical3A_262 : vector<16xi32>
        %eq3A_264 = arith.cmpi eq, %shift_right_logical3A_263, %get3A_3 : vector<16xi32>
        %shift_right_logical3A_265 = arith.constant 20 : i32
        %shift_right_logical3A_266 = vector.broadcast %shift_right_logical3A_265 : i32 to vector<16xi32>
        %shift_right_logical3A_267 = arith.shrui %get3A_181, %shift_right_logical3A_266 : vector<16xi32>
        %eq3A_268 = arith.cmpi eq, %shift_right_logical3A_267, %get3A_3 : vector<16xi32>
        %shift_right_logical3A_269 = arith.constant 20 : i32
        %shift_right_logical3A_270 = vector.broadcast %shift_right_logical3A_269 : i32 to vector<16xi32>
        %shift_right_logical3A_271 = arith.shrui %get3A_186, %shift_right_logical3A_270 : vector<16xi32>
        %eq3A_272 = arith.cmpi eq, %shift_right_logical3A_271, %get3A_3 : vector<16xi32>
        %shift_right_logical3A_273 = arith.constant 20 : i32
        %shift_right_logical3A_274 = vector.broadcast %shift_right_logical3A_273 : i32 to vector<16xi32>
        %shift_right_logical3A_275 = arith.shrui %get3A_191, %shift_right_logical3A_274 : vector<16xi32>
        %eq3A_276 = arith.cmpi eq, %shift_right_logical3A_275, %get3A_3 : vector<16xi32>
        tpu.vector_store_idx %arg13[%add3A_238], %broadcast_in_dim3A_13 masked %eq3A {add = true} : memref<32832xi32, #tpu.memory_space<vmem>>[vector<16xi32>], vector<16xi32>, vector<16xi1>
        tpu.vector_store_idx %arg13[%add3A_239], %broadcast_in_dim3A_13 masked %eq3A_252 {add = true} : memref<32832xi32, #tpu.memory_space<vmem>>[vector<16xi32>], vector<16xi32>, vector<16xi1>
        tpu.vector_store_idx %arg13[%add3A_240], %broadcast_in_dim3A_13 masked %eq3A_256 {add = true} : memref<32832xi32, #tpu.memory_space<vmem>>[vector<16xi32>], vector<16xi32>, vector<16xi1>
        tpu.vector_store_idx %arg13[%add3A_241], %broadcast_in_dim3A_13 masked %eq3A_260 {add = true} : memref<32832xi32, #tpu.memory_space<vmem>>[vector<16xi32>], vector<16xi32>, vector<16xi1>
        tpu.vector_store_idx %arg13[%add3A_242], %broadcast_in_dim3A_13 masked %eq3A_264 {add = true} : memref<32832xi32, #tpu.memory_space<vmem>>[vector<16xi32>], vector<16xi32>, vector<16xi1>
        tpu.vector_store_idx %arg13[%add3A_243], %broadcast_in_dim3A_13 masked %eq3A_268 {add = true} : memref<32832xi32, #tpu.memory_space<vmem>>[vector<16xi32>], vector<16xi32>, vector<16xi1>
        tpu.vector_store_idx %arg13[%add3A_244], %broadcast_in_dim3A_13 masked %eq3A_272 {add = true} : memref<32832xi32, #tpu.memory_space<vmem>>[vector<16xi32>], vector<16xi32>, vector<16xi1>
        tpu.vector_store_idx %arg13[%add3A_245], %broadcast_in_dim3A_13 masked %eq3A_276 {add = true} : memref<32832xi32, #tpu.memory_space<vmem>>[vector<16xi32>], vector<16xi32>, vector<16xi1>
      }
      %scan3A_146 = arith.constant 4 : i32
    }
    %scan3A_86 = arith.constant 16 : i32
    %dma_wait3A_87 = arith.constant 0 : i32
    %dma_wait3A_88 = tpu.memref_slice %arg2[%add3A_32, %dma_wait3A_87] : memref<4096x512xi32, #tpu.memory_space<hbm>> -> memref<16x512xi32, #tpu.memory_space<hbm>>
    %dma_wait3A_89 = arith.constant 0 : i32
    %dma_wait3A_90 = tpu.memref_slice %arg2[%add3A_32, %dma_wait3A_89] : memref<4096x512xi32, #tpu.memory_space<hbm>> -> memref<16x512xi32, #tpu.memory_space<hbm>>
    tpu.wait_dma2 semaphore(%arg16 : memref<!tpu.dma_semaphore, #tpu.memory_space<semaphore_mem>>) src(%dma_wait3A_90 : memref<16x512xi32, #tpu.memory_space<hbm>>) dst(%arg8 : memref<16x512xi32, #tpu.memory_space<vmem>>)
    %scan3A_91 = arith.constant 0 : i32
    %scan3A_92 = arith.constant 16 : i32
    %scan3A_93 = arith.addi %scan3A_91, %scan3A_92 : i32
    %scan3A_94 = arith.constant 1 : i32
    scf.for %scan3A_137 = %scan3A_91 to %scan3A_93 step %scan3A_94  : i32 {
      %mul3A_138 = arith.constant 1 : i32
      %mul3A_139 = arith.muli %scan3A_137, %mul3A_138 : i32
      %add3A_140 = arith.constant 0 : i32
      %add3A_141 = arith.addi %add3A_140, %mul3A_139 : i32
      %scan3A_142 = arith.constant 0 : i32
      %scan3A_143 = arith.constant 4 : i32
      %scan3A_144 = arith.addi %scan3A_142, %scan3A_143 : i32
      %scan3A_145 = arith.constant 1 : i32
      scf.for %scan3A_147 = %scan3A_142 to %scan3A_144 step %scan3A_145  : i32 {
        %mul3A_148 = arith.constant 128 : i32
        %mul3A_149 = arith.muli %scan3A_147, %mul3A_148 : i32
        %add3A_150 = arith.constant 0 : i32
        %add3A_151 = arith.addi %add3A_150, %mul3A_149 : i32
        %add3A_152 = arith.constant 0 : i32
        %add3A_153 = arith.addi %add3A_151, %add3A_152 : i32
        %get3A_154 = arith.index_cast %add3A_141 : i32 to index
        %get3A_155 = arith.index_cast %add3A_153 : i32 to index
        %get3A_156 = tpu.vector_load %arg8[%get3A_154, %get3A_155] {strides = array<i32>} : memref<16x512xi32, #tpu.memory_space<vmem>>, vector<16xi32>,
        %add3A_157 = arith.constant 16 : i32
        %add3A_158 = arith.addi %add3A_151, %add3A_157 : i32
        %get3A_159 = arith.index_cast %add3A_141 : i32 to index
        %get3A_160 = arith.index_cast %add3A_158 : i32 to index
        %get3A_161 = tpu.vector_load %arg8[%get3A_159, %get3A_160] {strides = array<i32>} : memref<16x512xi32, #tpu.memory_space<vmem>>, vector<16xi32>,
        %add3A_162 = arith.constant 32 : i32
        %add3A_163 = arith.addi %add3A_151, %add3A_162 : i32
        %get3A_164 = arith.index_cast %add3A_141 : i32 to index
        %get3A_165 = arith.index_cast %add3A_163 : i32 to index
        %get3A_166 = tpu.vector_load %arg8[%get3A_164, %get3A_165] {strides = array<i32>} : memref<16x512xi32, #tpu.memory_space<vmem>>, vector<16xi32>,
        %add3A_167 = arith.constant 48 : i32
        %add3A_168 = arith.addi %add3A_151, %add3A_167 : i32
        %get3A_169 = arith.index_cast %add3A_141 : i32 to index
        %get3A_170 = arith.index_cast %add3A_168 : i32 to index
        %get3A_171 = tpu.vector_load %arg8[%get3A_169, %get3A_170] {strides = array<i32>} : memref<16x512xi32, #tpu.memory_space<vmem>>, vector<16xi32>,
        %add3A_172 = arith.constant 64 : i32
        %add3A_173 = arith.addi %add3A_151, %add3A_172 : i32
        %get3A_174 = arith.index_cast %add3A_141 : i32 to index
        %get3A_175 = arith.index_cast %add3A_173 : i32 to index
        %get3A_176 = tpu.vector_load %arg8[%get3A_174, %get3A_175] {strides = array<i32>} : memref<16x512xi32, #tpu.memory_space<vmem>>, vector<16xi32>,
        %add3A_177 = arith.constant 80 : i32
        %add3A_178 = arith.addi %add3A_151, %add3A_177 : i32
        %get3A_179 = arith.index_cast %add3A_141 : i32 to index
        %get3A_180 = arith.index_cast %add3A_178 : i32 to index
        %get3A_181 = tpu.vector_load %arg8[%get3A_179, %get3A_180] {strides = array<i32>} : memref<16x512xi32, #tpu.memory_space<vmem>>, vector<16xi32>,
        %add3A_182 = arith.constant 96 : i32
        %add3A_183 = arith.addi %add3A_151, %add3A_182 : i32
        %get3A_184 = arith.index_cast %add3A_141 : i32 to index
        %get3A_185 = arith.index_cast %add3A_183 : i32 to index
        %get3A_186 = tpu.vector_load %arg8[%get3A_184, %get3A_185] {strides = array<i32>} : memref<16x512xi32, #tpu.memory_space<vmem>>, vector<16xi32>,
        %add3A_187 = arith.constant 112 : i32
        %add3A_188 = arith.addi %add3A_151, %add3A_187 : i32
        %get3A_189 = arith.index_cast %add3A_141 : i32 to index
        %get3A_190 = arith.index_cast %add3A_188 : i32 to index
        %get3A_191 = tpu.vector_load %arg8[%get3A_189, %get3A_190] {strides = array<i32>} : memref<16x512xi32, #tpu.memory_space<vmem>>, vector<16xi32>,
        %shift_right_logical3A = arith.constant 9 : i32
        %shift_right_logical3A_192 = vector.broadcast %shift_right_logical3A : i32 to vector<16xi32>
        %shift_right_logical3A_193 = arith.shrui %get3A_156, %shift_right_logical3A_192 : vector<16xi32>
        %shift_right_logical3A_194 = arith.constant 9 : i32
        %shift_right_logical3A_195 = vector.broadcast %shift_right_logical3A_194 : i32 to vector<16xi32>
        %shift_right_logical3A_196 = arith.shrui %get3A_161, %shift_right_logical3A_195 : vector<16xi32>
        %shift_right_logical3A_197 = arith.constant 9 : i32
        %shift_right_logical3A_198 = vector.broadcast %shift_right_logical3A_197 : i32 to vector<16xi32>
        %shift_right_logical3A_199 = arith.shrui %get3A_166, %shift_right_logical3A_198 : vector<16xi32>
        %shift_right_logical3A_200 = arith.constant 9 : i32
        %shift_right_logical3A_201 = vector.broadcast %shift_right_logical3A_200 : i32 to vector<16xi32>
        %shift_right_logical3A_202 = arith.shrui %get3A_171, %shift_right_logical3A_201 : vector<16xi32>
        %shift_right_logical3A_203 = arith.constant 9 : i32
        %shift_right_logical3A_204 = vector.broadcast %shift_right_logical3A_203 : i32 to vector<16xi32>
        %shift_right_logical3A_205 = arith.shrui %get3A_176, %shift_right_logical3A_204 : vector<16xi32>
        %shift_right_logical3A_206 = arith.constant 9 : i32
        %shift_right_logical3A_207 = vector.broadcast %shift_right_logical3A_206 : i32 to vector<16xi32>
        %shift_right_logical3A_208 = arith.shrui %get3A_181, %shift_right_logical3A_207 : vector<16xi32>
        %shift_right_logical3A_209 = arith.constant 9 : i32
        %shift_right_logical3A_210 = vector.broadcast %shift_right_logical3A_209 : i32 to vector<16xi32>
        %shift_right_logical3A_211 = arith.shrui %get3A_186, %shift_right_logical3A_210 : vector<16xi32>
        %shift_right_logical3A_212 = arith.constant 9 : i32
        %shift_right_logical3A_213 = vector.broadcast %shift_right_logical3A_212 : i32 to vector<16xi32>
        %shift_right_logical3A_214 = arith.shrui %get3A_191, %shift_right_logical3A_213 : vector<16xi32>
        %and3A = arith.constant 2047 : i32
        %and3A_215 = vector.broadcast %and3A : i32 to vector<16xi32>
        %and3A_216 = arith.andi %shift_right_logical3A_193, %and3A_215 : vector<16xi32>
        %and3A_217 = arith.constant 2047 : i32
        %and3A_218 = vector.broadcast %and3A_217 : i32 to vector<16xi32>
        %and3A_219 = arith.andi %shift_right_logical3A_196, %and3A_218 : vector<16xi32>
        %and3A_220 = arith.constant 2047 : i32
        %and3A_221 = vector.broadcast %and3A_220 : i32 to vector<16xi32>
        %and3A_222 = arith.andi %shift_right_logical3A_199, %and3A_221 : vector<16xi32>
        %and3A_223 = arith.constant 2047 : i32
        %and3A_224 = vector.broadcast %and3A_223 : i32 to vector<16xi32>
        %and3A_225 = arith.andi %shift_right_logical3A_202, %and3A_224 : vector<16xi32>
        %and3A_226 = arith.constant 2047 : i32
        %and3A_227 = vector.broadcast %and3A_226 : i32 to vector<16xi32>
        %and3A_228 = arith.andi %shift_right_logical3A_205, %and3A_227 : vector<16xi32>
        %and3A_229 = arith.constant 2047 : i32
        %and3A_230 = vector.broadcast %and3A_229 : i32 to vector<16xi32>
        %and3A_231 = arith.andi %shift_right_logical3A_208, %and3A_230 : vector<16xi32>
        %and3A_232 = arith.constant 2047 : i32
        %and3A_233 = vector.broadcast %and3A_232 : i32 to vector<16xi32>
        %and3A_234 = arith.andi %shift_right_logical3A_211, %and3A_233 : vector<16xi32>
        %and3A_235 = arith.constant 2047 : i32
        %and3A_236 = vector.broadcast %and3A_235 : i32 to vector<16xi32>
        %and3A_237 = arith.andi %shift_right_logical3A_214, %and3A_236 : vector<16xi32>
        %add3A_238 = arith.addi %mul3A_11, %and3A_216 : vector<16xi32>
        %add3A_239 = arith.addi %mul3A_11, %and3A_219 : vector<16xi32>
        %add3A_240 = arith.addi %mul3A_11, %and3A_222 : vector<16xi32>
        %add3A_241 = arith.addi %mul3A_11, %and3A_225 : vector<16xi32>
        %add3A_242 = arith.addi %mul3A_11, %and3A_228 : vector<16xi32>
        %add3A_243 = arith.addi %mul3A_11, %and3A_231 : vector<16xi32>
        %add3A_244 = arith.addi %mul3A_11, %and3A_234 : vector<16xi32>
        %add3A_245 = arith.addi %mul3A_11, %and3A_237 : vector<16xi32>
        %shift_right_logical3A_246 = arith.constant 20 : i32
        %shift_right_logical3A_247 = vector.broadcast %shift_right_logical3A_246 : i32 to vector<16xi32>
        %shift_right_logical3A_248 = arith.shrui %get3A_156, %shift_right_logical3A_247 : vector<16xi32>
        %eq3A = arith.cmpi eq, %shift_right_logical3A_248, %get3A_3 : vector<16xi32>
        %shift_right_logical3A_249 = arith.constant 20 : i32
        %shift_right_logical3A_250 = vector.broadcast %shift_right_logical3A_249 : i32 to vector<16xi32>
        %shift_right_logical3A_251 = arith.shrui %get3A_161, %shift_right_logical3A_250 : vector<16xi32>
        %eq3A_252 = arith.cmpi eq, %shift_right_logical3A_251, %get3A_3 : vector<16xi32>
        %shift_right_logical3A_253 = arith.constant 20 : i32
        %shift_right_logical3A_254 = vector.broadcast %shift_right_logical3A_253 : i32 to vector<16xi32>
        %shift_right_logical3A_255 = arith.shrui %get3A_166, %shift_right_logical3A_254 : vector<16xi32>
        %eq3A_256 = arith.cmpi eq, %shift_right_logical3A_255, %get3A_3 : vector<16xi32>
        %shift_right_logical3A_257 = arith.constant 20 : i32
        %shift_right_logical3A_258 = vector.broadcast %shift_right_logical3A_257 : i32 to vector<16xi32>
        %shift_right_logical3A_259 = arith.shrui %get3A_171, %shift_right_logical3A_258 : vector<16xi32>
        %eq3A_260 = arith.cmpi eq, %shift_right_logical3A_259, %get3A_3 : vector<16xi32>
        %shift_right_logical3A_261 = arith.constant 20 : i32
        %shift_right_logical3A_262 = vector.broadcast %shift_right_logical3A_261 : i32 to vector<16xi32>
        %shift_right_logical3A_263 = arith.shrui %get3A_176, %shift_right_logical3A_262 : vector<16xi32>
        %eq3A_264 = arith.cmpi eq, %shift_right_logical3A_263, %get3A_3 : vector<16xi32>
        %shift_right_logical3A_265 = arith.constant 20 : i32
        %shift_right_logical3A_266 = vector.broadcast %shift_right_logical3A_265 : i32 to vector<16xi32>
        %shift_right_logical3A_267 = arith.shrui %get3A_181, %shift_right_logical3A_266 : vector<16xi32>
        %eq3A_268 = arith.cmpi eq, %shift_right_logical3A_267, %get3A_3 : vector<16xi32>
        %shift_right_logical3A_269 = arith.constant 20 : i32
        %shift_right_logical3A_270 = vector.broadcast %shift_right_logical3A_269 : i32 to vector<16xi32>
        %shift_right_logical3A_271 = arith.shrui %get3A_186, %shift_right_logical3A_270 : vector<16xi32>
        %eq3A_272 = arith.cmpi eq, %shift_right_logical3A_271, %get3A_3 : vector<16xi32>
        %shift_right_logical3A_273 = arith.constant 20 : i32
        %shift_right_logical3A_274 = vector.broadcast %shift_right_logical3A_273 : i32 to vector<16xi32>
        %shift_right_logical3A_275 = arith.shrui %get3A_191, %shift_right_logical3A_274 : vector<16xi32>
        %eq3A_276 = arith.cmpi eq, %shift_right_logical3A_275, %get3A_3 : vector<16xi32>
        tpu.vector_store_idx %arg13[%add3A_238], %broadcast_in_dim3A_13 masked %eq3A {add = true} : memref<32832xi32, #tpu.memory_space<vmem>>[vector<16xi32>], vector<16xi32>, vector<16xi1>
        tpu.vector_store_idx %arg13[%add3A_239], %broadcast_in_dim3A_13 masked %eq3A_252 {add = true} : memref<32832xi32, #tpu.memory_space<vmem>>[vector<16xi32>], vector<16xi32>, vector<16xi1>
        tpu.vector_store_idx %arg13[%add3A_240], %broadcast_in_dim3A_13 masked %eq3A_256 {add = true} : memref<32832xi32, #tpu.memory_space<vmem>>[vector<16xi32>], vector<16xi32>, vector<16xi1>
        tpu.vector_store_idx %arg13[%add3A_241], %broadcast_in_dim3A_13 masked %eq3A_260 {add = true} : memref<32832xi32, #tpu.memory_space<vmem>>[vector<16xi32>], vector<16xi32>, vector<16xi1>
        tpu.vector_store_idx %arg13[%add3A_242], %broadcast_in_dim3A_13 masked %eq3A_264 {add = true} : memref<32832xi32, #tpu.memory_space<vmem>>[vector<16xi32>], vector<16xi32>, vector<16xi1>
        tpu.vector_store_idx %arg13[%add3A_243], %broadcast_in_dim3A_13 masked %eq3A_268 {add = true} : memref<32832xi32, #tpu.memory_space<vmem>>[vector<16xi32>], vector<16xi32>, vector<16xi1>
        tpu.vector_store_idx %arg13[%add3A_244], %broadcast_in_dim3A_13 masked %eq3A_272 {add = true} : memref<32832xi32, #tpu.memory_space<vmem>>[vector<16xi32>], vector<16xi32>, vector<16xi1>
        tpu.vector_store_idx %arg13[%add3A_245], %broadcast_in_dim3A_13 masked %eq3A_276 {add = true} : memref<32832xi32, #tpu.memory_space<vmem>>[vector<16xi32>], vector<16xi32>, vector<16xi1>
      }
      %scan3A_146 = arith.constant 4 : i32
    }
    %scan3A_95 = arith.constant 16 : i32
    %dma_wait3A_96 = arith.constant 0 : i32
    %dma_wait3A_97 = tpu.memref_slice %arg2[%add3A_38, %dma_wait3A_96] : memref<4096x512xi32, #tpu.memory_space<hbm>> -> memref<16x512xi32, #tpu.memory_space<hbm>>
    %dma_wait3A_98 = arith.constant 0 : i32
    %dma_wait3A_99 = tpu.memref_slice %arg2[%add3A_38, %dma_wait3A_98] : memref<4096x512xi32, #tpu.memory_space<hbm>> -> memref<16x512xi32, #tpu.memory_space<hbm>>
    tpu.wait_dma2 semaphore(%arg16 : memref<!tpu.dma_semaphore, #tpu.memory_space<semaphore_mem>>) src(%dma_wait3A_99 : memref<16x512xi32, #tpu.memory_space<hbm>>) dst(%arg9 : memref<16x512xi32, #tpu.memory_space<vmem>>)
    %scan3A_100 = arith.constant 0 : i32
    %scan3A_101 = arith.constant 16 : i32
    %scan3A_102 = arith.addi %scan3A_100, %scan3A_101 : i32
    %scan3A_103 = arith.constant 1 : i32
    scf.for %scan3A_137 = %scan3A_100 to %scan3A_102 step %scan3A_103  : i32 {
      %mul3A_138 = arith.constant 1 : i32
      %mul3A_139 = arith.muli %scan3A_137, %mul3A_138 : i32
      %add3A_140 = arith.constant 0 : i32
      %add3A_141 = arith.addi %add3A_140, %mul3A_139 : i32
      %scan3A_142 = arith.constant 0 : i32
      %scan3A_143 = arith.constant 4 : i32
      %scan3A_144 = arith.addi %scan3A_142, %scan3A_143 : i32
      %scan3A_145 = arith.constant 1 : i32
      scf.for %scan3A_147 = %scan3A_142 to %scan3A_144 step %scan3A_145  : i32 {
        %mul3A_148 = arith.constant 128 : i32
        %mul3A_149 = arith.muli %scan3A_147, %mul3A_148 : i32
        %add3A_150 = arith.constant 0 : i32
        %add3A_151 = arith.addi %add3A_150, %mul3A_149 : i32
        %add3A_152 = arith.constant 0 : i32
        %add3A_153 = arith.addi %add3A_151, %add3A_152 : i32
        %get3A_154 = arith.index_cast %add3A_141 : i32 to index
        %get3A_155 = arith.index_cast %add3A_153 : i32 to index
        %get3A_156 = tpu.vector_load %arg9[%get3A_154, %get3A_155] {strides = array<i32>} : memref<16x512xi32, #tpu.memory_space<vmem>>, vector<16xi32>,
        %add3A_157 = arith.constant 16 : i32
        %add3A_158 = arith.addi %add3A_151, %add3A_157 : i32
        %get3A_159 = arith.index_cast %add3A_141 : i32 to index
        %get3A_160 = arith.index_cast %add3A_158 : i32 to index
        %get3A_161 = tpu.vector_load %arg9[%get3A_159, %get3A_160] {strides = array<i32>} : memref<16x512xi32, #tpu.memory_space<vmem>>, vector<16xi32>,
        %add3A_162 = arith.constant 32 : i32
        %add3A_163 = arith.addi %add3A_151, %add3A_162 : i32
        %get3A_164 = arith.index_cast %add3A_141 : i32 to index
        %get3A_165 = arith.index_cast %add3A_163 : i32 to index
        %get3A_166 = tpu.vector_load %arg9[%get3A_164, %get3A_165] {strides = array<i32>} : memref<16x512xi32, #tpu.memory_space<vmem>>, vector<16xi32>,
        %add3A_167 = arith.constant 48 : i32
        %add3A_168 = arith.addi %add3A_151, %add3A_167 : i32
        %get3A_169 = arith.index_cast %add3A_141 : i32 to index
        %get3A_170 = arith.index_cast %add3A_168 : i32 to index
        %get3A_171 = tpu.vector_load %arg9[%get3A_169, %get3A_170] {strides = array<i32>} : memref<16x512xi32, #tpu.memory_space<vmem>>, vector<16xi32>,
        %add3A_172 = arith.constant 64 : i32
        %add3A_173 = arith.addi %add3A_151, %add3A_172 : i32
        %get3A_174 = arith.index_cast %add3A_141 : i32 to index
        %get3A_175 = arith.index_cast %add3A_173 : i32 to index
        %get3A_176 = tpu.vector_load %arg9[%get3A_174, %get3A_175] {strides = array<i32>} : memref<16x512xi32, #tpu.memory_space<vmem>>, vector<16xi32>,
        %add3A_177 = arith.constant 80 : i32
        %add3A_178 = arith.addi %add3A_151, %add3A_177 : i32
        %get3A_179 = arith.index_cast %add3A_141 : i32 to index
        %get3A_180 = arith.index_cast %add3A_178 : i32 to index
        %get3A_181 = tpu.vector_load %arg9[%get3A_179, %get3A_180] {strides = array<i32>} : memref<16x512xi32, #tpu.memory_space<vmem>>, vector<16xi32>,
        %add3A_182 = arith.constant 96 : i32
        %add3A_183 = arith.addi %add3A_151, %add3A_182 : i32
        %get3A_184 = arith.index_cast %add3A_141 : i32 to index
        %get3A_185 = arith.index_cast %add3A_183 : i32 to index
        %get3A_186 = tpu.vector_load %arg9[%get3A_184, %get3A_185] {strides = array<i32>} : memref<16x512xi32, #tpu.memory_space<vmem>>, vector<16xi32>,
        %add3A_187 = arith.constant 112 : i32
        %add3A_188 = arith.addi %add3A_151, %add3A_187 : i32
        %get3A_189 = arith.index_cast %add3A_141 : i32 to index
        %get3A_190 = arith.index_cast %add3A_188 : i32 to index
        %get3A_191 = tpu.vector_load %arg9[%get3A_189, %get3A_190] {strides = array<i32>} : memref<16x512xi32, #tpu.memory_space<vmem>>, vector<16xi32>,
        %shift_right_logical3A = arith.constant 9 : i32
        %shift_right_logical3A_192 = vector.broadcast %shift_right_logical3A : i32 to vector<16xi32>
        %shift_right_logical3A_193 = arith.shrui %get3A_156, %shift_right_logical3A_192 : vector<16xi32>
        %shift_right_logical3A_194 = arith.constant 9 : i32
        %shift_right_logical3A_195 = vector.broadcast %shift_right_logical3A_194 : i32 to vector<16xi32>
        %shift_right_logical3A_196 = arith.shrui %get3A_161, %shift_right_logical3A_195 : vector<16xi32>
        %shift_right_logical3A_197 = arith.constant 9 : i32
        %shift_right_logical3A_198 = vector.broadcast %shift_right_logical3A_197 : i32 to vector<16xi32>
        %shift_right_logical3A_199 = arith.shrui %get3A_166, %shift_right_logical3A_198 : vector<16xi32>
        %shift_right_logical3A_200 = arith.constant 9 : i32
        %shift_right_logical3A_201 = vector.broadcast %shift_right_logical3A_200 : i32 to vector<16xi32>
        %shift_right_logical3A_202 = arith.shrui %get3A_171, %shift_right_logical3A_201 : vector<16xi32>
        %shift_right_logical3A_203 = arith.constant 9 : i32
        %shift_right_logical3A_204 = vector.broadcast %shift_right_logical3A_203 : i32 to vector<16xi32>
        %shift_right_logical3A_205 = arith.shrui %get3A_176, %shift_right_logical3A_204 : vector<16xi32>
        %shift_right_logical3A_206 = arith.constant 9 : i32
        %shift_right_logical3A_207 = vector.broadcast %shift_right_logical3A_206 : i32 to vector<16xi32>
        %shift_right_logical3A_208 = arith.shrui %get3A_181, %shift_right_logical3A_207 : vector<16xi32>
        %shift_right_logical3A_209 = arith.constant 9 : i32
        %shift_right_logical3A_210 = vector.broadcast %shift_right_logical3A_209 : i32 to vector<16xi32>
        %shift_right_logical3A_211 = arith.shrui %get3A_186, %shift_right_logical3A_210 : vector<16xi32>
        %shift_right_logical3A_212 = arith.constant 9 : i32
        %shift_right_logical3A_213 = vector.broadcast %shift_right_logical3A_212 : i32 to vector<16xi32>
        %shift_right_logical3A_214 = arith.shrui %get3A_191, %shift_right_logical3A_213 : vector<16xi32>
        %and3A = arith.constant 2047 : i32
        %and3A_215 = vector.broadcast %and3A : i32 to vector<16xi32>
        %and3A_216 = arith.andi %shift_right_logical3A_193, %and3A_215 : vector<16xi32>
        %and3A_217 = arith.constant 2047 : i32
        %and3A_218 = vector.broadcast %and3A_217 : i32 to vector<16xi32>
        %and3A_219 = arith.andi %shift_right_logical3A_196, %and3A_218 : vector<16xi32>
        %and3A_220 = arith.constant 2047 : i32
        %and3A_221 = vector.broadcast %and3A_220 : i32 to vector<16xi32>
        %and3A_222 = arith.andi %shift_right_logical3A_199, %and3A_221 : vector<16xi32>
        %and3A_223 = arith.constant 2047 : i32
        %and3A_224 = vector.broadcast %and3A_223 : i32 to vector<16xi32>
        %and3A_225 = arith.andi %shift_right_logical3A_202, %and3A_224 : vector<16xi32>
        %and3A_226 = arith.constant 2047 : i32
        %and3A_227 = vector.broadcast %and3A_226 : i32 to vector<16xi32>
        %and3A_228 = arith.andi %shift_right_logical3A_205, %and3A_227 : vector<16xi32>
        %and3A_229 = arith.constant 2047 : i32
        %and3A_230 = vector.broadcast %and3A_229 : i32 to vector<16xi32>
        %and3A_231 = arith.andi %shift_right_logical3A_208, %and3A_230 : vector<16xi32>
        %and3A_232 = arith.constant 2047 : i32
        %and3A_233 = vector.broadcast %and3A_232 : i32 to vector<16xi32>
        %and3A_234 = arith.andi %shift_right_logical3A_211, %and3A_233 : vector<16xi32>
        %and3A_235 = arith.constant 2047 : i32
        %and3A_236 = vector.broadcast %and3A_235 : i32 to vector<16xi32>
        %and3A_237 = arith.andi %shift_right_logical3A_214, %and3A_236 : vector<16xi32>
        %add3A_238 = arith.addi %mul3A_11, %and3A_216 : vector<16xi32>
        %add3A_239 = arith.addi %mul3A_11, %and3A_219 : vector<16xi32>
        %add3A_240 = arith.addi %mul3A_11, %and3A_222 : vector<16xi32>
        %add3A_241 = arith.addi %mul3A_11, %and3A_225 : vector<16xi32>
        %add3A_242 = arith.addi %mul3A_11, %and3A_228 : vector<16xi32>
        %add3A_243 = arith.addi %mul3A_11, %and3A_231 : vector<16xi32>
        %add3A_244 = arith.addi %mul3A_11, %and3A_234 : vector<16xi32>
        %add3A_245 = arith.addi %mul3A_11, %and3A_237 : vector<16xi32>
        %shift_right_logical3A_246 = arith.constant 20 : i32
        %shift_right_logical3A_247 = vector.broadcast %shift_right_logical3A_246 : i32 to vector<16xi32>
        %shift_right_logical3A_248 = arith.shrui %get3A_156, %shift_right_logical3A_247 : vector<16xi32>
        %eq3A = arith.cmpi eq, %shift_right_logical3A_248, %get3A_3 : vector<16xi32>
        %shift_right_logical3A_249 = arith.constant 20 : i32
        %shift_right_logical3A_250 = vector.broadcast %shift_right_logical3A_249 : i32 to vector<16xi32>
        %shift_right_logical3A_251 = arith.shrui %get3A_161, %shift_right_logical3A_250 : vector<16xi32>
        %eq3A_252 = arith.cmpi eq, %shift_right_logical3A_251, %get3A_3 : vector<16xi32>
        %shift_right_logical3A_253 = arith.constant 20 : i32
        %shift_right_logical3A_254 = vector.broadcast %shift_right_logical3A_253 : i32 to vector<16xi32>
        %shift_right_logical3A_255 = arith.shrui %get3A_166, %shift_right_logical3A_254 : vector<16xi32>
        %eq3A_256 = arith.cmpi eq, %shift_right_logical3A_255, %get3A_3 : vector<16xi32>
        %shift_right_logical3A_257 = arith.constant 20 : i32
        %shift_right_logical3A_258 = vector.broadcast %shift_right_logical3A_257 : i32 to vector<16xi32>
        %shift_right_logical3A_259 = arith.shrui %get3A_171, %shift_right_logical3A_258 : vector<16xi32>
        %eq3A_260 = arith.cmpi eq, %shift_right_logical3A_259, %get3A_3 : vector<16xi32>
        %shift_right_logical3A_261 = arith.constant 20 : i32
        %shift_right_logical3A_262 = vector.broadcast %shift_right_logical3A_261 : i32 to vector<16xi32>
        %shift_right_logical3A_263 = arith.shrui %get3A_176, %shift_right_logical3A_262 : vector<16xi32>
        %eq3A_264 = arith.cmpi eq, %shift_right_logical3A_263, %get3A_3 : vector<16xi32>
        %shift_right_logical3A_265 = arith.constant 20 : i32
        %shift_right_logical3A_266 = vector.broadcast %shift_right_logical3A_265 : i32 to vector<16xi32>
        %shift_right_logical3A_267 = arith.shrui %get3A_181, %shift_right_logical3A_266 : vector<16xi32>
        %eq3A_268 = arith.cmpi eq, %shift_right_logical3A_267, %get3A_3 : vector<16xi32>
        %shift_right_logical3A_269 = arith.constant 20 : i32
        %shift_right_logical3A_270 = vector.broadcast %shift_right_logical3A_269 : i32 to vector<16xi32>
        %shift_right_logical3A_271 = arith.shrui %get3A_186, %shift_right_logical3A_270 : vector<16xi32>
        %eq3A_272 = arith.cmpi eq, %shift_right_logical3A_271, %get3A_3 : vector<16xi32>
        %shift_right_logical3A_273 = arith.constant 20 : i32
        %shift_right_logical3A_274 = vector.broadcast %shift_right_logical3A_273 : i32 to vector<16xi32>
        %shift_right_logical3A_275 = arith.shrui %get3A_191, %shift_right_logical3A_274 : vector<16xi32>
        %eq3A_276 = arith.cmpi eq, %shift_right_logical3A_275, %get3A_3 : vector<16xi32>
        tpu.vector_store_idx %arg13[%add3A_238], %broadcast_in_dim3A_13 masked %eq3A {add = true} : memref<32832xi32, #tpu.memory_space<vmem>>[vector<16xi32>], vector<16xi32>, vector<16xi1>
        tpu.vector_store_idx %arg13[%add3A_239], %broadcast_in_dim3A_13 masked %eq3A_252 {add = true} : memref<32832xi32, #tpu.memory_space<vmem>>[vector<16xi32>], vector<16xi32>, vector<16xi1>
        tpu.vector_store_idx %arg13[%add3A_240], %broadcast_in_dim3A_13 masked %eq3A_256 {add = true} : memref<32832xi32, #tpu.memory_space<vmem>>[vector<16xi32>], vector<16xi32>, vector<16xi1>
        tpu.vector_store_idx %arg13[%add3A_241], %broadcast_in_dim3A_13 masked %eq3A_260 {add = true} : memref<32832xi32, #tpu.memory_space<vmem>>[vector<16xi32>], vector<16xi32>, vector<16xi1>
        tpu.vector_store_idx %arg13[%add3A_242], %broadcast_in_dim3A_13 masked %eq3A_264 {add = true} : memref<32832xi32, #tpu.memory_space<vmem>>[vector<16xi32>], vector<16xi32>, vector<16xi1>
        tpu.vector_store_idx %arg13[%add3A_243], %broadcast_in_dim3A_13 masked %eq3A_268 {add = true} : memref<32832xi32, #tpu.memory_space<vmem>>[vector<16xi32>], vector<16xi32>, vector<16xi1>
        tpu.vector_store_idx %arg13[%add3A_244], %broadcast_in_dim3A_13 masked %eq3A_272 {add = true} : memref<32832xi32, #tpu.memory_space<vmem>>[vector<16xi32>], vector<16xi32>, vector<16xi1>
        tpu.vector_store_idx %arg13[%add3A_245], %broadcast_in_dim3A_13 masked %eq3A_276 {add = true} : memref<32832xi32, #tpu.memory_space<vmem>>[vector<16xi32>], vector<16xi32>, vector<16xi1>
      }
      %scan3A_146 = arith.constant 4 : i32
    }
    %scan3A_104 = arith.constant 16 : i32
    %dma_wait3A_105 = arith.constant 0 : i32
    %dma_wait3A_106 = tpu.memref_slice %arg2[%add3A_44, %dma_wait3A_105] : memref<4096x512xi32, #tpu.memory_space<hbm>> -> memref<16x512xi32, #tpu.memory_space<hbm>>
    %dma_wait3A_107 = arith.constant 0 : i32
    %dma_wait3A_108 = tpu.memref_slice %arg2[%add3A_44, %dma_wait3A_107] : memref<4096x512xi32, #tpu.memory_space<hbm>> -> memref<16x512xi32, #tpu.memory_space<hbm>>
    tpu.wait_dma2 semaphore(%arg16 : memref<!tpu.dma_semaphore, #tpu.memory_space<semaphore_mem>>) src(%dma_wait3A_108 : memref<16x512xi32, #tpu.memory_space<hbm>>) dst(%arg10 : memref<16x512xi32, #tpu.memory_space<vmem>>)
    %scan3A_109 = arith.constant 0 : i32
    %scan3A_110 = arith.constant 16 : i32
    %scan3A_111 = arith.addi %scan3A_109, %scan3A_110 : i32
    %scan3A_112 = arith.constant 1 : i32
    scf.for %scan3A_137 = %scan3A_109 to %scan3A_111 step %scan3A_112  : i32 {
      %mul3A_138 = arith.constant 1 : i32
      %mul3A_139 = arith.muli %scan3A_137, %mul3A_138 : i32
      %add3A_140 = arith.constant 0 : i32
      %add3A_141 = arith.addi %add3A_140, %mul3A_139 : i32
      %scan3A_142 = arith.constant 0 : i32
      %scan3A_143 = arith.constant 4 : i32
      %scan3A_144 = arith.addi %scan3A_142, %scan3A_143 : i32
      %scan3A_145 = arith.constant 1 : i32
      scf.for %scan3A_147 = %scan3A_142 to %scan3A_144 step %scan3A_145  : i32 {
        %mul3A_148 = arith.constant 128 : i32
        %mul3A_149 = arith.muli %scan3A_147, %mul3A_148 : i32
        %add3A_150 = arith.constant 0 : i32
        %add3A_151 = arith.addi %add3A_150, %mul3A_149 : i32
        %add3A_152 = arith.constant 0 : i32
        %add3A_153 = arith.addi %add3A_151, %add3A_152 : i32
        %get3A_154 = arith.index_cast %add3A_141 : i32 to index
        %get3A_155 = arith.index_cast %add3A_153 : i32 to index
        %get3A_156 = tpu.vector_load %arg10[%get3A_154, %get3A_155] {strides = array<i32>} : memref<16x512xi32, #tpu.memory_space<vmem>>, vector<16xi32>,
        %add3A_157 = arith.constant 16 : i32
        %add3A_158 = arith.addi %add3A_151, %add3A_157 : i32
        %get3A_159 = arith.index_cast %add3A_141 : i32 to index
        %get3A_160 = arith.index_cast %add3A_158 : i32 to index
        %get3A_161 = tpu.vector_load %arg10[%get3A_159, %get3A_160] {strides = array<i32>} : memref<16x512xi32, #tpu.memory_space<vmem>>, vector<16xi32>,
        %add3A_162 = arith.constant 32 : i32
        %add3A_163 = arith.addi %add3A_151, %add3A_162 : i32
        %get3A_164 = arith.index_cast %add3A_141 : i32 to index
        %get3A_165 = arith.index_cast %add3A_163 : i32 to index
        %get3A_166 = tpu.vector_load %arg10[%get3A_164, %get3A_165] {strides = array<i32>} : memref<16x512xi32, #tpu.memory_space<vmem>>, vector<16xi32>,
        %add3A_167 = arith.constant 48 : i32
        %add3A_168 = arith.addi %add3A_151, %add3A_167 : i32
        %get3A_169 = arith.index_cast %add3A_141 : i32 to index
        %get3A_170 = arith.index_cast %add3A_168 : i32 to index
        %get3A_171 = tpu.vector_load %arg10[%get3A_169, %get3A_170] {strides = array<i32>} : memref<16x512xi32, #tpu.memory_space<vmem>>, vector<16xi32>,
        %add3A_172 = arith.constant 64 : i32
        %add3A_173 = arith.addi %add3A_151, %add3A_172 : i32
        %get3A_174 = arith.index_cast %add3A_141 : i32 to index
        %get3A_175 = arith.index_cast %add3A_173 : i32 to index
        %get3A_176 = tpu.vector_load %arg10[%get3A_174, %get3A_175] {strides = array<i32>} : memref<16x512xi32, #tpu.memory_space<vmem>>, vector<16xi32>,
        %add3A_177 = arith.constant 80 : i32
        %add3A_178 = arith.addi %add3A_151, %add3A_177 : i32
        %get3A_179 = arith.index_cast %add3A_141 : i32 to index
        %get3A_180 = arith.index_cast %add3A_178 : i32 to index
        %get3A_181 = tpu.vector_load %arg10[%get3A_179, %get3A_180] {strides = array<i32>} : memref<16x512xi32, #tpu.memory_space<vmem>>, vector<16xi32>,
        %add3A_182 = arith.constant 96 : i32
        %add3A_183 = arith.addi %add3A_151, %add3A_182 : i32
        %get3A_184 = arith.index_cast %add3A_141 : i32 to index
        %get3A_185 = arith.index_cast %add3A_183 : i32 to index
        %get3A_186 = tpu.vector_load %arg10[%get3A_184, %get3A_185] {strides = array<i32>} : memref<16x512xi32, #tpu.memory_space<vmem>>, vector<16xi32>,
        %add3A_187 = arith.constant 112 : i32
        %add3A_188 = arith.addi %add3A_151, %add3A_187 : i32
        %get3A_189 = arith.index_cast %add3A_141 : i32 to index
        %get3A_190 = arith.index_cast %add3A_188 : i32 to index
        %get3A_191 = tpu.vector_load %arg10[%get3A_189, %get3A_190] {strides = array<i32>} : memref<16x512xi32, #tpu.memory_space<vmem>>, vector<16xi32>,
        %shift_right_logical3A = arith.constant 9 : i32
        %shift_right_logical3A_192 = vector.broadcast %shift_right_logical3A : i32 to vector<16xi32>
        %shift_right_logical3A_193 = arith.shrui %get3A_156, %shift_right_logical3A_192 : vector<16xi32>
        %shift_right_logical3A_194 = arith.constant 9 : i32
        %shift_right_logical3A_195 = vector.broadcast %shift_right_logical3A_194 : i32 to vector<16xi32>
        %shift_right_logical3A_196 = arith.shrui %get3A_161, %shift_right_logical3A_195 : vector<16xi32>
        %shift_right_logical3A_197 = arith.constant 9 : i32
        %shift_right_logical3A_198 = vector.broadcast %shift_right_logical3A_197 : i32 to vector<16xi32>
        %shift_right_logical3A_199 = arith.shrui %get3A_166, %shift_right_logical3A_198 : vector<16xi32>
        %shift_right_logical3A_200 = arith.constant 9 : i32
        %shift_right_logical3A_201 = vector.broadcast %shift_right_logical3A_200 : i32 to vector<16xi32>
        %shift_right_logical3A_202 = arith.shrui %get3A_171, %shift_right_logical3A_201 : vector<16xi32>
        %shift_right_logical3A_203 = arith.constant 9 : i32
        %shift_right_logical3A_204 = vector.broadcast %shift_right_logical3A_203 : i32 to vector<16xi32>
        %shift_right_logical3A_205 = arith.shrui %get3A_176, %shift_right_logical3A_204 : vector<16xi32>
        %shift_right_logical3A_206 = arith.constant 9 : i32
        %shift_right_logical3A_207 = vector.broadcast %shift_right_logical3A_206 : i32 to vector<16xi32>
        %shift_right_logical3A_208 = arith.shrui %get3A_181, %shift_right_logical3A_207 : vector<16xi32>
        %shift_right_logical3A_209 = arith.constant 9 : i32
        %shift_right_logical3A_210 = vector.broadcast %shift_right_logical3A_209 : i32 to vector<16xi32>
        %shift_right_logical3A_211 = arith.shrui %get3A_186, %shift_right_logical3A_210 : vector<16xi32>
        %shift_right_logical3A_212 = arith.constant 9 : i32
        %shift_right_logical3A_213 = vector.broadcast %shift_right_logical3A_212 : i32 to vector<16xi32>
        %shift_right_logical3A_214 = arith.shrui %get3A_191, %shift_right_logical3A_213 : vector<16xi32>
        %and3A = arith.constant 2047 : i32
        %and3A_215 = vector.broadcast %and3A : i32 to vector<16xi32>
        %and3A_216 = arith.andi %shift_right_logical3A_193, %and3A_215 : vector<16xi32>
        %and3A_217 = arith.constant 2047 : i32
        %and3A_218 = vector.broadcast %and3A_217 : i32 to vector<16xi32>
        %and3A_219 = arith.andi %shift_right_logical3A_196, %and3A_218 : vector<16xi32>
        %and3A_220 = arith.constant 2047 : i32
        %and3A_221 = vector.broadcast %and3A_220 : i32 to vector<16xi32>
        %and3A_222 = arith.andi %shift_right_logical3A_199, %and3A_221 : vector<16xi32>
        %and3A_223 = arith.constant 2047 : i32
        %and3A_224 = vector.broadcast %and3A_223 : i32 to vector<16xi32>
        %and3A_225 = arith.andi %shift_right_logical3A_202, %and3A_224 : vector<16xi32>
        %and3A_226 = arith.constant 2047 : i32
        %and3A_227 = vector.broadcast %and3A_226 : i32 to vector<16xi32>
        %and3A_228 = arith.andi %shift_right_logical3A_205, %and3A_227 : vector<16xi32>
        %and3A_229 = arith.constant 2047 : i32
        %and3A_230 = vector.broadcast %and3A_229 : i32 to vector<16xi32>
        %and3A_231 = arith.andi %shift_right_logical3A_208, %and3A_230 : vector<16xi32>
        %and3A_232 = arith.constant 2047 : i32
        %and3A_233 = vector.broadcast %and3A_232 : i32 to vector<16xi32>
        %and3A_234 = arith.andi %shift_right_logical3A_211, %and3A_233 : vector<16xi32>
        %and3A_235 = arith.constant 2047 : i32
        %and3A_236 = vector.broadcast %and3A_235 : i32 to vector<16xi32>
        %and3A_237 = arith.andi %shift_right_logical3A_214, %and3A_236 : vector<16xi32>
        %add3A_238 = arith.addi %mul3A_11, %and3A_216 : vector<16xi32>
        %add3A_239 = arith.addi %mul3A_11, %and3A_219 : vector<16xi32>
        %add3A_240 = arith.addi %mul3A_11, %and3A_222 : vector<16xi32>
        %add3A_241 = arith.addi %mul3A_11, %and3A_225 : vector<16xi32>
        %add3A_242 = arith.addi %mul3A_11, %and3A_228 : vector<16xi32>
        %add3A_243 = arith.addi %mul3A_11, %and3A_231 : vector<16xi32>
        %add3A_244 = arith.addi %mul3A_11, %and3A_234 : vector<16xi32>
        %add3A_245 = arith.addi %mul3A_11, %and3A_237 : vector<16xi32>
        %shift_right_logical3A_246 = arith.constant 20 : i32
        %shift_right_logical3A_247 = vector.broadcast %shift_right_logical3A_246 : i32 to vector<16xi32>
        %shift_right_logical3A_248 = arith.shrui %get3A_156, %shift_right_logical3A_247 : vector<16xi32>
        %eq3A = arith.cmpi eq, %shift_right_logical3A_248, %get3A_3 : vector<16xi32>
        %shift_right_logical3A_249 = arith.constant 20 : i32
        %shift_right_logical3A_250 = vector.broadcast %shift_right_logical3A_249 : i32 to vector<16xi32>
        %shift_right_logical3A_251 = arith.shrui %get3A_161, %shift_right_logical3A_250 : vector<16xi32>
        %eq3A_252 = arith.cmpi eq, %shift_right_logical3A_251, %get3A_3 : vector<16xi32>
        %shift_right_logical3A_253 = arith.constant 20 : i32
        %shift_right_logical3A_254 = vector.broadcast %shift_right_logical3A_253 : i32 to vector<16xi32>
        %shift_right_logical3A_255 = arith.shrui %get3A_166, %shift_right_logical3A_254 : vector<16xi32>
        %eq3A_256 = arith.cmpi eq, %shift_right_logical3A_255, %get3A_3 : vector<16xi32>
        %shift_right_logical3A_257 = arith.constant 20 : i32
        %shift_right_logical3A_258 = vector.broadcast %shift_right_logical3A_257 : i32 to vector<16xi32>
        %shift_right_logical3A_259 = arith.shrui %get3A_171, %shift_right_logical3A_258 : vector<16xi32>
        %eq3A_260 = arith.cmpi eq, %shift_right_logical3A_259, %get3A_3 : vector<16xi32>
        %shift_right_logical3A_261 = arith.constant 20 : i32
        %shift_right_logical3A_262 = vector.broadcast %shift_right_logical3A_261 : i32 to vector<16xi32>
        %shift_right_logical3A_263 = arith.shrui %get3A_176, %shift_right_logical3A_262 : vector<16xi32>
        %eq3A_264 = arith.cmpi eq, %shift_right_logical3A_263, %get3A_3 : vector<16xi32>
        %shift_right_logical3A_265 = arith.constant 20 : i32
        %shift_right_logical3A_266 = vector.broadcast %shift_right_logical3A_265 : i32 to vector<16xi32>
        %shift_right_logical3A_267 = arith.shrui %get3A_181, %shift_right_logical3A_266 : vector<16xi32>
        %eq3A_268 = arith.cmpi eq, %shift_right_logical3A_267, %get3A_3 : vector<16xi32>
        %shift_right_logical3A_269 = arith.constant 20 : i32
        %shift_right_logical3A_270 = vector.broadcast %shift_right_logical3A_269 : i32 to vector<16xi32>
        %shift_right_logical3A_271 = arith.shrui %get3A_186, %shift_right_logical3A_270 : vector<16xi32>
        %eq3A_272 = arith.cmpi eq, %shift_right_logical3A_271, %get3A_3 : vector<16xi32>
        %shift_right_logical3A_273 = arith.constant 20 : i32
        %shift_right_logical3A_274 = vector.broadcast %shift_right_logical3A_273 : i32 to vector<16xi32>
        %shift_right_logical3A_275 = arith.shrui %get3A_191, %shift_right_logical3A_274 : vector<16xi32>
        %eq3A_276 = arith.cmpi eq, %shift_right_logical3A_275, %get3A_3 : vector<16xi32>
        tpu.vector_store_idx %arg13[%add3A_238], %broadcast_in_dim3A_13 masked %eq3A {add = true} : memref<32832xi32, #tpu.memory_space<vmem>>[vector<16xi32>], vector<16xi32>, vector<16xi1>
        tpu.vector_store_idx %arg13[%add3A_239], %broadcast_in_dim3A_13 masked %eq3A_252 {add = true} : memref<32832xi32, #tpu.memory_space<vmem>>[vector<16xi32>], vector<16xi32>, vector<16xi1>
        tpu.vector_store_idx %arg13[%add3A_240], %broadcast_in_dim3A_13 masked %eq3A_256 {add = true} : memref<32832xi32, #tpu.memory_space<vmem>>[vector<16xi32>], vector<16xi32>, vector<16xi1>
        tpu.vector_store_idx %arg13[%add3A_241], %broadcast_in_dim3A_13 masked %eq3A_260 {add = true} : memref<32832xi32, #tpu.memory_space<vmem>>[vector<16xi32>], vector<16xi32>, vector<16xi1>
        tpu.vector_store_idx %arg13[%add3A_242], %broadcast_in_dim3A_13 masked %eq3A_264 {add = true} : memref<32832xi32, #tpu.memory_space<vmem>>[vector<16xi32>], vector<16xi32>, vector<16xi1>
        tpu.vector_store_idx %arg13[%add3A_243], %broadcast_in_dim3A_13 masked %eq3A_268 {add = true} : memref<32832xi32, #tpu.memory_space<vmem>>[vector<16xi32>], vector<16xi32>, vector<16xi1>
        tpu.vector_store_idx %arg13[%add3A_244], %broadcast_in_dim3A_13 masked %eq3A_272 {add = true} : memref<32832xi32, #tpu.memory_space<vmem>>[vector<16xi32>], vector<16xi32>, vector<16xi1>
        tpu.vector_store_idx %arg13[%add3A_245], %broadcast_in_dim3A_13 masked %eq3A_276 {add = true} : memref<32832xi32, #tpu.memory_space<vmem>>[vector<16xi32>], vector<16xi32>, vector<16xi1>
      }
      %scan3A_146 = arith.constant 4 : i32
    }
    %scan3A_113 = arith.constant 16 : i32
    %dma_wait3A_114 = arith.constant 0 : i32
    %dma_wait3A_115 = tpu.memref_slice %arg2[%add3A_50, %dma_wait3A_114] : memref<4096x512xi32, #tpu.memory_space<hbm>> -> memref<16x512xi32, #tpu.memory_space<hbm>>
    %dma_wait3A_116 = arith.constant 0 : i32
    %dma_wait3A_117 = tpu.memref_slice %arg2[%add3A_50, %dma_wait3A_116] : memref<4096x512xi32, #tpu.memory_space<hbm>> -> memref<16x512xi32, #tpu.memory_space<hbm>>
    tpu.wait_dma2 semaphore(%arg16 : memref<!tpu.dma_semaphore, #tpu.memory_space<semaphore_mem>>) src(%dma_wait3A_117 : memref<16x512xi32, #tpu.memory_space<hbm>>) dst(%arg11 : memref<16x512xi32, #tpu.memory_space<vmem>>)
    %scan3A_118 = arith.constant 0 : i32
    %scan3A_119 = arith.constant 16 : i32
    %scan3A_120 = arith.addi %scan3A_118, %scan3A_119 : i32
    %scan3A_121 = arith.constant 1 : i32
    scf.for %scan3A_137 = %scan3A_118 to %scan3A_120 step %scan3A_121  : i32 {
      %mul3A_138 = arith.constant 1 : i32
      %mul3A_139 = arith.muli %scan3A_137, %mul3A_138 : i32
      %add3A_140 = arith.constant 0 : i32
      %add3A_141 = arith.addi %add3A_140, %mul3A_139 : i32
      %scan3A_142 = arith.constant 0 : i32
      %scan3A_143 = arith.constant 4 : i32
      %scan3A_144 = arith.addi %scan3A_142, %scan3A_143 : i32
      %scan3A_145 = arith.constant 1 : i32
      scf.for %scan3A_147 = %scan3A_142 to %scan3A_144 step %scan3A_145  : i32 {
        %mul3A_148 = arith.constant 128 : i32
        %mul3A_149 = arith.muli %scan3A_147, %mul3A_148 : i32
        %add3A_150 = arith.constant 0 : i32
        %add3A_151 = arith.addi %add3A_150, %mul3A_149 : i32
        %add3A_152 = arith.constant 0 : i32
        %add3A_153 = arith.addi %add3A_151, %add3A_152 : i32
        %get3A_154 = arith.index_cast %add3A_141 : i32 to index
        %get3A_155 = arith.index_cast %add3A_153 : i32 to index
        %get3A_156 = tpu.vector_load %arg11[%get3A_154, %get3A_155] {strides = array<i32>} : memref<16x512xi32, #tpu.memory_space<vmem>>, vector<16xi32>,
        %add3A_157 = arith.constant 16 : i32
        %add3A_158 = arith.addi %add3A_151, %add3A_157 : i32
        %get3A_159 = arith.index_cast %add3A_141 : i32 to index
        %get3A_160 = arith.index_cast %add3A_158 : i32 to index
        %get3A_161 = tpu.vector_load %arg11[%get3A_159, %get3A_160] {strides = array<i32>} : memref<16x512xi32, #tpu.memory_space<vmem>>, vector<16xi32>,
        %add3A_162 = arith.constant 32 : i32
        %add3A_163 = arith.addi %add3A_151, %add3A_162 : i32
        %get3A_164 = arith.index_cast %add3A_141 : i32 to index
        %get3A_165 = arith.index_cast %add3A_163 : i32 to index
        %get3A_166 = tpu.vector_load %arg11[%get3A_164, %get3A_165] {strides = array<i32>} : memref<16x512xi32, #tpu.memory_space<vmem>>, vector<16xi32>,
        %add3A_167 = arith.constant 48 : i32
        %add3A_168 = arith.addi %add3A_151, %add3A_167 : i32
        %get3A_169 = arith.index_cast %add3A_141 : i32 to index
        %get3A_170 = arith.index_cast %add3A_168 : i32 to index
        %get3A_171 = tpu.vector_load %arg11[%get3A_169, %get3A_170] {strides = array<i32>} : memref<16x512xi32, #tpu.memory_space<vmem>>, vector<16xi32>,
        %add3A_172 = arith.constant 64 : i32
        %add3A_173 = arith.addi %add3A_151, %add3A_172 : i32
        %get3A_174 = arith.index_cast %add3A_141 : i32 to index
        %get3A_175 = arith.index_cast %add3A_173 : i32 to index
        %get3A_176 = tpu.vector_load %arg11[%get3A_174, %get3A_175] {strides = array<i32>} : memref<16x512xi32, #tpu.memory_space<vmem>>, vector<16xi32>,
        %add3A_177 = arith.constant 80 : i32
        %add3A_178 = arith.addi %add3A_151, %add3A_177 : i32
        %get3A_179 = arith.index_cast %add3A_141 : i32 to index
        %get3A_180 = arith.index_cast %add3A_178 : i32 to index
        %get3A_181 = tpu.vector_load %arg11[%get3A_179, %get3A_180] {strides = array<i32>} : memref<16x512xi32, #tpu.memory_space<vmem>>, vector<16xi32>,
        %add3A_182 = arith.constant 96 : i32
        %add3A_183 = arith.addi %add3A_151, %add3A_182 : i32
        %get3A_184 = arith.index_cast %add3A_141 : i32 to index
        %get3A_185 = arith.index_cast %add3A_183 : i32 to index
        %get3A_186 = tpu.vector_load %arg11[%get3A_184, %get3A_185] {strides = array<i32>} : memref<16x512xi32, #tpu.memory_space<vmem>>, vector<16xi32>,
        %add3A_187 = arith.constant 112 : i32
        %add3A_188 = arith.addi %add3A_151, %add3A_187 : i32
        %get3A_189 = arith.index_cast %add3A_141 : i32 to index
        %get3A_190 = arith.index_cast %add3A_188 : i32 to index
        %get3A_191 = tpu.vector_load %arg11[%get3A_189, %get3A_190] {strides = array<i32>} : memref<16x512xi32, #tpu.memory_space<vmem>>, vector<16xi32>,
        %shift_right_logical3A = arith.constant 9 : i32
        %shift_right_logical3A_192 = vector.broadcast %shift_right_logical3A : i32 to vector<16xi32>
        %shift_right_logical3A_193 = arith.shrui %get3A_156, %shift_right_logical3A_192 : vector<16xi32>
        %shift_right_logical3A_194 = arith.constant 9 : i32
        %shift_right_logical3A_195 = vector.broadcast %shift_right_logical3A_194 : i32 to vector<16xi32>
        %shift_right_logical3A_196 = arith.shrui %get3A_161, %shift_right_logical3A_195 : vector<16xi32>
        %shift_right_logical3A_197 = arith.constant 9 : i32
        %shift_right_logical3A_198 = vector.broadcast %shift_right_logical3A_197 : i32 to vector<16xi32>
        %shift_right_logical3A_199 = arith.shrui %get3A_166, %shift_right_logical3A_198 : vector<16xi32>
        %shift_right_logical3A_200 = arith.constant 9 : i32
        %shift_right_logical3A_201 = vector.broadcast %shift_right_logical3A_200 : i32 to vector<16xi32>
        %shift_right_logical3A_202 = arith.shrui %get3A_171, %shift_right_logical3A_201 : vector<16xi32>
        %shift_right_logical3A_203 = arith.constant 9 : i32
        %shift_right_logical3A_204 = vector.broadcast %shift_right_logical3A_203 : i32 to vector<16xi32>
        %shift_right_logical3A_205 = arith.shrui %get3A_176, %shift_right_logical3A_204 : vector<16xi32>
        %shift_right_logical3A_206 = arith.constant 9 : i32
        %shift_right_logical3A_207 = vector.broadcast %shift_right_logical3A_206 : i32 to vector<16xi32>
        %shift_right_logical3A_208 = arith.shrui %get3A_181, %shift_right_logical3A_207 : vector<16xi32>
        %shift_right_logical3A_209 = arith.constant 9 : i32
        %shift_right_logical3A_210 = vector.broadcast %shift_right_logical3A_209 : i32 to vector<16xi32>
        %shift_right_logical3A_211 = arith.shrui %get3A_186, %shift_right_logical3A_210 : vector<16xi32>
        %shift_right_logical3A_212 = arith.constant 9 : i32
        %shift_right_logical3A_213 = vector.broadcast %shift_right_logical3A_212 : i32 to vector<16xi32>
        %shift_right_logical3A_214 = arith.shrui %get3A_191, %shift_right_logical3A_213 : vector<16xi32>
        %and3A = arith.constant 2047 : i32
        %and3A_215 = vector.broadcast %and3A : i32 to vector<16xi32>
        %and3A_216 = arith.andi %shift_right_logical3A_193, %and3A_215 : vector<16xi32>
        %and3A_217 = arith.constant 2047 : i32
        %and3A_218 = vector.broadcast %and3A_217 : i32 to vector<16xi32>
        %and3A_219 = arith.andi %shift_right_logical3A_196, %and3A_218 : vector<16xi32>
        %and3A_220 = arith.constant 2047 : i32
        %and3A_221 = vector.broadcast %and3A_220 : i32 to vector<16xi32>
        %and3A_222 = arith.andi %shift_right_logical3A_199, %and3A_221 : vector<16xi32>
        %and3A_223 = arith.constant 2047 : i32
        %and3A_224 = vector.broadcast %and3A_223 : i32 to vector<16xi32>
        %and3A_225 = arith.andi %shift_right_logical3A_202, %and3A_224 : vector<16xi32>
        %and3A_226 = arith.constant 2047 : i32
        %and3A_227 = vector.broadcast %and3A_226 : i32 to vector<16xi32>
        %and3A_228 = arith.andi %shift_right_logical3A_205, %and3A_227 : vector<16xi32>
        %and3A_229 = arith.constant 2047 : i32
        %and3A_230 = vector.broadcast %and3A_229 : i32 to vector<16xi32>
        %and3A_231 = arith.andi %shift_right_logical3A_208, %and3A_230 : vector<16xi32>
        %and3A_232 = arith.constant 2047 : i32
        %and3A_233 = vector.broadcast %and3A_232 : i32 to vector<16xi32>
        %and3A_234 = arith.andi %shift_right_logical3A_211, %and3A_233 : vector<16xi32>
        %and3A_235 = arith.constant 2047 : i32
        %and3A_236 = vector.broadcast %and3A_235 : i32 to vector<16xi32>
        %and3A_237 = arith.andi %shift_right_logical3A_214, %and3A_236 : vector<16xi32>
        %add3A_238 = arith.addi %mul3A_11, %and3A_216 : vector<16xi32>
        %add3A_239 = arith.addi %mul3A_11, %and3A_219 : vector<16xi32>
        %add3A_240 = arith.addi %mul3A_11, %and3A_222 : vector<16xi32>
        %add3A_241 = arith.addi %mul3A_11, %and3A_225 : vector<16xi32>
        %add3A_242 = arith.addi %mul3A_11, %and3A_228 : vector<16xi32>
        %add3A_243 = arith.addi %mul3A_11, %and3A_231 : vector<16xi32>
        %add3A_244 = arith.addi %mul3A_11, %and3A_234 : vector<16xi32>
        %add3A_245 = arith.addi %mul3A_11, %and3A_237 : vector<16xi32>
        %shift_right_logical3A_246 = arith.constant 20 : i32
        %shift_right_logical3A_247 = vector.broadcast %shift_right_logical3A_246 : i32 to vector<16xi32>
        %shift_right_logical3A_248 = arith.shrui %get3A_156, %shift_right_logical3A_247 : vector<16xi32>
        %eq3A = arith.cmpi eq, %shift_right_logical3A_248, %get3A_3 : vector<16xi32>
        %shift_right_logical3A_249 = arith.constant 20 : i32
        %shift_right_logical3A_250 = vector.broadcast %shift_right_logical3A_249 : i32 to vector<16xi32>
        %shift_right_logical3A_251 = arith.shrui %get3A_161, %shift_right_logical3A_250 : vector<16xi32>
        %eq3A_252 = arith.cmpi eq, %shift_right_logical3A_251, %get3A_3 : vector<16xi32>
        %shift_right_logical3A_253 = arith.constant 20 : i32
        %shift_right_logical3A_254 = vector.broadcast %shift_right_logical3A_253 : i32 to vector<16xi32>
        %shift_right_logical3A_255 = arith.shrui %get3A_166, %shift_right_logical3A_254 : vector<16xi32>
        %eq3A_256 = arith.cmpi eq, %shift_right_logical3A_255, %get3A_3 : vector<16xi32>
        %shift_right_logical3A_257 = arith.constant 20 : i32
        %shift_right_logical3A_258 = vector.broadcast %shift_right_logical3A_257 : i32 to vector<16xi32>
        %shift_right_logical3A_259 = arith.shrui %get3A_171, %shift_right_logical3A_258 : vector<16xi32>
        %eq3A_260 = arith.cmpi eq, %shift_right_logical3A_259, %get3A_3 : vector<16xi32>
        %shift_right_logical3A_261 = arith.constant 20 : i32
        %shift_right_logical3A_262 = vector.broadcast %shift_right_logical3A_261 : i32 to vector<16xi32>
        %shift_right_logical3A_263 = arith.shrui %get3A_176, %shift_right_logical3A_262 : vector<16xi32>
        %eq3A_264 = arith.cmpi eq, %shift_right_logical3A_263, %get3A_3 : vector<16xi32>
        %shift_right_logical3A_265 = arith.constant 20 : i32
        %shift_right_logical3A_266 = vector.broadcast %shift_right_logical3A_265 : i32 to vector<16xi32>
        %shift_right_logical3A_267 = arith.shrui %get3A_181, %shift_right_logical3A_266 : vector<16xi32>
        %eq3A_268 = arith.cmpi eq, %shift_right_logical3A_267, %get3A_3 : vector<16xi32>
        %shift_right_logical3A_269 = arith.constant 20 : i32
        %shift_right_logical3A_270 = vector.broadcast %shift_right_logical3A_269 : i32 to vector<16xi32>
        %shift_right_logical3A_271 = arith.shrui %get3A_186, %shift_right_logical3A_270 : vector<16xi32>
        %eq3A_272 = arith.cmpi eq, %shift_right_logical3A_271, %get3A_3 : vector<16xi32>
        %shift_right_logical3A_273 = arith.constant 20 : i32
        %shift_right_logical3A_274 = vector.broadcast %shift_right_logical3A_273 : i32 to vector<16xi32>
        %shift_right_logical3A_275 = arith.shrui %get3A_191, %shift_right_logical3A_274 : vector<16xi32>
        %eq3A_276 = arith.cmpi eq, %shift_right_logical3A_275, %get3A_3 : vector<16xi32>
        tpu.vector_store_idx %arg13[%add3A_238], %broadcast_in_dim3A_13 masked %eq3A {add = true} : memref<32832xi32, #tpu.memory_space<vmem>>[vector<16xi32>], vector<16xi32>, vector<16xi1>
        tpu.vector_store_idx %arg13[%add3A_239], %broadcast_in_dim3A_13 masked %eq3A_252 {add = true} : memref<32832xi32, #tpu.memory_space<vmem>>[vector<16xi32>], vector<16xi32>, vector<16xi1>
        tpu.vector_store_idx %arg13[%add3A_240], %broadcast_in_dim3A_13 masked %eq3A_256 {add = true} : memref<32832xi32, #tpu.memory_space<vmem>>[vector<16xi32>], vector<16xi32>, vector<16xi1>
        tpu.vector_store_idx %arg13[%add3A_241], %broadcast_in_dim3A_13 masked %eq3A_260 {add = true} : memref<32832xi32, #tpu.memory_space<vmem>>[vector<16xi32>], vector<16xi32>, vector<16xi1>
        tpu.vector_store_idx %arg13[%add3A_242], %broadcast_in_dim3A_13 masked %eq3A_264 {add = true} : memref<32832xi32, #tpu.memory_space<vmem>>[vector<16xi32>], vector<16xi32>, vector<16xi1>
        tpu.vector_store_idx %arg13[%add3A_243], %broadcast_in_dim3A_13 masked %eq3A_268 {add = true} : memref<32832xi32, #tpu.memory_space<vmem>>[vector<16xi32>], vector<16xi32>, vector<16xi1>
        tpu.vector_store_idx %arg13[%add3A_244], %broadcast_in_dim3A_13 masked %eq3A_272 {add = true} : memref<32832xi32, #tpu.memory_space<vmem>>[vector<16xi32>], vector<16xi32>, vector<16xi1>
        tpu.vector_store_idx %arg13[%add3A_245], %broadcast_in_dim3A_13 masked %eq3A_276 {add = true} : memref<32832xi32, #tpu.memory_space<vmem>>[vector<16xi32>], vector<16xi32>, vector<16xi1>
      }
      %scan3A_146 = arith.constant 4 : i32
    }
    %scan3A_122 = arith.constant 16 : i32
    %dma_wait3A_123 = arith.constant 0 : i32
    %dma_wait3A_124 = tpu.memref_slice %arg2[%add3A_56, %dma_wait3A_123] : memref<4096x512xi32, #tpu.memory_space<hbm>> -> memref<16x512xi32, #tpu.memory_space<hbm>>
    %dma_wait3A_125 = arith.constant 0 : i32
    %dma_wait3A_126 = tpu.memref_slice %arg2[%add3A_56, %dma_wait3A_125] : memref<4096x512xi32, #tpu.memory_space<hbm>> -> memref<16x512xi32, #tpu.memory_space<hbm>>
    tpu.wait_dma2 semaphore(%arg16 : memref<!tpu.dma_semaphore, #tpu.memory_space<semaphore_mem>>) src(%dma_wait3A_126 : memref<16x512xi32, #tpu.memory_space<hbm>>) dst(%arg12 : memref<16x512xi32, #tpu.memory_space<vmem>>)
    %scan3A_127 = arith.constant 0 : i32
    %scan3A_128 = arith.constant 16 : i32
    %scan3A_129 = arith.addi %scan3A_127, %scan3A_128 : i32
    %scan3A_130 = arith.constant 1 : i32
    scf.for %scan3A_137 = %scan3A_127 to %scan3A_129 step %scan3A_130  : i32 {
      %mul3A_138 = arith.constant 1 : i32
      %mul3A_139 = arith.muli %scan3A_137, %mul3A_138 : i32
      %add3A_140 = arith.constant 0 : i32
      %add3A_141 = arith.addi %add3A_140, %mul3A_139 : i32
      %scan3A_142 = arith.constant 0 : i32
      %scan3A_143 = arith.constant 4 : i32
      %scan3A_144 = arith.addi %scan3A_142, %scan3A_143 : i32
      %scan3A_145 = arith.constant 1 : i32
      scf.for %scan3A_147 = %scan3A_142 to %scan3A_144 step %scan3A_145  : i32 {
        %mul3A_148 = arith.constant 128 : i32
        %mul3A_149 = arith.muli %scan3A_147, %mul3A_148 : i32
        %add3A_150 = arith.constant 0 : i32
        %add3A_151 = arith.addi %add3A_150, %mul3A_149 : i32
        %add3A_152 = arith.constant 0 : i32
        %add3A_153 = arith.addi %add3A_151, %add3A_152 : i32
        %get3A_154 = arith.index_cast %add3A_141 : i32 to index
        %get3A_155 = arith.index_cast %add3A_153 : i32 to index
        %get3A_156 = tpu.vector_load %arg12[%get3A_154, %get3A_155] {strides = array<i32>} : memref<16x512xi32, #tpu.memory_space<vmem>>, vector<16xi32>,
        %add3A_157 = arith.constant 16 : i32
        %add3A_158 = arith.addi %add3A_151, %add3A_157 : i32
        %get3A_159 = arith.index_cast %add3A_141 : i32 to index
        %get3A_160 = arith.index_cast %add3A_158 : i32 to index
        %get3A_161 = tpu.vector_load %arg12[%get3A_159, %get3A_160] {strides = array<i32>} : memref<16x512xi32, #tpu.memory_space<vmem>>, vector<16xi32>,
        %add3A_162 = arith.constant 32 : i32
        %add3A_163 = arith.addi %add3A_151, %add3A_162 : i32
        %get3A_164 = arith.index_cast %add3A_141 : i32 to index
        %get3A_165 = arith.index_cast %add3A_163 : i32 to index
        %get3A_166 = tpu.vector_load %arg12[%get3A_164, %get3A_165] {strides = array<i32>} : memref<16x512xi32, #tpu.memory_space<vmem>>, vector<16xi32>,
        %add3A_167 = arith.constant 48 : i32
        %add3A_168 = arith.addi %add3A_151, %add3A_167 : i32
        %get3A_169 = arith.index_cast %add3A_141 : i32 to index
        %get3A_170 = arith.index_cast %add3A_168 : i32 to index
        %get3A_171 = tpu.vector_load %arg12[%get3A_169, %get3A_170] {strides = array<i32>} : memref<16x512xi32, #tpu.memory_space<vmem>>, vector<16xi32>,
        %add3A_172 = arith.constant 64 : i32
        %add3A_173 = arith.addi %add3A_151, %add3A_172 : i32
        %get3A_174 = arith.index_cast %add3A_141 : i32 to index
        %get3A_175 = arith.index_cast %add3A_173 : i32 to index
        %get3A_176 = tpu.vector_load %arg12[%get3A_174, %get3A_175] {strides = array<i32>} : memref<16x512xi32, #tpu.memory_space<vmem>>, vector<16xi32>,
        %add3A_177 = arith.constant 80 : i32
        %add3A_178 = arith.addi %add3A_151, %add3A_177 : i32
        %get3A_179 = arith.index_cast %add3A_141 : i32 to index
        %get3A_180 = arith.index_cast %add3A_178 : i32 to index
        %get3A_181 = tpu.vector_load %arg12[%get3A_179, %get3A_180] {strides = array<i32>} : memref<16x512xi32, #tpu.memory_space<vmem>>, vector<16xi32>,
        %add3A_182 = arith.constant 96 : i32
        %add3A_183 = arith.addi %add3A_151, %add3A_182 : i32
        %get3A_184 = arith.index_cast %add3A_141 : i32 to index
        %get3A_185 = arith.index_cast %add3A_183 : i32 to index
        %get3A_186 = tpu.vector_load %arg12[%get3A_184, %get3A_185] {strides = array<i32>} : memref<16x512xi32, #tpu.memory_space<vmem>>, vector<16xi32>,
        %add3A_187 = arith.constant 112 : i32
        %add3A_188 = arith.addi %add3A_151, %add3A_187 : i32
        %get3A_189 = arith.index_cast %add3A_141 : i32 to index
        %get3A_190 = arith.index_cast %add3A_188 : i32 to index
        %get3A_191 = tpu.vector_load %arg12[%get3A_189, %get3A_190] {strides = array<i32>} : memref<16x512xi32, #tpu.memory_space<vmem>>, vector<16xi32>,
        %shift_right_logical3A = arith.constant 9 : i32
        %shift_right_logical3A_192 = vector.broadcast %shift_right_logical3A : i32 to vector<16xi32>
        %shift_right_logical3A_193 = arith.shrui %get3A_156, %shift_right_logical3A_192 : vector<16xi32>
        %shift_right_logical3A_194 = arith.constant 9 : i32
        %shift_right_logical3A_195 = vector.broadcast %shift_right_logical3A_194 : i32 to vector<16xi32>
        %shift_right_logical3A_196 = arith.shrui %get3A_161, %shift_right_logical3A_195 : vector<16xi32>
        %shift_right_logical3A_197 = arith.constant 9 : i32
        %shift_right_logical3A_198 = vector.broadcast %shift_right_logical3A_197 : i32 to vector<16xi32>
        %shift_right_logical3A_199 = arith.shrui %get3A_166, %shift_right_logical3A_198 : vector<16xi32>
        %shift_right_logical3A_200 = arith.constant 9 : i32
        %shift_right_logical3A_201 = vector.broadcast %shift_right_logical3A_200 : i32 to vector<16xi32>
        %shift_right_logical3A_202 = arith.shrui %get3A_171, %shift_right_logical3A_201 : vector<16xi32>
        %shift_right_logical3A_203 = arith.constant 9 : i32
        %shift_right_logical3A_204 = vector.broadcast %shift_right_logical3A_203 : i32 to vector<16xi32>
        %shift_right_logical3A_205 = arith.shrui %get3A_176, %shift_right_logical3A_204 : vector<16xi32>
        %shift_right_logical3A_206 = arith.constant 9 : i32
        %shift_right_logical3A_207 = vector.broadcast %shift_right_logical3A_206 : i32 to vector<16xi32>
        %shift_right_logical3A_208 = arith.shrui %get3A_181, %shift_right_logical3A_207 : vector<16xi32>
        %shift_right_logical3A_209 = arith.constant 9 : i32
        %shift_right_logical3A_210 = vector.broadcast %shift_right_logical3A_209 : i32 to vector<16xi32>
        %shift_right_logical3A_211 = arith.shrui %get3A_186, %shift_right_logical3A_210 : vector<16xi32>
        %shift_right_logical3A_212 = arith.constant 9 : i32
        %shift_right_logical3A_213 = vector.broadcast %shift_right_logical3A_212 : i32 to vector<16xi32>
        %shift_right_logical3A_214 = arith.shrui %get3A_191, %shift_right_logical3A_213 : vector<16xi32>
        %and3A = arith.constant 2047 : i32
        %and3A_215 = vector.broadcast %and3A : i32 to vector<16xi32>
        %and3A_216 = arith.andi %shift_right_logical3A_193, %and3A_215 : vector<16xi32>
        %and3A_217 = arith.constant 2047 : i32
        %and3A_218 = vector.broadcast %and3A_217 : i32 to vector<16xi32>
        %and3A_219 = arith.andi %shift_right_logical3A_196, %and3A_218 : vector<16xi32>
        %and3A_220 = arith.constant 2047 : i32
        %and3A_221 = vector.broadcast %and3A_220 : i32 to vector<16xi32>
        %and3A_222 = arith.andi %shift_right_logical3A_199, %and3A_221 : vector<16xi32>
        %and3A_223 = arith.constant 2047 : i32
        %and3A_224 = vector.broadcast %and3A_223 : i32 to vector<16xi32>
        %and3A_225 = arith.andi %shift_right_logical3A_202, %and3A_224 : vector<16xi32>
        %and3A_226 = arith.constant 2047 : i32
        %and3A_227 = vector.broadcast %and3A_226 : i32 to vector<16xi32>
        %and3A_228 = arith.andi %shift_right_logical3A_205, %and3A_227 : vector<16xi32>
        %and3A_229 = arith.constant 2047 : i32
        %and3A_230 = vector.broadcast %and3A_229 : i32 to vector<16xi32>
        %and3A_231 = arith.andi %shift_right_logical3A_208, %and3A_230 : vector<16xi32>
        %and3A_232 = arith.constant 2047 : i32
        %and3A_233 = vector.broadcast %and3A_232 : i32 to vector<16xi32>
        %and3A_234 = arith.andi %shift_right_logical3A_211, %and3A_233 : vector<16xi32>
        %and3A_235 = arith.constant 2047 : i32
        %and3A_236 = vector.broadcast %and3A_235 : i32 to vector<16xi32>
        %and3A_237 = arith.andi %shift_right_logical3A_214, %and3A_236 : vector<16xi32>
        %add3A_238 = arith.addi %mul3A_11, %and3A_216 : vector<16xi32>
        %add3A_239 = arith.addi %mul3A_11, %and3A_219 : vector<16xi32>
        %add3A_240 = arith.addi %mul3A_11, %and3A_222 : vector<16xi32>
        %add3A_241 = arith.addi %mul3A_11, %and3A_225 : vector<16xi32>
        %add3A_242 = arith.addi %mul3A_11, %and3A_228 : vector<16xi32>
        %add3A_243 = arith.addi %mul3A_11, %and3A_231 : vector<16xi32>
        %add3A_244 = arith.addi %mul3A_11, %and3A_234 : vector<16xi32>
        %add3A_245 = arith.addi %mul3A_11, %and3A_237 : vector<16xi32>
        %shift_right_logical3A_246 = arith.constant 20 : i32
        %shift_right_logical3A_247 = vector.broadcast %shift_right_logical3A_246 : i32 to vector<16xi32>
        %shift_right_logical3A_248 = arith.shrui %get3A_156, %shift_right_logical3A_247 : vector<16xi32>
        %eq3A = arith.cmpi eq, %shift_right_logical3A_248, %get3A_3 : vector<16xi32>
        %shift_right_logical3A_249 = arith.constant 20 : i32
        %shift_right_logical3A_250 = vector.broadcast %shift_right_logical3A_249 : i32 to vector<16xi32>
        %shift_right_logical3A_251 = arith.shrui %get3A_161, %shift_right_logical3A_250 : vector<16xi32>
        %eq3A_252 = arith.cmpi eq, %shift_right_logical3A_251, %get3A_3 : vector<16xi32>
        %shift_right_logical3A_253 = arith.constant 20 : i32
        %shift_right_logical3A_254 = vector.broadcast %shift_right_logical3A_253 : i32 to vector<16xi32>
        %shift_right_logical3A_255 = arith.shrui %get3A_166, %shift_right_logical3A_254 : vector<16xi32>
        %eq3A_256 = arith.cmpi eq, %shift_right_logical3A_255, %get3A_3 : vector<16xi32>
        %shift_right_logical3A_257 = arith.constant 20 : i32
        %shift_right_logical3A_258 = vector.broadcast %shift_right_logical3A_257 : i32 to vector<16xi32>
        %shift_right_logical3A_259 = arith.shrui %get3A_171, %shift_right_logical3A_258 : vector<16xi32>
        %eq3A_260 = arith.cmpi eq, %shift_right_logical3A_259, %get3A_3 : vector<16xi32>
        %shift_right_logical3A_261 = arith.constant 20 : i32
        %shift_right_logical3A_262 = vector.broadcast %shift_right_logical3A_261 : i32 to vector<16xi32>
        %shift_right_logical3A_263 = arith.shrui %get3A_176, %shift_right_logical3A_262 : vector<16xi32>
        %eq3A_264 = arith.cmpi eq, %shift_right_logical3A_263, %get3A_3 : vector<16xi32>
        %shift_right_logical3A_265 = arith.constant 20 : i32
        %shift_right_logical3A_266 = vector.broadcast %shift_right_logical3A_265 : i32 to vector<16xi32>
        %shift_right_logical3A_267 = arith.shrui %get3A_181, %shift_right_logical3A_266 : vector<16xi32>
        %eq3A_268 = arith.cmpi eq, %shift_right_logical3A_267, %get3A_3 : vector<16xi32>
        %shift_right_logical3A_269 = arith.constant 20 : i32
        %shift_right_logical3A_270 = vector.broadcast %shift_right_logical3A_269 : i32 to vector<16xi32>
        %shift_right_logical3A_271 = arith.shrui %get3A_186, %shift_right_logical3A_270 : vector<16xi32>
        %eq3A_272 = arith.cmpi eq, %shift_right_logical3A_271, %get3A_3 : vector<16xi32>
        %shift_right_logical3A_273 = arith.constant 20 : i32
        %shift_right_logical3A_274 = vector.broadcast %shift_right_logical3A_273 : i32 to vector<16xi32>
        %shift_right_logical3A_275 = arith.shrui %get3A_191, %shift_right_logical3A_274 : vector<16xi32>
        %eq3A_276 = arith.cmpi eq, %shift_right_logical3A_275, %get3A_3 : vector<16xi32>
        tpu.vector_store_idx %arg13[%add3A_238], %broadcast_in_dim3A_13 masked %eq3A {add = true} : memref<32832xi32, #tpu.memory_space<vmem>>[vector<16xi32>], vector<16xi32>, vector<16xi1>
        tpu.vector_store_idx %arg13[%add3A_239], %broadcast_in_dim3A_13 masked %eq3A_252 {add = true} : memref<32832xi32, #tpu.memory_space<vmem>>[vector<16xi32>], vector<16xi32>, vector<16xi1>
        tpu.vector_store_idx %arg13[%add3A_240], %broadcast_in_dim3A_13 masked %eq3A_256 {add = true} : memref<32832xi32, #tpu.memory_space<vmem>>[vector<16xi32>], vector<16xi32>, vector<16xi1>
        tpu.vector_store_idx %arg13[%add3A_241], %broadcast_in_dim3A_13 masked %eq3A_260 {add = true} : memref<32832xi32, #tpu.memory_space<vmem>>[vector<16xi32>], vector<16xi32>, vector<16xi1>
        tpu.vector_store_idx %arg13[%add3A_242], %broadcast_in_dim3A_13 masked %eq3A_264 {add = true} : memref<32832xi32, #tpu.memory_space<vmem>>[vector<16xi32>], vector<16xi32>, vector<16xi1>
        tpu.vector_store_idx %arg13[%add3A_243], %broadcast_in_dim3A_13 masked %eq3A_268 {add = true} : memref<32832xi32, #tpu.memory_space<vmem>>[vector<16xi32>], vector<16xi32>, vector<16xi1>
        tpu.vector_store_idx %arg13[%add3A_244], %broadcast_in_dim3A_13 masked %eq3A_272 {add = true} : memref<32832xi32, #tpu.memory_space<vmem>>[vector<16xi32>], vector<16xi32>, vector<16xi1>
        tpu.vector_store_idx %arg13[%add3A_245], %broadcast_in_dim3A_13 masked %eq3A_276 {add = true} : memref<32832xi32, #tpu.memory_space<vmem>>[vector<16xi32>], vector<16xi32>, vector<16xi1>
      }
      %scan3A_146 = arith.constant 4 : i32
    }
    %scan3A_131 = arith.constant 16 : i32
    %scan3A_132 = arith.constant 0 : i32
    %scan3A_133 = arith.constant 128 : i32
    %scan3A_134 = arith.addi %scan3A_132, %scan3A_133 : i32
    %scan3A_135 = arith.constant 1 : i32
    scf.for %scan3A_137 = %scan3A_132 to %scan3A_134 step %scan3A_135  : i32 {
      %mul3A_138 = arith.constant 16 : i32
      %mul3A_139 = arith.muli %scan3A_137, %mul3A_138 : i32
      %add3A_140 = arith.constant 0 : i32
      %add3A_141 = arith.addi %add3A_140, %mul3A_139 : i32
      %get3A_142 = arith.index_cast %add3A_141 : i32 to index
      %get3A_143 = tpu.vector_load %arg13[%get3A_142] {strides = array<i32>} : memref<32832xi32, #tpu.memory_space<vmem>>, vector<16xi32>,
      %add3A_144 = arith.constant 2049 : i32
      %add3A_145 = arith.addi %add3A_144, %add3A_141 : i32
      %get3A_146 = arith.index_cast %add3A_145 : i32 to index
      %get3A_147 = tpu.vector_load %arg13[%get3A_146] {strides = array<i32>} : memref<32832xi32, #tpu.memory_space<vmem>>, vector<16xi32>,
      %add3A_148 = arith.addi %get3A_143, %get3A_147 : vector<16xi32>
      %add3A_149 = arith.constant 4098 : i32
      %add3A_150 = arith.addi %add3A_149, %add3A_141 : i32
      %get3A_151 = arith.index_cast %add3A_150 : i32 to index
      %get3A_152 = tpu.vector_load %arg13[%get3A_151] {strides = array<i32>} : memref<32832xi32, #tpu.memory_space<vmem>>, vector<16xi32>,
      %add3A_153 = arith.addi %add3A_148, %get3A_152 : vector<16xi32>
      %add3A_154 = arith.constant 6147 : i32
      %add3A_155 = arith.addi %add3A_154, %add3A_141 : i32
      %get3A_156 = arith.index_cast %add3A_155 : i32 to index
      %get3A_157 = tpu.vector_load %arg13[%get3A_156] {strides = array<i32>} : memref<32832xi32, #tpu.memory_space<vmem>>, vector<16xi32>,
      %add3A_158 = arith.addi %add3A_153, %get3A_157 : vector<16xi32>
      %add3A_159 = arith.constant 8196 : i32
      %add3A_160 = arith.addi %add3A_159, %add3A_141 : i32
      %get3A_161 = arith.index_cast %add3A_160 : i32 to index
      %get3A_162 = tpu.vector_load %arg13[%get3A_161] {strides = array<i32>} : memref<32832xi32, #tpu.memory_space<vmem>>, vector<16xi32>,
      %add3A_163 = arith.addi %add3A_158, %get3A_162 : vector<16xi32>
      %add3A_164 = arith.constant 10245 : i32
      %add3A_165 = arith.addi %add3A_164, %add3A_141 : i32
      %get3A_166 = arith.index_cast %add3A_165 : i32 to index
      %get3A_167 = tpu.vector_load %arg13[%get3A_166] {strides = array<i32>} : memref<32832xi32, #tpu.memory_space<vmem>>, vector<16xi32>,
      %add3A_168 = arith.addi %add3A_163, %get3A_167 : vector<16xi32>
      %add3A_169 = arith.constant 12294 : i32
      %add3A_170 = arith.addi %add3A_169, %add3A_141 : i32
      %get3A_171 = arith.index_cast %add3A_170 : i32 to index
      %get3A_172 = tpu.vector_load %arg13[%get3A_171] {strides = array<i32>} : memref<32832xi32, #tpu.memory_space<vmem>>, vector<16xi32>,
      %add3A_173 = arith.addi %add3A_168, %get3A_172 : vector<16xi32>
      %add3A_174 = arith.constant 14343 : i32
      %add3A_175 = arith.addi %add3A_174, %add3A_141 : i32
      %get3A_176 = arith.index_cast %add3A_175 : i32 to index
      %get3A_177 = tpu.vector_load %arg13[%get3A_176] {strides = array<i32>} : memref<32832xi32, #tpu.memory_space<vmem>>, vector<16xi32>,
      %add3A_178 = arith.addi %add3A_173, %get3A_177 : vector<16xi32>
      %add3A_179 = arith.constant 16392 : i32
      %add3A_180 = arith.addi %add3A_179, %add3A_141 : i32
      %get3A_181 = arith.index_cast %add3A_180 : i32 to index
      %get3A_182 = tpu.vector_load %arg13[%get3A_181] {strides = array<i32>} : memref<32832xi32, #tpu.memory_space<vmem>>, vector<16xi32>,
      %add3A_183 = arith.addi %add3A_178, %get3A_182 : vector<16xi32>
      %add3A_184 = arith.constant 18441 : i32
      %add3A_185 = arith.addi %add3A_184, %add3A_141 : i32
      %get3A_186 = arith.index_cast %add3A_185 : i32 to index
      %get3A_187 = tpu.vector_load %arg13[%get3A_186] {strides = array<i32>} : memref<32832xi32, #tpu.memory_space<vmem>>, vector<16xi32>,
      %add3A_188 = arith.addi %add3A_183, %get3A_187 : vector<16xi32>
      %add3A_189 = arith.constant 20490 : i32
      %add3A_190 = arith.addi %add3A_189, %add3A_141 : i32
      %get3A_191 = arith.index_cast %add3A_190 : i32 to index
      %get3A_192 = tpu.vector_load %arg13[%get3A_191] {strides = array<i32>} : memref<32832xi32, #tpu.memory_space<vmem>>, vector<16xi32>,
      %add3A_193 = arith.addi %add3A_188, %get3A_192 : vector<16xi32>
      %add3A_194 = arith.constant 22539 : i32
      %add3A_195 = arith.addi %add3A_194, %add3A_141 : i32
      %get3A_196 = arith.index_cast %add3A_195 : i32 to index
      %get3A_197 = tpu.vector_load %arg13[%get3A_196] {strides = array<i32>} : memref<32832xi32, #tpu.memory_space<vmem>>, vector<16xi32>,
      %add3A_198 = arith.addi %add3A_193, %get3A_197 : vector<16xi32>
      %add3A_199 = arith.constant 24588 : i32
      %add3A_200 = arith.addi %add3A_199, %add3A_141 : i32
      %get3A_201 = arith.index_cast %add3A_200 : i32 to index
      %get3A_202 = tpu.vector_load %arg13[%get3A_201] {strides = array<i32>} : memref<32832xi32, #tpu.memory_space<vmem>>, vector<16xi32>,
      %add3A_203 = arith.addi %add3A_198, %get3A_202 : vector<16xi32>
      %add3A_204 = arith.constant 26637 : i32
      %add3A_205 = arith.addi %add3A_204, %add3A_141 : i32
      %get3A_206 = arith.index_cast %add3A_205 : i32 to index
      %get3A_207 = tpu.vector_load %arg13[%get3A_206] {strides = array<i32>} : memref<32832xi32, #tpu.memory_space<vmem>>, vector<16xi32>,
      %add3A_208 = arith.addi %add3A_203, %get3A_207 : vector<16xi32>
      %add3A_209 = arith.constant 28686 : i32
      %add3A_210 = arith.addi %add3A_209, %add3A_141 : i32
      %get3A_211 = arith.index_cast %add3A_210 : i32 to index
      %get3A_212 = tpu.vector_load %arg13[%get3A_211] {strides = array<i32>} : memref<32832xi32, #tpu.memory_space<vmem>>, vector<16xi32>,
      %add3A_213 = arith.addi %add3A_208, %get3A_212 : vector<16xi32>
      %add3A_214 = arith.constant 30735 : i32
      %add3A_215 = arith.addi %add3A_214, %add3A_141 : i32
      %get3A_216 = arith.index_cast %add3A_215 : i32 to index
      %get3A_217 = tpu.vector_load %arg13[%get3A_216] {strides = array<i32>} : memref<32832xi32, #tpu.memory_space<vmem>>, vector<16xi32>,
      %add3A_218 = arith.addi %add3A_213, %get3A_217 : vector<16xi32>
      %swap3A = arith.index_cast %add3A_141 : i32 to index
      %swap3A_219 = tpu.vector_load %arg14[%swap3A] {strides = array<i32>} : memref<2048xi32, #tpu.memory_space<vmem>>, vector<16xi32>,
      tpu.vector_store %arg14[%swap3A], %add3A_218 {strides = array<i32>} : memref<2048xi32, #tpu.memory_space<vmem>>, vector<16xi32>,
    }
    %scan3A_136 = arith.constant 128 : i32
    "tpu.region"() ({
      %run_scoped3A_137 = tpu.sem_alloc : memref<!tpu.dma_semaphore, #tpu.memory_space<semaphore_mem>>
      %dma_start3A_138 = arith.constant 0 : i32
      %dma_start3A_139 = tpu.memref_slice %arg4[%add3A, %dma_start3A_138] : memref<32x2048xi32, #tpu.memory_space<hbm>> -> memref<1x2048xi32, #tpu.memory_space<hbm>>
      %dma_start3A_140 = tpu.memref_squeeze %dma_start3A_139 : memref<1x2048xi32, #tpu.memory_space<hbm>> -> memref<2048xi32, #tpu.memory_space<hbm>>
      %dma_start3A_141 = arith.constant 0 : i32
      %dma_start3A_142 = tpu.memref_slice %arg4[%add3A, %dma_start3A_141] : memref<32x2048xi32, #tpu.memory_space<hbm>> -> memref<1x2048xi32, #tpu.memory_space<hbm>>
      %dma_start3A_143 = tpu.memref_squeeze %dma_start3A_142 : memref<1x2048xi32, #tpu.memory_space<hbm>> -> memref<2048xi32, #tpu.memory_space<hbm>>
      tpu.enqueue_dma source(%arg14 : memref<2048xi32, #tpu.memory_space<vmem>>) target(%dma_start3A_143 : memref<2048xi32, #tpu.memory_space<hbm>>) target_semaphore(%run_scoped3A_137 : memref<!tpu.dma_semaphore, #tpu.memory_space<semaphore_mem>>)
      %dma_wait3A_144 = arith.constant 0 : i32
      %dma_wait3A_145 = tpu.memref_slice %arg4[%add3A, %dma_wait3A_144] : memref<32x2048xi32, #tpu.memory_space<hbm>> -> memref<1x2048xi32, #tpu.memory_space<hbm>>
      %dma_wait3A_146 = tpu.memref_squeeze %dma_wait3A_145 : memref<1x2048xi32, #tpu.memory_space<hbm>> -> memref<2048xi32, #tpu.memory_space<hbm>>
      %dma_wait3A_147 = arith.constant 0 : i32
      %dma_wait3A_148 = tpu.memref_slice %arg4[%add3A, %dma_wait3A_147] : memref<32x2048xi32, #tpu.memory_space<hbm>> -> memref<1x2048xi32, #tpu.memory_space<hbm>>
      %dma_wait3A_149 = tpu.memref_squeeze %dma_wait3A_148 : memref<1x2048xi32, #tpu.memory_space<hbm>> -> memref<2048xi32, #tpu.memory_space<hbm>>
      tpu.wait_dma2 semaphore(%run_scoped3A_137 : memref<!tpu.dma_semaphore, #tpu.memory_space<semaphore_mem>>) src(%arg14 : memref<2048xi32, #tpu.memory_space<vmem>>) dst(%dma_wait3A_149 : memref<2048xi32, #tpu.memory_space<hbm>>)
      tpu.yield
    }) : () -> ()
    return
  }
}

#map = affine_map<(d0, d1) -> (0, 0)>
module attributes {stable_mosaic.version = 14 : i64} {
  func.func @hist_kernel(%arg0: i32, %arg1: i32, %arg2: memref<4096x512xi32, #tpu.memory_space<hbm>>, %arg3: memref<1x16xi32, #tpu.memory_space<hbm>>, %arg4: memref<32x2048xi32, #tpu.memory_space<hbm>>, %arg5: memref<16x512xi32, #tpu.memory_space<vmem>>, %arg6: memref<16x512xi32, #tpu.memory_space<vmem>>, %arg7: memref<16x512xi32, #tpu.memory_space<vmem>>, %arg8: memref<16x512xi32, #tpu.memory_space<vmem>>, %arg9: memref<16x512xi32, #tpu.memory_space<vmem>>, %arg10: memref<16x512xi32, #tpu.memory_space<vmem>>, %arg11: memref<16x512xi32, #tpu.memory_space<vmem>>, %arg12: memref<16x512xi32, #tpu.memory_space<vmem>>, %arg13: memref<32832xi32, #tpu.memory_space<vmem>>, %arg14: memref<2048xi32, #tpu.memory_space<vmem>>, %arg15: memref<16xi32, #tpu.memory_space<vmem>>, %arg16: memref<!tpu.dma_semaphore, #tpu.memory_space<semaphore_mem>>) attributes {dimension_semantics = [#tpu.dimension_semantics<core_parallel>, #tpu.dimension_semantics<subcore_parallel>], iteration_bounds = array<i64: 2, 16>, scalar_prefetch = 0 : i64, scratch_operands = 12 : i64, tpu.core_type = #tpu.core_type<sc_vector_subcore>, window_params = [{transform_indices = #map}, {transform_indices = #map}, {transform_indices = #map}]} {
    %mul3A = arith.constant 16 : i32
    %mul3A_0 = arith.muli %arg0, %mul3A : i32
    %add3A = arith.addi %mul3A_0, %arg1 : i32
    %mul3A_1 = arith.constant 128 : i32
    %mul3A_2 = arith.muli %add3A, %mul3A_1 : i32
    %run_scoped3A = arith.constant 0 : i32
    "tpu.region"() ({
      %run_scoped3A_137 = tpu.sem_alloc : memref<!tpu.dma_semaphore, #tpu.memory_space<semaphore_mem>>
      %dma_start3A_138 = arith.constant 0 : i32
      %dma_start3A_139 = tpu.memref_slice %arg3[%run_scoped3A, %dma_start3A_138] : memref<1x16xi32, #tpu.memory_space<hbm>> -> memref<1x16xi32, #tpu.memory_space<hbm>>
      %dma_start3A_140 = tpu.memref_squeeze %dma_start3A_139 : memref<1x16xi32, #tpu.memory_space<hbm>> -> memref<16xi32, #tpu.memory_space<hbm>>
      %dma_start3A_141 = arith.constant 0 : i32
      %dma_start3A_142 = tpu.memref_slice %arg3[%run_scoped3A, %dma_start3A_141] : memref<1x16xi32, #tpu.memory_space<hbm>> -> memref<1x16xi32, #tpu.memory_space<hbm>>
      %dma_start3A_143 = tpu.memref_squeeze %dma_start3A_142 : memref<1x16xi32, #tpu.memory_space<hbm>> -> memref<16xi32, #tpu.memory_space<hbm>>
      tpu.enqueue_dma source(%dma_start3A_143 : memref<16xi32, #tpu.memory_space<hbm>>) target(%arg15 : memref<16xi32, #tpu.memory_space<vmem>>) target_semaphore(%run_scoped3A_137 : memref<!tpu.dma_semaphore, #tpu.memory_space<semaphore_mem>>)
      %dma_wait3A_144 = arith.constant 0 : i32
      %dma_wait3A_145 = tpu.memref_slice %arg3[%run_scoped3A, %dma_wait3A_144] : memref<1x16xi32, #tpu.memory_space<hbm>> -> memref<1x16xi32, #tpu.memory_space<hbm>>
      %dma_wait3A_146 = tpu.memref_squeeze %dma_wait3A_145 : memref<1x16xi32, #tpu.memory_space<hbm>> -> memref<16xi32, #tpu.memory_space<hbm>>
      %dma_wait3A_147 = arith.constant 0 : i32
      %dma_wait3A_148 = tpu.memref_slice %arg3[%run_scoped3A, %dma_wait3A_147] : memref<1x16xi32, #tpu.memory_space<hbm>> -> memref<1x16xi32, #tpu.memory_space<hbm>>
      %dma_wait3A_149 = tpu.memref_squeeze %dma_wait3A_148 : memref<1x16xi32, #tpu.memory_space<hbm>> -> memref<16xi32, #tpu.memory_space<hbm>>
      tpu.wait_dma2 semaphore(%run_scoped3A_137 : memref<!tpu.dma_semaphore, #tpu.memory_space<semaphore_mem>>) src(%dma_wait3A_149 : memref<16xi32, #tpu.memory_space<hbm>>) dst(%arg15 : memref<16xi32, #tpu.memory_space<vmem>>)
      tpu.yield
    }) : () -> ()
    %get3A = arith.constant 0 : index
    %get3A_3 = tpu.vector_load %arg15[%get3A] {strides = array<i32>} : memref<16xi32, #tpu.memory_space<vmem>>, vector<16xi32>,
    %broadcast_in_dim3A = arith.constant 0 : i32
    %broadcast_in_dim3A_4 = vector.broadcast %broadcast_in_dim3A : i32 to vector<16xi32>
    %scan3A = arith.constant 0 : i32
    %scan3A_5 = arith.constant 513 : i32
    %scan3A_6 = arith.addi %scan3A, %scan3A_5 : i32
    %scan3A_7 = arith.constant 1 : i32
    scf.for %scan3A_137 = %scan3A to %scan3A_6 step %scan3A_7  : i32 {
      %mul3A_138 = arith.constant 64 : i32
      %mul3A_139 = arith.muli %scan3A_137, %mul3A_138 : i32
      %add3A_140 = arith.constant 0 : i32
      %add3A_141 = arith.addi %add3A_140, %mul3A_139 : i32
      %add3A_142 = arith.constant 0 : i32
      %add3A_143 = arith.addi %add3A_141, %add3A_142 : i32
      %swap3A = arith.index_cast %add3A_143 : i32 to index
      %swap3A_144 = tpu.vector_load %arg13[%swap3A] {strides = array<i32>} : memref<32832xi32, #tpu.memory_space<vmem>>, vector<16xi32>,
      tpu.vector_store %arg13[%swap3A], %broadcast_in_dim3A_4 {strides = array<i32>} : memref<32832xi32, #tpu.memory_space<vmem>>, vector<16xi32>,
      %add3A_145 = arith.constant 16 : i32
      %add3A_146 = arith.addi %add3A_141, %add3A_145 : i32
      %swap3A_147 = arith.index_cast %add3A_146 : i32 to index
      %swap3A_148 = tpu.vector_load %arg13[%swap3A_147] {strides = array<i32>} : memref<32832xi32, #tpu.memory_space<vmem>>, vector<16xi32>,
      tpu.vector_store %arg13[%swap3A_147], %broadcast_in_dim3A_4 {strides = array<i32>} : memref<32832xi32, #tpu.memory_space<vmem>>, vector<16xi32>,
      %add3A_149 = arith.constant 32 : i32
      %add3A_150 = arith.addi %add3A_141, %add3A_149 : i32
      %swap3A_151 = arith.index_cast %add3A_150 : i32 to index
      %swap3A_152 = tpu.vector_load %arg13[%swap3A_151] {strides = array<i32>} : memref<32832xi32, #tpu.memory_space<vmem>>, vector<16xi32>,
      tpu.vector_store %arg13[%swap3A_151], %broadcast_in_dim3A_4 {strides = array<i32>} : memref<32832xi32, #tpu.memory_space<vmem>>, vector<16xi32>,
      %add3A_153 = arith.constant 48 : i32
      %add3A_154 = arith.addi %add3A_141, %add3A_153 : i32
      %swap3A_155 = arith.index_cast %add3A_154 : i32 to index
      %swap3A_156 = tpu.vector_load %arg13[%swap3A_155] {strides = array<i32>} : memref<32832xi32, #tpu.memory_space<vmem>>, vector<16xi32>,
      tpu.vector_store %arg13[%swap3A_155], %broadcast_in_dim3A_4 {strides = array<i32>} : memref<32832xi32, #tpu.memory_space<vmem>>, vector<16xi32>,
    }
    %scan3A_8 = arith.constant 513 : i32
    %iota3A = tpu.iota {dimensions = array<i32: 0>} : vector<16xi32>
    %mul3A_9 = arith.constant 2049 : i32
    %mul3A_10 = vector.broadcast %mul3A_9 : i32 to vector<16xi32>
    %mul3A_11 = arith.muli %iota3A, %mul3A_10 : vector<16xi32>
    %broadcast_in_dim3A_12 = arith.constant 1 : i32
    %broadcast_in_dim3A_13 = vector.broadcast %broadcast_in_dim3A_12 : i32 to vector<16xi32>
    %add3A_14 = arith.constant 0 : i32
    %add3A_15 = arith.addi %mul3A_2, %add3A_14 : i32
    %dma_start3A = arith.constant 0 : i32
    %dma_start3A_16 = tpu.memref_slice %arg2[%add3A_15, %dma_start3A] : memref<4096x512xi32, #tpu.memory_space<hbm>> -> memref<16x512xi32, #tpu.memory_space<hbm>>
    %dma_start3A_17 = arith.constant 0 : i32
    %dma_start3A_18 = tpu.memref_slice %arg2[%add3A_15, %dma_start3A_17] : memref<4096x512xi32, #tpu.memory_space<hbm>> -> memref<16x512xi32, #tpu.memory_space<hbm>>
    tpu.enqueue_dma source(%dma_start3A_18 : memref<16x512xi32, #tpu.memory_space<hbm>>) target(%arg5 : memref<16x512xi32, #tpu.memory_space<vmem>>) target_semaphore(%arg16 : memref<!tpu.dma_semaphore, #tpu.memory_space<semaphore_mem>>)
    %add3A_19 = arith.constant 16 : i32
    %add3A_20 = arith.addi %mul3A_2, %add3A_19 : i32
    %dma_start3A_21 = arith.constant 0 : i32
    %dma_start3A_22 = tpu.memref_slice %arg2[%add3A_20, %dma_start3A_21] : memref<4096x512xi32, #tpu.memory_space<hbm>> -> memref<16x512xi32, #tpu.memory_space<hbm>>
    %dma_start3A_23 = arith.constant 0 : i32
    %dma_start3A_24 = tpu.memref_slice %arg2[%add3A_20, %dma_start3A_23] : memref<4096x512xi32, #tpu.memory_space<hbm>> -> memref<16x512xi32, #tpu.memory_space<hbm>>
    tpu.enqueue_dma source(%dma_start3A_24 : memref<16x512xi32, #tpu.memory_space<hbm>>) target(%arg6 : memref<16x512xi32, #tpu.memory_space<vmem>>) target_semaphore(%arg16 : memref<!tpu.dma_semaphore, #tpu.memory_space<semaphore_mem>>)
    %add3A_25 = arith.constant 32 : i32
    %add3A_26 = arith.addi %mul3A_2, %add3A_25 : i32
    %dma_start3A_27 = arith.constant 0 : i32
    %dma_start3A_28 = tpu.memref_slice %arg2[%add3A_26, %dma_start3A_27] : memref<4096x512xi32, #tpu.memory_space<hbm>> -> memref<16x512xi32, #tpu.memory_space<hbm>>
    %dma_start3A_29 = arith.constant 0 : i32
    %dma_start3A_30 = tpu.memref_slice %arg2[%add3A_26, %dma_start3A_29] : memref<4096x512xi32, #tpu.memory_space<hbm>> -> memref<16x512xi32, #tpu.memory_space<hbm>>
    tpu.enqueue_dma source(%dma_start3A_30 : memref<16x512xi32, #tpu.memory_space<hbm>>) target(%arg7 : memref<16x512xi32, #tpu.memory_space<vmem>>) target_semaphore(%arg16 : memref<!tpu.dma_semaphore, #tpu.memory_space<semaphore_mem>>)
    %add3A_31 = arith.constant 48 : i32
    %add3A_32 = arith.addi %mul3A_2, %add3A_31 : i32
    %dma_start3A_33 = arith.constant 0 : i32
    %dma_start3A_34 = tpu.memref_slice %arg2[%add3A_32, %dma_start3A_33] : memref<4096x512xi32, #tpu.memory_space<hbm>> -> memref<16x512xi32, #tpu.memory_space<hbm>>
    %dma_start3A_35 = arith.constant 0 : i32
    %dma_start3A_36 = tpu.memref_slice %arg2[%add3A_32, %dma_start3A_35] : memref<4096x512xi32, #tpu.memory_space<hbm>> -> memref<16x512xi32, #tpu.memory_space<hbm>>
    tpu.enqueue_dma source(%dma_start3A_36 : memref<16x512xi32, #tpu.memory_space<hbm>>) target(%arg8 : memref<16x512xi32, #tpu.memory_space<vmem>>) target_semaphore(%arg16 : memref<!tpu.dma_semaphore, #tpu.memory_space<semaphore_mem>>)
    %add3A_37 = arith.constant 64 : i32
    %add3A_38 = arith.addi %mul3A_2, %add3A_37 : i32
    %dma_start3A_39 = arith.constant 0 : i32
    %dma_start3A_40 = tpu.memref_slice %arg2[%add3A_38, %dma_start3A_39] : memref<4096x512xi32, #tpu.memory_space<hbm>> -> memref<16x512xi32, #tpu.memory_space<hbm>>
    %dma_start3A_41 = arith.constant 0 : i32
    %dma_start3A_42 = tpu.memref_slice %arg2[%add3A_38, %dma_start3A_41] : memref<4096x512xi32, #tpu.memory_space<hbm>> -> memref<16x512xi32, #tpu.memory_space<hbm>>
    tpu.enqueue_dma source(%dma_start3A_42 : memref<16x512xi32, #tpu.memory_space<hbm>>) target(%arg9 : memref<16x512xi32, #tpu.memory_space<vmem>>) target_semaphore(%arg16 : memref<!tpu.dma_semaphore, #tpu.memory_space<semaphore_mem>>)
    %add3A_43 = arith.constant 80 : i32
    %add3A_44 = arith.addi %mul3A_2, %add3A_43 : i32
    %dma_start3A_45 = arith.constant 0 : i32
    %dma_start3A_46 = tpu.memref_slice %arg2[%add3A_44, %dma_start3A_45] : memref<4096x512xi32, #tpu.memory_space<hbm>> -> memref<16x512xi32, #tpu.memory_space<hbm>>
    %dma_start3A_47 = arith.constant 0 : i32
    %dma_start3A_48 = tpu.memref_slice %arg2[%add3A_44, %dma_start3A_47] : memref<4096x512xi32, #tpu.memory_space<hbm>> -> memref<16x512xi32, #tpu.memory_space<hbm>>
    tpu.enqueue_dma source(%dma_start3A_48 : memref<16x512xi32, #tpu.memory_space<hbm>>) target(%arg10 : memref<16x512xi32, #tpu.memory_space<vmem>>) target_semaphore(%arg16 : memref<!tpu.dma_semaphore, #tpu.memory_space<semaphore_mem>>)
    %add3A_49 = arith.constant 96 : i32
    %add3A_50 = arith.addi %mul3A_2, %add3A_49 : i32
    %dma_start3A_51 = arith.constant 0 : i32
    %dma_start3A_52 = tpu.memref_slice %arg2[%add3A_50, %dma_start3A_51] : memref<4096x512xi32, #tpu.memory_space<hbm>> -> memref<16x512xi32, #tpu.memory_space<hbm>>
    %dma_start3A_53 = arith.constant 0 : i32
    %dma_start3A_54 = tpu.memref_slice %arg2[%add3A_50, %dma_start3A_53] : memref<4096x512xi32, #tpu.memory_space<hbm>> -> memref<16x512xi32, #tpu.memory_space<hbm>>
    tpu.enqueue_dma source(%dma_start3A_54 : memref<16x512xi32, #tpu.memory_space<hbm>>) target(%arg11 : memref<16x512xi32, #tpu.memory_space<vmem>>) target_semaphore(%arg16 : memref<!tpu.dma_semaphore, #tpu.memory_space<semaphore_mem>>)
    %add3A_55 = arith.constant 112 : i32
    %add3A_56 = arith.addi %mul3A_2, %add3A_55 : i32
    %dma_start3A_57 = arith.constant 0 : i32
    %dma_start3A_58 = tpu.memref_slice %arg2[%add3A_56, %dma_start3A_57] : memref<4096x512xi32, #tpu.memory_space<hbm>> -> memref<16x512xi32, #tpu.memory_space<hbm>>
    %dma_start3A_59 = arith.constant 0 : i32
    %dma_start3A_60 = tpu.memref_slice %arg2[%add3A_56, %dma_start3A_59] : memref<4096x512xi32, #tpu.memory_space<hbm>> -> memref<16x512xi32, #tpu.memory_space<hbm>>
    tpu.enqueue_dma source(%dma_start3A_60 : memref<16x512xi32, #tpu.memory_space<hbm>>) target(%arg12 : memref<16x512xi32, #tpu.memory_space<vmem>>) target_semaphore(%arg16 : memref<!tpu.dma_semaphore, #tpu.memory_space<semaphore_mem>>)
    %dma_wait3A = arith.constant 0 : i32
    %dma_wait3A_61 = tpu.memref_slice %arg2[%add3A_15, %dma_wait3A] : memref<4096x512xi32, #tpu.memory_space<hbm>> -> memref<16x512xi32, #tpu.memory_space<hbm>>
    %dma_wait3A_62 = arith.constant 0 : i32
    %dma_wait3A_63 = tpu.memref_slice %arg2[%add3A_15, %dma_wait3A_62] : memref<4096x512xi32, #tpu.memory_space<hbm>> -> memref<16x512xi32, #tpu.memory_space<hbm>>
    tpu.wait_dma2 semaphore(%arg16 : memref<!tpu.dma_semaphore, #tpu.memory_space<semaphore_mem>>) src(%dma_wait3A_63 : memref<16x512xi32, #tpu.memory_space<hbm>>) dst(%arg5 : memref<16x512xi32, #tpu.memory_space<vmem>>)
    %scan3A_64 = arith.constant 0 : i32
    %scan3A_65 = arith.constant 16 : i32
    %scan3A_66 = arith.addi %scan3A_64, %scan3A_65 : i32
    %scan3A_67 = arith.constant 1 : i32
    scf.for %scan3A_137 = %scan3A_64 to %scan3A_66 step %scan3A_67  : i32 {
      %mul3A_138 = arith.constant 1 : i32
      %mul3A_139 = arith.muli %scan3A_137, %mul3A_138 : i32
      %add3A_140 = arith.constant 0 : i32
      %add3A_141 = arith.addi %add3A_140, %mul3A_139 : i32
      %scan3A_142 = arith.constant 0 : i32
      %scan3A_143 = arith.constant 4 : i32
      %scan3A_144 = arith.addi %scan3A_142, %scan3A_143 : i32
      %scan3A_145 = arith.constant 1 : i32
      scf.for %scan3A_147 = %scan3A_142 to %scan3A_144 step %scan3A_145  : i32 {
        %mul3A_148 = arith.constant 128 : i32
        %mul3A_149 = arith.muli %scan3A_147, %mul3A_148 : i32
        %add3A_150 = arith.constant 0 : i32
        %add3A_151 = arith.addi %add3A_150, %mul3A_149 : i32
        %add3A_152 = arith.constant 0 : i32
        %add3A_153 = arith.addi %add3A_151, %add3A_152 : i32
        %get3A_154 = arith.index_cast %add3A_141 : i32 to index
        %get3A_155 = arith.index_cast %add3A_153 : i32 to index
        %get3A_156 = tpu.vector_load %arg5[%get3A_154, %get3A_155] {strides = array<i32>} : memref<16x512xi32, #tpu.memory_space<vmem>>, vector<16xi32>,
        %add3A_157 = arith.constant 16 : i32
        %add3A_158 = arith.addi %add3A_151, %add3A_157 : i32
        %get3A_159 = arith.index_cast %add3A_141 : i32 to index
        %get3A_160 = arith.index_cast %add3A_158 : i32 to index
        %get3A_161 = tpu.vector_load %arg5[%get3A_159, %get3A_160] {strides = array<i32>} : memref<16x512xi32, #tpu.memory_space<vmem>>, vector<16xi32>,
        %add3A_162 = arith.constant 32 : i32
        %add3A_163 = arith.addi %add3A_151, %add3A_162 : i32
        %get3A_164 = arith.index_cast %add3A_141 : i32 to index
        %get3A_165 = arith.index_cast %add3A_163 : i32 to index
        %get3A_166 = tpu.vector_load %arg5[%get3A_164, %get3A_165] {strides = array<i32>} : memref<16x512xi32, #tpu.memory_space<vmem>>, vector<16xi32>,
        %add3A_167 = arith.constant 48 : i32
        %add3A_168 = arith.addi %add3A_151, %add3A_167 : i32
        %get3A_169 = arith.index_cast %add3A_141 : i32 to index
        %get3A_170 = arith.index_cast %add3A_168 : i32 to index
        %get3A_171 = tpu.vector_load %arg5[%get3A_169, %get3A_170] {strides = array<i32>} : memref<16x512xi32, #tpu.memory_space<vmem>>, vector<16xi32>,
        %add3A_172 = arith.constant 64 : i32
        %add3A_173 = arith.addi %add3A_151, %add3A_172 : i32
        %get3A_174 = arith.index_cast %add3A_141 : i32 to index
        %get3A_175 = arith.index_cast %add3A_173 : i32 to index
        %get3A_176 = tpu.vector_load %arg5[%get3A_174, %get3A_175] {strides = array<i32>} : memref<16x512xi32, #tpu.memory_space<vmem>>, vector<16xi32>,
        %add3A_177 = arith.constant 80 : i32
        %add3A_178 = arith.addi %add3A_151, %add3A_177 : i32
        %get3A_179 = arith.index_cast %add3A_141 : i32 to index
        %get3A_180 = arith.index_cast %add3A_178 : i32 to index
        %get3A_181 = tpu.vector_load %arg5[%get3A_179, %get3A_180] {strides = array<i32>} : memref<16x512xi32, #tpu.memory_space<vmem>>, vector<16xi32>,
        %add3A_182 = arith.constant 96 : i32
        %add3A_183 = arith.addi %add3A_151, %add3A_182 : i32
        %get3A_184 = arith.index_cast %add3A_141 : i32 to index
        %get3A_185 = arith.index_cast %add3A_183 : i32 to index
        %get3A_186 = tpu.vector_load %arg5[%get3A_184, %get3A_185] {strides = array<i32>} : memref<16x512xi32, #tpu.memory_space<vmem>>, vector<16xi32>,
        %add3A_187 = arith.constant 112 : i32
        %add3A_188 = arith.addi %add3A_151, %add3A_187 : i32
        %get3A_189 = arith.index_cast %add3A_141 : i32 to index
        %get3A_190 = arith.index_cast %add3A_188 : i32 to index
        %get3A_191 = tpu.vector_load %arg5[%get3A_189, %get3A_190] {strides = array<i32>} : memref<16x512xi32, #tpu.memory_space<vmem>>, vector<16xi32>,
        %shift_right_logical3A = arith.constant 20 : i32
        %shift_right_logical3A_192 = vector.broadcast %shift_right_logical3A : i32 to vector<16xi32>
        %shift_right_logical3A_193 = arith.shrui %get3A_156, %shift_right_logical3A_192 : vector<16xi32>
        %shift_right_logical3A_194 = arith.constant 20 : i32
        %shift_right_logical3A_195 = vector.broadcast %shift_right_logical3A_194 : i32 to vector<16xi32>
        %shift_right_logical3A_196 = arith.shrui %get3A_161, %shift_right_logical3A_195 : vector<16xi32>
        %shift_right_logical3A_197 = arith.constant 20 : i32
        %shift_right_logical3A_198 = vector.broadcast %shift_right_logical3A_197 : i32 to vector<16xi32>
        %shift_right_logical3A_199 = arith.shrui %get3A_166, %shift_right_logical3A_198 : vector<16xi32>
        %shift_right_logical3A_200 = arith.constant 20 : i32
        %shift_right_logical3A_201 = vector.broadcast %shift_right_logical3A_200 : i32 to vector<16xi32>
        %shift_right_logical3A_202 = arith.shrui %get3A_171, %shift_right_logical3A_201 : vector<16xi32>
        %shift_right_logical3A_203 = arith.constant 20 : i32
        %shift_right_logical3A_204 = vector.broadcast %shift_right_logical3A_203 : i32 to vector<16xi32>
        %shift_right_logical3A_205 = arith.shrui %get3A_176, %shift_right_logical3A_204 : vector<16xi32>
        %shift_right_logical3A_206 = arith.constant 20 : i32
        %shift_right_logical3A_207 = vector.broadcast %shift_right_logical3A_206 : i32 to vector<16xi32>
        %shift_right_logical3A_208 = arith.shrui %get3A_181, %shift_right_logical3A_207 : vector<16xi32>
        %shift_right_logical3A_209 = arith.constant 20 : i32
        %shift_right_logical3A_210 = vector.broadcast %shift_right_logical3A_209 : i32 to vector<16xi32>
        %shift_right_logical3A_211 = arith.shrui %get3A_186, %shift_right_logical3A_210 : vector<16xi32>
        %shift_right_logical3A_212 = arith.constant 20 : i32
        %shift_right_logical3A_213 = vector.broadcast %shift_right_logical3A_212 : i32 to vector<16xi32>
        %shift_right_logical3A_214 = arith.shrui %get3A_191, %shift_right_logical3A_213 : vector<16xi32>
        %add3A_215 = arith.addi %mul3A_11, %shift_right_logical3A_193 : vector<16xi32>
        %add3A_216 = arith.addi %mul3A_11, %shift_right_logical3A_196 : vector<16xi32>
        %add3A_217 = arith.addi %mul3A_11, %shift_right_logical3A_199 : vector<16xi32>
        %add3A_218 = arith.addi %mul3A_11, %shift_right_logical3A_202 : vector<16xi32>
        %add3A_219 = arith.addi %mul3A_11, %shift_right_logical3A_205 : vector<16xi32>
        %add3A_220 = arith.addi %mul3A_11, %shift_right_logical3A_208 : vector<16xi32>
        %add3A_221 = arith.addi %mul3A_11, %shift_right_logical3A_211 : vector<16xi32>
        %add3A_222 = arith.addi %mul3A_11, %shift_right_logical3A_214 : vector<16xi32>
        tpu.vector_store_idx %arg13[%add3A_215], %broadcast_in_dim3A_13 {add = true} : memref<32832xi32, #tpu.memory_space<vmem>>[vector<16xi32>], vector<16xi32>,
        tpu.vector_store_idx %arg13[%add3A_216], %broadcast_in_dim3A_13 {add = true} : memref<32832xi32, #tpu.memory_space<vmem>>[vector<16xi32>], vector<16xi32>,
        tpu.vector_store_idx %arg13[%add3A_217], %broadcast_in_dim3A_13 {add = true} : memref<32832xi32, #tpu.memory_space<vmem>>[vector<16xi32>], vector<16xi32>,
        tpu.vector_store_idx %arg13[%add3A_218], %broadcast_in_dim3A_13 {add = true} : memref<32832xi32, #tpu.memory_space<vmem>>[vector<16xi32>], vector<16xi32>,
        tpu.vector_store_idx %arg13[%add3A_219], %broadcast_in_dim3A_13 {add = true} : memref<32832xi32, #tpu.memory_space<vmem>>[vector<16xi32>], vector<16xi32>,
        tpu.vector_store_idx %arg13[%add3A_220], %broadcast_in_dim3A_13 {add = true} : memref<32832xi32, #tpu.memory_space<vmem>>[vector<16xi32>], vector<16xi32>,
        tpu.vector_store_idx %arg13[%add3A_221], %broadcast_in_dim3A_13 {add = true} : memref<32832xi32, #tpu.memory_space<vmem>>[vector<16xi32>], vector<16xi32>,
        tpu.vector_store_idx %arg13[%add3A_222], %broadcast_in_dim3A_13 {add = true} : memref<32832xi32, #tpu.memory_space<vmem>>[vector<16xi32>], vector<16xi32>,
      }
      %scan3A_146 = arith.constant 4 : i32
    }
    %scan3A_68 = arith.constant 16 : i32
    %dma_wait3A_69 = arith.constant 0 : i32
    %dma_wait3A_70 = tpu.memref_slice %arg2[%add3A_20, %dma_wait3A_69] : memref<4096x512xi32, #tpu.memory_space<hbm>> -> memref<16x512xi32, #tpu.memory_space<hbm>>
    %dma_wait3A_71 = arith.constant 0 : i32
    %dma_wait3A_72 = tpu.memref_slice %arg2[%add3A_20, %dma_wait3A_71] : memref<4096x512xi32, #tpu.memory_space<hbm>> -> memref<16x512xi32, #tpu.memory_space<hbm>>
    tpu.wait_dma2 semaphore(%arg16 : memref<!tpu.dma_semaphore, #tpu.memory_space<semaphore_mem>>) src(%dma_wait3A_72 : memref<16x512xi32, #tpu.memory_space<hbm>>) dst(%arg6 : memref<16x512xi32, #tpu.memory_space<vmem>>)
    %scan3A_73 = arith.constant 0 : i32
    %scan3A_74 = arith.constant 16 : i32
    %scan3A_75 = arith.addi %scan3A_73, %scan3A_74 : i32
    %scan3A_76 = arith.constant 1 : i32
    scf.for %scan3A_137 = %scan3A_73 to %scan3A_75 step %scan3A_76  : i32 {
      %mul3A_138 = arith.constant 1 : i32
      %mul3A_139 = arith.muli %scan3A_137, %mul3A_138 : i32
      %add3A_140 = arith.constant 0 : i32
      %add3A_141 = arith.addi %add3A_140, %mul3A_139 : i32
      %scan3A_142 = arith.constant 0 : i32
      %scan3A_143 = arith.constant 4 : i32
      %scan3A_144 = arith.addi %scan3A_142, %scan3A_143 : i32
      %scan3A_145 = arith.constant 1 : i32
      scf.for %scan3A_147 = %scan3A_142 to %scan3A_144 step %scan3A_145  : i32 {
        %mul3A_148 = arith.constant 128 : i32
        %mul3A_149 = arith.muli %scan3A_147, %mul3A_148 : i32
        %add3A_150 = arith.constant 0 : i32
        %add3A_151 = arith.addi %add3A_150, %mul3A_149 : i32
        %add3A_152 = arith.constant 0 : i32
        %add3A_153 = arith.addi %add3A_151, %add3A_152 : i32
        %get3A_154 = arith.index_cast %add3A_141 : i32 to index
        %get3A_155 = arith.index_cast %add3A_153 : i32 to index
        %get3A_156 = tpu.vector_load %arg6[%get3A_154, %get3A_155] {strides = array<i32>} : memref<16x512xi32, #tpu.memory_space<vmem>>, vector<16xi32>,
        %add3A_157 = arith.constant 16 : i32
        %add3A_158 = arith.addi %add3A_151, %add3A_157 : i32
        %get3A_159 = arith.index_cast %add3A_141 : i32 to index
        %get3A_160 = arith.index_cast %add3A_158 : i32 to index
        %get3A_161 = tpu.vector_load %arg6[%get3A_159, %get3A_160] {strides = array<i32>} : memref<16x512xi32, #tpu.memory_space<vmem>>, vector<16xi32>,
        %add3A_162 = arith.constant 32 : i32
        %add3A_163 = arith.addi %add3A_151, %add3A_162 : i32
        %get3A_164 = arith.index_cast %add3A_141 : i32 to index
        %get3A_165 = arith.index_cast %add3A_163 : i32 to index
        %get3A_166 = tpu.vector_load %arg6[%get3A_164, %get3A_165] {strides = array<i32>} : memref<16x512xi32, #tpu.memory_space<vmem>>, vector<16xi32>,
        %add3A_167 = arith.constant 48 : i32
        %add3A_168 = arith.addi %add3A_151, %add3A_167 : i32
        %get3A_169 = arith.index_cast %add3A_141 : i32 to index
        %get3A_170 = arith.index_cast %add3A_168 : i32 to index
        %get3A_171 = tpu.vector_load %arg6[%get3A_169, %get3A_170] {strides = array<i32>} : memref<16x512xi32, #tpu.memory_space<vmem>>, vector<16xi32>,
        %add3A_172 = arith.constant 64 : i32
        %add3A_173 = arith.addi %add3A_151, %add3A_172 : i32
        %get3A_174 = arith.index_cast %add3A_141 : i32 to index
        %get3A_175 = arith.index_cast %add3A_173 : i32 to index
        %get3A_176 = tpu.vector_load %arg6[%get3A_174, %get3A_175] {strides = array<i32>} : memref<16x512xi32, #tpu.memory_space<vmem>>, vector<16xi32>,
        %add3A_177 = arith.constant 80 : i32
        %add3A_178 = arith.addi %add3A_151, %add3A_177 : i32
        %get3A_179 = arith.index_cast %add3A_141 : i32 to index
        %get3A_180 = arith.index_cast %add3A_178 : i32 to index
        %get3A_181 = tpu.vector_load %arg6[%get3A_179, %get3A_180] {strides = array<i32>} : memref<16x512xi32, #tpu.memory_space<vmem>>, vector<16xi32>,
        %add3A_182 = arith.constant 96 : i32
        %add3A_183 = arith.addi %add3A_151, %add3A_182 : i32
        %get3A_184 = arith.index_cast %add3A_141 : i32 to index
        %get3A_185 = arith.index_cast %add3A_183 : i32 to index
        %get3A_186 = tpu.vector_load %arg6[%get3A_184, %get3A_185] {strides = array<i32>} : memref<16x512xi32, #tpu.memory_space<vmem>>, vector<16xi32>,
        %add3A_187 = arith.constant 112 : i32
        %add3A_188 = arith.addi %add3A_151, %add3A_187 : i32
        %get3A_189 = arith.index_cast %add3A_141 : i32 to index
        %get3A_190 = arith.index_cast %add3A_188 : i32 to index
        %get3A_191 = tpu.vector_load %arg6[%get3A_189, %get3A_190] {strides = array<i32>} : memref<16x512xi32, #tpu.memory_space<vmem>>, vector<16xi32>,
        %shift_right_logical3A = arith.constant 20 : i32
        %shift_right_logical3A_192 = vector.broadcast %shift_right_logical3A : i32 to vector<16xi32>
        %shift_right_logical3A_193 = arith.shrui %get3A_156, %shift_right_logical3A_192 : vector<16xi32>
        %shift_right_logical3A_194 = arith.constant 20 : i32
        %shift_right_logical3A_195 = vector.broadcast %shift_right_logical3A_194 : i32 to vector<16xi32>
        %shift_right_logical3A_196 = arith.shrui %get3A_161, %shift_right_logical3A_195 : vector<16xi32>
        %shift_right_logical3A_197 = arith.constant 20 : i32
        %shift_right_logical3A_198 = vector.broadcast %shift_right_logical3A_197 : i32 to vector<16xi32>
        %shift_right_logical3A_199 = arith.shrui %get3A_166, %shift_right_logical3A_198 : vector<16xi32>
        %shift_right_logical3A_200 = arith.constant 20 : i32
        %shift_right_logical3A_201 = vector.broadcast %shift_right_logical3A_200 : i32 to vector<16xi32>
        %shift_right_logical3A_202 = arith.shrui %get3A_171, %shift_right_logical3A_201 : vector<16xi32>
        %shift_right_logical3A_203 = arith.constant 20 : i32
        %shift_right_logical3A_204 = vector.broadcast %shift_right_logical3A_203 : i32 to vector<16xi32>
        %shift_right_logical3A_205 = arith.shrui %get3A_176, %shift_right_logical3A_204 : vector<16xi32>
        %shift_right_logical3A_206 = arith.constant 20 : i32
        %shift_right_logical3A_207 = vector.broadcast %shift_right_logical3A_206 : i32 to vector<16xi32>
        %shift_right_logical3A_208 = arith.shrui %get3A_181, %shift_right_logical3A_207 : vector<16xi32>
        %shift_right_logical3A_209 = arith.constant 20 : i32
        %shift_right_logical3A_210 = vector.broadcast %shift_right_logical3A_209 : i32 to vector<16xi32>
        %shift_right_logical3A_211 = arith.shrui %get3A_186, %shift_right_logical3A_210 : vector<16xi32>
        %shift_right_logical3A_212 = arith.constant 20 : i32
        %shift_right_logical3A_213 = vector.broadcast %shift_right_logical3A_212 : i32 to vector<16xi32>
        %shift_right_logical3A_214 = arith.shrui %get3A_191, %shift_right_logical3A_213 : vector<16xi32>
        %add3A_215 = arith.addi %mul3A_11, %shift_right_logical3A_193 : vector<16xi32>
        %add3A_216 = arith.addi %mul3A_11, %shift_right_logical3A_196 : vector<16xi32>
        %add3A_217 = arith.addi %mul3A_11, %shift_right_logical3A_199 : vector<16xi32>
        %add3A_218 = arith.addi %mul3A_11, %shift_right_logical3A_202 : vector<16xi32>
        %add3A_219 = arith.addi %mul3A_11, %shift_right_logical3A_205 : vector<16xi32>
        %add3A_220 = arith.addi %mul3A_11, %shift_right_logical3A_208 : vector<16xi32>
        %add3A_221 = arith.addi %mul3A_11, %shift_right_logical3A_211 : vector<16xi32>
        %add3A_222 = arith.addi %mul3A_11, %shift_right_logical3A_214 : vector<16xi32>
        tpu.vector_store_idx %arg13[%add3A_215], %broadcast_in_dim3A_13 {add = true} : memref<32832xi32, #tpu.memory_space<vmem>>[vector<16xi32>], vector<16xi32>,
        tpu.vector_store_idx %arg13[%add3A_216], %broadcast_in_dim3A_13 {add = true} : memref<32832xi32, #tpu.memory_space<vmem>>[vector<16xi32>], vector<16xi32>,
        tpu.vector_store_idx %arg13[%add3A_217], %broadcast_in_dim3A_13 {add = true} : memref<32832xi32, #tpu.memory_space<vmem>>[vector<16xi32>], vector<16xi32>,
        tpu.vector_store_idx %arg13[%add3A_218], %broadcast_in_dim3A_13 {add = true} : memref<32832xi32, #tpu.memory_space<vmem>>[vector<16xi32>], vector<16xi32>,
        tpu.vector_store_idx %arg13[%add3A_219], %broadcast_in_dim3A_13 {add = true} : memref<32832xi32, #tpu.memory_space<vmem>>[vector<16xi32>], vector<16xi32>,
        tpu.vector_store_idx %arg13[%add3A_220], %broadcast_in_dim3A_13 {add = true} : memref<32832xi32, #tpu.memory_space<vmem>>[vector<16xi32>], vector<16xi32>,
        tpu.vector_store_idx %arg13[%add3A_221], %broadcast_in_dim3A_13 {add = true} : memref<32832xi32, #tpu.memory_space<vmem>>[vector<16xi32>], vector<16xi32>,
        tpu.vector_store_idx %arg13[%add3A_222], %broadcast_in_dim3A_13 {add = true} : memref<32832xi32, #tpu.memory_space<vmem>>[vector<16xi32>], vector<16xi32>,
      }
      %scan3A_146 = arith.constant 4 : i32
    }
    %scan3A_77 = arith.constant 16 : i32
    %dma_wait3A_78 = arith.constant 0 : i32
    %dma_wait3A_79 = tpu.memref_slice %arg2[%add3A_26, %dma_wait3A_78] : memref<4096x512xi32, #tpu.memory_space<hbm>> -> memref<16x512xi32, #tpu.memory_space<hbm>>
    %dma_wait3A_80 = arith.constant 0 : i32
    %dma_wait3A_81 = tpu.memref_slice %arg2[%add3A_26, %dma_wait3A_80] : memref<4096x512xi32, #tpu.memory_space<hbm>> -> memref<16x512xi32, #tpu.memory_space<hbm>>
    tpu.wait_dma2 semaphore(%arg16 : memref<!tpu.dma_semaphore, #tpu.memory_space<semaphore_mem>>) src(%dma_wait3A_81 : memref<16x512xi32, #tpu.memory_space<hbm>>) dst(%arg7 : memref<16x512xi32, #tpu.memory_space<vmem>>)
    %scan3A_82 = arith.constant 0 : i32
    %scan3A_83 = arith.constant 16 : i32
    %scan3A_84 = arith.addi %scan3A_82, %scan3A_83 : i32
    %scan3A_85 = arith.constant 1 : i32
    scf.for %scan3A_137 = %scan3A_82 to %scan3A_84 step %scan3A_85  : i32 {
      %mul3A_138 = arith.constant 1 : i32
      %mul3A_139 = arith.muli %scan3A_137, %mul3A_138 : i32
      %add3A_140 = arith.constant 0 : i32
      %add3A_141 = arith.addi %add3A_140, %mul3A_139 : i32
      %scan3A_142 = arith.constant 0 : i32
      %scan3A_143 = arith.constant 4 : i32
      %scan3A_144 = arith.addi %scan3A_142, %scan3A_143 : i32
      %scan3A_145 = arith.constant 1 : i32
      scf.for %scan3A_147 = %scan3A_142 to %scan3A_144 step %scan3A_145  : i32 {
        %mul3A_148 = arith.constant 128 : i32
        %mul3A_149 = arith.muli %scan3A_147, %mul3A_148 : i32
        %add3A_150 = arith.constant 0 : i32
        %add3A_151 = arith.addi %add3A_150, %mul3A_149 : i32
        %add3A_152 = arith.constant 0 : i32
        %add3A_153 = arith.addi %add3A_151, %add3A_152 : i32
        %get3A_154 = arith.index_cast %add3A_141 : i32 to index
        %get3A_155 = arith.index_cast %add3A_153 : i32 to index
        %get3A_156 = tpu.vector_load %arg7[%get3A_154, %get3A_155] {strides = array<i32>} : memref<16x512xi32, #tpu.memory_space<vmem>>, vector<16xi32>,
        %add3A_157 = arith.constant 16 : i32
        %add3A_158 = arith.addi %add3A_151, %add3A_157 : i32
        %get3A_159 = arith.index_cast %add3A_141 : i32 to index
        %get3A_160 = arith.index_cast %add3A_158 : i32 to index
        %get3A_161 = tpu.vector_load %arg7[%get3A_159, %get3A_160] {strides = array<i32>} : memref<16x512xi32, #tpu.memory_space<vmem>>, vector<16xi32>,
        %add3A_162 = arith.constant 32 : i32
        %add3A_163 = arith.addi %add3A_151, %add3A_162 : i32
        %get3A_164 = arith.index_cast %add3A_141 : i32 to index
        %get3A_165 = arith.index_cast %add3A_163 : i32 to index
        %get3A_166 = tpu.vector_load %arg7[%get3A_164, %get3A_165] {strides = array<i32>} : memref<16x512xi32, #tpu.memory_space<vmem>>, vector<16xi32>,
        %add3A_167 = arith.constant 48 : i32
        %add3A_168 = arith.addi %add3A_151, %add3A_167 : i32
        %get3A_169 = arith.index_cast %add3A_141 : i32 to index
        %get3A_170 = arith.index_cast %add3A_168 : i32 to index
        %get3A_171 = tpu.vector_load %arg7[%get3A_169, %get3A_170] {strides = array<i32>} : memref<16x512xi32, #tpu.memory_space<vmem>>, vector<16xi32>,
        %add3A_172 = arith.constant 64 : i32
        %add3A_173 = arith.addi %add3A_151, %add3A_172 : i32
        %get3A_174 = arith.index_cast %add3A_141 : i32 to index
        %get3A_175 = arith.index_cast %add3A_173 : i32 to index
        %get3A_176 = tpu.vector_load %arg7[%get3A_174, %get3A_175] {strides = array<i32>} : memref<16x512xi32, #tpu.memory_space<vmem>>, vector<16xi32>,
        %add3A_177 = arith.constant 80 : i32
        %add3A_178 = arith.addi %add3A_151, %add3A_177 : i32
        %get3A_179 = arith.index_cast %add3A_141 : i32 to index
        %get3A_180 = arith.index_cast %add3A_178 : i32 to index
        %get3A_181 = tpu.vector_load %arg7[%get3A_179, %get3A_180] {strides = array<i32>} : memref<16x512xi32, #tpu.memory_space<vmem>>, vector<16xi32>,
        %add3A_182 = arith.constant 96 : i32
        %add3A_183 = arith.addi %add3A_151, %add3A_182 : i32
        %get3A_184 = arith.index_cast %add3A_141 : i32 to index
        %get3A_185 = arith.index_cast %add3A_183 : i32 to index
        %get3A_186 = tpu.vector_load %arg7[%get3A_184, %get3A_185] {strides = array<i32>} : memref<16x512xi32, #tpu.memory_space<vmem>>, vector<16xi32>,
        %add3A_187 = arith.constant 112 : i32
        %add3A_188 = arith.addi %add3A_151, %add3A_187 : i32
        %get3A_189 = arith.index_cast %add3A_141 : i32 to index
        %get3A_190 = arith.index_cast %add3A_188 : i32 to index
        %get3A_191 = tpu.vector_load %arg7[%get3A_189, %get3A_190] {strides = array<i32>} : memref<16x512xi32, #tpu.memory_space<vmem>>, vector<16xi32>,
        %shift_right_logical3A = arith.constant 20 : i32
        %shift_right_logical3A_192 = vector.broadcast %shift_right_logical3A : i32 to vector<16xi32>
        %shift_right_logical3A_193 = arith.shrui %get3A_156, %shift_right_logical3A_192 : vector<16xi32>
        %shift_right_logical3A_194 = arith.constant 20 : i32
        %shift_right_logical3A_195 = vector.broadcast %shift_right_logical3A_194 : i32 to vector<16xi32>
        %shift_right_logical3A_196 = arith.shrui %get3A_161, %shift_right_logical3A_195 : vector<16xi32>
        %shift_right_logical3A_197 = arith.constant 20 : i32
        %shift_right_logical3A_198 = vector.broadcast %shift_right_logical3A_197 : i32 to vector<16xi32>
        %shift_right_logical3A_199 = arith.shrui %get3A_166, %shift_right_logical3A_198 : vector<16xi32>
        %shift_right_logical3A_200 = arith.constant 20 : i32
        %shift_right_logical3A_201 = vector.broadcast %shift_right_logical3A_200 : i32 to vector<16xi32>
        %shift_right_logical3A_202 = arith.shrui %get3A_171, %shift_right_logical3A_201 : vector<16xi32>
        %shift_right_logical3A_203 = arith.constant 20 : i32
        %shift_right_logical3A_204 = vector.broadcast %shift_right_logical3A_203 : i32 to vector<16xi32>
        %shift_right_logical3A_205 = arith.shrui %get3A_176, %shift_right_logical3A_204 : vector<16xi32>
        %shift_right_logical3A_206 = arith.constant 20 : i32
        %shift_right_logical3A_207 = vector.broadcast %shift_right_logical3A_206 : i32 to vector<16xi32>
        %shift_right_logical3A_208 = arith.shrui %get3A_181, %shift_right_logical3A_207 : vector<16xi32>
        %shift_right_logical3A_209 = arith.constant 20 : i32
        %shift_right_logical3A_210 = vector.broadcast %shift_right_logical3A_209 : i32 to vector<16xi32>
        %shift_right_logical3A_211 = arith.shrui %get3A_186, %shift_right_logical3A_210 : vector<16xi32>
        %shift_right_logical3A_212 = arith.constant 20 : i32
        %shift_right_logical3A_213 = vector.broadcast %shift_right_logical3A_212 : i32 to vector<16xi32>
        %shift_right_logical3A_214 = arith.shrui %get3A_191, %shift_right_logical3A_213 : vector<16xi32>
        %add3A_215 = arith.addi %mul3A_11, %shift_right_logical3A_193 : vector<16xi32>
        %add3A_216 = arith.addi %mul3A_11, %shift_right_logical3A_196 : vector<16xi32>
        %add3A_217 = arith.addi %mul3A_11, %shift_right_logical3A_199 : vector<16xi32>
        %add3A_218 = arith.addi %mul3A_11, %shift_right_logical3A_202 : vector<16xi32>
        %add3A_219 = arith.addi %mul3A_11, %shift_right_logical3A_205 : vector<16xi32>
        %add3A_220 = arith.addi %mul3A_11, %shift_right_logical3A_208 : vector<16xi32>
        %add3A_221 = arith.addi %mul3A_11, %shift_right_logical3A_211 : vector<16xi32>
        %add3A_222 = arith.addi %mul3A_11, %shift_right_logical3A_214 : vector<16xi32>
        tpu.vector_store_idx %arg13[%add3A_215], %broadcast_in_dim3A_13 {add = true} : memref<32832xi32, #tpu.memory_space<vmem>>[vector<16xi32>], vector<16xi32>,
        tpu.vector_store_idx %arg13[%add3A_216], %broadcast_in_dim3A_13 {add = true} : memref<32832xi32, #tpu.memory_space<vmem>>[vector<16xi32>], vector<16xi32>,
        tpu.vector_store_idx %arg13[%add3A_217], %broadcast_in_dim3A_13 {add = true} : memref<32832xi32, #tpu.memory_space<vmem>>[vector<16xi32>], vector<16xi32>,
        tpu.vector_store_idx %arg13[%add3A_218], %broadcast_in_dim3A_13 {add = true} : memref<32832xi32, #tpu.memory_space<vmem>>[vector<16xi32>], vector<16xi32>,
        tpu.vector_store_idx %arg13[%add3A_219], %broadcast_in_dim3A_13 {add = true} : memref<32832xi32, #tpu.memory_space<vmem>>[vector<16xi32>], vector<16xi32>,
        tpu.vector_store_idx %arg13[%add3A_220], %broadcast_in_dim3A_13 {add = true} : memref<32832xi32, #tpu.memory_space<vmem>>[vector<16xi32>], vector<16xi32>,
        tpu.vector_store_idx %arg13[%add3A_221], %broadcast_in_dim3A_13 {add = true} : memref<32832xi32, #tpu.memory_space<vmem>>[vector<16xi32>], vector<16xi32>,
        tpu.vector_store_idx %arg13[%add3A_222], %broadcast_in_dim3A_13 {add = true} : memref<32832xi32, #tpu.memory_space<vmem>>[vector<16xi32>], vector<16xi32>,
      }
      %scan3A_146 = arith.constant 4 : i32
    }
    %scan3A_86 = arith.constant 16 : i32
    %dma_wait3A_87 = arith.constant 0 : i32
    %dma_wait3A_88 = tpu.memref_slice %arg2[%add3A_32, %dma_wait3A_87] : memref<4096x512xi32, #tpu.memory_space<hbm>> -> memref<16x512xi32, #tpu.memory_space<hbm>>
    %dma_wait3A_89 = arith.constant 0 : i32
    %dma_wait3A_90 = tpu.memref_slice %arg2[%add3A_32, %dma_wait3A_89] : memref<4096x512xi32, #tpu.memory_space<hbm>> -> memref<16x512xi32, #tpu.memory_space<hbm>>
    tpu.wait_dma2 semaphore(%arg16 : memref<!tpu.dma_semaphore, #tpu.memory_space<semaphore_mem>>) src(%dma_wait3A_90 : memref<16x512xi32, #tpu.memory_space<hbm>>) dst(%arg8 : memref<16x512xi32, #tpu.memory_space<vmem>>)
    %scan3A_91 = arith.constant 0 : i32
    %scan3A_92 = arith.constant 16 : i32
    %scan3A_93 = arith.addi %scan3A_91, %scan3A_92 : i32
    %scan3A_94 = arith.constant 1 : i32
    scf.for %scan3A_137 = %scan3A_91 to %scan3A_93 step %scan3A_94  : i32 {
      %mul3A_138 = arith.constant 1 : i32
      %mul3A_139 = arith.muli %scan3A_137, %mul3A_138 : i32
      %add3A_140 = arith.constant 0 : i32
      %add3A_141 = arith.addi %add3A_140, %mul3A_139 : i32
      %scan3A_142 = arith.constant 0 : i32
      %scan3A_143 = arith.constant 4 : i32
      %scan3A_144 = arith.addi %scan3A_142, %scan3A_143 : i32
      %scan3A_145 = arith.constant 1 : i32
      scf.for %scan3A_147 = %scan3A_142 to %scan3A_144 step %scan3A_145  : i32 {
        %mul3A_148 = arith.constant 128 : i32
        %mul3A_149 = arith.muli %scan3A_147, %mul3A_148 : i32
        %add3A_150 = arith.constant 0 : i32
        %add3A_151 = arith.addi %add3A_150, %mul3A_149 : i32
        %add3A_152 = arith.constant 0 : i32
        %add3A_153 = arith.addi %add3A_151, %add3A_152 : i32
        %get3A_154 = arith.index_cast %add3A_141 : i32 to index
        %get3A_155 = arith.index_cast %add3A_153 : i32 to index
        %get3A_156 = tpu.vector_load %arg8[%get3A_154, %get3A_155] {strides = array<i32>} : memref<16x512xi32, #tpu.memory_space<vmem>>, vector<16xi32>,
        %add3A_157 = arith.constant 16 : i32
        %add3A_158 = arith.addi %add3A_151, %add3A_157 : i32
        %get3A_159 = arith.index_cast %add3A_141 : i32 to index
        %get3A_160 = arith.index_cast %add3A_158 : i32 to index
        %get3A_161 = tpu.vector_load %arg8[%get3A_159, %get3A_160] {strides = array<i32>} : memref<16x512xi32, #tpu.memory_space<vmem>>, vector<16xi32>,
        %add3A_162 = arith.constant 32 : i32
        %add3A_163 = arith.addi %add3A_151, %add3A_162 : i32
        %get3A_164 = arith.index_cast %add3A_141 : i32 to index
        %get3A_165 = arith.index_cast %add3A_163 : i32 to index
        %get3A_166 = tpu.vector_load %arg8[%get3A_164, %get3A_165] {strides = array<i32>} : memref<16x512xi32, #tpu.memory_space<vmem>>, vector<16xi32>,
        %add3A_167 = arith.constant 48 : i32
        %add3A_168 = arith.addi %add3A_151, %add3A_167 : i32
        %get3A_169 = arith.index_cast %add3A_141 : i32 to index
        %get3A_170 = arith.index_cast %add3A_168 : i32 to index
        %get3A_171 = tpu.vector_load %arg8[%get3A_169, %get3A_170] {strides = array<i32>} : memref<16x512xi32, #tpu.memory_space<vmem>>, vector<16xi32>,
        %add3A_172 = arith.constant 64 : i32
        %add3A_173 = arith.addi %add3A_151, %add3A_172 : i32
        %get3A_174 = arith.index_cast %add3A_141 : i32 to index
        %get3A_175 = arith.index_cast %add3A_173 : i32 to index
        %get3A_176 = tpu.vector_load %arg8[%get3A_174, %get3A_175] {strides = array<i32>} : memref<16x512xi32, #tpu.memory_space<vmem>>, vector<16xi32>,
        %add3A_177 = arith.constant 80 : i32
        %add3A_178 = arith.addi %add3A_151, %add3A_177 : i32
        %get3A_179 = arith.index_cast %add3A_141 : i32 to index
        %get3A_180 = arith.index_cast %add3A_178 : i32 to index
        %get3A_181 = tpu.vector_load %arg8[%get3A_179, %get3A_180] {strides = array<i32>} : memref<16x512xi32, #tpu.memory_space<vmem>>, vector<16xi32>,
        %add3A_182 = arith.constant 96 : i32
        %add3A_183 = arith.addi %add3A_151, %add3A_182 : i32
        %get3A_184 = arith.index_cast %add3A_141 : i32 to index
        %get3A_185 = arith.index_cast %add3A_183 : i32 to index
        %get3A_186 = tpu.vector_load %arg8[%get3A_184, %get3A_185] {strides = array<i32>} : memref<16x512xi32, #tpu.memory_space<vmem>>, vector<16xi32>,
        %add3A_187 = arith.constant 112 : i32
        %add3A_188 = arith.addi %add3A_151, %add3A_187 : i32
        %get3A_189 = arith.index_cast %add3A_141 : i32 to index
        %get3A_190 = arith.index_cast %add3A_188 : i32 to index
        %get3A_191 = tpu.vector_load %arg8[%get3A_189, %get3A_190] {strides = array<i32>} : memref<16x512xi32, #tpu.memory_space<vmem>>, vector<16xi32>,
        %shift_right_logical3A = arith.constant 20 : i32
        %shift_right_logical3A_192 = vector.broadcast %shift_right_logical3A : i32 to vector<16xi32>
        %shift_right_logical3A_193 = arith.shrui %get3A_156, %shift_right_logical3A_192 : vector<16xi32>
        %shift_right_logical3A_194 = arith.constant 20 : i32
        %shift_right_logical3A_195 = vector.broadcast %shift_right_logical3A_194 : i32 to vector<16xi32>
        %shift_right_logical3A_196 = arith.shrui %get3A_161, %shift_right_logical3A_195 : vector<16xi32>
        %shift_right_logical3A_197 = arith.constant 20 : i32
        %shift_right_logical3A_198 = vector.broadcast %shift_right_logical3A_197 : i32 to vector<16xi32>
        %shift_right_logical3A_199 = arith.shrui %get3A_166, %shift_right_logical3A_198 : vector<16xi32>
        %shift_right_logical3A_200 = arith.constant 20 : i32
        %shift_right_logical3A_201 = vector.broadcast %shift_right_logical3A_200 : i32 to vector<16xi32>
        %shift_right_logical3A_202 = arith.shrui %get3A_171, %shift_right_logical3A_201 : vector<16xi32>
        %shift_right_logical3A_203 = arith.constant 20 : i32
        %shift_right_logical3A_204 = vector.broadcast %shift_right_logical3A_203 : i32 to vector<16xi32>
        %shift_right_logical3A_205 = arith.shrui %get3A_176, %shift_right_logical3A_204 : vector<16xi32>
        %shift_right_logical3A_206 = arith.constant 20 : i32
        %shift_right_logical3A_207 = vector.broadcast %shift_right_logical3A_206 : i32 to vector<16xi32>
        %shift_right_logical3A_208 = arith.shrui %get3A_181, %shift_right_logical3A_207 : vector<16xi32>
        %shift_right_logical3A_209 = arith.constant 20 : i32
        %shift_right_logical3A_210 = vector.broadcast %shift_right_logical3A_209 : i32 to vector<16xi32>
        %shift_right_logical3A_211 = arith.shrui %get3A_186, %shift_right_logical3A_210 : vector<16xi32>
        %shift_right_logical3A_212 = arith.constant 20 : i32
        %shift_right_logical3A_213 = vector.broadcast %shift_right_logical3A_212 : i32 to vector<16xi32>
        %shift_right_logical3A_214 = arith.shrui %get3A_191, %shift_right_logical3A_213 : vector<16xi32>
        %add3A_215 = arith.addi %mul3A_11, %shift_right_logical3A_193 : vector<16xi32>
        %add3A_216 = arith.addi %mul3A_11, %shift_right_logical3A_196 : vector<16xi32>
        %add3A_217 = arith.addi %mul3A_11, %shift_right_logical3A_199 : vector<16xi32>
        %add3A_218 = arith.addi %mul3A_11, %shift_right_logical3A_202 : vector<16xi32>
        %add3A_219 = arith.addi %mul3A_11, %shift_right_logical3A_205 : vector<16xi32>
        %add3A_220 = arith.addi %mul3A_11, %shift_right_logical3A_208 : vector<16xi32>
        %add3A_221 = arith.addi %mul3A_11, %shift_right_logical3A_211 : vector<16xi32>
        %add3A_222 = arith.addi %mul3A_11, %shift_right_logical3A_214 : vector<16xi32>
        tpu.vector_store_idx %arg13[%add3A_215], %broadcast_in_dim3A_13 {add = true} : memref<32832xi32, #tpu.memory_space<vmem>>[vector<16xi32>], vector<16xi32>,
        tpu.vector_store_idx %arg13[%add3A_216], %broadcast_in_dim3A_13 {add = true} : memref<32832xi32, #tpu.memory_space<vmem>>[vector<16xi32>], vector<16xi32>,
        tpu.vector_store_idx %arg13[%add3A_217], %broadcast_in_dim3A_13 {add = true} : memref<32832xi32, #tpu.memory_space<vmem>>[vector<16xi32>], vector<16xi32>,
        tpu.vector_store_idx %arg13[%add3A_218], %broadcast_in_dim3A_13 {add = true} : memref<32832xi32, #tpu.memory_space<vmem>>[vector<16xi32>], vector<16xi32>,
        tpu.vector_store_idx %arg13[%add3A_219], %broadcast_in_dim3A_13 {add = true} : memref<32832xi32, #tpu.memory_space<vmem>>[vector<16xi32>], vector<16xi32>,
        tpu.vector_store_idx %arg13[%add3A_220], %broadcast_in_dim3A_13 {add = true} : memref<32832xi32, #tpu.memory_space<vmem>>[vector<16xi32>], vector<16xi32>,
        tpu.vector_store_idx %arg13[%add3A_221], %broadcast_in_dim3A_13 {add = true} : memref<32832xi32, #tpu.memory_space<vmem>>[vector<16xi32>], vector<16xi32>,
        tpu.vector_store_idx %arg13[%add3A_222], %broadcast_in_dim3A_13 {add = true} : memref<32832xi32, #tpu.memory_space<vmem>>[vector<16xi32>], vector<16xi32>,
      }
      %scan3A_146 = arith.constant 4 : i32
    }
    %scan3A_95 = arith.constant 16 : i32
    %dma_wait3A_96 = arith.constant 0 : i32
    %dma_wait3A_97 = tpu.memref_slice %arg2[%add3A_38, %dma_wait3A_96] : memref<4096x512xi32, #tpu.memory_space<hbm>> -> memref<16x512xi32, #tpu.memory_space<hbm>>
    %dma_wait3A_98 = arith.constant 0 : i32
    %dma_wait3A_99 = tpu.memref_slice %arg2[%add3A_38, %dma_wait3A_98] : memref<4096x512xi32, #tpu.memory_space<hbm>> -> memref<16x512xi32, #tpu.memory_space<hbm>>
    tpu.wait_dma2 semaphore(%arg16 : memref<!tpu.dma_semaphore, #tpu.memory_space<semaphore_mem>>) src(%dma_wait3A_99 : memref<16x512xi32, #tpu.memory_space<hbm>>) dst(%arg9 : memref<16x512xi32, #tpu.memory_space<vmem>>)
    %scan3A_100 = arith.constant 0 : i32
    %scan3A_101 = arith.constant 16 : i32
    %scan3A_102 = arith.addi %scan3A_100, %scan3A_101 : i32
    %scan3A_103 = arith.constant 1 : i32
    scf.for %scan3A_137 = %scan3A_100 to %scan3A_102 step %scan3A_103  : i32 {
      %mul3A_138 = arith.constant 1 : i32
      %mul3A_139 = arith.muli %scan3A_137, %mul3A_138 : i32
      %add3A_140 = arith.constant 0 : i32
      %add3A_141 = arith.addi %add3A_140, %mul3A_139 : i32
      %scan3A_142 = arith.constant 0 : i32
      %scan3A_143 = arith.constant 4 : i32
      %scan3A_144 = arith.addi %scan3A_142, %scan3A_143 : i32
      %scan3A_145 = arith.constant 1 : i32
      scf.for %scan3A_147 = %scan3A_142 to %scan3A_144 step %scan3A_145  : i32 {
        %mul3A_148 = arith.constant 128 : i32
        %mul3A_149 = arith.muli %scan3A_147, %mul3A_148 : i32
        %add3A_150 = arith.constant 0 : i32
        %add3A_151 = arith.addi %add3A_150, %mul3A_149 : i32
        %add3A_152 = arith.constant 0 : i32
        %add3A_153 = arith.addi %add3A_151, %add3A_152 : i32
        %get3A_154 = arith.index_cast %add3A_141 : i32 to index
        %get3A_155 = arith.index_cast %add3A_153 : i32 to index
        %get3A_156 = tpu.vector_load %arg9[%get3A_154, %get3A_155] {strides = array<i32>} : memref<16x512xi32, #tpu.memory_space<vmem>>, vector<16xi32>,
        %add3A_157 = arith.constant 16 : i32
        %add3A_158 = arith.addi %add3A_151, %add3A_157 : i32
        %get3A_159 = arith.index_cast %add3A_141 : i32 to index
        %get3A_160 = arith.index_cast %add3A_158 : i32 to index
        %get3A_161 = tpu.vector_load %arg9[%get3A_159, %get3A_160] {strides = array<i32>} : memref<16x512xi32, #tpu.memory_space<vmem>>, vector<16xi32>,
        %add3A_162 = arith.constant 32 : i32
        %add3A_163 = arith.addi %add3A_151, %add3A_162 : i32
        %get3A_164 = arith.index_cast %add3A_141 : i32 to index
        %get3A_165 = arith.index_cast %add3A_163 : i32 to index
        %get3A_166 = tpu.vector_load %arg9[%get3A_164, %get3A_165] {strides = array<i32>} : memref<16x512xi32, #tpu.memory_space<vmem>>, vector<16xi32>,
        %add3A_167 = arith.constant 48 : i32
        %add3A_168 = arith.addi %add3A_151, %add3A_167 : i32
        %get3A_169 = arith.index_cast %add3A_141 : i32 to index
        %get3A_170 = arith.index_cast %add3A_168 : i32 to index
        %get3A_171 = tpu.vector_load %arg9[%get3A_169, %get3A_170] {strides = array<i32>} : memref<16x512xi32, #tpu.memory_space<vmem>>, vector<16xi32>,
        %add3A_172 = arith.constant 64 : i32
        %add3A_173 = arith.addi %add3A_151, %add3A_172 : i32
        %get3A_174 = arith.index_cast %add3A_141 : i32 to index
        %get3A_175 = arith.index_cast %add3A_173 : i32 to index
        %get3A_176 = tpu.vector_load %arg9[%get3A_174, %get3A_175] {strides = array<i32>} : memref<16x512xi32, #tpu.memory_space<vmem>>, vector<16xi32>,
        %add3A_177 = arith.constant 80 : i32
        %add3A_178 = arith.addi %add3A_151, %add3A_177 : i32
        %get3A_179 = arith.index_cast %add3A_141 : i32 to index
        %get3A_180 = arith.index_cast %add3A_178 : i32 to index
        %get3A_181 = tpu.vector_load %arg9[%get3A_179, %get3A_180] {strides = array<i32>} : memref<16x512xi32, #tpu.memory_space<vmem>>, vector<16xi32>,
        %add3A_182 = arith.constant 96 : i32
        %add3A_183 = arith.addi %add3A_151, %add3A_182 : i32
        %get3A_184 = arith.index_cast %add3A_141 : i32 to index
        %get3A_185 = arith.index_cast %add3A_183 : i32 to index
        %get3A_186 = tpu.vector_load %arg9[%get3A_184, %get3A_185] {strides = array<i32>} : memref<16x512xi32, #tpu.memory_space<vmem>>, vector<16xi32>,
        %add3A_187 = arith.constant 112 : i32
        %add3A_188 = arith.addi %add3A_151, %add3A_187 : i32
        %get3A_189 = arith.index_cast %add3A_141 : i32 to index
        %get3A_190 = arith.index_cast %add3A_188 : i32 to index
        %get3A_191 = tpu.vector_load %arg9[%get3A_189, %get3A_190] {strides = array<i32>} : memref<16x512xi32, #tpu.memory_space<vmem>>, vector<16xi32>,
        %shift_right_logical3A = arith.constant 20 : i32
        %shift_right_logical3A_192 = vector.broadcast %shift_right_logical3A : i32 to vector<16xi32>
        %shift_right_logical3A_193 = arith.shrui %get3A_156, %shift_right_logical3A_192 : vector<16xi32>
        %shift_right_logical3A_194 = arith.constant 20 : i32
        %shift_right_logical3A_195 = vector.broadcast %shift_right_logical3A_194 : i32 to vector<16xi32>
        %shift_right_logical3A_196 = arith.shrui %get3A_161, %shift_right_logical3A_195 : vector<16xi32>
        %shift_right_logical3A_197 = arith.constant 20 : i32
        %shift_right_logical3A_198 = vector.broadcast %shift_right_logical3A_197 : i32 to vector<16xi32>
        %shift_right_logical3A_199 = arith.shrui %get3A_166, %shift_right_logical3A_198 : vector<16xi32>
        %shift_right_logical3A_200 = arith.constant 20 : i32
        %shift_right_logical3A_201 = vector.broadcast %shift_right_logical3A_200 : i32 to vector<16xi32>
        %shift_right_logical3A_202 = arith.shrui %get3A_171, %shift_right_logical3A_201 : vector<16xi32>
        %shift_right_logical3A_203 = arith.constant 20 : i32
        %shift_right_logical3A_204 = vector.broadcast %shift_right_logical3A_203 : i32 to vector<16xi32>
        %shift_right_logical3A_205 = arith.shrui %get3A_176, %shift_right_logical3A_204 : vector<16xi32>
        %shift_right_logical3A_206 = arith.constant 20 : i32
        %shift_right_logical3A_207 = vector.broadcast %shift_right_logical3A_206 : i32 to vector<16xi32>
        %shift_right_logical3A_208 = arith.shrui %get3A_181, %shift_right_logical3A_207 : vector<16xi32>
        %shift_right_logical3A_209 = arith.constant 20 : i32
        %shift_right_logical3A_210 = vector.broadcast %shift_right_logical3A_209 : i32 to vector<16xi32>
        %shift_right_logical3A_211 = arith.shrui %get3A_186, %shift_right_logical3A_210 : vector<16xi32>
        %shift_right_logical3A_212 = arith.constant 20 : i32
        %shift_right_logical3A_213 = vector.broadcast %shift_right_logical3A_212 : i32 to vector<16xi32>
        %shift_right_logical3A_214 = arith.shrui %get3A_191, %shift_right_logical3A_213 : vector<16xi32>
        %add3A_215 = arith.addi %mul3A_11, %shift_right_logical3A_193 : vector<16xi32>
        %add3A_216 = arith.addi %mul3A_11, %shift_right_logical3A_196 : vector<16xi32>
        %add3A_217 = arith.addi %mul3A_11, %shift_right_logical3A_199 : vector<16xi32>
        %add3A_218 = arith.addi %mul3A_11, %shift_right_logical3A_202 : vector<16xi32>
        %add3A_219 = arith.addi %mul3A_11, %shift_right_logical3A_205 : vector<16xi32>
        %add3A_220 = arith.addi %mul3A_11, %shift_right_logical3A_208 : vector<16xi32>
        %add3A_221 = arith.addi %mul3A_11, %shift_right_logical3A_211 : vector<16xi32>
        %add3A_222 = arith.addi %mul3A_11, %shift_right_logical3A_214 : vector<16xi32>
        tpu.vector_store_idx %arg13[%add3A_215], %broadcast_in_dim3A_13 {add = true} : memref<32832xi32, #tpu.memory_space<vmem>>[vector<16xi32>], vector<16xi32>,
        tpu.vector_store_idx %arg13[%add3A_216], %broadcast_in_dim3A_13 {add = true} : memref<32832xi32, #tpu.memory_space<vmem>>[vector<16xi32>], vector<16xi32>,
        tpu.vector_store_idx %arg13[%add3A_217], %broadcast_in_dim3A_13 {add = true} : memref<32832xi32, #tpu.memory_space<vmem>>[vector<16xi32>], vector<16xi32>,
        tpu.vector_store_idx %arg13[%add3A_218], %broadcast_in_dim3A_13 {add = true} : memref<32832xi32, #tpu.memory_space<vmem>>[vector<16xi32>], vector<16xi32>,
        tpu.vector_store_idx %arg13[%add3A_219], %broadcast_in_dim3A_13 {add = true} : memref<32832xi32, #tpu.memory_space<vmem>>[vector<16xi32>], vector<16xi32>,
        tpu.vector_store_idx %arg13[%add3A_220], %broadcast_in_dim3A_13 {add = true} : memref<32832xi32, #tpu.memory_space<vmem>>[vector<16xi32>], vector<16xi32>,
        tpu.vector_store_idx %arg13[%add3A_221], %broadcast_in_dim3A_13 {add = true} : memref<32832xi32, #tpu.memory_space<vmem>>[vector<16xi32>], vector<16xi32>,
        tpu.vector_store_idx %arg13[%add3A_222], %broadcast_in_dim3A_13 {add = true} : memref<32832xi32, #tpu.memory_space<vmem>>[vector<16xi32>], vector<16xi32>,
      }
      %scan3A_146 = arith.constant 4 : i32
    }
    %scan3A_104 = arith.constant 16 : i32
    %dma_wait3A_105 = arith.constant 0 : i32
    %dma_wait3A_106 = tpu.memref_slice %arg2[%add3A_44, %dma_wait3A_105] : memref<4096x512xi32, #tpu.memory_space<hbm>> -> memref<16x512xi32, #tpu.memory_space<hbm>>
    %dma_wait3A_107 = arith.constant 0 : i32
    %dma_wait3A_108 = tpu.memref_slice %arg2[%add3A_44, %dma_wait3A_107] : memref<4096x512xi32, #tpu.memory_space<hbm>> -> memref<16x512xi32, #tpu.memory_space<hbm>>
    tpu.wait_dma2 semaphore(%arg16 : memref<!tpu.dma_semaphore, #tpu.memory_space<semaphore_mem>>) src(%dma_wait3A_108 : memref<16x512xi32, #tpu.memory_space<hbm>>) dst(%arg10 : memref<16x512xi32, #tpu.memory_space<vmem>>)
    %scan3A_109 = arith.constant 0 : i32
    %scan3A_110 = arith.constant 16 : i32
    %scan3A_111 = arith.addi %scan3A_109, %scan3A_110 : i32
    %scan3A_112 = arith.constant 1 : i32
    scf.for %scan3A_137 = %scan3A_109 to %scan3A_111 step %scan3A_112  : i32 {
      %mul3A_138 = arith.constant 1 : i32
      %mul3A_139 = arith.muli %scan3A_137, %mul3A_138 : i32
      %add3A_140 = arith.constant 0 : i32
      %add3A_141 = arith.addi %add3A_140, %mul3A_139 : i32
      %scan3A_142 = arith.constant 0 : i32
      %scan3A_143 = arith.constant 4 : i32
      %scan3A_144 = arith.addi %scan3A_142, %scan3A_143 : i32
      %scan3A_145 = arith.constant 1 : i32
      scf.for %scan3A_147 = %scan3A_142 to %scan3A_144 step %scan3A_145  : i32 {
        %mul3A_148 = arith.constant 128 : i32
        %mul3A_149 = arith.muli %scan3A_147, %mul3A_148 : i32
        %add3A_150 = arith.constant 0 : i32
        %add3A_151 = arith.addi %add3A_150, %mul3A_149 : i32
        %add3A_152 = arith.constant 0 : i32
        %add3A_153 = arith.addi %add3A_151, %add3A_152 : i32
        %get3A_154 = arith.index_cast %add3A_141 : i32 to index
        %get3A_155 = arith.index_cast %add3A_153 : i32 to index
        %get3A_156 = tpu.vector_load %arg10[%get3A_154, %get3A_155] {strides = array<i32>} : memref<16x512xi32, #tpu.memory_space<vmem>>, vector<16xi32>,
        %add3A_157 = arith.constant 16 : i32
        %add3A_158 = arith.addi %add3A_151, %add3A_157 : i32
        %get3A_159 = arith.index_cast %add3A_141 : i32 to index
        %get3A_160 = arith.index_cast %add3A_158 : i32 to index
        %get3A_161 = tpu.vector_load %arg10[%get3A_159, %get3A_160] {strides = array<i32>} : memref<16x512xi32, #tpu.memory_space<vmem>>, vector<16xi32>,
        %add3A_162 = arith.constant 32 : i32
        %add3A_163 = arith.addi %add3A_151, %add3A_162 : i32
        %get3A_164 = arith.index_cast %add3A_141 : i32 to index
        %get3A_165 = arith.index_cast %add3A_163 : i32 to index
        %get3A_166 = tpu.vector_load %arg10[%get3A_164, %get3A_165] {strides = array<i32>} : memref<16x512xi32, #tpu.memory_space<vmem>>, vector<16xi32>,
        %add3A_167 = arith.constant 48 : i32
        %add3A_168 = arith.addi %add3A_151, %add3A_167 : i32
        %get3A_169 = arith.index_cast %add3A_141 : i32 to index
        %get3A_170 = arith.index_cast %add3A_168 : i32 to index
        %get3A_171 = tpu.vector_load %arg10[%get3A_169, %get3A_170] {strides = array<i32>} : memref<16x512xi32, #tpu.memory_space<vmem>>, vector<16xi32>,
        %add3A_172 = arith.constant 64 : i32
        %add3A_173 = arith.addi %add3A_151, %add3A_172 : i32
        %get3A_174 = arith.index_cast %add3A_141 : i32 to index
        %get3A_175 = arith.index_cast %add3A_173 : i32 to index
        %get3A_176 = tpu.vector_load %arg10[%get3A_174, %get3A_175] {strides = array<i32>} : memref<16x512xi32, #tpu.memory_space<vmem>>, vector<16xi32>,
        %add3A_177 = arith.constant 80 : i32
        %add3A_178 = arith.addi %add3A_151, %add3A_177 : i32
        %get3A_179 = arith.index_cast %add3A_141 : i32 to index
        %get3A_180 = arith.index_cast %add3A_178 : i32 to index
        %get3A_181 = tpu.vector_load %arg10[%get3A_179, %get3A_180] {strides = array<i32>} : memref<16x512xi32, #tpu.memory_space<vmem>>, vector<16xi32>,
        %add3A_182 = arith.constant 96 : i32
        %add3A_183 = arith.addi %add3A_151, %add3A_182 : i32
        %get3A_184 = arith.index_cast %add3A_141 : i32 to index
        %get3A_185 = arith.index_cast %add3A_183 : i32 to index
        %get3A_186 = tpu.vector_load %arg10[%get3A_184, %get3A_185] {strides = array<i32>} : memref<16x512xi32, #tpu.memory_space<vmem>>, vector<16xi32>,
        %add3A_187 = arith.constant 112 : i32
        %add3A_188 = arith.addi %add3A_151, %add3A_187 : i32
        %get3A_189 = arith.index_cast %add3A_141 : i32 to index
        %get3A_190 = arith.index_cast %add3A_188 : i32 to index
        %get3A_191 = tpu.vector_load %arg10[%get3A_189, %get3A_190] {strides = array<i32>} : memref<16x512xi32, #tpu.memory_space<vmem>>, vector<16xi32>,
        %shift_right_logical3A = arith.constant 20 : i32
        %shift_right_logical3A_192 = vector.broadcast %shift_right_logical3A : i32 to vector<16xi32>
        %shift_right_logical3A_193 = arith.shrui %get3A_156, %shift_right_logical3A_192 : vector<16xi32>
        %shift_right_logical3A_194 = arith.constant 20 : i32
        %shift_right_logical3A_195 = vector.broadcast %shift_right_logical3A_194 : i32 to vector<16xi32>
        %shift_right_logical3A_196 = arith.shrui %get3A_161, %shift_right_logical3A_195 : vector<16xi32>
        %shift_right_logical3A_197 = arith.constant 20 : i32
        %shift_right_logical3A_198 = vector.broadcast %shift_right_logical3A_197 : i32 to vector<16xi32>
        %shift_right_logical3A_199 = arith.shrui %get3A_166, %shift_right_logical3A_198 : vector<16xi32>
        %shift_right_logical3A_200 = arith.constant 20 : i32
        %shift_right_logical3A_201 = vector.broadcast %shift_right_logical3A_200 : i32 to vector<16xi32>
        %shift_right_logical3A_202 = arith.shrui %get3A_171, %shift_right_logical3A_201 : vector<16xi32>
        %shift_right_logical3A_203 = arith.constant 20 : i32
        %shift_right_logical3A_204 = vector.broadcast %shift_right_logical3A_203 : i32 to vector<16xi32>
        %shift_right_logical3A_205 = arith.shrui %get3A_176, %shift_right_logical3A_204 : vector<16xi32>
        %shift_right_logical3A_206 = arith.constant 20 : i32
        %shift_right_logical3A_207 = vector.broadcast %shift_right_logical3A_206 : i32 to vector<16xi32>
        %shift_right_logical3A_208 = arith.shrui %get3A_181, %shift_right_logical3A_207 : vector<16xi32>
        %shift_right_logical3A_209 = arith.constant 20 : i32
        %shift_right_logical3A_210 = vector.broadcast %shift_right_logical3A_209 : i32 to vector<16xi32>
        %shift_right_logical3A_211 = arith.shrui %get3A_186, %shift_right_logical3A_210 : vector<16xi32>
        %shift_right_logical3A_212 = arith.constant 20 : i32
        %shift_right_logical3A_213 = vector.broadcast %shift_right_logical3A_212 : i32 to vector<16xi32>
        %shift_right_logical3A_214 = arith.shrui %get3A_191, %shift_right_logical3A_213 : vector<16xi32>
        %add3A_215 = arith.addi %mul3A_11, %shift_right_logical3A_193 : vector<16xi32>
        %add3A_216 = arith.addi %mul3A_11, %shift_right_logical3A_196 : vector<16xi32>
        %add3A_217 = arith.addi %mul3A_11, %shift_right_logical3A_199 : vector<16xi32>
        %add3A_218 = arith.addi %mul3A_11, %shift_right_logical3A_202 : vector<16xi32>
        %add3A_219 = arith.addi %mul3A_11, %shift_right_logical3A_205 : vector<16xi32>
        %add3A_220 = arith.addi %mul3A_11, %shift_right_logical3A_208 : vector<16xi32>
        %add3A_221 = arith.addi %mul3A_11, %shift_right_logical3A_211 : vector<16xi32>
        %add3A_222 = arith.addi %mul3A_11, %shift_right_logical3A_214 : vector<16xi32>
        tpu.vector_store_idx %arg13[%add3A_215], %broadcast_in_dim3A_13 {add = true} : memref<32832xi32, #tpu.memory_space<vmem>>[vector<16xi32>], vector<16xi32>,
        tpu.vector_store_idx %arg13[%add3A_216], %broadcast_in_dim3A_13 {add = true} : memref<32832xi32, #tpu.memory_space<vmem>>[vector<16xi32>], vector<16xi32>,
        tpu.vector_store_idx %arg13[%add3A_217], %broadcast_in_dim3A_13 {add = true} : memref<32832xi32, #tpu.memory_space<vmem>>[vector<16xi32>], vector<16xi32>,
        tpu.vector_store_idx %arg13[%add3A_218], %broadcast_in_dim3A_13 {add = true} : memref<32832xi32, #tpu.memory_space<vmem>>[vector<16xi32>], vector<16xi32>,
        tpu.vector_store_idx %arg13[%add3A_219], %broadcast_in_dim3A_13 {add = true} : memref<32832xi32, #tpu.memory_space<vmem>>[vector<16xi32>], vector<16xi32>,
        tpu.vector_store_idx %arg13[%add3A_220], %broadcast_in_dim3A_13 {add = true} : memref<32832xi32, #tpu.memory_space<vmem>>[vector<16xi32>], vector<16xi32>,
        tpu.vector_store_idx %arg13[%add3A_221], %broadcast_in_dim3A_13 {add = true} : memref<32832xi32, #tpu.memory_space<vmem>>[vector<16xi32>], vector<16xi32>,
        tpu.vector_store_idx %arg13[%add3A_222], %broadcast_in_dim3A_13 {add = true} : memref<32832xi32, #tpu.memory_space<vmem>>[vector<16xi32>], vector<16xi32>,
      }
      %scan3A_146 = arith.constant 4 : i32
    }
    %scan3A_113 = arith.constant 16 : i32
    %dma_wait3A_114 = arith.constant 0 : i32
    %dma_wait3A_115 = tpu.memref_slice %arg2[%add3A_50, %dma_wait3A_114] : memref<4096x512xi32, #tpu.memory_space<hbm>> -> memref<16x512xi32, #tpu.memory_space<hbm>>
    %dma_wait3A_116 = arith.constant 0 : i32
    %dma_wait3A_117 = tpu.memref_slice %arg2[%add3A_50, %dma_wait3A_116] : memref<4096x512xi32, #tpu.memory_space<hbm>> -> memref<16x512xi32, #tpu.memory_space<hbm>>
    tpu.wait_dma2 semaphore(%arg16 : memref<!tpu.dma_semaphore, #tpu.memory_space<semaphore_mem>>) src(%dma_wait3A_117 : memref<16x512xi32, #tpu.memory_space<hbm>>) dst(%arg11 : memref<16x512xi32, #tpu.memory_space<vmem>>)
    %scan3A_118 = arith.constant 0 : i32
    %scan3A_119 = arith.constant 16 : i32
    %scan3A_120 = arith.addi %scan3A_118, %scan3A_119 : i32
    %scan3A_121 = arith.constant 1 : i32
    scf.for %scan3A_137 = %scan3A_118 to %scan3A_120 step %scan3A_121  : i32 {
      %mul3A_138 = arith.constant 1 : i32
      %mul3A_139 = arith.muli %scan3A_137, %mul3A_138 : i32
      %add3A_140 = arith.constant 0 : i32
      %add3A_141 = arith.addi %add3A_140, %mul3A_139 : i32
      %scan3A_142 = arith.constant 0 : i32
      %scan3A_143 = arith.constant 4 : i32
      %scan3A_144 = arith.addi %scan3A_142, %scan3A_143 : i32
      %scan3A_145 = arith.constant 1 : i32
      scf.for %scan3A_147 = %scan3A_142 to %scan3A_144 step %scan3A_145  : i32 {
        %mul3A_148 = arith.constant 128 : i32
        %mul3A_149 = arith.muli %scan3A_147, %mul3A_148 : i32
        %add3A_150 = arith.constant 0 : i32
        %add3A_151 = arith.addi %add3A_150, %mul3A_149 : i32
        %add3A_152 = arith.constant 0 : i32
        %add3A_153 = arith.addi %add3A_151, %add3A_152 : i32
        %get3A_154 = arith.index_cast %add3A_141 : i32 to index
        %get3A_155 = arith.index_cast %add3A_153 : i32 to index
        %get3A_156 = tpu.vector_load %arg11[%get3A_154, %get3A_155] {strides = array<i32>} : memref<16x512xi32, #tpu.memory_space<vmem>>, vector<16xi32>,
        %add3A_157 = arith.constant 16 : i32
        %add3A_158 = arith.addi %add3A_151, %add3A_157 : i32
        %get3A_159 = arith.index_cast %add3A_141 : i32 to index
        %get3A_160 = arith.index_cast %add3A_158 : i32 to index
        %get3A_161 = tpu.vector_load %arg11[%get3A_159, %get3A_160] {strides = array<i32>} : memref<16x512xi32, #tpu.memory_space<vmem>>, vector<16xi32>,
        %add3A_162 = arith.constant 32 : i32
        %add3A_163 = arith.addi %add3A_151, %add3A_162 : i32
        %get3A_164 = arith.index_cast %add3A_141 : i32 to index
        %get3A_165 = arith.index_cast %add3A_163 : i32 to index
        %get3A_166 = tpu.vector_load %arg11[%get3A_164, %get3A_165] {strides = array<i32>} : memref<16x512xi32, #tpu.memory_space<vmem>>, vector<16xi32>,
        %add3A_167 = arith.constant 48 : i32
        %add3A_168 = arith.addi %add3A_151, %add3A_167 : i32
        %get3A_169 = arith.index_cast %add3A_141 : i32 to index
        %get3A_170 = arith.index_cast %add3A_168 : i32 to index
        %get3A_171 = tpu.vector_load %arg11[%get3A_169, %get3A_170] {strides = array<i32>} : memref<16x512xi32, #tpu.memory_space<vmem>>, vector<16xi32>,
        %add3A_172 = arith.constant 64 : i32
        %add3A_173 = arith.addi %add3A_151, %add3A_172 : i32
        %get3A_174 = arith.index_cast %add3A_141 : i32 to index
        %get3A_175 = arith.index_cast %add3A_173 : i32 to index
        %get3A_176 = tpu.vector_load %arg11[%get3A_174, %get3A_175] {strides = array<i32>} : memref<16x512xi32, #tpu.memory_space<vmem>>, vector<16xi32>,
        %add3A_177 = arith.constant 80 : i32
        %add3A_178 = arith.addi %add3A_151, %add3A_177 : i32
        %get3A_179 = arith.index_cast %add3A_141 : i32 to index
        %get3A_180 = arith.index_cast %add3A_178 : i32 to index
        %get3A_181 = tpu.vector_load %arg11[%get3A_179, %get3A_180] {strides = array<i32>} : memref<16x512xi32, #tpu.memory_space<vmem>>, vector<16xi32>,
        %add3A_182 = arith.constant 96 : i32
        %add3A_183 = arith.addi %add3A_151, %add3A_182 : i32
        %get3A_184 = arith.index_cast %add3A_141 : i32 to index
        %get3A_185 = arith.index_cast %add3A_183 : i32 to index
        %get3A_186 = tpu.vector_load %arg11[%get3A_184, %get3A_185] {strides = array<i32>} : memref<16x512xi32, #tpu.memory_space<vmem>>, vector<16xi32>,
        %add3A_187 = arith.constant 112 : i32
        %add3A_188 = arith.addi %add3A_151, %add3A_187 : i32
        %get3A_189 = arith.index_cast %add3A_141 : i32 to index
        %get3A_190 = arith.index_cast %add3A_188 : i32 to index
        %get3A_191 = tpu.vector_load %arg11[%get3A_189, %get3A_190] {strides = array<i32>} : memref<16x512xi32, #tpu.memory_space<vmem>>, vector<16xi32>,
        %shift_right_logical3A = arith.constant 20 : i32
        %shift_right_logical3A_192 = vector.broadcast %shift_right_logical3A : i32 to vector<16xi32>
        %shift_right_logical3A_193 = arith.shrui %get3A_156, %shift_right_logical3A_192 : vector<16xi32>
        %shift_right_logical3A_194 = arith.constant 20 : i32
        %shift_right_logical3A_195 = vector.broadcast %shift_right_logical3A_194 : i32 to vector<16xi32>
        %shift_right_logical3A_196 = arith.shrui %get3A_161, %shift_right_logical3A_195 : vector<16xi32>
        %shift_right_logical3A_197 = arith.constant 20 : i32
        %shift_right_logical3A_198 = vector.broadcast %shift_right_logical3A_197 : i32 to vector<16xi32>
        %shift_right_logical3A_199 = arith.shrui %get3A_166, %shift_right_logical3A_198 : vector<16xi32>
        %shift_right_logical3A_200 = arith.constant 20 : i32
        %shift_right_logical3A_201 = vector.broadcast %shift_right_logical3A_200 : i32 to vector<16xi32>
        %shift_right_logical3A_202 = arith.shrui %get3A_171, %shift_right_logical3A_201 : vector<16xi32>
        %shift_right_logical3A_203 = arith.constant 20 : i32
        %shift_right_logical3A_204 = vector.broadcast %shift_right_logical3A_203 : i32 to vector<16xi32>
        %shift_right_logical3A_205 = arith.shrui %get3A_176, %shift_right_logical3A_204 : vector<16xi32>
        %shift_right_logical3A_206 = arith.constant 20 : i32
        %shift_right_logical3A_207 = vector.broadcast %shift_right_logical3A_206 : i32 to vector<16xi32>
        %shift_right_logical3A_208 = arith.shrui %get3A_181, %shift_right_logical3A_207 : vector<16xi32>
        %shift_right_logical3A_209 = arith.constant 20 : i32
        %shift_right_logical3A_210 = vector.broadcast %shift_right_logical3A_209 : i32 to vector<16xi32>
        %shift_right_logical3A_211 = arith.shrui %get3A_186, %shift_right_logical3A_210 : vector<16xi32>
        %shift_right_logical3A_212 = arith.constant 20 : i32
        %shift_right_logical3A_213 = vector.broadcast %shift_right_logical3A_212 : i32 to vector<16xi32>
        %shift_right_logical3A_214 = arith.shrui %get3A_191, %shift_right_logical3A_213 : vector<16xi32>
        %add3A_215 = arith.addi %mul3A_11, %shift_right_logical3A_193 : vector<16xi32>
        %add3A_216 = arith.addi %mul3A_11, %shift_right_logical3A_196 : vector<16xi32>
        %add3A_217 = arith.addi %mul3A_11, %shift_right_logical3A_199 : vector<16xi32>
        %add3A_218 = arith.addi %mul3A_11, %shift_right_logical3A_202 : vector<16xi32>
        %add3A_219 = arith.addi %mul3A_11, %shift_right_logical3A_205 : vector<16xi32>
        %add3A_220 = arith.addi %mul3A_11, %shift_right_logical3A_208 : vector<16xi32>
        %add3A_221 = arith.addi %mul3A_11, %shift_right_logical3A_211 : vector<16xi32>
        %add3A_222 = arith.addi %mul3A_11, %shift_right_logical3A_214 : vector<16xi32>
        tpu.vector_store_idx %arg13[%add3A_215], %broadcast_in_dim3A_13 {add = true} : memref<32832xi32, #tpu.memory_space<vmem>>[vector<16xi32>], vector<16xi32>,
        tpu.vector_store_idx %arg13[%add3A_216], %broadcast_in_dim3A_13 {add = true} : memref<32832xi32, #tpu.memory_space<vmem>>[vector<16xi32>], vector<16xi32>,
        tpu.vector_store_idx %arg13[%add3A_217], %broadcast_in_dim3A_13 {add = true} : memref<32832xi32, #tpu.memory_space<vmem>>[vector<16xi32>], vector<16xi32>,
        tpu.vector_store_idx %arg13[%add3A_218], %broadcast_in_dim3A_13 {add = true} : memref<32832xi32, #tpu.memory_space<vmem>>[vector<16xi32>], vector<16xi32>,
        tpu.vector_store_idx %arg13[%add3A_219], %broadcast_in_dim3A_13 {add = true} : memref<32832xi32, #tpu.memory_space<vmem>>[vector<16xi32>], vector<16xi32>,
        tpu.vector_store_idx %arg13[%add3A_220], %broadcast_in_dim3A_13 {add = true} : memref<32832xi32, #tpu.memory_space<vmem>>[vector<16xi32>], vector<16xi32>,
        tpu.vector_store_idx %arg13[%add3A_221], %broadcast_in_dim3A_13 {add = true} : memref<32832xi32, #tpu.memory_space<vmem>>[vector<16xi32>], vector<16xi32>,
        tpu.vector_store_idx %arg13[%add3A_222], %broadcast_in_dim3A_13 {add = true} : memref<32832xi32, #tpu.memory_space<vmem>>[vector<16xi32>], vector<16xi32>,
      }
      %scan3A_146 = arith.constant 4 : i32
    }
    %scan3A_122 = arith.constant 16 : i32
    %dma_wait3A_123 = arith.constant 0 : i32
    %dma_wait3A_124 = tpu.memref_slice %arg2[%add3A_56, %dma_wait3A_123] : memref<4096x512xi32, #tpu.memory_space<hbm>> -> memref<16x512xi32, #tpu.memory_space<hbm>>
    %dma_wait3A_125 = arith.constant 0 : i32
    %dma_wait3A_126 = tpu.memref_slice %arg2[%add3A_56, %dma_wait3A_125] : memref<4096x512xi32, #tpu.memory_space<hbm>> -> memref<16x512xi32, #tpu.memory_space<hbm>>
    tpu.wait_dma2 semaphore(%arg16 : memref<!tpu.dma_semaphore, #tpu.memory_space<semaphore_mem>>) src(%dma_wait3A_126 : memref<16x512xi32, #tpu.memory_space<hbm>>) dst(%arg12 : memref<16x512xi32, #tpu.memory_space<vmem>>)
    %scan3A_127 = arith.constant 0 : i32
    %scan3A_128 = arith.constant 16 : i32
    %scan3A_129 = arith.addi %scan3A_127, %scan3A_128 : i32
    %scan3A_130 = arith.constant 1 : i32
    scf.for %scan3A_137 = %scan3A_127 to %scan3A_129 step %scan3A_130  : i32 {
      %mul3A_138 = arith.constant 1 : i32
      %mul3A_139 = arith.muli %scan3A_137, %mul3A_138 : i32
      %add3A_140 = arith.constant 0 : i32
      %add3A_141 = arith.addi %add3A_140, %mul3A_139 : i32
      %scan3A_142 = arith.constant 0 : i32
      %scan3A_143 = arith.constant 4 : i32
      %scan3A_144 = arith.addi %scan3A_142, %scan3A_143 : i32
      %scan3A_145 = arith.constant 1 : i32
      scf.for %scan3A_147 = %scan3A_142 to %scan3A_144 step %scan3A_145  : i32 {
        %mul3A_148 = arith.constant 128 : i32
        %mul3A_149 = arith.muli %scan3A_147, %mul3A_148 : i32
        %add3A_150 = arith.constant 0 : i32
        %add3A_151 = arith.addi %add3A_150, %mul3A_149 : i32
        %add3A_152 = arith.constant 0 : i32
        %add3A_153 = arith.addi %add3A_151, %add3A_152 : i32
        %get3A_154 = arith.index_cast %add3A_141 : i32 to index
        %get3A_155 = arith.index_cast %add3A_153 : i32 to index
        %get3A_156 = tpu.vector_load %arg12[%get3A_154, %get3A_155] {strides = array<i32>} : memref<16x512xi32, #tpu.memory_space<vmem>>, vector<16xi32>,
        %add3A_157 = arith.constant 16 : i32
        %add3A_158 = arith.addi %add3A_151, %add3A_157 : i32
        %get3A_159 = arith.index_cast %add3A_141 : i32 to index
        %get3A_160 = arith.index_cast %add3A_158 : i32 to index
        %get3A_161 = tpu.vector_load %arg12[%get3A_159, %get3A_160] {strides = array<i32>} : memref<16x512xi32, #tpu.memory_space<vmem>>, vector<16xi32>,
        %add3A_162 = arith.constant 32 : i32
        %add3A_163 = arith.addi %add3A_151, %add3A_162 : i32
        %get3A_164 = arith.index_cast %add3A_141 : i32 to index
        %get3A_165 = arith.index_cast %add3A_163 : i32 to index
        %get3A_166 = tpu.vector_load %arg12[%get3A_164, %get3A_165] {strides = array<i32>} : memref<16x512xi32, #tpu.memory_space<vmem>>, vector<16xi32>,
        %add3A_167 = arith.constant 48 : i32
        %add3A_168 = arith.addi %add3A_151, %add3A_167 : i32
        %get3A_169 = arith.index_cast %add3A_141 : i32 to index
        %get3A_170 = arith.index_cast %add3A_168 : i32 to index
        %get3A_171 = tpu.vector_load %arg12[%get3A_169, %get3A_170] {strides = array<i32>} : memref<16x512xi32, #tpu.memory_space<vmem>>, vector<16xi32>,
        %add3A_172 = arith.constant 64 : i32
        %add3A_173 = arith.addi %add3A_151, %add3A_172 : i32
        %get3A_174 = arith.index_cast %add3A_141 : i32 to index
        %get3A_175 = arith.index_cast %add3A_173 : i32 to index
        %get3A_176 = tpu.vector_load %arg12[%get3A_174, %get3A_175] {strides = array<i32>} : memref<16x512xi32, #tpu.memory_space<vmem>>, vector<16xi32>,
        %add3A_177 = arith.constant 80 : i32
        %add3A_178 = arith.addi %add3A_151, %add3A_177 : i32
        %get3A_179 = arith.index_cast %add3A_141 : i32 to index
        %get3A_180 = arith.index_cast %add3A_178 : i32 to index
        %get3A_181 = tpu.vector_load %arg12[%get3A_179, %get3A_180] {strides = array<i32>} : memref<16x512xi32, #tpu.memory_space<vmem>>, vector<16xi32>,
        %add3A_182 = arith.constant 96 : i32
        %add3A_183 = arith.addi %add3A_151, %add3A_182 : i32
        %get3A_184 = arith.index_cast %add3A_141 : i32 to index
        %get3A_185 = arith.index_cast %add3A_183 : i32 to index
        %get3A_186 = tpu.vector_load %arg12[%get3A_184, %get3A_185] {strides = array<i32>} : memref<16x512xi32, #tpu.memory_space<vmem>>, vector<16xi32>,
        %add3A_187 = arith.constant 112 : i32
        %add3A_188 = arith.addi %add3A_151, %add3A_187 : i32
        %get3A_189 = arith.index_cast %add3A_141 : i32 to index
        %get3A_190 = arith.index_cast %add3A_188 : i32 to index
        %get3A_191 = tpu.vector_load %arg12[%get3A_189, %get3A_190] {strides = array<i32>} : memref<16x512xi32, #tpu.memory_space<vmem>>, vector<16xi32>,
        %shift_right_logical3A = arith.constant 20 : i32
        %shift_right_logical3A_192 = vector.broadcast %shift_right_logical3A : i32 to vector<16xi32>
        %shift_right_logical3A_193 = arith.shrui %get3A_156, %shift_right_logical3A_192 : vector<16xi32>
        %shift_right_logical3A_194 = arith.constant 20 : i32
        %shift_right_logical3A_195 = vector.broadcast %shift_right_logical3A_194 : i32 to vector<16xi32>
        %shift_right_logical3A_196 = arith.shrui %get3A_161, %shift_right_logical3A_195 : vector<16xi32>
        %shift_right_logical3A_197 = arith.constant 20 : i32
        %shift_right_logical3A_198 = vector.broadcast %shift_right_logical3A_197 : i32 to vector<16xi32>
        %shift_right_logical3A_199 = arith.shrui %get3A_166, %shift_right_logical3A_198 : vector<16xi32>
        %shift_right_logical3A_200 = arith.constant 20 : i32
        %shift_right_logical3A_201 = vector.broadcast %shift_right_logical3A_200 : i32 to vector<16xi32>
        %shift_right_logical3A_202 = arith.shrui %get3A_171, %shift_right_logical3A_201 : vector<16xi32>
        %shift_right_logical3A_203 = arith.constant 20 : i32
        %shift_right_logical3A_204 = vector.broadcast %shift_right_logical3A_203 : i32 to vector<16xi32>
        %shift_right_logical3A_205 = arith.shrui %get3A_176, %shift_right_logical3A_204 : vector<16xi32>
        %shift_right_logical3A_206 = arith.constant 20 : i32
        %shift_right_logical3A_207 = vector.broadcast %shift_right_logical3A_206 : i32 to vector<16xi32>
        %shift_right_logical3A_208 = arith.shrui %get3A_181, %shift_right_logical3A_207 : vector<16xi32>
        %shift_right_logical3A_209 = arith.constant 20 : i32
        %shift_right_logical3A_210 = vector.broadcast %shift_right_logical3A_209 : i32 to vector<16xi32>
        %shift_right_logical3A_211 = arith.shrui %get3A_186, %shift_right_logical3A_210 : vector<16xi32>
        %shift_right_logical3A_212 = arith.constant 20 : i32
        %shift_right_logical3A_213 = vector.broadcast %shift_right_logical3A_212 : i32 to vector<16xi32>
        %shift_right_logical3A_214 = arith.shrui %get3A_191, %shift_right_logical3A_213 : vector<16xi32>
        %add3A_215 = arith.addi %mul3A_11, %shift_right_logical3A_193 : vector<16xi32>
        %add3A_216 = arith.addi %mul3A_11, %shift_right_logical3A_196 : vector<16xi32>
        %add3A_217 = arith.addi %mul3A_11, %shift_right_logical3A_199 : vector<16xi32>
        %add3A_218 = arith.addi %mul3A_11, %shift_right_logical3A_202 : vector<16xi32>
        %add3A_219 = arith.addi %mul3A_11, %shift_right_logical3A_205 : vector<16xi32>
        %add3A_220 = arith.addi %mul3A_11, %shift_right_logical3A_208 : vector<16xi32>
        %add3A_221 = arith.addi %mul3A_11, %shift_right_logical3A_211 : vector<16xi32>
        %add3A_222 = arith.addi %mul3A_11, %shift_right_logical3A_214 : vector<16xi32>
        tpu.vector_store_idx %arg13[%add3A_215], %broadcast_in_dim3A_13 {add = true} : memref<32832xi32, #tpu.memory_space<vmem>>[vector<16xi32>], vector<16xi32>,
        tpu.vector_store_idx %arg13[%add3A_216], %broadcast_in_dim3A_13 {add = true} : memref<32832xi32, #tpu.memory_space<vmem>>[vector<16xi32>], vector<16xi32>,
        tpu.vector_store_idx %arg13[%add3A_217], %broadcast_in_dim3A_13 {add = true} : memref<32832xi32, #tpu.memory_space<vmem>>[vector<16xi32>], vector<16xi32>,
        tpu.vector_store_idx %arg13[%add3A_218], %broadcast_in_dim3A_13 {add = true} : memref<32832xi32, #tpu.memory_space<vmem>>[vector<16xi32>], vector<16xi32>,
        tpu.vector_store_idx %arg13[%add3A_219], %broadcast_in_dim3A_13 {add = true} : memref<32832xi32, #tpu.memory_space<vmem>>[vector<16xi32>], vector<16xi32>,
        tpu.vector_store_idx %arg13[%add3A_220], %broadcast_in_dim3A_13 {add = true} : memref<32832xi32, #tpu.memory_space<vmem>>[vector<16xi32>], vector<16xi32>,
        tpu.vector_store_idx %arg13[%add3A_221], %broadcast_in_dim3A_13 {add = true} : memref<32832xi32, #tpu.memory_space<vmem>>[vector<16xi32>], vector<16xi32>,
        tpu.vector_store_idx %arg13[%add3A_222], %broadcast_in_dim3A_13 {add = true} : memref<32832xi32, #tpu.memory_space<vmem>>[vector<16xi32>], vector<16xi32>,
      }
      %scan3A_146 = arith.constant 4 : i32
    }
    %scan3A_131 = arith.constant 16 : i32
    %scan3A_132 = arith.constant 0 : i32
    %scan3A_133 = arith.constant 128 : i32
    %scan3A_134 = arith.addi %scan3A_132, %scan3A_133 : i32
    %scan3A_135 = arith.constant 1 : i32
    scf.for %scan3A_137 = %scan3A_132 to %scan3A_134 step %scan3A_135  : i32 {
      %mul3A_138 = arith.constant 16 : i32
      %mul3A_139 = arith.muli %scan3A_137, %mul3A_138 : i32
      %add3A_140 = arith.constant 0 : i32
      %add3A_141 = arith.addi %add3A_140, %mul3A_139 : i32
      %get3A_142 = arith.index_cast %add3A_141 : i32 to index
      %get3A_143 = tpu.vector_load %arg13[%get3A_142] {strides = array<i32>} : memref<32832xi32, #tpu.memory_space<vmem>>, vector<16xi32>,
      %add3A_144 = arith.constant 2049 : i32
      %add3A_145 = arith.addi %add3A_144, %add3A_141 : i32
      %get3A_146 = arith.index_cast %add3A_145 : i32 to index
      %get3A_147 = tpu.vector_load %arg13[%get3A_146] {strides = array<i32>} : memref<32832xi32, #tpu.memory_space<vmem>>, vector<16xi32>,
      %add3A_148 = arith.addi %get3A_143, %get3A_147 : vector<16xi32>
      %add3A_149 = arith.constant 4098 : i32
      %add3A_150 = arith.addi %add3A_149, %add3A_141 : i32
      %get3A_151 = arith.index_cast %add3A_150 : i32 to index
      %get3A_152 = tpu.vector_load %arg13[%get3A_151] {strides = array<i32>} : memref<32832xi32, #tpu.memory_space<vmem>>, vector<16xi32>,
      %add3A_153 = arith.addi %add3A_148, %get3A_152 : vector<16xi32>
      %add3A_154 = arith.constant 6147 : i32
      %add3A_155 = arith.addi %add3A_154, %add3A_141 : i32
      %get3A_156 = arith.index_cast %add3A_155 : i32 to index
      %get3A_157 = tpu.vector_load %arg13[%get3A_156] {strides = array<i32>} : memref<32832xi32, #tpu.memory_space<vmem>>, vector<16xi32>,
      %add3A_158 = arith.addi %add3A_153, %get3A_157 : vector<16xi32>
      %add3A_159 = arith.constant 8196 : i32
      %add3A_160 = arith.addi %add3A_159, %add3A_141 : i32
      %get3A_161 = arith.index_cast %add3A_160 : i32 to index
      %get3A_162 = tpu.vector_load %arg13[%get3A_161] {strides = array<i32>} : memref<32832xi32, #tpu.memory_space<vmem>>, vector<16xi32>,
      %add3A_163 = arith.addi %add3A_158, %get3A_162 : vector<16xi32>
      %add3A_164 = arith.constant 10245 : i32
      %add3A_165 = arith.addi %add3A_164, %add3A_141 : i32
      %get3A_166 = arith.index_cast %add3A_165 : i32 to index
      %get3A_167 = tpu.vector_load %arg13[%get3A_166] {strides = array<i32>} : memref<32832xi32, #tpu.memory_space<vmem>>, vector<16xi32>,
      %add3A_168 = arith.addi %add3A_163, %get3A_167 : vector<16xi32>
      %add3A_169 = arith.constant 12294 : i32
      %add3A_170 = arith.addi %add3A_169, %add3A_141 : i32
      %get3A_171 = arith.index_cast %add3A_170 : i32 to index
      %get3A_172 = tpu.vector_load %arg13[%get3A_171] {strides = array<i32>} : memref<32832xi32, #tpu.memory_space<vmem>>, vector<16xi32>,
      %add3A_173 = arith.addi %add3A_168, %get3A_172 : vector<16xi32>
      %add3A_174 = arith.constant 14343 : i32
      %add3A_175 = arith.addi %add3A_174, %add3A_141 : i32
      %get3A_176 = arith.index_cast %add3A_175 : i32 to index
      %get3A_177 = tpu.vector_load %arg13[%get3A_176] {strides = array<i32>} : memref<32832xi32, #tpu.memory_space<vmem>>, vector<16xi32>,
      %add3A_178 = arith.addi %add3A_173, %get3A_177 : vector<16xi32>
      %add3A_179 = arith.constant 16392 : i32
      %add3A_180 = arith.addi %add3A_179, %add3A_141 : i32
      %get3A_181 = arith.index_cast %add3A_180 : i32 to index
      %get3A_182 = tpu.vector_load %arg13[%get3A_181] {strides = array<i32>} : memref<32832xi32, #tpu.memory_space<vmem>>, vector<16xi32>,
      %add3A_183 = arith.addi %add3A_178, %get3A_182 : vector<16xi32>
      %add3A_184 = arith.constant 18441 : i32
      %add3A_185 = arith.addi %add3A_184, %add3A_141 : i32
      %get3A_186 = arith.index_cast %add3A_185 : i32 to index
      %get3A_187 = tpu.vector_load %arg13[%get3A_186] {strides = array<i32>} : memref<32832xi32, #tpu.memory_space<vmem>>, vector<16xi32>,
      %add3A_188 = arith.addi %add3A_183, %get3A_187 : vector<16xi32>
      %add3A_189 = arith.constant 20490 : i32
      %add3A_190 = arith.addi %add3A_189, %add3A_141 : i32
      %get3A_191 = arith.index_cast %add3A_190 : i32 to index
      %get3A_192 = tpu.vector_load %arg13[%get3A_191] {strides = array<i32>} : memref<32832xi32, #tpu.memory_space<vmem>>, vector<16xi32>,
      %add3A_193 = arith.addi %add3A_188, %get3A_192 : vector<16xi32>
      %add3A_194 = arith.constant 22539 : i32
      %add3A_195 = arith.addi %add3A_194, %add3A_141 : i32
      %get3A_196 = arith.index_cast %add3A_195 : i32 to index
      %get3A_197 = tpu.vector_load %arg13[%get3A_196] {strides = array<i32>} : memref<32832xi32, #tpu.memory_space<vmem>>, vector<16xi32>,
      %add3A_198 = arith.addi %add3A_193, %get3A_197 : vector<16xi32>
      %add3A_199 = arith.constant 24588 : i32
      %add3A_200 = arith.addi %add3A_199, %add3A_141 : i32
      %get3A_201 = arith.index_cast %add3A_200 : i32 to index
      %get3A_202 = tpu.vector_load %arg13[%get3A_201] {strides = array<i32>} : memref<32832xi32, #tpu.memory_space<vmem>>, vector<16xi32>,
      %add3A_203 = arith.addi %add3A_198, %get3A_202 : vector<16xi32>
      %add3A_204 = arith.constant 26637 : i32
      %add3A_205 = arith.addi %add3A_204, %add3A_141 : i32
      %get3A_206 = arith.index_cast %add3A_205 : i32 to index
      %get3A_207 = tpu.vector_load %arg13[%get3A_206] {strides = array<i32>} : memref<32832xi32, #tpu.memory_space<vmem>>, vector<16xi32>,
      %add3A_208 = arith.addi %add3A_203, %get3A_207 : vector<16xi32>
      %add3A_209 = arith.constant 28686 : i32
      %add3A_210 = arith.addi %add3A_209, %add3A_141 : i32
      %get3A_211 = arith.index_cast %add3A_210 : i32 to index
      %get3A_212 = tpu.vector_load %arg13[%get3A_211] {strides = array<i32>} : memref<32832xi32, #tpu.memory_space<vmem>>, vector<16xi32>,
      %add3A_213 = arith.addi %add3A_208, %get3A_212 : vector<16xi32>
      %add3A_214 = arith.constant 30735 : i32
      %add3A_215 = arith.addi %add3A_214, %add3A_141 : i32
      %get3A_216 = arith.index_cast %add3A_215 : i32 to index
      %get3A_217 = tpu.vector_load %arg13[%get3A_216] {strides = array<i32>} : memref<32832xi32, #tpu.memory_space<vmem>>, vector<16xi32>,
      %add3A_218 = arith.addi %add3A_213, %get3A_217 : vector<16xi32>
      %swap3A = arith.index_cast %add3A_141 : i32 to index
      %swap3A_219 = tpu.vector_load %arg14[%swap3A] {strides = array<i32>} : memref<2048xi32, #tpu.memory_space<vmem>>, vector<16xi32>,
      tpu.vector_store %arg14[%swap3A], %add3A_218 {strides = array<i32>} : memref<2048xi32, #tpu.memory_space<vmem>>, vector<16xi32>,
    }
    %scan3A_136 = arith.constant 128 : i32
    "tpu.region"() ({
      %run_scoped3A_137 = tpu.sem_alloc : memref<!tpu.dma_semaphore, #tpu.memory_space<semaphore_mem>>
      %dma_start3A_138 = arith.constant 0 : i32
      %dma_start3A_139 = tpu.memref_slice %arg4[%add3A, %dma_start3A_138] : memref<32x2048xi32, #tpu.memory_space<hbm>> -> memref<1x2048xi32, #tpu.memory_space<hbm>>
      %dma_start3A_140 = tpu.memref_squeeze %dma_start3A_139 : memref<1x2048xi32, #tpu.memory_space<hbm>> -> memref<2048xi32, #tpu.memory_space<hbm>>
      %dma_start3A_141 = arith.constant 0 : i32
      %dma_start3A_142 = tpu.memref_slice %arg4[%add3A, %dma_start3A_141] : memref<32x2048xi32, #tpu.memory_space<hbm>> -> memref<1x2048xi32, #tpu.memory_space<hbm>>
      %dma_start3A_143 = tpu.memref_squeeze %dma_start3A_142 : memref<1x2048xi32, #tpu.memory_space<hbm>> -> memref<2048xi32, #tpu.memory_space<hbm>>
      tpu.enqueue_dma source(%arg14 : memref<2048xi32, #tpu.memory_space<vmem>>) target(%dma_start3A_143 : memref<2048xi32, #tpu.memory_space<hbm>>) target_semaphore(%run_scoped3A_137 : memref<!tpu.dma_semaphore, #tpu.memory_space<semaphore_mem>>)
      %dma_wait3A_144 = arith.constant 0 : i32
      %dma_wait3A_145 = tpu.memref_slice %arg4[%add3A, %dma_wait3A_144] : memref<32x2048xi32, #tpu.memory_space<hbm>> -> memref<1x2048xi32, #tpu.memory_space<hbm>>
      %dma_wait3A_146 = tpu.memref_squeeze %dma_wait3A_145 : memref<1x2048xi32, #tpu.memory_space<hbm>> -> memref<2048xi32, #tpu.memory_space<hbm>>
      %dma_wait3A_147 = arith.constant 0 : i32
      %dma_wait3A_148 = tpu.memref_slice %arg4[%add3A, %dma_wait3A_147] : memref<32x2048xi32, #tpu.memory_space<hbm>> -> memref<1x2048xi32, #tpu.memory_space<hbm>>
      %dma_wait3A_149 = tpu.memref_squeeze %dma_wait3A_148 : memref<1x2048xi32, #tpu.memory_space<hbm>> -> memref<2048xi32, #tpu.memory_space<hbm>>
      tpu.wait_dma2 semaphore(%run_scoped3A_137 : memref<!tpu.dma_semaphore, #tpu.memory_space<semaphore_mem>>) src(%arg14 : memref<2048xi32, #tpu.memory_space<vmem>>) dst(%dma_wait3A_149 : memref<2048xi32, #tpu.memory_space<hbm>>)
      tpu.yield
    }) : () -> ()
    return
  }
}

module attributes {stable_mosaic.version = 14 : i64} {
  func.func @_search1_body(%arg0: memref<32x16x128xi32, #tpu.memory_space<vmem>>, %arg1: memref<1x16xi32, #tpu.memory_space<vmem>>, %arg2: memref<1x1xi32, #tpu.memory_space<vmem>>, %arg3: memref<1x1xi32, #tpu.memory_space<vmem>>) attributes {dimension_semantics = [], scalar_prefetch = 0 : i64, scratch_operands = 0 : i64, tpu.core_type = #tpu.core_type<tc>} {
    %get3A = arith.constant 0 : index
    %get3A_0 = arith.constant 0 : index
    %get3A_1 = arith.constant 0 : index
    %get3A_2 = vector.load %arg0[%get3A, %get3A_0, %get3A_1] : memref<32x16x128xi32, #tpu.memory_space<vmem>>, vector<32x16x128xi32>
    %reduce_sum3A = arith.constant dense<0> : vector<16x128xi32>
    %reduce_sum3A_3 = vector.multi_reduction <add>, %get3A_2, %reduce_sum3A [0] : vector<32x16x128xi32> to vector<16x128xi32>
    %broadcast_in_dim3A = arith.constant 0 : i32
    %broadcast_in_dim3A_4 = vector.broadcast %broadcast_in_dim3A : i32 to vector<16x1xi32>
    %slice3A = vector.extract_strided_slice %reduce_sum3A_3 {offsets = [0, 1], sizes = [16, 127], strides = [1, 1]} : vector<16x128xi32> to vector<16x127xi32>
    %concatenate3A = tpu.concatenate %slice3A, %broadcast_in_dim3A_4 in 1 : vector<16x127xi32>, vector<16x1xi32> -> vector<16x128xi32>
    %add3A = arith.addi %reduce_sum3A_3, %concatenate3A : vector<16x128xi32>
    %broadcast_in_dim3A_5 = arith.constant 0 : i32
    %broadcast_in_dim3A_6 = vector.broadcast %broadcast_in_dim3A_5 : i32 to vector<16x2xi32>
    %slice3A_7 = vector.extract_strided_slice %add3A {offsets = [0, 2], sizes = [16, 126], strides = [1, 1]} : vector<16x128xi32> to vector<16x126xi32>
    %concatenate3A_8 = tpu.concatenate %slice3A_7, %broadcast_in_dim3A_6 in 1 : vector<16x126xi32>, vector<16x2xi32> -> vector<16x128xi32>
    %add3A_9 = arith.addi %add3A, %concatenate3A_8 : vector<16x128xi32>
    %broadcast_in_dim3A_10 = arith.constant 0 : i32
    %broadcast_in_dim3A_11 = vector.broadcast %broadcast_in_dim3A_10 : i32 to vector<16x4xi32>
    %slice3A_12 = vector.extract_strided_slice %add3A_9 {offsets = [0, 4], sizes = [16, 124], strides = [1, 1]} : vector<16x128xi32> to vector<16x124xi32>
    %concatenate3A_13 = tpu.concatenate %slice3A_12, %broadcast_in_dim3A_11 in 1 : vector<16x124xi32>, vector<16x4xi32> -> vector<16x128xi32>
    %add3A_14 = arith.addi %add3A_9, %concatenate3A_13 : vector<16x128xi32>
    %broadcast_in_dim3A_15 = arith.constant 0 : i32
    %broadcast_in_dim3A_16 = vector.broadcast %broadcast_in_dim3A_15 : i32 to vector<16x8xi32>
    %slice3A_17 = vector.extract_strided_slice %add3A_14 {offsets = [0, 8], sizes = [16, 120], strides = [1, 1]} : vector<16x128xi32> to vector<16x120xi32>
    %concatenate3A_18 = tpu.concatenate %slice3A_17, %broadcast_in_dim3A_16 in 1 : vector<16x120xi32>, vector<16x8xi32> -> vector<16x128xi32>
    %add3A_19 = arith.addi %add3A_14, %concatenate3A_18 : vector<16x128xi32>
    %broadcast_in_dim3A_20 = arith.constant 0 : i32
    %broadcast_in_dim3A_21 = vector.broadcast %broadcast_in_dim3A_20 : i32 to vector<16x16xi32>
    %slice3A_22 = vector.extract_strided_slice %add3A_19 {offsets = [0, 16], sizes = [16, 112], strides = [1, 1]} : vector<16x128xi32> to vector<16x112xi32>
    %concatenate3A_23 = tpu.concatenate %slice3A_22, %broadcast_in_dim3A_21 in 1 : vector<16x112xi32>, vector<16x16xi32> -> vector<16x128xi32>
    %add3A_24 = arith.addi %add3A_19, %concatenate3A_23 : vector<16x128xi32>
    %broadcast_in_dim3A_25 = arith.constant 0 : i32
    %broadcast_in_dim3A_26 = vector.broadcast %broadcast_in_dim3A_25 : i32 to vector<16x32xi32>
    %slice3A_27 = vector.extract_strided_slice %add3A_24 {offsets = [0, 32], sizes = [16, 96], strides = [1, 1]} : vector<16x128xi32> to vector<16x96xi32>
    %concatenate3A_28 = tpu.concatenate %slice3A_27, %broadcast_in_dim3A_26 in 1 : vector<16x96xi32>, vector<16x32xi32> -> vector<16x128xi32>
    %add3A_29 = arith.addi %add3A_24, %concatenate3A_28 : vector<16x128xi32>
    %broadcast_in_dim3A_30 = arith.constant 0 : i32
    %broadcast_in_dim3A_31 = vector.broadcast %broadcast_in_dim3A_30 : i32 to vector<16x64xi32>
    %slice3A_32 = vector.extract_strided_slice %add3A_29 {offsets = [0, 64], sizes = [16, 64], strides = [1, 1]} : vector<16x128xi32> to vector<16x64xi32>
    %concatenate3A_33 = tpu.concatenate %slice3A_32, %broadcast_in_dim3A_31 in 1 : vector<16x64xi32>, vector<16x64xi32> -> vector<16x128xi32>
    %add3A_34 = arith.addi %add3A_29, %concatenate3A_33 : vector<16x128xi32>
    %reduce_sum3A_35 = arith.constant dense<0> : vector<16xi32>
    %reduce_sum3A_36 = vector.multi_reduction <add>, %reduce_sum3A_3, %reduce_sum3A_35 [1] : vector<16x128xi32> to vector<16xi32>
    %broadcast_in_dim3A_37 = vector.shape_cast %reduce_sum3A_36 : vector<16xi32> to vector<16x1xi32>
    %iota3A = tpu.iota {dimensions = array<i32: 0>} : vector<16x16xi32>
    %iota3A_38 = tpu.iota {dimensions = array<i32: 1>} : vector<16x16xi32>
    %gt3A = arith.cmpi sgt, %iota3A_38, %iota3A : vector<16x16xi32>
    %reshape3A = vector.shape_cast %broadcast_in_dim3A_37 : vector<16x1xi32> to vector<1x16xi32>
    %jit3A = arith.constant 0 : i32
    %broadcast_in_dim3A_39 = vector.shape_cast %reshape3A : vector<1x16xi32> to vector<1x16xi32>
    %broadcast_in_dim3A_40 = vector.broadcast %broadcast_in_dim3A_39 : vector<1x16xi32> to vector<16x16xi32>
    %broadcast_in_dim3A_41 = vector.broadcast %jit3A : i32 to vector<16x16xi32>
    %select_n3A = arith.select %gt3A, %broadcast_in_dim3A_40, %broadcast_in_dim3A_41 : vector<16x16xi1>, vector<16x16xi32>
    %reduce_sum3A_42 = arith.constant dense<0> : vector<16xi32>
    %reduce_sum3A_43 = vector.multi_reduction <add>, %select_n3A, %reduce_sum3A_42 [1] : vector<16x16xi32> to vector<16xi32>
    %broadcast_in_dim3A_44 = vector.shape_cast %reduce_sum3A_43 : vector<16xi32> to vector<16x1xi32>
    %add3A_45 = vector.broadcast %broadcast_in_dim3A_44 : vector<16x1xi32> to vector<16x128xi32>
    %add3A_46 = arith.addi %add3A_34, %add3A_45 : vector<16x128xi32>
    %ge3A = arith.constant 1468006 : i32
    %ge3A_47 = vector.broadcast %ge3A : i32 to vector<16x128xi32>
    %ge3A_48 = arith.cmpi sge, %add3A_46, %ge3A_47 : vector<16x128xi32>
    %convert_element_type3A = arith.extui %ge3A_48 : vector<16x128xi1> to vector<16x128xi32>
    %reduce_sum3A_49 = arith.constant dense<0> : vector<16xi32>
    %reduce_sum3A_50 = vector.multi_reduction <add>, %convert_element_type3A, %reduce_sum3A_49 [1] : vector<16x128xi32> to vector<16xi32>
    %broadcast_in_dim3A_51 = vector.shape_cast %reduce_sum3A_50 : vector<16xi32> to vector<16x1xi32>
    %reduce_sum3A_52 = arith.constant dense<0> : vector<1xi32>
    %reduce_sum3A_53 = vector.multi_reduction <add>, %broadcast_in_dim3A_51, %reduce_sum3A_52 [0] : vector<16x1xi32> to vector<1xi32>
    %broadcast_in_dim3A_54 = vector.shape_cast %reduce_sum3A_53 : vector<1xi32> to vector<1x1xi32>
    %iota3A_55 = tpu.iota {dimensions = array<i32: 0>} : vector<16x128xi32>
    %mul3A = arith.constant 128 : i32
    %mul3A_56 = vector.broadcast %mul3A : i32 to vector<16x128xi32>
    %mul3A_57 = arith.muli %iota3A_55, %mul3A_56 : vector<16x128xi32>
    %iota3A_58 = tpu.iota {dimensions = array<i32: 1>} : vector<16x128xi32>
    %add3A_59 = arith.addi %mul3A_57, %iota3A_58 : vector<16x128xi32>
    %eq3A = vector.broadcast %broadcast_in_dim3A_54 : vector<1x1xi32> to vector<16x128xi32>
    %eq3A_60 = arith.cmpi eq, %add3A_59, %eq3A : vector<16x128xi32>
    %jit3A_61 = arith.constant 0 : i32
    %broadcast_in_dim3A_62 = vector.broadcast %jit3A_61 : i32 to vector<16x128xi32>
    %select_n3A_63 = arith.select %eq3A_60, %add3A_46, %broadcast_in_dim3A_62 : vector<16x128xi1>, vector<16x128xi32>
    %reduce_sum3A_64 = arith.constant dense<0> : vector<16xi32>
    %reduce_sum3A_65 = vector.multi_reduction <add>, %select_n3A_63, %reduce_sum3A_64 [1] : vector<16x128xi32> to vector<16xi32>
    %broadcast_in_dim3A_66 = vector.shape_cast %reduce_sum3A_65 : vector<16xi32> to vector<16x1xi32>
    %reduce_sum3A_67 = arith.constant dense<0> : vector<1xi32>
    %reduce_sum3A_68 = vector.multi_reduction <add>, %broadcast_in_dim3A_66, %reduce_sum3A_67 [0] : vector<16x1xi32> to vector<1xi32>
    %broadcast_in_dim3A_69 = vector.shape_cast %reduce_sum3A_68 : vector<1xi32> to vector<1x1xi32>
    %sub3A = arith.constant 1 : i32
    %sub3A_70 = vector.broadcast %sub3A : i32 to vector<1x1xi32>
    %sub3A_71 = arith.subi %broadcast_in_dim3A_54, %sub3A_70 : vector<1x1xi32>
    %broadcast_in_dim3A_72 = vector.shape_cast %sub3A_71 : vector<1x1xi32> to vector<1x1xi32>
    %broadcast_in_dim3A_73 = vector.broadcast %broadcast_in_dim3A_72 : vector<1x1xi32> to vector<1x16xi32>
    %swap3A = arith.constant 0 : index
    %swap3A_74 = arith.constant 0 : index
    %swap3A_75 = vector.load %arg1[%swap3A, %swap3A_74] : memref<1x16xi32, #tpu.memory_space<vmem>>, vector<1x16xi32>
    tpu.vector_store %arg1[%swap3A, %swap3A_74], %broadcast_in_dim3A_73 {strides = array<i32>} : memref<1x16xi32, #tpu.memory_space<vmem>>, vector<1x16xi32>,
    %swap3A_76 = arith.constant 0 : index
    %swap3A_77 = arith.constant 0 : index
    %swap3A_78 = vector.load %arg2[%swap3A_76, %swap3A_77] : memref<1x1xi32, #tpu.memory_space<vmem>>, vector<1x1xi32>
    tpu.vector_store %arg2[%swap3A_76, %swap3A_77], %sub3A_71 {strides = array<i32>} : memref<1x1xi32, #tpu.memory_space<vmem>>, vector<1x1xi32>,
    %broadcast_in_dim3A_79 = arith.constant 1468006 : i32
    %broadcast_in_dim3A_80 = vector.broadcast %broadcast_in_dim3A_79 : i32 to vector<1x1xi32>
    %sub3A_81 = arith.subi %broadcast_in_dim3A_80, %broadcast_in_dim3A_69 : vector<1x1xi32>
    %swap3A_82 = arith.constant 0 : index
    %swap3A_83 = arith.constant 0 : index
    %swap3A_84 = vector.load %arg3[%swap3A_82, %swap3A_83] : memref<1x1xi32, #tpu.memory_space<vmem>>, vector<1x1xi32>
    tpu.vector_store %arg3[%swap3A_82, %swap3A_83], %sub3A_81 {strides = array<i32>} : memref<1x1xi32, #tpu.memory_space<vmem>>, vector<1x1xi32>,
    return
  }
}

module attributes {stable_mosaic.version = 14 : i64} {
  func.func @_nll_body(%arg0: i32, %arg1: i32, %arg2: memref<1x19x256x512xf32, #tpu.memory_space<vmem>>, %arg3: memref<1x256x512xi32, #tpu.memory_space<vmem>>, %arg4: memref<1x256x512xi32, #tpu.memory_space<vmem>>) attributes {dimension_semantics = [#tpu.dimension_semantics<arbitrary>, #tpu.dimension_semantics<arbitrary>], iteration_bounds = array<i64: 8, 2>, scalar_prefetch = 0 : i64, scratch_operands = 0 : i64, tpu.core_type = #tpu.core_type<tc>, window_params = [{transform_indices = @transform_0, window_bounds = array<i64: 1, 19, 256, 512>}, {transform_indices = @transform_1, window_bounds = array<i64: 1, 256, 512>}, {transform_indices = @transform_2, window_bounds = array<i64: 1, 256, 512>}]} {
    %get3A = arith.constant 0 : index
    %get3A_0 = arith.constant 0 : index
    %get3A_1 = arith.constant 0 : index
    %get3A_2 = arith.constant 0 : index
    %get3A_3 = vector.load %arg2[%get3A, %get3A_0, %get3A_1, %get3A_2] : memref<1x19x256x512xf32, #tpu.memory_space<vmem>>, vector<1x19x256x512xf32>
    %get3A_4 = vector.shape_cast %get3A_3 : vector<1x19x256x512xf32> to vector<19x256x512xf32>
    %exp3A = math.exp %get3A_4 : vector<19x256x512xf32>
    %reduce_sum3A = arith.constant dense<0.000000e+00> : vector<256x512xf32>
    %reduce_sum3A_5 = vector.multi_reduction <add>, %exp3A, %reduce_sum3A [0] : vector<19x256x512xf32> to vector<256x512xf32>
    %get3A_6 = arith.constant 0 : index
    %get3A_7 = arith.constant 0 : index
    %get3A_8 = arith.constant 0 : index
    %get3A_9 = vector.load %arg3[%get3A_6, %get3A_7, %get3A_8] : memref<1x256x512xi32, #tpu.memory_space<vmem>>, vector<1x256x512xi32>
    %get3A_10 = vector.shape_cast %get3A_9 : vector<1x256x512xi32> to vector<256x512xi32>
    %iota3A = tpu.iota {dimensions = array<i32: 0>} : vector<19x256x512xi32>
    %broadcast_in_dim3A = vector.shape_cast %get3A_10 : vector<256x512xi32> to vector<1x256x512xi32>
    %eq3A = vector.broadcast %broadcast_in_dim3A : vector<1x256x512xi32> to vector<19x256x512xi32>
    %eq3A_11 = arith.cmpi eq, %iota3A, %eq3A : vector<19x256x512xi32>
    %jit3A = arith.constant 0.000000e+00 : f32
    %broadcast_in_dim3A_12 = vector.broadcast %jit3A : f32 to vector<19x256x512xf32>
    %select_n3A = arith.select %eq3A_11, %get3A_4, %broadcast_in_dim3A_12 : vector<19x256x512xi1>, vector<19x256x512xf32>
    %reduce_sum3A_13 = arith.constant dense<0.000000e+00> : vector<256x512xf32>
    %reduce_sum3A_14 = vector.multi_reduction <add>, %select_n3A, %reduce_sum3A_13 [0] : vector<19x256x512xf32> to vector<256x512xf32>
    %log3A = math.log %reduce_sum3A_5 : vector<256x512xf32>
    %sub3A = arith.subf %log3A, %reduce_sum3A_14 : vector<256x512xf32>
    %max3A = arith.constant 0.000000e+00 : f32
    %max3A_15 = vector.broadcast %max3A : f32 to vector<256x512xf32>
    %max3A_16 = arith.maximumf %sub3A, %max3A_15 : vector<256x512xf32>
    %bitcast_convert_type3A = tpu.bitcast %max3A_16 : vector<256x512xf32> -> vector<256x512xi32>
    %swap3A = arith.constant 0 : index
    %swap3A_17 = arith.constant 0 : index
    %swap3A_18 = arith.constant 0 : index
    %swap3A_19 = vector.load %arg4[%swap3A, %swap3A_17, %swap3A_18] : memref<1x256x512xi32, #tpu.memory_space<vmem>>, vector<1x256x512xi32>
    %swap3A_20 = vector.shape_cast %swap3A_19 : vector<1x256x512xi32> to vector<256x512xi32>
    %swap3A_21 = vector.shape_cast %bitcast_convert_type3A : vector<256x512xi32> to vector<1x256x512xi32>
    tpu.vector_store %arg4[%swap3A, %swap3A_17, %swap3A_18], %swap3A_21 {strides = array<i32>} : memref<1x256x512xi32, #tpu.memory_space<vmem>>, vector<1x256x512xi32>,
    return
  }
  func.func @transform_0(%arg0: i32, %arg1: i32) -> (i32, i32, i32, i32) {
    %c0_i32 = arith.constant 0 : i32
    %c0_i32_0 = arith.constant 0 : i32
    %c0_i32_1 = arith.constant 0 : i32
    return %arg0, %c0_i32, %arg1, %c0_i32_0 : i32, i32, i32, i32
  }
  func.func @transform_1(%arg0: i32, %arg1: i32) -> (i32, i32, i32) {
    %c0_i32 = arith.constant 0 : i32
    %c0_i32_0 = arith.constant 0 : i32
    return %arg0, %arg1, %c0_i32 : i32, i32, i32
  }
  func.func @transform_2(%arg0: i32, %arg1: i32) -> (i32, i32, i32) {
    %c0_i32 = arith.constant 0 : i32
    %c0_i32_0 = arith.constant 0 : i32
    return %arg0, %arg1, %c0_i32 : i32, i32, i32
  }
}

module attributes {stable_mosaic.version = 14 : i64} {
  func.func @_search2_body(%arg0: memref<32x16x128xi32, #tpu.memory_space<vmem>>, %arg1: memref<4x512x512xi32, #tpu.memory_space<vmem>>, %arg2: memref<4x512x512xi32, #tpu.memory_space<vmem>>, %arg3: memref<1x1xi32, #tpu.memory_space<vmem>>, %arg4: memref<1x1xi32, #tpu.memory_space<vmem>>, %arg5: memref<1x1xf32, #tpu.memory_space<vmem>>) attributes {dimension_semantics = [], scalar_prefetch = 0 : i64, scratch_operands = 0 : i64, tpu.core_type = #tpu.core_type<tc>} {
    %get3A = arith.constant 0 : index
    %get3A_0 = arith.constant 0 : index
    %get3A_1 = arith.constant 0 : index
    %get3A_2 = vector.load %arg0[%get3A, %get3A_0, %get3A_1] : memref<32x16x128xi32, #tpu.memory_space<vmem>>, vector<32x16x128xi32>
    %reduce_sum3A = arith.constant dense<0> : vector<16x128xi32>
    %reduce_sum3A_3 = vector.multi_reduction <add>, %get3A_2, %reduce_sum3A [0] : vector<32x16x128xi32> to vector<16x128xi32>
    %broadcast_in_dim3A = arith.constant 0 : i32
    %broadcast_in_dim3A_4 = vector.broadcast %broadcast_in_dim3A : i32 to vector<16x1xi32>
    %slice3A = vector.extract_strided_slice %reduce_sum3A_3 {offsets = [0, 1], sizes = [16, 127], strides = [1, 1]} : vector<16x128xi32> to vector<16x127xi32>
    %concatenate3A = tpu.concatenate %slice3A, %broadcast_in_dim3A_4 in 1 : vector<16x127xi32>, vector<16x1xi32> -> vector<16x128xi32>
    %add3A = arith.addi %reduce_sum3A_3, %concatenate3A : vector<16x128xi32>
    %broadcast_in_dim3A_5 = arith.constant 0 : i32
    %broadcast_in_dim3A_6 = vector.broadcast %broadcast_in_dim3A_5 : i32 to vector<16x2xi32>
    %slice3A_7 = vector.extract_strided_slice %add3A {offsets = [0, 2], sizes = [16, 126], strides = [1, 1]} : vector<16x128xi32> to vector<16x126xi32>
    %concatenate3A_8 = tpu.concatenate %slice3A_7, %broadcast_in_dim3A_6 in 1 : vector<16x126xi32>, vector<16x2xi32> -> vector<16x128xi32>
    %add3A_9 = arith.addi %add3A, %concatenate3A_8 : vector<16x128xi32>
    %broadcast_in_dim3A_10 = arith.constant 0 : i32
    %broadcast_in_dim3A_11 = vector.broadcast %broadcast_in_dim3A_10 : i32 to vector<16x4xi32>
    %slice3A_12 = vector.extract_strided_slice %add3A_9 {offsets = [0, 4], sizes = [16, 124], strides = [1, 1]} : vector<16x128xi32> to vector<16x124xi32>
    %concatenate3A_13 = tpu.concatenate %slice3A_12, %broadcast_in_dim3A_11 in 1 : vector<16x124xi32>, vector<16x4xi32> -> vector<16x128xi32>
    %add3A_14 = arith.addi %add3A_9, %concatenate3A_13 : vector<16x128xi32>
    %broadcast_in_dim3A_15 = arith.constant 0 : i32
    %broadcast_in_dim3A_16 = vector.broadcast %broadcast_in_dim3A_15 : i32 to vector<16x8xi32>
    %slice3A_17 = vector.extract_strided_slice %add3A_14 {offsets = [0, 8], sizes = [16, 120], strides = [1, 1]} : vector<16x128xi32> to vector<16x120xi32>
    %concatenate3A_18 = tpu.concatenate %slice3A_17, %broadcast_in_dim3A_16 in 1 : vector<16x120xi32>, vector<16x8xi32> -> vector<16x128xi32>
    %add3A_19 = arith.addi %add3A_14, %concatenate3A_18 : vector<16x128xi32>
    %broadcast_in_dim3A_20 = arith.constant 0 : i32
    %broadcast_in_dim3A_21 = vector.broadcast %broadcast_in_dim3A_20 : i32 to vector<16x16xi32>
    %slice3A_22 = vector.extract_strided_slice %add3A_19 {offsets = [0, 16], sizes = [16, 112], strides = [1, 1]} : vector<16x128xi32> to vector<16x112xi32>
    %concatenate3A_23 = tpu.concatenate %slice3A_22, %broadcast_in_dim3A_21 in 1 : vector<16x112xi32>, vector<16x16xi32> -> vector<16x128xi32>
    %add3A_24 = arith.addi %add3A_19, %concatenate3A_23 : vector<16x128xi32>
    %broadcast_in_dim3A_25 = arith.constant 0 : i32
    %broadcast_in_dim3A_26 = vector.broadcast %broadcast_in_dim3A_25 : i32 to vector<16x32xi32>
    %slice3A_27 = vector.extract_strided_slice %add3A_24 {offsets = [0, 32], sizes = [16, 96], strides = [1, 1]} : vector<16x128xi32> to vector<16x96xi32>
    %concatenate3A_28 = tpu.concatenate %slice3A_27, %broadcast_in_dim3A_26 in 1 : vector<16x96xi32>, vector<16x32xi32> -> vector<16x128xi32>
    %add3A_29 = arith.addi %add3A_24, %concatenate3A_28 : vector<16x128xi32>
    %broadcast_in_dim3A_30 = arith.constant 0 : i32
    %broadcast_in_dim3A_31 = vector.broadcast %broadcast_in_dim3A_30 : i32 to vector<16x64xi32>
    %slice3A_32 = vector.extract_strided_slice %add3A_29 {offsets = [0, 64], sizes = [16, 64], strides = [1, 1]} : vector<16x128xi32> to vector<16x64xi32>
    %concatenate3A_33 = tpu.concatenate %slice3A_32, %broadcast_in_dim3A_31 in 1 : vector<16x64xi32>, vector<16x64xi32> -> vector<16x128xi32>
    %add3A_34 = arith.addi %add3A_29, %concatenate3A_33 : vector<16x128xi32>
    %reduce_sum3A_35 = arith.constant dense<0> : vector<16xi32>
    %reduce_sum3A_36 = vector.multi_reduction <add>, %reduce_sum3A_3, %reduce_sum3A_35 [1] : vector<16x128xi32> to vector<16xi32>
    %broadcast_in_dim3A_37 = vector.shape_cast %reduce_sum3A_36 : vector<16xi32> to vector<16x1xi32>
    %iota3A = tpu.iota {dimensions = array<i32: 0>} : vector<16x16xi32>
    %iota3A_38 = tpu.iota {dimensions = array<i32: 1>} : vector<16x16xi32>
    %gt3A = arith.cmpi sgt, %iota3A_38, %iota3A : vector<16x16xi32>
    %reshape3A = vector.shape_cast %broadcast_in_dim3A_37 : vector<16x1xi32> to vector<1x16xi32>
    %jit3A = arith.constant 0 : i32
    %broadcast_in_dim3A_39 = vector.shape_cast %reshape3A : vector<1x16xi32> to vector<1x16xi32>
    %broadcast_in_dim3A_40 = vector.broadcast %broadcast_in_dim3A_39 : vector<1x16xi32> to vector<16x16xi32>
    %broadcast_in_dim3A_41 = vector.broadcast %jit3A : i32 to vector<16x16xi32>
    %select_n3A = arith.select %gt3A, %broadcast_in_dim3A_40, %broadcast_in_dim3A_41 : vector<16x16xi1>, vector<16x16xi32>
    %reduce_sum3A_42 = arith.constant dense<0> : vector<16xi32>
    %reduce_sum3A_43 = vector.multi_reduction <add>, %select_n3A, %reduce_sum3A_42 [1] : vector<16x16xi32> to vector<16xi32>
    %broadcast_in_dim3A_44 = vector.shape_cast %reduce_sum3A_43 : vector<16xi32> to vector<16x1xi32>
    %add3A_45 = vector.broadcast %broadcast_in_dim3A_44 : vector<16x1xi32> to vector<16x128xi32>
    %add3A_46 = arith.addi %add3A_34, %add3A_45 : vector<16x128xi32>
    %get3A_47 = arith.constant 0 : index
    %get3A_48 = arith.constant 0 : index
    %get3A_49 = vector.load %arg4[%get3A_47, %get3A_48] : memref<1x1xi32, #tpu.memory_space<vmem>>, vector<1x1xi32>
    %ge3A = vector.broadcast %get3A_49 : vector<1x1xi32> to vector<16x128xi32>
    %ge3A_50 = arith.cmpi sge, %add3A_46, %ge3A : vector<16x128xi32>
    %convert_element_type3A = arith.extui %ge3A_50 : vector<16x128xi1> to vector<16x128xi32>
    %reduce_sum3A_51 = arith.constant dense<0> : vector<16xi32>
    %reduce_sum3A_52 = vector.multi_reduction <add>, %convert_element_type3A, %reduce_sum3A_51 [1] : vector<16x128xi32> to vector<16xi32>
    %broadcast_in_dim3A_53 = vector.shape_cast %reduce_sum3A_52 : vector<16xi32> to vector<16x1xi32>
    %reduce_sum3A_54 = arith.constant dense<0> : vector<1xi32>
    %reduce_sum3A_55 = vector.multi_reduction <add>, %broadcast_in_dim3A_53, %reduce_sum3A_54 [0] : vector<16x1xi32> to vector<1xi32>
    %broadcast_in_dim3A_56 = vector.shape_cast %reduce_sum3A_55 : vector<1xi32> to vector<1x1xi32>
    %iota3A_57 = tpu.iota {dimensions = array<i32: 0>} : vector<16x128xi32>
    %mul3A = arith.constant 128 : i32
    %mul3A_58 = vector.broadcast %mul3A : i32 to vector<16x128xi32>
    %mul3A_59 = arith.muli %iota3A_57, %mul3A_58 : vector<16x128xi32>
    %iota3A_60 = tpu.iota {dimensions = array<i32: 1>} : vector<16x128xi32>
    %add3A_61 = arith.addi %mul3A_59, %iota3A_60 : vector<16x128xi32>
    %eq3A = vector.broadcast %broadcast_in_dim3A_56 : vector<1x1xi32> to vector<16x128xi32>
    %eq3A_62 = arith.cmpi eq, %add3A_61, %eq3A : vector<16x128xi32>
    %jit3A_63 = arith.constant 0 : i32
    %broadcast_in_dim3A_64 = vector.broadcast %jit3A_63 : i32 to vector<16x128xi32>
    %select_n3A_65 = arith.select %eq3A_62, %add3A_46, %broadcast_in_dim3A_64 : vector<16x128xi1>, vector<16x128xi32>
    %reduce_sum3A_66 = arith.constant dense<0> : vector<16xi32>
    %reduce_sum3A_67 = vector.multi_reduction <add>, %select_n3A_65, %reduce_sum3A_66 [1] : vector<16x128xi32> to vector<16xi32>
    %broadcast_in_dim3A_68 = vector.shape_cast %reduce_sum3A_67 : vector<16xi32> to vector<16x1xi32>
    %reduce_sum3A_69 = arith.constant dense<0> : vector<1xi32>
    %reduce_sum3A_70 = vector.multi_reduction <add>, %broadcast_in_dim3A_68, %reduce_sum3A_69 [0] : vector<16x1xi32> to vector<1xi32>
    %broadcast_in_dim3A_71 = vector.shape_cast %reduce_sum3A_70 : vector<1xi32> to vector<1x1xi32>
    %sub3A = arith.constant 1 : i32
    %sub3A_72 = vector.broadcast %sub3A : i32 to vector<1x1xi32>
    %sub3A_73 = arith.subi %broadcast_in_dim3A_56, %sub3A_72 : vector<1x1xi32>
    %get3A_74 = arith.constant 0 : index
    %get3A_75 = arith.constant 0 : index
    %get3A_76 = vector.load %arg3[%get3A_74, %get3A_75] : memref<1x1xi32, #tpu.memory_space<vmem>>, vector<1x1xi32>
    %shift_left3A = arith.constant 11 : i32
    %shift_left3A_77 = vector.broadcast %shift_left3A : i32 to vector<1x1xi32>
    %shift_left3A_78 = arith.shli %get3A_76, %shift_left3A_77 : vector<1x1xi32>
    %or3A = arith.ori %shift_left3A_78, %sub3A_73 : vector<1x1xi32>
    %sub3A_79 = arith.subi %get3A_49, %broadcast_in_dim3A_71 : vector<1x1xi32>
    %shift_left3A_80 = arith.constant 9 : i32
    %shift_left3A_81 = vector.broadcast %shift_left3A_80 : i32 to vector<1x1xi32>
    %shift_left3A_82 = arith.shli %or3A, %shift_left3A_81 : vector<1x1xi32>
    %bitcast_convert_type3A = tpu.bitcast %shift_left3A_82 : vector<1x1xi32> -> vector<1x1xf32>
    %get3A_83 = arith.constant 0 : index
    %get3A_84 = arith.constant 0 : index
    %get3A_85 = arith.constant 0 : index
    %get3A_86 = vector.load %arg1[%get3A_83, %get3A_84, %get3A_85] : memref<4x512x512xi32, #tpu.memory_space<vmem>>, vector<4x512x512xi32>
    %shift_right_logical3A = arith.constant 9 : i32
    %shift_right_logical3A_87 = vector.broadcast %shift_right_logical3A : i32 to vector<4x512x512xi32>
    %shift_right_logical3A_88 = arith.shrui %get3A_86, %shift_right_logical3A_87 : vector<4x512x512xi32>
    %reshape3A_89 = vector.shape_cast %or3A : vector<1x1xi32> to vector<1x1x1xi32>
    %gt3A_90 = vector.broadcast %reshape3A_89 : vector<1x1x1xi32> to vector<4x512x512xi32>
    %gt3A_91 = arith.cmpi sgt, %shift_right_logical3A_88, %gt3A_90 : vector<4x512x512xi32>
    %bitcast_convert_type3A_92 = tpu.bitcast %get3A_86 : vector<4x512x512xi32> -> vector<4x512x512xf32>
    %jit3A_93 = arith.constant 0.000000e+00 : f32
    %broadcast_in_dim3A_94 = vector.broadcast %jit3A_93 : f32 to vector<4x512x512xf32>
    %select_n3A_95 = arith.select %gt3A_91, %bitcast_convert_type3A_92, %broadcast_in_dim3A_94 : vector<4x512x512xi1>, vector<4x512x512xf32>
    %reduce_sum3A_96 = arith.constant dense<0.000000e+00> : vector<4x512xf32>
    %reduce_sum3A_97 = vector.multi_reduction <add>, %select_n3A_95, %reduce_sum3A_96 [2] : vector<4x512x512xf32> to vector<4x512xf32>
    %broadcast_in_dim3A_98 = vector.shape_cast %reduce_sum3A_97 : vector<4x512xf32> to vector<4x512x1xf32>
    %reduce_sum3A_99 = arith.constant dense<0.000000e+00> : vector<4x1xf32>
    %reduce_sum3A_100 = vector.multi_reduction <add>, %broadcast_in_dim3A_98, %reduce_sum3A_99 [1] : vector<4x512x1xf32> to vector<4x1xf32>
    %broadcast_in_dim3A_101 = vector.shape_cast %reduce_sum3A_100 : vector<4x1xf32> to vector<4x1x1xf32>
    %reduce_sum3A_102 = arith.constant dense<0.000000e+00> : vector<1x1xf32>
    %reduce_sum3A_103 = vector.multi_reduction <add>, %broadcast_in_dim3A_101, %reduce_sum3A_102 [0] : vector<4x1x1xf32> to vector<1x1xf32>
    %get3A_104 = arith.constant 0 : index
    %get3A_105 = arith.constant 0 : index
    %get3A_106 = arith.constant 0 : index
    %get3A_107 = vector.load %arg2[%get3A_104, %get3A_105, %get3A_106] : memref<4x512x512xi32, #tpu.memory_space<vmem>>, vector<4x512x512xi32>
    %shift_right_logical3A_108 = arith.constant 9 : i32
    %shift_right_logical3A_109 = vector.broadcast %shift_right_logical3A_108 : i32 to vector<4x512x512xi32>
    %shift_right_logical3A_110 = arith.shrui %get3A_107, %shift_right_logical3A_109 : vector<4x512x512xi32>
    %reshape3A_111 = vector.shape_cast %or3A : vector<1x1xi32> to vector<1x1x1xi32>
    %gt3A_112 = vector.broadcast %reshape3A_111 : vector<1x1x1xi32> to vector<4x512x512xi32>
    %gt3A_113 = arith.cmpi sgt, %shift_right_logical3A_110, %gt3A_112 : vector<4x512x512xi32>
    %bitcast_convert_type3A_114 = tpu.bitcast %get3A_107 : vector<4x512x512xi32> -> vector<4x512x512xf32>
    %jit3A_115 = arith.constant 0.000000e+00 : f32
    %broadcast_in_dim3A_116 = vector.broadcast %jit3A_115 : f32 to vector<4x512x512xf32>
    %select_n3A_117 = arith.select %gt3A_113, %bitcast_convert_type3A_114, %broadcast_in_dim3A_116 : vector<4x512x512xi1>, vector<4x512x512xf32>
    %reduce_sum3A_118 = arith.constant dense<0.000000e+00> : vector<4x512xf32>
    %reduce_sum3A_119 = vector.multi_reduction <add>, %select_n3A_117, %reduce_sum3A_118 [2] : vector<4x512x512xf32> to vector<4x512xf32>
    %broadcast_in_dim3A_120 = vector.shape_cast %reduce_sum3A_119 : vector<4x512xf32> to vector<4x512x1xf32>
    %reduce_sum3A_121 = arith.constant dense<0.000000e+00> : vector<4x1xf32>
    %reduce_sum3A_122 = vector.multi_reduction <add>, %broadcast_in_dim3A_120, %reduce_sum3A_121 [1] : vector<4x512x1xf32> to vector<4x1xf32>
    %broadcast_in_dim3A_123 = vector.shape_cast %reduce_sum3A_122 : vector<4x1xf32> to vector<4x1x1xf32>
    %reduce_sum3A_124 = arith.constant dense<0.000000e+00> : vector<1x1xf32>
    %reduce_sum3A_125 = vector.multi_reduction <add>, %broadcast_in_dim3A_123, %reduce_sum3A_124 [0] : vector<4x1x1xf32> to vector<1x1xf32>
    %add3A_126 = arith.addf %reduce_sum3A_103, %reduce_sum3A_125 : vector<1x1xf32>
    %convert_element_type3A_127 = arith.sitofp %sub3A_79 : vector<1x1xi32> to vector<1x1xf32>
    %mul3A_128 = arith.mulf %convert_element_type3A_127, %bitcast_convert_type3A : vector<1x1xf32>
    %add3A_129 = arith.addf %add3A_126, %mul3A_128 : vector<1x1xf32>
    %div3A = arith.constant 0x49B33330 : f32
    %div3A_130 = vector.broadcast %div3A : f32 to vector<1x1xf32>
    %div3A_131 = arith.divf %add3A_129, %div3A_130 : vector<1x1xf32>
    %swap3A = arith.constant 0 : index
    %swap3A_132 = arith.constant 0 : index
    %swap3A_133 = vector.load %arg5[%swap3A, %swap3A_132] : memref<1x1xf32, #tpu.memory_space<vmem>>, vector<1x1xf32>
    tpu.vector_store %arg5[%swap3A, %swap3A_132], %div3A_131 {strides = array<i32>} : memref<1x1xf32, #tpu.memory_space<vmem>>, vector<1x1xf32>,
    return
  }
}

</mosaic_0001>

<sc_bundles>
// kernel: kernel.10.cloned.1.call-start
scs
__scs_entry_jumppad:
0x0: {  	(pc) =	sbr.rel $0x88, $3  }
0x1: {  	(tag) =	ssettag $0x0;
	lr =	simm.s32 $0x1  }
0x2: {  	[smem:$0x3F9F] =	sst lr;
	_ =	strace $0xD0000000  }
0x3: {  	_ = 	snop  }
0x4: {  	_ = 	snop  }
0x5: {  	_ = 	snop  }
0x6: {  	_ = 	snop  }
0x7: {  	_ = 	snop  }
__scs_overlays_trampoline_lowered:
0x8: {  	[smem:$0x3FAE] =	sst s0  }
0x9: {  	[smem:$0x3FAF] =	sst s1  }
0xa: {  	[smem:$0x3FB0] =	sst s2  }
0xb: {  	[smem:$0x3FB1] =	sst s3  }
0xc: {  	[smem:$0x3FB2] =	sst s4  }
0xd: {  	[smem:$0x3FB3] =	sst s5  }
0xe: {  	[smem:$0x3FB4] =	sst s6  }
0xf: {  	[smem:$0x3FB5] =	sst s7  }
0x10: {  	[smem:$0x3FB6] =	sst s8  }
0x11: {  	[smem:$0x3FB7] =	sst s9;
	s0 =	simm.s32 @!p0 $0x0  }
0x12: {  	s1 =	sld [smem:$0x3F9D];
	s0 =	simm.s32 @p0 $0x1  }
0x13: {  	[smem:$0x3FB8] =	sst s0;
	s0 =	simm.s32 @!p1 $0x0  }
0x14: {  	s2 =	sld [smem:$0x3F9C];
	s0 =	simm.s32 @p1 $0x1  }
0x15: {  	[smem:$0x3FB9] =	sst s0;
	s0 =	simm.s32 @!p2 $0x0  }
0x16: {  	s3 =	sld [smem:$0x3FDB];
	s0 =	simm.s32 @p2 $0x1  }
0x17: {  	s4 =	simm.s32 $0x1BF5;
	[smem:$0x3FBB] =	sst s0  }
0x18: {  	s0 =	sld [smem:$0x3F9E];
	_ =	swait.ge [sflag:s4], $0x0  }
0x19: {  	s7 =	sld [smem:$0x3F9F]  }
0x1a: {  	s8 =	sadd.s32 $0xFFFFE003, lr  }
0x1b: {  	s9 =	sadd.s32 $0xFFFFFEF7, lr;
	s5 =	simm.s32 $0xFFFFFFFF;
	p2 =	slt.u32 s8, $0xFFFFF086  }
0x1c: {  	p1 =	slt.u32 s9, $0xF7A;
	s5 =	simm.s32 @!p2 $0x0  }
0x1d: {  	s5 =	simm.s32 @p1 $0x1;
	p0 =	seq.s32 s7, s2  }
0x1e: {  	s7 =	smul.u32 @!p0 $0xF7A, s2;
	p2 =	seq.s32 @!p0 s5, $0x0  }
0x1f: {  	s9 =	smul.u32 $0xF7A, s1;
	s8 =	simm.s32 @!p0 $0x1BF5;
	p2 =	por !p2, p0  }
0x20: {  	[sflag:s8] =	ssyncset.s32 @!p0 $0xFFFFF086;
	s6 =	sadd.s32 @!p0 s3, s7;
	s7 =	simm.s32 @!p0 $0x108  }
0x21: {  	s3 =	sadd.s32 s3, s9;
	s6 =	sadd.s32 @!p0 $0x88, s6;
	s7 =	simm.s32 @p2 $0x1082  }
0x22: {  	[simem:s7], [sflag:s8] =	dma.local @!p0 [hbm:s6], $0xF7A  }
0x23: {  	s9 =	sor.u32 $0xD0000000, s2;
	s6 =	simm.s32 $0x108;
	_ =	swait.ge @!p0 [sflag:s8], $0x0  }
0x24: {  	s3 =	sadd.s32 $0x88, s3;
	s6 =	simm.s32 @!p1 $0x1082;
	[sflag:s4] =	ssyncset.s32 $0xFFFFF086  }
0x25: {  	[simem:s6], [sflag:s4] =	dma.local [hbm:s3], $0xF7A  }
0x26: {  	[smem:$0x3F9F] =	sst s1;
	(tag) =	ssettag s2;
	_ =	strace s9  }
0x27: {  	s1 =	sld [smem:$0x3FAF]  }
0x28: {  	s2 =	sld [smem:$0x3FB0]  }
0x29: {  	s4 =	sld [smem:$0x3FB2]  }
0x2a: {  	p0 =	seq.s32 s5, $0x0;
	s5 =	sld [smem:$0x3FB3]  }
0x2b: {  	s6 =	sld [smem:$0x3FB4]  }
0x2c: {  	s7 =	sld [smem:$0x3FB5]  }
0x2d: {  	s3 =	simm.s32 $0x108;
	s8 =	sld [smem:$0x3FB6]  }
0x2e: {  	s3 =	simm.s32 @!p0 $0x1082;
	s9 =	sld [smem:$0x3FB7]  }
0x2f: {  	lr =	sadd.s32 s0, s3;
	s0 =	sld [smem:$0x3FAE]  }
0x30: {  	s3 =	sld [smem:$0x3FB1]  }
0x31: {  	[smem:$0x3FBA] =	sst s10  }
0x32: {  	s10 =	sld [smem:$0x3FB8];
	_ =	sdelay $0x3  }
0x33: {  	p0 =	seq.s32 s10, $0x1;
	s10 =	sld [smem:$0x3FBA];
	_ =	sdelay $0x3  }
0x34: {  	[smem:$0x3FBA] =	sst s10  }
0x35: {  	s10 =	sld [smem:$0x3FB9];
	_ =	sdelay $0x3  }
0x36: {  	p1 =	seq.s32 s10, $0x1;
	s10 =	sld [smem:$0x3FBA];
	_ =	sdelay $0x3  }
0x37: {  	[smem:$0x3FBA] =	sst s10  }
0x38: {  	s10 =	sld [smem:$0x3FBB]  }
0x39: {  	_ = 	snop;
	(pc) =	sbr.ind lr, $3  }
0x3a: {  	_ = 	snop  }
0x3b: {  	_ = 	snop  }
0x3c: {  	p2 =	seq.s32 s10, $0x1;
	s10 =	sld [smem:$0x3FBA]  }
0x3d: {  	_ =	shalt  }
0x3e: {  	_ =	shalt  }
0x3f: {  	_ =	shalt  }
0x40: {  	_ =	shalt  }
0x41: {  	_ =	shalt  }
0x42: {  	_ =	shalt  }
0x43: {  	_ =	shalt  }
0x44: {  	_ =	shalt  }
0x45: {  	_ =	shalt  }
0x46: {  	_ =	shalt  }
0x47: {  	_ =	shalt  }
0x48: {  	_ =	shalt  }
0x49: {  	_ =	shalt  }
0x4a: {  	_ =	shalt  }
0x4b: {  	_ =	shalt  }
0x4c: {  	_ =	shalt  }
0x4d: {  	_ =	shalt  }
0x4e: {  	_ =	shalt  }
0x4f: {  	_ =	shalt  }
0x50: {  	_ =	shalt  }
0x51: {  	_ =	shalt  }
0x52: {  	_ =	shalt  }
0x53: {  	_ =	shalt  }
0x54: {  	_ =	shalt  }
0x55: {  	_ =	shalt  }
0x56: {  	_ =	shalt  }
0x57: {  	_ =	shalt  }
0x58: {  	_ =	shalt  }
0x59: {  	_ =	shalt  }
0x5a: {  	_ =	shalt  }
0x5b: {  	_ =	shalt  }
0x5c: {  	_ =	shalt  }
0x5d: {  	_ =	shalt  }
0x5e: {  	_ =	shalt  }
0x5f: {  	_ =	shalt  }
0x60: {  	_ =	shalt  }
0x61: {  	_ =	shalt  }
0x62: {  	_ =	shalt  }
0x63: {  	_ =	shalt  }
0x64: {  	_ =	shalt  }
0x65: {  	_ =	shalt  }
0x66: {  	_ =	shalt  }
0x67: {  	_ =	shalt  }
0x68: {  	_ =	shalt  }
0x69: {  	_ =	shalt  }
0x6a: {  	_ =	shalt  }
0x6b: {  	_ =	shalt  }
0x6c: {  	_ =	shalt  }
0x6d: {  	_ =	shalt  }
0x6e: {  	_ =	shalt  }
0x6f: {  	_ =	shalt  }
0x70: {  	_ =	shalt  }
0x71: {  	_ =	shalt  }
0x72: {  	_ =	shalt  }
0x73: {  	_ =	shalt  }
0x74: {  	_ =	shalt  }
0x75: {  	_ =	shalt  }
0x76: {  	_ =	shalt  }
0x77: {  	_ =	shalt  }
0x78: {  	_ =	shalt  }
0x79: {  	_ =	shalt  }
0x7a: {  	_ =	shalt  }
0x7b: {  	_ =	shalt  }
0x7c: {  	_ =	shalt  }
0x7d: {  	_ =	shalt  }
0x7e: {  	_ =	shalt  }
0x7f: {  	_ =	shalt  }
0x80: {  	_ =	shalt  }
0x81: {  	_ =	shalt  }
0x82: {  	_ =	shalt  }
0x83: {  	_ =	shalt  }
0x84: {  	_ =	shalt  }
0x85: {  	_ =	shalt  }
0x86: {  	_ =	shalt  }
0x87: {  	_ =	shalt  }
.Lfunc_end0:
.L_simem_size_0:
called_computation.1_lowered:
.L_overlay_start_0:
0x88: {  	s2 =	sld [smem:$0x3FD9]  }
0x89: {  	s3 =	sld [smem:$0x3FFE];
	_ =	sdelay $0x1  }
0x8a: {  	s1 =	srdreg.scid  }
0x8b: {  	s0 =	sand.u32 $0x1, s1  }
0x8c: {  	s17 =	sshll.u32 s0, $0xA;
	s2 =	sadd.s32 s3, s2  }
0x8d: {  	s2 =	sadd.s32 s2, s17  }
0x8e: {  	[smem:$0x3FC6] =	sst s2  }
0x8f: {  	_ = 	snop  }
0x90: {  	s2 =	sld [smem:$0x3FD0];
	(tm) =	ssettm $0x1  }
0x91: {  	s18 =	sld [smem:$0x3FFB];
	_ =	sdelay $0x3  }
0x92: {  	_ =	strace s18  }
0x93: {  	s3 =	sld [smem:$0x3FFC];
	_ =	sdelay $0x3  }
0x94: {  	_ =	strace s3  }
0x95: {  	s3 =	sld [smem:$0x3FFD];
	_ =	sdelay $0x3  }
0x96: {  	_ =	strace s3  }
0x97: {  	_ =	strace $0x8FFFFFFF  }
0x98: {  	s19 =	sld [smem:$0x3FDB];
	_ =	sdelay $0x1  }
0x99: {  	s4 =	simm.s32 $_scs_section_size  }
0x9a: {  	s5 =	simm.s32 $_size__tile_overlayer_lowered;
	s6 =	simm.s32 $_tile_overlayer_lowered  }
0x9b: {  	s22 =	simm.s32 $0x1BFF;
	s21 =	sshll.u32 s6, $0x1;
	s3 =	sadd.s32 s4, s19  }
0x9c: {  	s7 =	simm.s32 $0x0;
	s20 =	sshll.u32 s5, $0x1;
	s5 =	sadd.s32 s21, s3  }
0x9d: {  	[timem:s7], [sflag:s22] =	dma.local [hbm:s5], s20  }
0x9e: {  	_ =	swait.ge [sflag:s22], s20  }
0x9f: {  	s4 =	ssub.s32 $0x0, s20;
	[sflag:s22] =	ssyncset.done $0x0  }
0xa0: {  	[sflag:s22] =	ssyncadd.s32 s4;
	_ =	sdelay $0x1  }
0xa1: {  	s23 =	simm.s32 $0x1B8B  }
0xa2: {  	_ =	swait.ge [sflag:s23], $0x1  }
0xa3: {  	[sflag:s23] =	ssyncset.done $0x0  }
0xa4: {  	s25 =	simm.s32 $0x1B8E;
	s24 =	sld [smem:$0x3FFE];
	[sflag:s23] =	ssyncadd.s32 $0xFFFFFFFF  }
0xa5: {  	s26 =	simm.s32 $execute0_lowered;
	[smem:$0x3FD2] =	sst s25  }
0xa6: {  	s5 =	sshll.u32 s26, $0x1;
	_ =	strace $0x80000049;
	[dreg:$0x1] =	wrdreg $0xFFFFFFFF  }
0xa7: {  	s28 =	simm.s32 $_size_execute0_lowered;
	s3 =	sadd.s32 s3, s5;
	[dreg:$0x0] =	wrdreg $0x0  }
0xa8: {  	s5 =	sshll.u32 s28, $0x1;
	[dreg:$0x2] =	wrdreg s3  }
0xa9: {  	[dreg:$0x3] =	wrdreg s5  }
0xaa: {  	[dreg:$0x4] =	wrdreg $0xC0  }
0xab: {  	_ =	task [dreg:s7], $0x5FFFF  }
0xac: {  	[dreg:$0x1] =	wrdreg $0xFFFFFFFF  }
0xad: {  	[dreg:$0x0] =	wrdreg $0x60  }
0xae: {  	[dreg:$0x2] =	wrdreg s24  }
0xaf: {  	[dreg:$0x3] =	wrdreg s2  }
0xb0: {  	[dreg:$0x4] =	wrdreg $0x9  }
0xb1: {  	_ =	task.clear_ibuf [dreg:s7], $0x5FFFF;
	_ =	strace $0x90000049  }
0xb2: {  	s29 =	simm.s32 $0x9;
	_ =	strace $0x8000004B  }
0xb3: {  	_ =	swait.ge [sflag:s29], $0x1  }
0xb4: {  	[sflag:s29] =	ssyncadd.s32 $0xFFFFFFFF  }
0xb5: {  	_ =	strace $0x9000004B  }
0xb6: {  	_ =	sfence  }
0xb7: {  	s30 =	sld [smem:$0x0];
	_ =	sdelay $0x2  }
0xb8: {  	s31 =	sshll.u32 s1, $0xD;
	s1 =	sshrl.u32 s1, $0x2  }
0xb9: {  	s3 =	sand.u32 $0x4000, s31;
	s1 =	sadd.s32 s1, s30  }
0xba: {  	s0 =	sor.u32 s3, s0;
	s1 =	sshll.u32 s1, $0x11  }
0xbb: {  	s0 =	sor.u32 s1, s0  }
0xbc: {  	s0 =	sadd.s32 $0x8F2B, s0  }
0xbd: {  	[sflag:s0] =	ssyncadd.remote.s32 $0x1  }
0xbe: {  	_ =	sfence.sel $0xFFFF  }
0xbf: {  	[dreg:$0x0] =	wrdreg $0xFFFFFFFF;
	(pc) =	sbr.abs _section_cstart, $3  }
0xc0: {  	[dreg:$0x1] =	wrdreg $0xFFFFFFFF  }
0xc1: {  	_ =	task.clear_ibuf [dreg:s7], $0x2FFFF;
	_ =	strace $0x9FFFFFFF  }
0xc2: {  	(tm) =	ssettm $0x7FFFFFFF  }
0xc3: {  	_ =	shalt  }
tec
execute0_lowered:
.L_overlay_start_1:
0x0: {  	(tag) =	ssettag $0x1  }
0x1: {  	s0 =	rddreg [dreg:$0x0];
	s2 =	srdreg.scid;
	s3 =	simm.s32 $0x0  }
0x2: {  	s1 =	stileid.u32;
	s14 =	simm.s32 $0x18880;
	s15 =	simm.s32 $0x2  }
0x3: {  	s16 =	simm.s32 $0x2000;
	s17 =	simm.s32 $0x4000;
	s18 =	simm.s32 $0x6000  }
0x4: {  	s19 =	simm.s32 $0x8000;
	s20 =	simm.s32 $0xA000;
	s21 =	simm.s32 $0xC000  }
0x5: {  	s22 =	simm.s32 $0xE000;
	s23 =	simm.s32 $0x1;
	s24 =	simm.s32 $0x10000  }
0x6: {  	s25 =	simm.s32 $0x80;
	s26 =	simm.s32 $0x400;
	s28 =	simm.s32 $0x18080  }
0x7: {  	s29 =	simm.s32 $0x0;
	s2 =	sand.u32 $0x1, s2;
	[smem:$0x7FF] =	sst s3  }
0x8: {  	s5 =	sshll.u32 s1, $0x4;
	s4 =	sshll.u32 s2, $0x4;
	s2 =	ssub.s32 $0x2, s2  }
0x9: {  	_ =	strace $0x8000004A;
	s7 =	sor.u32 s1, s4;
	s31 =	sshrl.u32 s2, $0x1  }
0xa: {  	s30 =	sand.u32 $0x70, s5;
	s4 =	sshll.u32 s7, $0xD;
	s2 =	ssub.s32 s2, s31  }
0xb: {  	s9 =	sshll.u32 s7, $0x8;
	s11 =	sadd.s32 s4, s0;
	s0 =	sadd.s32 s30, s0  }
0xc: {  	s12 =	sand.u32 $0x1800, s9;
	s13 =	smax.u32 s2, $0x1;
	s4 =	sadd.s32 $0x1A00, s11  }
0xd: {  	s5 =	sadd.s32 $0x1E00, s11;
	s6 =	sadd.s32 $0x2200, s11;
	s7 =	sadd.s32 $0x2600, s11  }
0xe: {  	v1 =	vlaneseq.u32;
	s8 =	sadd.s32 $0x2A00, s11;
	s9 =	sadd.s32 $0x2E00, s11;
	s0 =	sadd.s32 s12, s0  }
0xf: {  	v0 =	vimm.s32 $0x0;
	v2 =	vimm.s32 $0x1;
	v1 =	vmul.u32 $0x801, v1;
	s10 =	sadd.s32 $0x3200, s11;
	s11 =	sadd.s32 $0x3600, s11;
	s12 =	sadd.s32 $0x41E00, s0  }
.LBB2_1:
0x10: {  	s0 =	rddreg [dreg:$0x1]  }
0x11: {  	[tilespmem:s14], [sflag:$0x2] =	stream.linear.gather [hbm4b:s0+s3], $0x80, $0x38;
	[tilespmem:$0x18900] =	vst v63  }
0x12: {  	_ =	swait.ge [sflag:s15], $0x80  }
0x13: {  	[sflag:s15] =	ssyncset.done $0x0  }
0x14: {  	[sflag:s15] =	ssyncadd.s32 $0xFFFFFF80  }
0x15: {  	s2 =	simm.s32 $0x100;
	s0 =	simm.s32 $0x0;
	v3 =	vld [tilespmem:$0x18880]  }
.LBB2_2:
0x16: {  	p0 =	sne.s32 s2, $0x20000;
	[tilespmem:s0+$0x10030] =	vst v0;
	s30 =	smov.u32 s2;
	s2 =	sadd.s32 $0x100, s2  }
.Ltmp0:
0x17: {  	[tilespmem:s0+$0x10020] =	vst v0;
	(pc) =	sbr.rel @p0 .LBB2_2-.Ltmp0, $3  }
0x18: {  	[tilespmem:s0+$0x10000] =	vst v0  }
0x19: {  	[tilespmem:s0+$0x10010] =	vst v0;
	_ =	sdelay $0x1  }
0x1a: {  	s0 =	sshra.s32 s30, $0x2  }
0x1b: {  	[tilespmem:s0+$0x10030] =	vst v0  }
0x1c: {  	[tilespmem:s0+$0x10020] =	vst v0  }
0x1d: {  	[tilespmem:s0+$0x10000] =	vst v0  }
0x1e: {  	[tilespmem:s0+$0x10010] =	vst v0;
	s30 =	simm.s32 $0x0  }
0x1f: {  	[tilespmem:s30], [sflag:$0x1] =	stream.linear.gather [hbm4b:s4+s30], $0x2000, $0x38;
	[tilespmem:$0x18900] =	vst v63  }
0x20: {  	_ = 	snop  }
0x21: {  	[tilespmem:s16], [sflag:$0x1] =	stream.linear.gather [hbm4b:s5+s30], $0x2000, $0x38;
	[tilespmem:$0x18900] =	vst v63  }
0x22: {  	_ = 	snop  }
0x23: {  	[tilespmem:s17], [sflag:$0x1] =	stream.linear.gather [hbm4b:s6+s30], $0x2000, $0x38;
	[tilespmem:$0x18900] =	vst v63  }
0x24: {  	_ = 	snop  }
0x25: {  	[tilespmem:s18], [sflag:$0x1] =	stream.linear.gather [hbm4b:s7+s30], $0x2000, $0x38;
	[tilespmem:$0x18900] =	vst v63  }
0x26: {  	_ = 	snop  }
0x27: {  	[tilespmem:s19], [sflag:$0x1] =	stream.linear.gather [hbm4b:s8+s30], $0x2000, $0x38;
	[tilespmem:$0x18900] =	vst v63  }
0x28: {  	_ = 	snop  }
0x29: {  	[tilespmem:s20], [sflag:$0x1] =	stream.linear.gather [hbm4b:s9+s30], $0x2000, $0x38;
	[tilespmem:$0x18900] =	vst v63  }
0x2a: {  	_ = 	snop  }
0x2b: {  	[tilespmem:s21], [sflag:$0x1] =	stream.linear.gather [hbm4b:s10+s30], $0x2000, $0x38;
	[tilespmem:$0x18900] =	vst v63  }
0x2c: {  	_ = 	snop  }
0x2d: {  	[tilespmem:s22], [sflag:$0x1] =	stream.linear.gather [hbm4b:s11+s30], $0x2000, $0x38;
	[tilespmem:$0x18900] =	vst v63  }
0x2e: {  	_ =	swait.ge [sflag:s23], $0x2000  }
0x2f: {  	[sflag:s23] =	ssyncset.done $0x0  }
0x30: {  	s31 =	simm.s32 $0x0;
	s0 =	simm.s32 $0x0;
	[sflag:s23] =	ssyncadd.s32 $0xFFFFE000  }
.LBB2_4:
0x31: {  	s2 =	sshll.u32 s31, $0x2;
	s1 =	sand.u32 $0x7, s30  }
0x32: {  	s2 =	sand.u32 $0xFFFFC000, s2;
	s1 =	sshll.u32 s1, $0x9  }
0x33: {  	s1 =	sor.u32 s1, s2  }
0x34: {  	s1 =	sshrl.u32 s1, $0x2  }
0x35: {  	s1 =	sor.u32 $0x40, s1  }
0x36: {  	v4 =	vmov s1;
	_ =	sdelay $0x3  }
0x37: {  	s2 =	simm.s32 $0x0  }
0x38: {  	v5 =	vld.idx.msk [tilespmem:v4+s2+$0xFFFFFFC0 ss:$0x1], $0xffff  }
0x39: {  	v6 =	vld.idx.msk [tilespmem:v4+s2+$0xFFFFFFD0 ss:$0x1], $0xffff  }
0x3a: {  	v7 =	vld.idx.msk [tilespmem:v4+s2+$0xFFFFFFE0 ss:$0x1], $0xffff  }
0x3b: {  	v8 =	vld.idx.msk [tilespmem:v4+s2+$0xFFFFFFF0 ss:$0x1], $0xffff  }
0x3c: {  	v10 =	vld.idx.msk [tilespmem:v4+s2+$0x0 ss:$0x1], $0xffff;
	_ =	sdelay $0x2  }
0x3d: {  	v9 =	vshrl.u32 v5, $0x9;
	v5 =	vshrl.u32 v5, $0x14  }
0x3e: {  	v11 =	vshrl.u32 v6, $0x9;
	v6 =	vshrl.u32 v6, $0x14;
	v12 =	vshrl.u32 v7, $0x14  }
0x3f: {  	v7 =	vshrl.u32 v7, $0x9;
	v63 =	vshrl.u32 v8, $0x9;
	v14 =	vshrl.u32 v10, $0x9  }
0x40: {  	v9 =	vand.u32 $0x7FF, v9;
	vm2 =	veq.s32 v5, v3;
	v5 =	vld.idx.msk [tilespmem:v4+s2+$0x10 ss:$0x1], $0xffff;
	v11 =	vand.u32 $0x7FF, v11  }
0x41: {  	vm3 =	veq.s32 v6, v3;
	v6 =	vand.u32 $0x7FF, v7;
	vm4 =	veq.s32 v12, v3  }
0x42: {  	v12 =	vand.u32 $0x7FF, v63;
	v9 =	vadd.s32 v1, v9;
	v7 =	vadd.s32 v1, v11;
	v11 =	vld.idx.msk [tilespmem:v4+s2+$0x20 ss:$0x1], $0xffff  }
0x43: {  	v14 =	vand.u32 $0x7FF, v14;
	v13 =	vadd.s32 v1, v6;
	v6 =	vshrl.u32 v8, $0x14;
	v8 =	vld.idx.msk [tilespmem:v4+s2+$0x30 ss:$0x1], $0xffff  }
0x44: {  	v12 =	vadd.s32 v1, v12;
	vm5 =	veq.s32 v6, v3;
	v6 =	vshrl.u32 v10, $0x14  }
0x45: {  	vm0 =	veq.s32 v6, v3;
	v10 =	vshrl.u32 v5, $0x14;
	v5 =	vshrl.u32 v5, $0x9  }
0x46: {  	v6 =	vand.u32 $0x7FF, v5;
	v5 =	vadd.s32 v1, v14;
	vm1 =	veq.s32 v10, v3  }
0x47: {  	[tilespmem:v9+s24+$0x0] =	vst.idx.add.s32.msk vm2, v2;
	v9 =	vshrl.u32 v11, $0x9;
	v10 =	vshrl.u32 v11, $0x14;
	v6 =	vadd.s32 v1, v6  }
0x48: {  	[tilespmem:v7+s24+$0x0] =	vst.idx.add.s32.msk vm3, v2;
	v7 =	vshrl.u32 v8, $0x9;
	v9 =	vand.u32 $0x7FF, v9;
	vm2 =	veq.s32 v10, v3  }
0x49: {  	[tilespmem:v13+s24+$0x0] =	vst.idx.add.s32.msk vm4, v2;
	v10 =	vand.u32 $0x7FF, v7;
	v7 =	vadd.s32 v1, v9;
	v9 =	vshrl.u32 v8, $0x14  }
0x4a: {  	s2 =	simm.s32 $0x1000;
	[tilespmem:v12+s24+$0x0] =	vst.idx.add.s32.msk vm5, v2;
	v8 =	vadd.s32 v1, v10;
	vm3 =	veq.s32 v9, v3  }
.LBB2_5:
0x4b: {  	p0 =	sne.s32 s2, $0x3000;
	s1 =	smov.u32 s2;
	s2 =	sadd.s32 $0x1000, s2  }
0x4c: {  	[tilespmem:v5+s24+$0x0] =	vst.idx.add.s32.msk vm0, v2  }
0x4d: {  	[tilespmem:v6+s24+$0x0] =	vst.idx.add.s32.msk vm1, v2  }
0x4e: {  	[tilespmem:v7+s24+$0x0] =	vst.idx.add.s32.msk vm2, v2;
	_ =	sdelay $0x1  }
0x4f: {  	s1 =	sshra.s32 s1, $0x2;
	[tilespmem:v8+s24+$0x0] =	vst.idx.add.s32.msk vm3, v2  }
0x50: {  	v5 =	vld.idx.msk [tilespmem:v4+s1+$0xFFFFFFC0 ss:$0x1], $0xffff  }
0x51: {  	v6 =	vld.idx.msk [tilespmem:v4+s1+$0xFFFFFFD0 ss:$0x1], $0xffff  }
0x52: {  	v7 =	vld.idx.msk [tilespmem:v4+s1+$0xFFFFFFE0 ss:$0x1], $0xffff;
	_ =	sdelay $0x1  }
0x53: {  	v8 =	vld.idx.msk [tilespmem:v4+s1+$0xFFFFFFF0 ss:$0x1], $0xffff;
	_ =	sdelay $0x1  }
0x54: {  	v10 =	vshrl.u32 v5, $0x9;
	v5 =	vshrl.u32 v5, $0x14;
	v9 =	vld.idx.msk [tilespmem:v4+s1+$0x0 ss:$0x1], $0xffff  }
0x55: {  	v12 =	vshrl.u32 v6, $0x9;
	v10 =	vand.u32 $0x7FF, v10;
	vm1 =	veq.s32 v5, v3;
	v11 =	vld.idx.msk [tilespmem:v4+s1+$0x10 ss:$0x1], $0xffff  }
0x56: {  	v6 =	vshrl.u32 v6, $0x14;
	v5 =	vadd.s32 v1, v10;
	v10 =	vshrl.u32 v7, $0x14  }
0x57: {  	v7 =	vshrl.u32 v7, $0x9;
	v12 =	vand.u32 $0x7FF, v12;
	vm2 =	veq.s32 v6, v3;
	v13 =	vld.idx.msk [tilespmem:v4+s1+$0x20 ss:$0x1], $0xffff  }
0x58: {  	v6 =	vand.u32 $0x7FF, v7;
	v7 =	vadd.s32 v1, v12;
	vm3 =	veq.s32 v10, v3  }
0x59: {  	v12 =	vshrl.u32 v8, $0x9;
	v14 =	vadd.s32 v1, v6;
	v6 =	vshrl.u32 v8, $0x14;
	v10 =	vld.idx.msk [tilespmem:v4+s1+$0x30 ss:$0x1], $0xffff  }
0x5a: {  	v12 =	vand.u32 $0x7FF, v12;
	vm4 =	veq.s32 v6, v3;
	v8 =	vshrl.u32 v9, $0x9  }
0x5b: {  	v12 =	vadd.s32 v1, v12;
	v6 =	vshrl.u32 v9, $0x14;
	v9 =	vshrl.u32 v11, $0x14  }
0x5c: {  	v11 =	vshrl.u32 v11, $0x9;
	v8 =	vand.u32 $0x7FF, v8;
	vm0 =	veq.s32 v6, v3;
	[tilespmem:v5+s24+$0x0] =	vst.idx.add.s32.msk vm1, v2  }
.Ltmp1:
0x5d: {  	v6 =	vand.u32 $0x7FF, v11;
	v5 =	vadd.s32 v1, v8;
	vm1 =	veq.s32 v9, v3;
	[tilespmem:v7+s24+$0x0] =	vst.idx.add.s32.msk vm2, v2;
	(pc) =	sbr.rel @p0 .LBB2_5-.Ltmp1, $4  }
0x5e: {  	v6 =	vadd.s32 v1, v6;
	v8 =	vshrl.u32 v13, $0x14;
	v7 =	vshrl.u32 v13, $0x9;
	[tilespmem:v14+s24+$0x0] =	vst.idx.add.s32.msk vm3, v2  }
0x5f: {  	vm2 =	veq.s32 v8, v3;
	v9 =	vshrl.u32 v10, $0x9;
	v7 =	vand.u32 $0x7FF, v7  }
0x60: {  	v8 =	vand.u32 $0x7FF, v9;
	v7 =	vadd.s32 v1, v7;
	v9 =	vshrl.u32 v10, $0x14;
	[tilespmem:v12+s24+$0x0] =	vst.idx.add.s32.msk vm4, v2  }
0x61: {  	v8 =	vadd.s32 v1, v8;
	vm3 =	veq.s32 v9, v3  }
0x62: {  	_ =	sdelay $0x1  }
0x63: {  	s0 =	sadd.s32 $0x1, s0  }
0x64: {  	p0 =	sne.s32 s0, $0x10  }
.Ltmp2:
0x65: {  	_ = 	snop;
	(pc) =	sbr.rel @p0 .LBB2_4-.Ltmp2, $4  }
0x66: {  	[tilespmem:v5+s24+$0x0] =	vst.idx.add.s32.msk vm0, v2  }
0x67: {  	[tilespmem:v6+s24+$0x0] =	vst.idx.add.s32.msk vm1, v2  }
0x68: {  	[tilespmem:v7+s24+$0x0] =	vst.idx.add.s32.msk vm2, v2  }
0x69: {  	s31 =	sadd.s32 $0x200, s31;
	s30 =	sadd.s32 $0x1, s30;
	[tilespmem:v8+s24+$0x0] =	vst.idx.add.s32.msk vm3, v2  }
0x6a: {  	_ =	swait.ge [sflag:s23], $0x2000  }
0x6b: {  	s30 =	simm.s32 $0x0;
	[sflag:s23] =	ssyncset.done $0x0  }
0x6c: {  	s31 =	simm.s32 $0x0;
	s0 =	simm.s32 $0x0;
	[sflag:s23] =	ssyncadd.s32 $0xFFFFE000  }
.LBB2_8:
0x6d: {  	s1 =	sshll.u32 s31, $0x2;
	s2 =	sand.u32 $0x7, s30  }
0x6e: {  	s1 =	sand.u32 $0xFFFFC000, s1;
	s2 =	sshll.u32 s2, $0x9  }
0x6f: {  	s1 =	sor.u32 s2, s1  }
0x70: {  	s1 =	sshrl.u32 s1, $0x2  }
0x71: {  	s1 =	sadd.s32 $0x2040, s1  }
0x72: {  	v4 =	vmov s1;
	_ =	sdelay $0x3  }
0x73: {  	s2 =	simm.s32 $0x0  }
0x74: {  	v5 =	vld.idx.msk [tilespmem:v4+s2+$0xFFFFFFC0 ss:$0x1], $0xffff  }
0x75: {  	v6 =	vld.idx.msk [tilespmem:v4+s2+$0xFFFFFFD0 ss:$0x1], $0xffff  }
0x76: {  	v7 =	vld.idx.msk [tilespmem:v4+s2+$0xFFFFFFE0 ss:$0x1], $0xffff  }
0x77: {  	v8 =	vld.idx.msk [tilespmem:v4+s2+$0xFFFFFFF0 ss:$0x1], $0xffff  }
0x78: {  	v10 =	vld.idx.msk [tilespmem:v4+s2+$0x0 ss:$0x1], $0xffff;
	_ =	sdelay $0x2  }
0x79: {  	v9 =	vshrl.u32 v5, $0x9;
	v5 =	vshrl.u32 v5, $0x14  }
0x7a: {  	v11 =	vshrl.u32 v6, $0x9;
	v6 =	vshrl.u32 v6, $0x14;
	v12 =	vshrl.u32 v7, $0x14  }
0x7b: {  	v7 =	vshrl.u32 v7, $0x9;
	v63 =	vshrl.u32 v8, $0x9;
	v14 =	vshrl.u32 v10, $0x9  }
0x7c: {  	v9 =	vand.u32 $0x7FF, v9;
	vm2 =	veq.s32 v5, v3;
	v5 =	vld.idx.msk [tilespmem:v4+s2+$0x10 ss:$0x1], $0xffff;
	v11 =	vand.u32 $0x7FF, v11  }
0x7d: {  	vm3 =	veq.s32 v6, v3;
	v6 =	vand.u32 $0x7FF, v7;
	vm4 =	veq.s32 v12, v3  }
0x7e: {  	v12 =	vand.u32 $0x7FF, v63;
	v9 =	vadd.s32 v1, v9;
	v7 =	vadd.s32 v1, v11;
	v11 =	vld.idx.msk [tilespmem:v4+s2+$0x20 ss:$0x1], $0xffff  }
0x7f: {  	v14 =	vand.u32 $0x7FF, v14;
	v13 =	vadd.s32 v1, v6;
	v6 =	vshrl.u32 v8, $0x14;
	v8 =	vld.idx.msk [tilespmem:v4+s2+$0x30 ss:$0x1], $0xffff  }
0x80: {  	v12 =	vadd.s32 v1, v12;
	vm5 =	veq.s32 v6, v3;
	v6 =	vshrl.u32 v10, $0x14  }
0x81: {  	vm0 =	veq.s32 v6, v3;
	v10 =	vshrl.u32 v5, $0x14;
	v5 =	vshrl.u32 v5, $0x9  }
0x82: {  	v6 =	vand.u32 $0x7FF, v5;
	v5 =	vadd.s32 v1, v14;
	vm1 =	veq.s32 v10, v3  }
0x83: {  	[tilespmem:v9+s24+$0x0] =	vst.idx.add.s32.msk vm2, v2;
	v9 =	vshrl.u32 v11, $0x9;
	v10 =	vshrl.u32 v11, $0x14;
	v6 =	vadd.s32 v1, v6  }
0x84: {  	[tilespmem:v7+s24+$0x0] =	vst.idx.add.s32.msk vm3, v2;
	v7 =	vshrl.u32 v8, $0x9;
	v9 =	vand.u32 $0x7FF, v9;
	vm2 =	veq.s32 v10, v3  }
0x85: {  	[tilespmem:v13+s24+$0x0] =	vst.idx.add.s32.msk vm4, v2;
	v10 =	vand.u32 $0x7FF, v7;
	v7 =	vadd.s32 v1, v9;
	v9 =	vshrl.u32 v8, $0x14  }
0x86: {  	s2 =	simm.s32 $0x1000;
	[tilespmem:v12+s24+$0x0] =	vst.idx.add.s32.msk vm5, v2;
	v8 =	vadd.s32 v1, v10;
	vm3 =	veq.s32 v9, v3  }
.LBB2_9:
0x87: {  	p0 =	sne.s32 s2, $0x3000;
	s1 =	smov.u32 s2;
	s2 =	sadd.s32 $0x1000, s2  }
0x88: {  	[tilespmem:v5+s24+$0x0] =	vst.idx.add.s32.msk vm0, v2  }
0x89: {  	[tilespmem:v6+s24+$0x0] =	vst.idx.add.s32.msk vm1, v2  }
0x8a: {  	[tilespmem:v7+s24+$0x0] =	vst.idx.add.s32.msk vm2, v2;
	_ =	sdelay $0x1  }
0x8b: {  	s1 =	sshra.s32 s1, $0x2;
	[tilespmem:v8+s24+$0x0] =	vst.idx.add.s32.msk vm3, v2  }
0x8c: {  	v5 =	vld.idx.msk [tilespmem:v4+s1+$0xFFFFFFC0 ss:$0x1], $0xffff  }
0x8d: {  	v6 =	vld.idx.msk [tilespmem:v4+s1+$0xFFFFFFD0 ss:$0x1], $0xffff  }
0x8e: {  	v7 =	vld.idx.msk [tilespmem:v4+s1+$0xFFFFFFE0 ss:$0x1], $0xffff;
	_ =	sdelay $0x1  }
0x8f: {  	v8 =	vld.idx.msk [tilespmem:v4+s1+$0xFFFFFFF0 ss:$0x1], $0xffff;
	_ =	sdelay $0x1  }
0x90: {  	v10 =	vshrl.u32 v5, $0x9;
	v5 =	vshrl.u32 v5, $0x14;
	v9 =	vld.idx.msk [tilespmem:v4+s1+$0x0 ss:$0x1], $0xffff  }
0x91: {  	v12 =	vshrl.u32 v6, $0x9;
	v10 =	vand.u32 $0x7FF, v10;
	vm1 =	veq.s32 v5, v3;
	v11 =	vld.idx.msk [tilespmem:v4+s1+$0x10 ss:$0x1], $0xffff  }
0x92: {  	v6 =	vshrl.u32 v6, $0x14;
	v5 =	vadd.s32 v1, v10;
	v10 =	vshrl.u32 v7, $0x14  }
0x93: {  	v7 =	vshrl.u32 v7, $0x9;
	v12 =	vand.u32 $0x7FF, v12;
	vm2 =	veq.s32 v6, v3;
	v13 =	vld.idx.msk [tilespmem:v4+s1+$0x20 ss:$0x1], $0xffff  }
0x94: {  	v6 =	vand.u32 $0x7FF, v7;
	v7 =	vadd.s32 v1, v12;
	vm3 =	veq.s32 v10, v3  }
0x95: {  	v12 =	vshrl.u32 v8, $0x9;
	v14 =	vadd.s32 v1, v6;
	v6 =	vshrl.u32 v8, $0x14;
	v10 =	vld.idx.msk [tilespmem:v4+s1+$0x30 ss:$0x1], $0xffff  }
0x96: {  	v12 =	vand.u32 $0x7FF, v12;
	vm4 =	veq.s32 v6, v3;
	v8 =	vshrl.u32 v9, $0x9  }
0x97: {  	v12 =	vadd.s32 v1, v12;
	v6 =	vshrl.u32 v9, $0x14;
	v9 =	vshrl.u32 v11, $0x14  }
0x98: {  	v11 =	vshrl.u32 v11, $0x9;
	v8 =	vand.u32 $0x7FF, v8;
	vm0 =	veq.s32 v6, v3;
	[tilespmem:v5+s24+$0x0] =	vst.idx.add.s32.msk vm1, v2  }
.Ltmp3:
0x99: {  	v6 =	vand.u32 $0x7FF, v11;
	v5 =	vadd.s32 v1, v8;
	vm1 =	veq.s32 v9, v3;
	[tilespmem:v7+s24+$0x0] =	vst.idx.add.s32.msk vm2, v2;
	(pc) =	sbr.rel @p0 .LBB2_9-.Ltmp3, $4  }
0x9a: {  	v6 =	vadd.s32 v1, v6;
	v8 =	vshrl.u32 v13, $0x14;
	v7 =	vshrl.u32 v13, $0x9;
	[tilespmem:v14+s24+$0x0] =	vst.idx.add.s32.msk vm3, v2  }
0x9b: {  	vm2 =	veq.s32 v8, v3;
	v9 =	vshrl.u32 v10, $0x9;
	v7 =	vand.u32 $0x7FF, v7  }
0x9c: {  	v8 =	vand.u32 $0x7FF, v9;
	v7 =	vadd.s32 v1, v7;
	v9 =	vshrl.u32 v10, $0x14;
	[tilespmem:v12+s24+$0x0] =	vst.idx.add.s32.msk vm4, v2  }
0x9d: {  	v8 =	vadd.s32 v1, v8;
	vm3 =	veq.s32 v9, v3  }
0x9e: {  	_ =	sdelay $0x1  }
0x9f: {  	s0 =	sadd.s32 $0x1, s0  }
0xa0: {  	p0 =	sne.s32 s0, $0x10  }
.Ltmp4:
0xa1: {  	_ = 	snop;
	(pc) =	sbr.rel @p0 .LBB2_8-.Ltmp4, $4  }
0xa2: {  	[tilespmem:v5+s24+$0x0] =	vst.idx.add.s32.msk vm0, v2  }
0xa3: {  	[tilespmem:v6+s24+$0x0] =	vst.idx.add.s32.msk vm1, v2  }
0xa4: {  	[tilespmem:v7+s24+$0x0] =	vst.idx.add.s32.msk vm2, v2  }
0xa5: {  	s31 =	sadd.s32 $0x200, s31;
	s30 =	sadd.s32 $0x1, s30;
	[tilespmem:v8+s24+$0x0] =	vst.idx.add.s32.msk vm3, v2  }
0xa6: {  	_ =	swait.ge [sflag:s23], $0x2000  }
0xa7: {  	s30 =	simm.s32 $0x0;
	[sflag:s23] =	ssyncset.done $0x0  }
0xa8: {  	s31 =	simm.s32 $0x0;
	s0 =	simm.s32 $0x0;
	[sflag:s23] =	ssyncadd.s32 $0xFFFFE000  }
.LBB2_12:
0xa9: {  	s1 =	sshll.u32 s31, $0x2;
	s2 =	sand.u32 $0x7, s30  }
0xaa: {  	s1 =	sand.u32 $0xFFFFC000, s1;
	s2 =	sshll.u32 s2, $0x9  }
0xab: {  	s1 =	sor.u32 s2, s1  }
0xac: {  	s1 =	sshrl.u32 s1, $0x2  }
0xad: {  	s1 =	sadd.s32 $0x4040, s1  }
0xae: {  	v4 =	vmov s1;
	_ =	sdelay $0x3  }
0xaf: {  	s2 =	simm.s32 $0x0  }
0xb0: {  	v5 =	vld.idx.msk [tilespmem:v4+s2+$0xFFFFFFC0 ss:$0x1], $0xffff  }
0xb1: {  	v6 =	vld.idx.msk [tilespmem:v4+s2+$0xFFFFFFD0 ss:$0x1], $0xffff  }
0xb2: {  	v7 =	vld.idx.msk [tilespmem:v4+s2+$0xFFFFFFE0 ss:$0x1], $0xffff  }
0xb3: {  	v8 =	vld.idx.msk [tilespmem:v4+s2+$0xFFFFFFF0 ss:$0x1], $0xffff  }
0xb4: {  	v10 =	vld.idx.msk [tilespmem:v4+s2+$0x0 ss:$0x1], $0xffff;
	_ =	sdelay $0x2  }
0xb5: {  	v9 =	vshrl.u32 v5, $0x9;
	v5 =	vshrl.u32 v5, $0x14  }
0xb6: {  	v11 =	vshrl.u32 v6, $0x9;
	v6 =	vshrl.u32 v6, $0x14;
	v12 =	vshrl.u32 v7, $0x14  }
0xb7: {  	v7 =	vshrl.u32 v7, $0x9;
	v63 =	vshrl.u32 v8, $0x9;
	v14 =	vshrl.u32 v10, $0x9  }
0xb8: {  	v9 =	vand.u32 $0x7FF, v9;
	vm2 =	veq.s32 v5, v3;
	v5 =	vld.idx.msk [tilespmem:v4+s2+$0x10 ss:$0x1], $0xffff;
	v11 =	vand.u32 $0x7FF, v11  }
0xb9: {  	vm3 =	veq.s32 v6, v3;
	v6 =	vand.u32 $0x7FF, v7;
	vm4 =	veq.s32 v12, v3  }
0xba: {  	v12 =	vand.u32 $0x7FF, v63;
	v9 =	vadd.s32 v1, v9;
	v7 =	vadd.s32 v1, v11;
	v11 =	vld.idx.msk [tilespmem:v4+s2+$0x20 ss:$0x1], $0xffff  }
0xbb: {  	v14 =	vand.u32 $0x7FF, v14;
	v13 =	vadd.s32 v1, v6;
	v6 =	vshrl.u32 v8, $0x14;
	v8 =	vld.idx.msk [tilespmem:v4+s2+$0x30 ss:$0x1], $0xffff  }
0xbc: {  	v12 =	vadd.s32 v1, v12;
	vm5 =	veq.s32 v6, v3;
	v6 =	vshrl.u32 v10, $0x14  }
0xbd: {  	vm0 =	veq.s32 v6, v3;
	v10 =	vshrl.u32 v5, $0x14;
	v5 =	vshrl.u32 v5, $0x9  }
0xbe: {  	v6 =	vand.u32 $0x7FF, v5;
	v5 =	vadd.s32 v1, v14;
	vm1 =	veq.s32 v10, v3  }
0xbf: {  	[tilespmem:v9+s24+$0x0] =	vst.idx.add.s32.msk vm2, v2;
	v9 =	vshrl.u32 v11, $0x9;
	v10 =	vshrl.u32 v11, $0x14;
	v6 =	vadd.s32 v1, v6  }
0xc0: {  	[tilespmem:v7+s24+$0x0] =	vst.idx.add.s32.msk vm3, v2;
	v7 =	vshrl.u32 v8, $0x9;
	v9 =	vand.u32 $0x7FF, v9;
	vm2 =	veq.s32 v10, v3  }
0xc1: {  	[tilespmem:v13+s24+$0x0] =	vst.idx.add.s32.msk vm4, v2;
	v10 =	vand.u32 $0x7FF, v7;
	v7 =	vadd.s32 v1, v9;
	v9 =	vshrl.u32 v8, $0x14  }
0xc2: {  	s2 =	simm.s32 $0x1000;
	[tilespmem:v12+s24+$0x0] =	vst.idx.add.s32.msk vm5, v2;
	v8 =	vadd.s32 v1, v10;
	vm3 =	veq.s32 v9, v3  }
.LBB2_13:
0xc3: {  	p0 =	sne.s32 s2, $0x3000;
	s1 =	smov.u32 s2;
	s2 =	sadd.s32 $0x1000, s2  }
0xc4: {  	[tilespmem:v5+s24+$0x0] =	vst.idx.add.s32.msk vm0, v2  }
0xc5: {  	[tilespmem:v6+s24+$0x0] =	vst.idx.add.s32.msk vm1, v2  }
0xc6: {  	[tilespmem:v7+s24+$0x0] =	vst.idx.add.s32.msk vm2, v2;
	_ =	sdelay $0x1  }
0xc7: {  	s1 =	sshra.s32 s1, $0x2;
	[tilespmem:v8+s24+$0x0] =	vst.idx.add.s32.msk vm3, v2  }
0xc8: {  	v5 =	vld.idx.msk [tilespmem:v4+s1+$0xFFFFFFC0 ss:$0x1], $0xffff  }
0xc9: {  	v6 =	vld.idx.msk [tilespmem:v4+s1+$0xFFFFFFD0 ss:$0x1], $0xffff  }
0xca: {  	v7 =	vld.idx.msk [tilespmem:v4+s1+$0xFFFFFFE0 ss:$0x1], $0xffff;
	_ =	sdelay $0x1  }
0xcb: {  	v8 =	vld.idx.msk [tilespmem:v4+s1+$0xFFFFFFF0 ss:$0x1], $0xffff;
	_ =	sdelay $0x1  }
0xcc: {  	v10 =	vshrl.u32 v5, $0x9;
	v5 =	vshrl.u32 v5, $0x14;
	v9 =	vld.idx.msk [tilespmem:v4+s1+$0x0 ss:$0x1], $0xffff  }
0xcd: {  	v12 =	vshrl.u32 v6, $0x9;
	v10 =	vand.u32 $0x7FF, v10;
	vm1 =	veq.s32 v5, v3;
	v11 =	vld.idx.msk [tilespmem:v4+s1+$0x10 ss:$0x1], $0xffff  }
0xce: {  	v6 =	vshrl.u32 v6, $0x14;
	v5 =	vadd.s32 v1, v10;
	v10 =	vshrl.u32 v7, $0x14  }
0xcf: {  	v7 =	vshrl.u32 v7, $0x9;
	v12 =	vand.u32 $0x7FF, v12;
	vm2 =	veq.s32 v6, v3;
	v13 =	vld.idx.msk [tilespmem:v4+s1+$0x20 ss:$0x1], $0xffff  }
0xd0: {  	v6 =	vand.u32 $0x7FF, v7;
	v7 =	vadd.s32 v1, v12;
	vm3 =	veq.s32 v10, v3  }
0xd1: {  	v12 =	vshrl.u32 v8, $0x9;
	v14 =	vadd.s32 v1, v6;
	v6 =	vshrl.u32 v8, $0x14;
	v10 =	vld.idx.msk [tilespmem:v4+s1+$0x30 ss:$0x1], $0xffff  }
0xd2: {  	v12 =	vand.u32 $0x7FF, v12;
	vm4 =	veq.s32 v6, v3;
	v8 =	vshrl.u32 v9, $0x9  }
0xd3: {  	v12 =	vadd.s32 v1, v12;
	v6 =	vshrl.u32 v9, $0x14;
	v9 =	vshrl.u32 v11, $0x14  }
0xd4: {  	v11 =	vshrl.u32 v11, $0x9;
	v8 =	vand.u32 $0x7FF, v8;
	vm0 =	veq.s32 v6, v3;
	[tilespmem:v5+s24+$0x0] =	vst.idx.add.s32.msk vm1, v2  }
.Ltmp5:
0xd5: {  	v6 =	vand.u32 $0x7FF, v11;
	v5 =	vadd.s32 v1, v8;
	vm1 =	veq.s32 v9, v3;
	[tilespmem:v7+s24+$0x0] =	vst.idx.add.s32.msk vm2, v2;
	(pc) =	sbr.rel @p0 .LBB2_13-.Ltmp5, $4  }
0xd6: {  	v6 =	vadd.s32 v1, v6;
	v8 =	vshrl.u32 v13, $0x14;
	v7 =	vshrl.u32 v13, $0x9;
	[tilespmem:v14+s24+$0x0] =	vst.idx.add.s32.msk vm3, v2  }
0xd7: {  	vm2 =	veq.s32 v8, v3;
	v9 =	vshrl.u32 v10, $0x9;
	v7 =	vand.u32 $0x7FF, v7  }
0xd8: {  	v8 =	vand.u32 $0x7FF, v9;
	v7 =	vadd.s32 v1, v7;
	v9 =	vshrl.u32 v10, $0x14;
	[tilespmem:v12+s24+$0x0] =	vst.idx.add.s32.msk vm4, v2  }
0xd9: {  	v8 =	vadd.s32 v1, v8;
	vm3 =	veq.s32 v9, v3  }
0xda: {  	_ =	sdelay $0x1  }
0xdb: {  	s0 =	sadd.s32 $0x1, s0  }
0xdc: {  	p0 =	sne.s32 s0, $0x10  }
.Ltmp6:
0xdd: {  	_ = 	snop;
	(pc) =	sbr.rel @p0 .LBB2_12-.Ltmp6, $4  }
0xde: {  	[tilespmem:v5+s24+$0x0] =	vst.idx.add.s32.msk vm0, v2  }
0xdf: {  	[tilespmem:v6+s24+$0x0] =	vst.idx.add.s32.msk vm1, v2  }
0xe0: {  	[tilespmem:v7+s24+$0x0] =	vst.idx.add.s32.msk vm2, v2  }
0xe1: {  	s31 =	sadd.s32 $0x200, s31;
	s30 =	sadd.s32 $0x1, s30;
	[tilespmem:v8+s24+$0x0] =	vst.idx.add.s32.msk vm3, v2  }
0xe2: {  	_ =	swait.ge [sflag:s23], $0x2000  }
0xe3: {  	s30 =	simm.s32 $0x0;
	[sflag:s23] =	ssyncset.done $0x0  }
0xe4: {  	s31 =	simm.s32 $0x0;
	s0 =	simm.s32 $0x0;
	[sflag:s23] =	ssyncadd.s32 $0xFFFFE000  }
.LBB2_16:
0xe5: {  	s1 =	sshll.u32 s31, $0x2;
	s2 =	sand.u32 $0x7, s30  }
0xe6: {  	s1 =	sand.u32 $0xFFFFC000, s1;
	s2 =	sshll.u32 s2, $0x9  }
0xe7: {  	s1 =	sor.u32 s2, s1  }
0xe8: {  	s1 =	sshrl.u32 s1, $0x2  }
0xe9: {  	s1 =	sadd.s32 $0x6040, s1  }
0xea: {  	v4 =	vmov s1;
	_ =	sdelay $0x3  }
0xeb: {  	s2 =	simm.s32 $0x0  }
0xec: {  	v5 =	vld.idx.msk [tilespmem:v4+s2+$0xFFFFFFC0 ss:$0x1], $0xffff  }
0xed: {  	v6 =	vld.idx.msk [tilespmem:v4+s2+$0xFFFFFFD0 ss:$0x1], $0xffff  }
0xee: {  	v7 =	vld.idx.msk [tilespmem:v4+s2+$0xFFFFFFE0 ss:$0x1], $0xffff  }
0xef: {  	v8 =	vld.idx.msk [tilespmem:v4+s2+$0xFFFFFFF0 ss:$0x1], $0xffff  }
0xf0: {  	v10 =	vld.idx.msk [tilespmem:v4+s2+$0x0 ss:$0x1], $0xffff;
	_ =	sdelay $0x2  }
0xf1: {  	v9 =	vshrl.u32 v5, $0x9;
	v5 =	vshrl.u32 v5, $0x14  }
0xf2: {  	v11 =	vshrl.u32 v6, $0x9;
	v6 =	vshrl.u32 v6, $0x14;
	v12 =	vshrl.u32 v7, $0x14  }
0xf3: {  	v7 =	vshrl.u32 v7, $0x9;
	v63 =	vshrl.u32 v8, $0x9;
	v14 =	vshrl.u32 v10, $0x9  }
0xf4: {  	v9 =	vand.u32 $0x7FF, v9;
	vm2 =	veq.s32 v5, v3;
	v5 =	vld.idx.msk [tilespmem:v4+s2+$0x10 ss:$0x1], $0xffff;
	v11 =	vand.u32 $0x7FF, v11  }
0xf5: {  	vm3 =	veq.s32 v6, v3;
	v6 =	vand.u32 $0x7FF, v7;
	vm4 =	veq.s32 v12, v3  }
0xf6: {  	v12 =	vand.u32 $0x7FF, v63;
	v9 =	vadd.s32 v1, v9;
	v7 =	vadd.s32 v1, v11;
	v11 =	vld.idx.msk [tilespmem:v4+s2+$0x20 ss:$0x1], $0xffff  }
0xf7: {  	v14 =	vand.u32 $0x7FF, v14;
	v13 =	vadd.s32 v1, v6;
	v6 =	vshrl.u32 v8, $0x14;
	v8 =	vld.idx.msk [tilespmem:v4+s2+$0x30 ss:$0x1], $0xffff  }
0xf8: {  	v12 =	vadd.s32 v1, v12;
	vm5 =	veq.s32 v6, v3;
	v6 =	vshrl.u32 v10, $0x14  }
0xf9: {  	vm0 =	veq.s32 v6, v3;
	v10 =	vshrl.u32 v5, $0x14;
	v5 =	vshrl.u32 v5, $0x9  }
0xfa: {  	v6 =	vand.u32 $0x7FF, v5;
	v5 =	vadd.s32 v1, v14;
	vm1 =	veq.s32 v10, v3  }
0xfb: {  	[tilespmem:v9+s24+$0x0] =	vst.idx.add.s32.msk vm2, v2;
	v9 =	vshrl.u32 v11, $0x9;
	v10 =	vshrl.u32 v11, $0x14;
	v6 =	vadd.s32 v1, v6  }
0xfc: {  	[tilespmem:v7+s24+$0x0] =	vst.idx.add.s32.msk vm3, v2;
	v7 =	vshrl.u32 v8, $0x9;
	v9 =	vand.u32 $0x7FF, v9;
	vm2 =	veq.s32 v10, v3  }
0xfd: {  	[tilespmem:v13+s24+$0x0] =	vst.idx.add.s32.msk vm4, v2;
	v10 =	vand.u32 $0x7FF, v7;
	v7 =	vadd.s32 v1, v9;
	v9 =	vshrl.u32 v8, $0x14  }
0xfe: {  	s2 =	simm.s32 $0x1000;
	[tilespmem:v12+s24+$0x0] =	vst.idx.add.s32.msk vm5, v2;
	v8 =	vadd.s32 v1, v10;
	vm3 =	veq.s32 v9, v3  }
.LBB2_17:
0xff: {  	p0 =	sne.s32 s2, $0x3000;
	s1 =	smov.u32 s2;
	s2 =	sadd.s32 $0x1000, s2  }
0x100: {  	[tilespmem:v5+s24+$0x0] =	vst.idx.add.s32.msk vm0, v2  }
0x101: {  	[tilespmem:v6+s24+$0x0] =	vst.idx.add.s32.msk vm1, v2  }
0x102: {  	[tilespmem:v7+s24+$0x0] =	vst.idx.add.s32.msk vm2, v2;
	_ =	sdelay $0x1  }
0x103: {  	s1 =	sshra.s32 s1, $0x2;
	[tilespmem:v8+s24+$0x0] =	vst.idx.add.s32.msk vm3, v2  }
0x104: {  	v5 =	vld.idx.msk [tilespmem:v4+s1+$0xFFFFFFC0 ss:$0x1], $0xffff  }
0x105: {  	v6 =	vld.idx.msk [tilespmem:v4+s1+$0xFFFFFFD0 ss:$0x1], $0xffff  }
0x106: {  	v7 =	vld.idx.msk [tilespmem:v4+s1+$0xFFFFFFE0 ss:$0x1], $0xffff;
	_ =	sdelay $0x1  }
0x107: {  	v8 =	vld.idx.msk [tilespmem:v4+s1+$0xFFFFFFF0 ss:$0x1], $0xffff;
	_ =	sdelay $0x1  }
0x108: {  	v10 =	vshrl.u32 v5, $0x9;
	v5 =	vshrl.u32 v5, $0x14;
	v9 =	vld.idx.msk [tilespmem:v4+s1+$0x0 ss:$0x1], $0xffff  }
0x109: {  	v12 =	vshrl.u32 v6, $0x9;
	v10 =	vand.u32 $0x7FF, v10;
	vm1 =	veq.s32 v5, v3;
	v11 =	vld.idx.msk [tilespmem:v4+s1+$0x10 ss:$0x1], $0xffff  }
0x10a: {  	v6 =	vshrl.u32 v6, $0x14;
	v5 =	vadd.s32 v1, v10;
	v10 =	vshrl.u32 v7, $0x14  }
0x10b: {  	v7 =	vshrl.u32 v7, $0x9;
	v12 =	vand.u32 $0x7FF, v12;
	vm2 =	veq.s32 v6, v3;
	v13 =	vld.idx.msk [tilespmem:v4+s1+$0x20 ss:$0x1], $0xffff  }
0x10c: {  	v6 =	vand.u32 $0x7FF, v7;
	v7 =	vadd.s32 v1, v12;
	vm3 =	veq.s32 v10, v3  }
0x10d: {  	v12 =	vshrl.u32 v8, $0x9;
	v14 =	vadd.s32 v1, v6;
	v6 =	vshrl.u32 v8, $0x14;
	v10 =	vld.idx.msk [tilespmem:v4+s1+$0x30 ss:$0x1], $0xffff  }
0x10e: {  	v12 =	vand.u32 $0x7FF, v12;
	vm4 =	veq.s32 v6, v3;
	v8 =	vshrl.u32 v9, $0x9  }
0x10f: {  	v12 =	vadd.s32 v1, v12;
	v6 =	vshrl.u32 v9, $0x14;
	v9 =	vshrl.u32 v11, $0x14  }
0x110: {  	v11 =	vshrl.u32 v11, $0x9;
	v8 =	vand.u32 $0x7FF, v8;
	vm0 =	veq.s32 v6, v3;
	[tilespmem:v5+s24+$0x0] =	vst.idx.add.s32.msk vm1, v2  }
.Ltmp7:
0x111: {  	v6 =	vand.u32 $0x7FF, v11;
	v5 =	vadd.s32 v1, v8;
	vm1 =	veq.s32 v9, v3;
	[tilespmem:v7+s24+$0x0] =	vst.idx.add.s32.msk vm2, v2;
	(pc) =	sbr.rel @p0 .LBB2_17-.Ltmp7, $4  }
0x112: {  	v6 =	vadd.s32 v1, v6;
	v8 =	vshrl.u32 v13, $0x14;
	v7 =	vshrl.u32 v13, $0x9;
	[tilespmem:v14+s24+$0x0] =	vst.idx.add.s32.msk vm3, v2  }
0x113: {  	vm2 =	veq.s32 v8, v3;
	v9 =	vshrl.u32 v10, $0x9;
	v7 =	vand.u32 $0x7FF, v7  }
0x114: {  	v8 =	vand.u32 $0x7FF, v9;
	v7 =	vadd.s32 v1, v7;
	v9 =	vshrl.u32 v10, $0x14;
	[tilespmem:v12+s24+$0x0] =	vst.idx.add.s32.msk vm4, v2  }
0x115: {  	v8 =	vadd.s32 v1, v8;
	vm3 =	veq.s32 v9, v3  }
0x116: {  	_ =	sdelay $0x1  }
0x117: {  	s0 =	sadd.s32 $0x1, s0  }
0x118: {  	p0 =	sne.s32 s0, $0x10  }
.Ltmp8:
0x119: {  	_ = 	snop;
	(pc) =	sbr.rel @p0 .LBB2_16-.Ltmp8, $4  }
0x11a: {  	[tilespmem:v5+s24+$0x0] =	vst.idx.add.s32.msk vm0, v2  }
0x11b: {  	[tilespmem:v6+s24+$0x0] =	vst.idx.add.s32.msk vm1, v2  }
0x11c: {  	[tilespmem:v7+s24+$0x0] =	vst.idx.add.s32.msk vm2, v2  }
0x11d: {  	s31 =	sadd.s32 $0x200, s31;
	s30 =	sadd.s32 $0x1, s30;
	[tilespmem:v8+s24+$0x0] =	vst.idx.add.s32.msk vm3, v2  }
0x11e: {  	_ =	swait.ge [sflag:s23], $0x2000  }
0x11f: {  	s30 =	simm.s32 $0x0;
	[sflag:s23] =	ssyncset.done $0x0  }
0x120: {  	s31 =	simm.s32 $0x0;
	s0 =	simm.s32 $0x0;
	[sflag:s23] =	ssyncadd.s32 $0xFFFFE000  }
.LBB2_20:
0x121: {  	s1 =	sshll.u32 s31, $0x2;
	s2 =	sand.u32 $0x7, s30  }
0x122: {  	s1 =	sand.u32 $0xFFFFC000, s1;
	s2 =	sshll.u32 s2, $0x9  }
0x123: {  	s1 =	sor.u32 s2, s1  }
0x124: {  	s1 =	sshrl.u32 s1, $0x2  }
0x125: {  	s1 =	sadd.s32 $0x8040, s1  }
0x126: {  	v4 =	vmov s1;
	_ =	sdelay $0x3  }
0x127: {  	s2 =	simm.s32 $0x0  }
0x128: {  	v5 =	vld.idx.msk [tilespmem:v4+s2+$0xFFFFFFC0 ss:$0x1], $0xffff  }
0x129: {  	v6 =	vld.idx.msk [tilespmem:v4+s2+$0xFFFFFFD0 ss:$0x1], $0xffff  }
0x12a: {  	v7 =	vld.idx.msk [tilespmem:v4+s2+$0xFFFFFFE0 ss:$0x1], $0xffff  }
0x12b: {  	v8 =	vld.idx.msk [tilespmem:v4+s2+$0xFFFFFFF0 ss:$0x1], $0xffff  }
0x12c: {  	v10 =	vld.idx.msk [tilespmem:v4+s2+$0x0 ss:$0x1], $0xffff;
	_ =	sdelay $0x2  }
0x12d: {  	v9 =	vshrl.u32 v5, $0x9;
	v5 =	vshrl.u32 v5, $0x14  }
0x12e: {  	v11 =	vshrl.u32 v6, $0x9;
	v6 =	vshrl.u32 v6, $0x14;
	v12 =	vshrl.u32 v7, $0x14  }
0x12f: {  	v7 =	vshrl.u32 v7, $0x9;
	v63 =	vshrl.u32 v8, $0x9;
	v14 =	vshrl.u32 v10, $0x9  }
0x130: {  	v9 =	vand.u32 $0x7FF, v9;
	vm2 =	veq.s32 v5, v3;
	v5 =	vld.idx.msk [tilespmem:v4+s2+$0x10 ss:$0x1], $0xffff;
	v11 =	vand.u32 $0x7FF, v11  }
0x131: {  	vm3 =	veq.s32 v6, v3;
	v6 =	vand.u32 $0x7FF, v7;
	vm4 =	veq.s32 v12, v3  }
0x132: {  	v12 =	vand.u32 $0x7FF, v63;
	v9 =	vadd.s32 v1, v9;
	v7 =	vadd.s32 v1, v11;
	v11 =	vld.idx.msk [tilespmem:v4+s2+$0x20 ss:$0x1], $0xffff  }
0x133: {  	v14 =	vand.u32 $0x7FF, v14;
	v13 =	vadd.s32 v1, v6;
	v6 =	vshrl.u32 v8, $0x14;
	v8 =	vld.idx.msk [tilespmem:v4+s2+$0x30 ss:$0x1], $0xffff  }
0x134: {  	v12 =	vadd.s32 v1, v12;
	vm5 =	veq.s32 v6, v3;
	v6 =	vshrl.u32 v10, $0x14  }
0x135: {  	vm0 =	veq.s32 v6, v3;
	v10 =	vshrl.u32 v5, $0x14;
	v5 =	vshrl.u32 v5, $0x9  }
0x136: {  	v6 =	vand.u32 $0x7FF, v5;
	v5 =	vadd.s32 v1, v14;
	vm1 =	veq.s32 v10, v3  }
0x137: {  	[tilespmem:v9+s24+$0x0] =	vst.idx.add.s32.msk vm2, v2;
	v9 =	vshrl.u32 v11, $0x9;
	v10 =	vshrl.u32 v11, $0x14;
	v6 =	vadd.s32 v1, v6  }
0x138: {  	[tilespmem:v7+s24+$0x0] =	vst.idx.add.s32.msk vm3, v2;
	v7 =	vshrl.u32 v8, $0x9;
	v9 =	vand.u32 $0x7FF, v9;
	vm2 =	veq.s32 v10, v3  }
0x139: {  	[tilespmem:v13+s24+$0x0] =	vst.idx.add.s32.msk vm4, v2;
	v10 =	vand.u32 $0x7FF, v7;
	v7 =	vadd.s32 v1, v9;
	v9 =	vshrl.u32 v8, $0x14  }
0x13a: {  	s2 =	simm.s32 $0x1000;
	[tilespmem:v12+s24+$0x0] =	vst.idx.add.s32.msk vm5, v2;
	v8 =	vadd.s32 v1, v10;
	vm3 =	veq.s32 v9, v3  }
.LBB2_21:
0x13b: {  	p0 =	sne.s32 s2, $0x3000;
	s1 =	smov.u32 s2;
	s2 =	sadd.s32 $0x1000, s2  }
0x13c: {  	[tilespmem:v5+s24+$0x0] =	vst.idx.add.s32.msk vm0, v2  }
0x13d: {  	[tilespmem:v6+s24+$0x0] =	vst.idx.add.s32.msk vm1, v2  }
0x13e: {  	[tilespmem:v7+s24+$0x0] =	vst.idx.add.s32.msk vm2, v2;
	_ =	sdelay $0x1  }
0x13f: {  	s1 =	sshra.s32 s1, $0x2;
	[tilespmem:v8+s24+$0x0] =	vst.idx.add.s32.msk vm3, v2  }
0x140: {  	v5 =	vld.idx.msk [tilespmem:v4+s1+$0xFFFFFFC0 ss:$0x1], $0xffff  }
0x141: {  	v6 =	vld.idx.msk [tilespmem:v4+s1+$0xFFFFFFD0 ss:$0x1], $0xffff  }
0x142: {  	v7 =	vld.idx.msk [tilespmem:v4+s1+$0xFFFFFFE0 ss:$0x1], $0xffff;
	_ =	sdelay $0x1  }
0x143: {  	v8 =	vld.idx.msk [tilespmem:v4+s1+$0xFFFFFFF0 ss:$0x1], $0xffff;
	_ =	sdelay $0x1  }
0x144: {  	v10 =	vshrl.u32 v5, $0x9;
	v5 =	vshrl.u32 v5, $0x14;
	v9 =	vld.idx.msk [tilespmem:v4+s1+$0x0 ss:$0x1], $0xffff  }
0x145: {  	v12 =	vshrl.u32 v6, $0x9;
	v10 =	vand.u32 $0x7FF, v10;
	vm1 =	veq.s32 v5, v3;
	v11 =	vld.idx.msk [tilespmem:v4+s1+$0x10 ss:$0x1], $0xffff  }
0x146: {  	v6 =	vshrl.u32 v6, $0x14;
	v5 =	vadd.s32 v1, v10;
	v10 =	vshrl.u32 v7, $0x14  }
0x147: {  	v7 =	vshrl.u32 v7, $0x9;
	v12 =	vand.u32 $0x7FF, v12;
	vm2 =	veq.s32 v6, v3;
	v13 =	vld.idx.msk [tilespmem:v4+s1+$0x20 ss:$0x1], $0xffff  }
0x148: {  	v6 =	vand.u32 $0x7FF, v7;
	v7 =	vadd.s32 v1, v12;
	vm3 =	veq.s32 v10, v3  }
0x149: {  	v12 =	vshrl.u32 v8, $0x9;
	v14 =	vadd.s32 v1, v6;
	v6 =	vshrl.u32 v8, $0x14;
	v10 =	vld.idx.msk [tilespmem:v4+s1+$0x30 ss:$0x1], $0xffff  }
0x14a: {  	v12 =	vand.u32 $0x7FF, v12;
	vm4 =	veq.s32 v6, v3;
	v8 =	vshrl.u32 v9, $0x9  }
0x14b: {  	v12 =	vadd.s32 v1, v12;
	v6 =	vshrl.u32 v9, $0x14;
	v9 =	vshrl.u32 v11, $0x14  }
0x14c: {  	v11 =	vshrl.u32 v11, $0x9;
	v8 =	vand.u32 $0x7FF, v8;
	vm0 =	veq.s32 v6, v3;
	[tilespmem:v5+s24+$0x0] =	vst.idx.add.s32.msk vm1, v2  }
.Ltmp9:
0x14d: {  	v6 =	vand.u32 $0x7FF, v11;
	v5 =	vadd.s32 v1, v8;
	vm1 =	veq.s32 v9, v3;
	[tilespmem:v7+s24+$0x0] =	vst.idx.add.s32.msk vm2, v2;
	(pc) =	sbr.rel @p0 .LBB2_21-.Ltmp9, $4  }
0x14e: {  	v6 =	vadd.s32 v1, v6;
	v8 =	vshrl.u32 v13, $0x14;
	v7 =	vshrl.u32 v13, $0x9;
	[tilespmem:v14+s24+$0x0] =	vst.idx.add.s32.msk vm3, v2  }
0x14f: {  	vm2 =	veq.s32 v8, v3;
	v9 =	vshrl.u32 v10, $0x9;
	v7 =	vand.u32 $0x7FF, v7  }
0x150: {  	v8 =	vand.u32 $0x7FF, v9;
	v7 =	vadd.s32 v1, v7;
	v9 =	vshrl.u32 v10, $0x14;
	[tilespmem:v12+s24+$0x0] =	vst.idx.add.s32.msk vm4, v2  }
0x151: {  	v8 =	vadd.s32 v1, v8;
	vm3 =	veq.s32 v9, v3  }
0x152: {  	_ =	sdelay $0x1  }
0x153: {  	s0 =	sadd.s32 $0x1, s0  }
0x154: {  	p0 =	sne.s32 s0, $0x10  }
.Ltmp10:
0x155: {  	_ = 	snop;
	(pc) =	sbr.rel @p0 .LBB2_20-.Ltmp10, $4  }
0x156: {  	[tilespmem:v5+s24+$0x0] =	vst.idx.add.s32.msk vm0, v2  }
0x157: {  	[tilespmem:v6+s24+$0x0] =	vst.idx.add.s32.msk vm1, v2  }
0x158: {  	[tilespmem:v7+s24+$0x0] =	vst.idx.add.s32.msk vm2, v2  }
0x159: {  	s31 =	sadd.s32 $0x200, s31;
	s30 =	sadd.s32 $0x1, s30;
	[tilespmem:v8+s24+$0x0] =	vst.idx.add.s32.msk vm3, v2  }
0x15a: {  	_ =	swait.ge [sflag:s23], $0x2000  }
0x15b: {  	s30 =	simm.s32 $0x0;
	[sflag:s23] =	ssyncset.done $0x0  }
0x15c: {  	s31 =	simm.s32 $0x0;
	s0 =	simm.s32 $0x0;
	[sflag:s23] =	ssyncadd.s32 $0xFFFFE000  }
.LBB2_24:
0x15d: {  	s1 =	sshll.u32 s31, $0x2;
	s2 =	sand.u32 $0x7, s30  }
0x15e: {  	s1 =	sand.u32 $0xFFFFC000, s1;
	s2 =	sshll.u32 s2, $0x9  }
0x15f: {  	s1 =	sor.u32 s2, s1  }
0x160: {  	s1 =	sshrl.u32 s1, $0x2  }
0x161: {  	s1 =	sadd.s32 $0xA040, s1  }
0x162: {  	v4 =	vmov s1;
	_ =	sdelay $0x3  }
0x163: {  	s2 =	simm.s32 $0x0  }
0x164: {  	v5 =	vld.idx.msk [tilespmem:v4+s2+$0xFFFFFFC0 ss:$0x1], $0xffff  }
0x165: {  	v6 =	vld.idx.msk [tilespmem:v4+s2+$0xFFFFFFD0 ss:$0x1], $0xffff  }
0x166: {  	v7 =	vld.idx.msk [tilespmem:v4+s2+$0xFFFFFFE0 ss:$0x1], $0xffff  }
0x167: {  	v8 =	vld.idx.msk [tilespmem:v4+s2+$0xFFFFFFF0 ss:$0x1], $0xffff  }
0x168: {  	v10 =	vld.idx.msk [tilespmem:v4+s2+$0x0 ss:$0x1], $0xffff;
	_ =	sdelay $0x2  }
0x169: {  	v9 =	vshrl.u32 v5, $0x9;
	v5 =	vshrl.u32 v5, $0x14  }
0x16a: {  	v11 =	vshrl.u32 v6, $0x9;
	v6 =	vshrl.u32 v6, $0x14;
	v12 =	vshrl.u32 v7, $0x14  }
0x16b: {  	v7 =	vshrl.u32 v7, $0x9;
	v63 =	vshrl.u32 v8, $0x9;
	v14 =	vshrl.u32 v10, $0x9  }
0x16c: {  	v9 =	vand.u32 $0x7FF, v9;
	vm2 =	veq.s32 v5, v3;
	v5 =	vld.idx.msk [tilespmem:v4+s2+$0x10 ss:$0x1], $0xffff;
	v11 =	vand.u32 $0x7FF, v11  }
0x16d: {  	vm3 =	veq.s32 v6, v3;
	v6 =	vand.u32 $0x7FF, v7;
	vm4 =	veq.s32 v12, v3  }
0x16e: {  	v12 =	vand.u32 $0x7FF, v63;
	v9 =	vadd.s32 v1, v9;
	v7 =	vadd.s32 v1, v11;
	v11 =	vld.idx.msk [tilespmem:v4+s2+$0x20 ss:$0x1], $0xffff  }
0x16f: {  	v14 =	vand.u32 $0x7FF, v14;
	v13 =	vadd.s32 v1, v6;
	v6 =	vshrl.u32 v8, $0x14;
	v8 =	vld.idx.msk [tilespmem:v4+s2+$0x30 ss:$0x1], $0xffff  }
0x170: {  	v12 =	vadd.s32 v1, v12;
	vm5 =	veq.s32 v6, v3;
	v6 =	vshrl.u32 v10, $0x14  }
0x171: {  	vm0 =	veq.s32 v6, v3;
	v10 =	vshrl.u32 v5, $0x14;
	v5 =	vshrl.u32 v5, $0x9  }
0x172: {  	v6 =	vand.u32 $0x7FF, v5;
	v5 =	vadd.s32 v1, v14;
	vm1 =	veq.s32 v10, v3  }
0x173: {  	[tilespmem:v9+s24+$0x0] =	vst.idx.add.s32.msk vm2, v2;
	v9 =	vshrl.u32 v11, $0x9;
	v10 =	vshrl.u32 v11, $0x14;
	v6 =	vadd.s32 v1, v6  }
0x174: {  	[tilespmem:v7+s24+$0x0] =	vst.idx.add.s32.msk vm3, v2;
	v7 =	vshrl.u32 v8, $0x9;
	v9 =	vand.u32 $0x7FF, v9;
	vm2 =	veq.s32 v10, v3  }
0x175: {  	[tilespmem:v13+s24+$0x0] =	vst.idx.add.s32.msk vm4, v2;
	v10 =	vand.u32 $0x7FF, v7;
	v7 =	vadd.s32 v1, v9;
	v9 =	vshrl.u32 v8, $0x14  }
0x176: {  	s2 =	simm.s32 $0x1000;
	[tilespmem:v12+s24+$0x0] =	vst.idx.add.s32.msk vm5, v2;
	v8 =	vadd.s32 v1, v10;
	vm3 =	veq.s32 v9, v3  }
.LBB2_25:
0x177: {  	p0 =	sne.s32 s2, $0x3000;
	s1 =	smov.u32 s2;
	s2 =	sadd.s32 $0x1000, s2  }
0x178: {  	[tilespmem:v5+s24+$0x0] =	vst.idx.add.s32.msk vm0, v2  }
0x179: {  	[tilespmem:v6+s24+$0x0] =	vst.idx.add.s32.msk vm1, v2  }
0x17a: {  	[tilespmem:v7+s24+$0x0] =	vst.idx.add.s32.msk vm2, v2;
	_ =	sdelay $0x1  }
0x17b: {  	s1 =	sshra.s32 s1, $0x2;
	[tilespmem:v8+s24+$0x0] =	vst.idx.add.s32.msk vm3, v2  }
0x17c: {  	v5 =	vld.idx.msk [tilespmem:v4+s1+$0xFFFFFFC0 ss:$0x1], $0xffff  }
0x17d: {  	v6 =	vld.idx.msk [tilespmem:v4+s1+$0xFFFFFFD0 ss:$0x1], $0xffff  }
0x17e: {  	v7 =	vld.idx.msk [tilespmem:v4+s1+$0xFFFFFFE0 ss:$0x1], $0xffff;
	_ =	sdelay $0x1  }
0x17f: {  	v8 =	vld.idx.msk [tilespmem:v4+s1+$0xFFFFFFF0 ss:$0x1], $0xffff;
	_ =	sdelay $0x1  }
0x180: {  	v10 =	vshrl.u32 v5, $0x9;
	v5 =	vshrl.u32 v5, $0x14;
	v9 =	vld.idx.msk [tilespmem:v4+s1+$0x0 ss:$0x1], $0xffff  }
0x181: {  	v12 =	vshrl.u32 v6, $0x9;
	v10 =	vand.u32 $0x7FF, v10;
	vm1 =	veq.s32 v5, v3;
	v11 =	vld.idx.msk [tilespmem:v4+s1+$0x10 ss:$0x1], $0xffff  }
0x182: {  	v6 =	vshrl.u32 v6, $0x14;
	v5 =	vadd.s32 v1, v10;
	v10 =	vshrl.u32 v7, $0x14  }
0x183: {  	v7 =	vshrl.u32 v7, $0x9;
	v12 =	vand.u32 $0x7FF, v12;
	vm2 =	veq.s32 v6, v3;
	v13 =	vld.idx.msk [tilespmem:v4+s1+$0x20 ss:$0x1], $0xffff  }
0x184: {  	v6 =	vand.u32 $0x7FF, v7;
	v7 =	vadd.s32 v1, v12;
	vm3 =	veq.s32 v10, v3  }
0x185: {  	v12 =	vshrl.u32 v8, $0x9;
	v14 =	vadd.s32 v1, v6;
	v6 =	vshrl.u32 v8, $0x14;
	v10 =	vld.idx.msk [tilespmem:v4+s1+$0x30 ss:$0x1], $0xffff  }
0x186: {  	v12 =	vand.u32 $0x7FF, v12;
	vm4 =	veq.s32 v6, v3;
	v8 =	vshrl.u32 v9, $0x9  }
0x187: {  	v12 =	vadd.s32 v1, v12;
	v6 =	vshrl.u32 v9, $0x14;
	v9 =	vshrl.u32 v11, $0x14  }
0x188: {  	v11 =	vshrl.u32 v11, $0x9;
	v8 =	vand.u32 $0x7FF, v8;
	vm0 =	veq.s32 v6, v3;
	[tilespmem:v5+s24+$0x0] =	vst.idx.add.s32.msk vm1, v2  }
.Ltmp11:
0x189: {  	v6 =	vand.u32 $0x7FF, v11;
	v5 =	vadd.s32 v1, v8;
	vm1 =	veq.s32 v9, v3;
	[tilespmem:v7+s24+$0x0] =	vst.idx.add.s32.msk vm2, v2;
	(pc) =	sbr.rel @p0 .LBB2_25-.Ltmp11, $4  }
0x18a: {  	v6 =	vadd.s32 v1, v6;
	v8 =	vshrl.u32 v13, $0x14;
	v7 =	vshrl.u32 v13, $0x9;
	[tilespmem:v14+s24+$0x0] =	vst.idx.add.s32.msk vm3, v2  }
0x18b: {  	vm2 =	veq.s32 v8, v3;
	v9 =	vshrl.u32 v10, $0x9;
	v7 =	vand.u32 $0x7FF, v7  }
0x18c: {  	v8 =	vand.u32 $0x7FF, v9;
	v7 =	vadd.s32 v1, v7;
	v9 =	vshrl.u32 v10, $0x14;
	[tilespmem:v12+s24+$0x0] =	vst.idx.add.s32.msk vm4, v2  }
0x18d: {  	v8 =	vadd.s32 v1, v8;
	vm3 =	veq.s32 v9, v3  }
0x18e: {  	_ =	sdelay $0x1  }
0x18f: {  	s0 =	sadd.s32 $0x1, s0  }
0x190: {  	p0 =	sne.s32 s0, $0x10  }
.Ltmp12:
0x191: {  	_ = 	snop;
	(pc) =	sbr.rel @p0 .LBB2_24-.Ltmp12, $4  }
0x192: {  	[tilespmem:v5+s24+$0x0] =	vst.idx.add.s32.msk vm0, v2  }
0x193: {  	[tilespmem:v6+s24+$0x0] =	vst.idx.add.s32.msk vm1, v2  }
0x194: {  	[tilespmem:v7+s24+$0x0] =	vst.idx.add.s32.msk vm2, v2  }
0x195: {  	s31 =	sadd.s32 $0x200, s31;
	s30 =	sadd.s32 $0x1, s30;
	[tilespmem:v8+s24+$0x0] =	vst.idx.add.s32.msk vm3, v2  }
0x196: {  	_ =	swait.ge [sflag:s23], $0x2000  }
0x197: {  	s30 =	simm.s32 $0x0;
	[sflag:s23] =	ssyncset.done $0x0  }
0x198: {  	s31 =	simm.s32 $0x0;
	s0 =	simm.s32 $0x0;
	[sflag:s23] =	ssyncadd.s32 $0xFFFFE000  }
.LBB2_28:
0x199: {  	s1 =	sshll.u32 s31, $0x2;
	s2 =	sand.u32 $0x7, s30  }
0x19a: {  	s1 =	sand.u32 $0xFFFFC000, s1;
	s2 =	sshll.u32 s2, $0x9  }
0x19b: {  	s1 =	sor.u32 s2, s1  }
0x19c: {  	s1 =	sshrl.u32 s1, $0x2  }
0x19d: {  	s1 =	sadd.s32 $0xC040, s1  }
0x19e: {  	v4 =	vmov s1;
	_ =	sdelay $0x3  }
0x19f: {  	s2 =	simm.s32 $0x0  }
0x1a0: {  	v5 =	vld.idx.msk [tilespmem:v4+s2+$0xFFFFFFC0 ss:$0x1], $0xffff  }
0x1a1: {  	v6 =	vld.idx.msk [tilespmem:v4+s2+$0xFFFFFFD0 ss:$0x1], $0xffff  }
0x1a2: {  	v7 =	vld.idx.msk [tilespmem:v4+s2+$0xFFFFFFE0 ss:$0x1], $0xffff  }
0x1a3: {  	v8 =	vld.idx.msk [tilespmem:v4+s2+$0xFFFFFFF0 ss:$0x1], $0xffff  }
0x1a4: {  	v10 =	vld.idx.msk [tilespmem:v4+s2+$0x0 ss:$0x1], $0xffff;
	_ =	sdelay $0x2  }
0x1a5: {  	v9 =	vshrl.u32 v5, $0x9;
	v5 =	vshrl.u32 v5, $0x14  }
0x1a6: {  	v11 =	vshrl.u32 v6, $0x9;
	v6 =	vshrl.u32 v6, $0x14;
	v12 =	vshrl.u32 v7, $0x14  }
0x1a7: {  	v7 =	vshrl.u32 v7, $0x9;
	v63 =	vshrl.u32 v8, $0x9;
	v14 =	vshrl.u32 v10, $0x9  }
0x1a8: {  	v9 =	vand.u32 $0x7FF, v9;
	vm2 =	veq.s32 v5, v3;
	v5 =	vld.idx.msk [tilespmem:v4+s2+$0x10 ss:$0x1], $0xffff;
	v11 =	vand.u32 $0x7FF, v11  }
0x1a9: {  	vm3 =	veq.s32 v6, v3;
	v6 =	vand.u32 $0x7FF, v7;
	vm4 =	veq.s32 v12, v3  }
0x1aa: {  	v12 =	vand.u32 $0x7FF, v63;
	v9 =	vadd.s32 v1, v9;
	v7 =	vadd.s32 v1, v11;
	v11 =	vld.idx.msk [tilespmem:v4+s2+$0x20 ss:$0x1], $0xffff  }
0x1ab: {  	v14 =	vand.u32 $0x7FF, v14;
	v13 =	vadd.s32 v1, v6;
	v6 =	vshrl.u32 v8, $0x14;
	v8 =	vld.idx.msk [tilespmem:v4+s2+$0x30 ss:$0x1], $0xffff  }
0x1ac: {  	v12 =	vadd.s32 v1, v12;
	vm5 =	veq.s32 v6, v3;
	v6 =	vshrl.u32 v10, $0x14  }
0x1ad: {  	vm0 =	veq.s32 v6, v3;
	v10 =	vshrl.u32 v5, $0x14;
	v5 =	vshrl.u32 v5, $0x9  }
0x1ae: {  	v6 =	vand.u32 $0x7FF, v5;
	v5 =	vadd.s32 v1, v14;
	vm1 =	veq.s32 v10, v3  }
0x1af: {  	[tilespmem:v9+s24+$0x0] =	vst.idx.add.s32.msk vm2, v2;
	v9 =	vshrl.u32 v11, $0x9;
	v10 =	vshrl.u32 v11, $0x14;
	v6 =	vadd.s32 v1, v6  }
0x1b0: {  	[tilespmem:v7+s24+$0x0] =	vst.idx.add.s32.msk vm3, v2;
	v7 =	vshrl.u32 v8, $0x9;
	v9 =	vand.u32 $0x7FF, v9;
	vm2 =	veq.s32 v10, v3  }
0x1b1: {  	[tilespmem:v13+s24+$0x0] =	vst.idx.add.s32.msk vm4, v2;
	v10 =	vand.u32 $0x7FF, v7;
	v7 =	vadd.s32 v1, v9;
	v9 =	vshrl.u32 v8, $0x14  }
0x1b2: {  	s2 =	simm.s32 $0x1000;
	[tilespmem:v12+s24+$0x0] =	vst.idx.add.s32.msk vm5, v2;
	v8 =	vadd.s32 v1, v10;
	vm3 =	veq.s32 v9, v3  }
.LBB2_29:
0x1b3: {  	p0 =	sne.s32 s2, $0x3000;
	s1 =	smov.u32 s2;
	s2 =	sadd.s32 $0x1000, s2  }
0x1b4: {  	[tilespmem:v5+s24+$0x0] =	vst.idx.add.s32.msk vm0, v2  }
0x1b5: {  	[tilespmem:v6+s24+$0x0] =	vst.idx.add.s32.msk vm1, v2  }
0x1b6: {  	[tilespmem:v7+s24+$0x0] =	vst.idx.add.s32.msk vm2, v2;
	_ =	sdelay $0x1  }
0x1b7: {  	s1 =	sshra.s32 s1, $0x2;
	[tilespmem:v8+s24+$0x0] =	vst.idx.add.s32.msk vm3, v2  }
0x1b8: {  	v5 =	vld.idx.msk [tilespmem:v4+s1+$0xFFFFFFC0 ss:$0x1], $0xffff  }
0x1b9: {  	v6 =	vld.idx.msk [tilespmem:v4+s1+$0xFFFFFFD0 ss:$0x1], $0xffff  }
0x1ba: {  	v7 =	vld.idx.msk [tilespmem:v4+s1+$0xFFFFFFE0 ss:$0x1], $0xffff;
	_ =	sdelay $0x1  }
0x1bb: {  	v8 =	vld.idx.msk [tilespmem:v4+s1+$0xFFFFFFF0 ss:$0x1], $0xffff;
	_ =	sdelay $0x1  }
0x1bc: {  	v10 =	vshrl.u32 v5, $0x9;
	v5 =	vshrl.u32 v5, $0x14;
	v9 =	vld.idx.msk [tilespmem:v4+s1+$0x0 ss:$0x1], $0xffff  }
0x1bd: {  	v12 =	vshrl.u32 v6, $0x9;
	v10 =	vand.u32 $0x7FF, v10;
	vm1 =	veq.s32 v5, v3;
	v11 =	vld.idx.msk [tilespmem:v4+s1+$0x10 ss:$0x1], $0xffff  }
0x1be: {  	v6 =	vshrl.u32 v6, $0x14;
	v5 =	vadd.s32 v1, v10;
	v10 =	vshrl.u32 v7, $0x14  }
0x1bf: {  	v7 =	vshrl.u32 v7, $0x9;
	v12 =	vand.u32 $0x7FF, v12;
	vm2 =	veq.s32 v6, v3;
	v13 =	vld.idx.msk [tilespmem:v4+s1+$0x20 ss:$0x1], $0xffff  }
0x1c0: {  	v6 =	vand.u32 $0x7FF, v7;
	v7 =	vadd.s32 v1, v12;
	vm3 =	veq.s32 v10, v3  }
0x1c1: {  	v12 =	vshrl.u32 v8, $0x9;
	v14 =	vadd.s32 v1, v6;
	v6 =	vshrl.u32 v8, $0x14;
	v10 =	vld.idx.msk [tilespmem:v4+s1+$0x30 ss:$0x1], $0xffff  }
0x1c2: {  	v12 =	vand.u32 $0x7FF, v12;
	vm4 =	veq.s32 v6, v3;
	v8 =	vshrl.u32 v9, $0x9  }
0x1c3: {  	v12 =	vadd.s32 v1, v12;
	v6 =	vshrl.u32 v9, $0x14;
	v9 =	vshrl.u32 v11, $0x14  }
0x1c4: {  	v11 =	vshrl.u32 v11, $0x9;
	v8 =	vand.u32 $0x7FF, v8;
	vm0 =	veq.s32 v6, v3;
	[tilespmem:v5+s24+$0x0] =	vst.idx.add.s32.msk vm1, v2  }
.Ltmp13:
0x1c5: {  	v6 =	vand.u32 $0x7FF, v11;
	v5 =	vadd.s32 v1, v8;
	vm1 =	veq.s32 v9, v3;
	[tilespmem:v7+s24+$0x0] =	vst.idx.add.s32.msk vm2, v2;
	(pc) =	sbr.rel @p0 .LBB2_29-.Ltmp13, $4  }
0x1c6: {  	v6 =	vadd.s32 v1, v6;
	v8 =	vshrl.u32 v13, $0x14;
	v7 =	vshrl.u32 v13, $0x9;
	[tilespmem:v14+s24+$0x0] =	vst.idx.add.s32.msk vm3, v2  }
0x1c7: {  	vm2 =	veq.s32 v8, v3;
	v9 =	vshrl.u32 v10, $0x9;
	v7 =	vand.u32 $0x7FF, v7  }
0x1c8: {  	v8 =	vand.u32 $0x7FF, v9;
	v7 =	vadd.s32 v1, v7;
	v9 =	vshrl.u32 v10, $0x14;
	[tilespmem:v12+s24+$0x0] =	vst.idx.add.s32.msk vm4, v2  }
0x1c9: {  	v8 =	vadd.s32 v1, v8;
	vm3 =	veq.s32 v9, v3  }
0x1ca: {  	_ =	sdelay $0x1  }
0x1cb: {  	s0 =	sadd.s32 $0x1, s0  }
0x1cc: {  	p0 =	sne.s32 s0, $0x10  }
.Ltmp14:
0x1cd: {  	_ = 	snop;
	(pc) =	sbr.rel @p0 .LBB2_28-.Ltmp14, $4  }
0x1ce: {  	[tilespmem:v5+s24+$0x0] =	vst.idx.add.s32.msk vm0, v2  }
0x1cf: {  	[tilespmem:v6+s24+$0x0] =	vst.idx.add.s32.msk vm1, v2  }
0x1d0: {  	[tilespmem:v7+s24+$0x0] =	vst.idx.add.s32.msk vm2, v2  }
0x1d1: {  	s31 =	sadd.s32 $0x200, s31;
	s30 =	sadd.s32 $0x1, s30;
	[tilespmem:v8+s24+$0x0] =	vst.idx.add.s32.msk vm3, v2  }
0x1d2: {  	_ =	swait.ge [sflag:s23], $0x2000  }
0x1d3: {  	s30 =	simm.s32 $0x0;
	[sflag:s23] =	ssyncset.done $0x0  }
0x1d4: {  	s0 =	simm.s32 $0x0;
	s31 =	simm.s32 $0x0;
	[sflag:s23] =	ssyncadd.s32 $0xFFFFE000  }
.LBB2_32:
0x1d5: {  	s1 =	sshll.u32 s0, $0x2;
	s2 =	sand.u32 $0x7, s30  }
0x1d6: {  	s1 =	sand.u32 $0xFFFFC000, s1;
	s2 =	sshll.u32 s2, $0x9  }
0x1d7: {  	s1 =	sor.u32 s2, s1  }
0x1d8: {  	s1 =	sshrl.u32 s1, $0x2  }
0x1d9: {  	s1 =	sadd.s32 $0xE040, s1  }
0x1da: {  	v4 =	vmov s1;
	_ =	sdelay $0x3  }
0x1db: {  	s2 =	simm.s32 $0x0  }
0x1dc: {  	v5 =	vld.idx.msk [tilespmem:v4+s2+$0xFFFFFFC0 ss:$0x1], $0xffff  }
0x1dd: {  	v6 =	vld.idx.msk [tilespmem:v4+s2+$0xFFFFFFD0 ss:$0x1], $0xffff  }
0x1de: {  	v7 =	vld.idx.msk [tilespmem:v4+s2+$0xFFFFFFE0 ss:$0x1], $0xffff  }
0x1df: {  	v8 =	vld.idx.msk [tilespmem:v4+s2+$0xFFFFFFF0 ss:$0x1], $0xffff  }
0x1e0: {  	v10 =	vld.idx.msk [tilespmem:v4+s2+$0x0 ss:$0x1], $0xffff;
	_ =	sdelay $0x2  }
0x1e1: {  	v9 =	vshrl.u32 v5, $0x9;
	v5 =	vshrl.u32 v5, $0x14  }
0x1e2: {  	v11 =	vshrl.u32 v6, $0x9;
	v6 =	vshrl.u32 v6, $0x14;
	v12 =	vshrl.u32 v7, $0x14  }
0x1e3: {  	v7 =	vshrl.u32 v7, $0x9;
	v63 =	vshrl.u32 v8, $0x9;
	v14 =	vshrl.u32 v10, $0x9  }
0x1e4: {  	v9 =	vand.u32 $0x7FF, v9;
	vm2 =	veq.s32 v5, v3;
	v5 =	vld.idx.msk [tilespmem:v4+s2+$0x10 ss:$0x1], $0xffff;
	v11 =	vand.u32 $0x7FF, v11  }
0x1e5: {  	vm3 =	veq.s32 v6, v3;
	v6 =	vand.u32 $0x7FF, v7;
	vm4 =	veq.s32 v12, v3  }
0x1e6: {  	v12 =	vand.u32 $0x7FF, v63;
	v9 =	vadd.s32 v1, v9;
	v7 =	vadd.s32 v1, v11;
	v11 =	vld.idx.msk [tilespmem:v4+s2+$0x20 ss:$0x1], $0xffff  }
0x1e7: {  	v14 =	vand.u32 $0x7FF, v14;
	v13 =	vadd.s32 v1, v6;
	v6 =	vshrl.u32 v8, $0x14;
	v8 =	vld.idx.msk [tilespmem:v4+s2+$0x30 ss:$0x1], $0xffff  }
0x1e8: {  	v12 =	vadd.s32 v1, v12;
	vm5 =	veq.s32 v6, v3;
	v6 =	vshrl.u32 v10, $0x14  }
0x1e9: {  	vm0 =	veq.s32 v6, v3;
	v10 =	vshrl.u32 v5, $0x14;
	v5 =	vshrl.u32 v5, $0x9  }
0x1ea: {  	v6 =	vand.u32 $0x7FF, v5;
	v5 =	vadd.s32 v1, v14;
	vm1 =	veq.s32 v10, v3  }
0x1eb: {  	[tilespmem:v9+s24+$0x0] =	vst.idx.add.s32.msk vm2, v2;
	v9 =	vshrl.u32 v11, $0x9;
	v10 =	vshrl.u32 v11, $0x14;
	v6 =	vadd.s32 v1, v6  }
0x1ec: {  	[tilespmem:v7+s24+$0x0] =	vst.idx.add.s32.msk vm3, v2;
	v7 =	vshrl.u32 v8, $0x9;
	v9 =	vand.u32 $0x7FF, v9;
	vm2 =	veq.s32 v10, v3  }
0x1ed: {  	[tilespmem:v13+s24+$0x0] =	vst.idx.add.s32.msk vm4, v2;
	v10 =	vand.u32 $0x7FF, v7;
	v7 =	vadd.s32 v1, v9;
	v9 =	vshrl.u32 v8, $0x14  }
0x1ee: {  	s2 =	simm.s32 $0x1000;
	[tilespmem:v12+s24+$0x0] =	vst.idx.add.s32.msk vm5, v2;
	v8 =	vadd.s32 v1, v10;
	vm3 =	veq.s32 v9, v3  }
.LBB2_33:
0x1ef: {  	p0 =	sne.s32 s2, $0x3000;
	s1 =	smov.u32 s2;
	s2 =	sadd.s32 $0x1000, s2  }
0x1f0: {  	[tilespmem:v5+s24+$0x0] =	vst.idx.add.s32.msk vm0, v2  }
0x1f1: {  	[tilespmem:v6+s24+$0x0] =	vst.idx.add.s32.msk vm1, v2  }
0x1f2: {  	[tilespmem:v7+s24+$0x0] =	vst.idx.add.s32.msk vm2, v2;
	_ =	sdelay $0x1  }
0x1f3: {  	s1 =	sshra.s32 s1, $0x2;
	[tilespmem:v8+s24+$0x0] =	vst.idx.add.s32.msk vm3, v2  }
0x1f4: {  	v5 =	vld.idx.msk [tilespmem:v4+s1+$0xFFFFFFC0 ss:$0x1], $0xffff  }
0x1f5: {  	v6 =	vld.idx.msk [tilespmem:v4+s1+$0xFFFFFFD0 ss:$0x1], $0xffff  }
0x1f6: {  	v7 =	vld.idx.msk [tilespmem:v4+s1+$0xFFFFFFE0 ss:$0x1], $0xffff;
	_ =	sdelay $0x1  }
0x1f7: {  	v8 =	vld.idx.msk [tilespmem:v4+s1+$0xFFFFFFF0 ss:$0x1], $0xffff;
	_ =	sdelay $0x1  }
0x1f8: {  	v10 =	vshrl.u32 v5, $0x9;
	v5 =	vshrl.u32 v5, $0x14;
	v9 =	vld.idx.msk [tilespmem:v4+s1+$0x0 ss:$0x1], $0xffff  }
0x1f9: {  	v12 =	vshrl.u32 v6, $0x9;
	v10 =	vand.u32 $0x7FF, v10;
	vm1 =	veq.s32 v5, v3;
	v11 =	vld.idx.msk [tilespmem:v4+s1+$0x10 ss:$0x1], $0xffff  }
0x1fa: {  	v6 =	vshrl.u32 v6, $0x14;
	v5 =	vadd.s32 v1, v10;
	v10 =	vshrl.u32 v7, $0x14  }
0x1fb: {  	v7 =	vshrl.u32 v7, $0x9;
	v12 =	vand.u32 $0x7FF, v12;
	vm2 =	veq.s32 v6, v3;
	v13 =	vld.idx.msk [tilespmem:v4+s1+$0x20 ss:$0x1], $0xffff  }
0x1fc: {  	v6 =	vand.u32 $0x7FF, v7;
	v7 =	vadd.s32 v1, v12;
	vm3 =	veq.s32 v10, v3  }
0x1fd: {  	v12 =	vshrl.u32 v8, $0x9;
	v14 =	vadd.s32 v1, v6;
	v6 =	vshrl.u32 v8, $0x14;
	v10 =	vld.idx.msk [tilespmem:v4+s1+$0x30 ss:$0x1], $0xffff  }
0x1fe: {  	v12 =	vand.u32 $0x7FF, v12;
	vm4 =	veq.s32 v6, v3;
	v8 =	vshrl.u32 v9, $0x9  }
0x1ff: {  	v12 =	vadd.s32 v1, v12;
	v6 =	vshrl.u32 v9, $0x14;
	v9 =	vshrl.u32 v11, $0x14  }
0x200: {  	v11 =	vshrl.u32 v11, $0x9;
	v8 =	vand.u32 $0x7FF, v8;
	vm0 =	veq.s32 v6, v3;
	[tilespmem:v5+s24+$0x0] =	vst.idx.add.s32.msk vm1, v2  }
.Ltmp15:
0x201: {  	v6 =	vand.u32 $0x7FF, v11;
	v5 =	vadd.s32 v1, v8;
	vm1 =	veq.s32 v9, v3;
	[tilespmem:v7+s24+$0x0] =	vst.idx.add.s32.msk vm2, v2;
	(pc) =	sbr.rel @p0 .LBB2_33-.Ltmp15, $4  }
0x202: {  	v6 =	vadd.s32 v1, v6;
	v8 =	vshrl.u32 v13, $0x14;
	v7 =	vshrl.u32 v13, $0x9;
	[tilespmem:v14+s24+$0x0] =	vst.idx.add.s32.msk vm3, v2  }
0x203: {  	vm2 =	veq.s32 v8, v3;
	v9 =	vshrl.u32 v10, $0x9;
	v7 =	vand.u32 $0x7FF, v7  }
0x204: {  	v8 =	vand.u32 $0x7FF, v9;
	v7 =	vadd.s32 v1, v7;
	v9 =	vshrl.u32 v10, $0x14;
	[tilespmem:v12+s24+$0x0] =	vst.idx.add.s32.msk vm4, v2  }
0x205: {  	v8 =	vadd.s32 v1, v8;
	vm3 =	veq.s32 v9, v3  }
0x206: {  	_ =	sdelay $0x1  }
0x207: {  	s31 =	sadd.s32 $0x1, s31  }
0x208: {  	p0 =	sne.s32 s31, $0x10  }
.Ltmp16:
0x209: {  	_ = 	snop;
	(pc) =	sbr.rel @p0 .LBB2_32-.Ltmp16, $4  }
0x20a: {  	[tilespmem:v5+s24+$0x0] =	vst.idx.add.s32.msk vm0, v2  }
0x20b: {  	[tilespmem:v6+s24+$0x0] =	vst.idx.add.s32.msk vm1, v2  }
0x20c: {  	[tilespmem:v7+s24+$0x0] =	vst.idx.add.s32.msk vm2, v2  }
0x20d: {  	s0 =	sadd.s32 $0x200, s0;
	s30 =	sadd.s32 $0x1, s30;
	[tilespmem:v8+s24+$0x0] =	vst.idx.add.s32.msk vm3, v2  }
0x20e: {  	s0 =	simm.s32 $0x0  }
0x20f: {  	v3 =	vld [tilespmem:s0+$0x10000]  }
0x210: {  	v4 =	vld [tilespmem:s0+$0x10801]  }
0x211: {  	v5 =	vld [tilespmem:s0+$0x11002]  }
0x212: {  	v6 =	vld [tilespmem:s0+$0x11803]  }
0x213: {  	v7 =	vld [tilespmem:s0+$0x12004]  }
0x214: {  	v8 =	vld [tilespmem:s0+$0x12805]  }
0x215: {  	v3 =	vadd.s32 v3, v4;
	v4 =	vld [tilespmem:s0+$0x13006]  }
0x216: {  	v3 =	vadd.s32 v5, v3;
	v5 =	vld [tilespmem:s0+$0x13807]  }
0x217: {  	v3 =	vadd.s32 v6, v3;
	v6 =	vld [tilespmem:s0+$0x14008]  }
0x218: {  	v3 =	vadd.s32 v7, v3;
	v7 =	vld [tilespmem:s0+$0x14809]  }
0x219: {  	v3 =	vadd.s32 v8, v3;
	v8 =	vld [tilespmem:s0+$0x1500A]  }
0x21a: {  	v9 =	vld [tilespmem:s0+$0x1580B];
	v3 =	vadd.s32 v4, v3  }
0x21b: {  	v4 =	vld [tilespmem:s0+$0x1600C];
	v3 =	vadd.s32 v5, v3  }
0x21c: {  	v5 =	vld [tilespmem:s0+$0x1680D];
	v3 =	vadd.s32 v6, v3  }
0x21d: {  	v6 =	vld [tilespmem:s0+$0x1700E];
	v3 =	vadd.s32 v7, v3  }
0x21e: {  	s2 =	simm.s32 $0x10;
	v7 =	vld [tilespmem:s0+$0x1780F];
	v8 =	vadd.s32 v8, v3  }
0x21f: {  	s30 =	simm.s32 $0x80;
	v3 =	vld [tilespmem:s2+$0x10000];
	v8 =	vadd.s32 v9, v8  }
.LBB2_36:
0x220: {  	p0 =	sne.s32 s30, $0x1FC0;
	v9 =	vld [tilespmem:s2+$0x10801];
	v4 =	vadd.s32 v4, v8  }
0x221: {  	v8 =	vld [tilespmem:s2+$0x11002];
	v4 =	vadd.s32 v5, v4  }
0x222: {  	v5 =	vld [tilespmem:s2+$0x11803];
	v4 =	vadd.s32 v6, v4  }
0x223: {  	v6 =	vld [tilespmem:s2+$0x12004];
	v4 =	vadd.s32 v7, v4  }
0x224: {  	v7 =	vld [tilespmem:s2+$0x12805];
	[tilespmem:s0+$0x18080] =	vst v4;
	s0 =	smov.u32 s2  }
0x225: {  	v3 =	vadd.s32 v3, v9;
	v4 =	vld [tilespmem:s0+$0x13006]  }
0x226: {  	v3 =	vadd.s32 v8, v3;
	v8 =	vld [tilespmem:s0+$0x13807]  }
0x227: {  	v3 =	vadd.s32 v5, v3;
	v5 =	vld [tilespmem:s0+$0x14008]  }
0x228: {  	v3 =	vadd.s32 v6, v3;
	v6 =	vld [tilespmem:s0+$0x14809]  }
0x229: {  	v3 =	vadd.s32 v7, v3;
	v7 =	vld [tilespmem:s0+$0x1500A]  }
0x22a: {  	v3 =	vadd.s32 v4, v3;
	v9 =	vld [tilespmem:s0+$0x1580B]  }
.Ltmp17:
0x22b: {  	v3 =	vadd.s32 v8, v3;
	v4 =	vld [tilespmem:s0+$0x1600C];
	(pc) =	sbr.rel @p0 .LBB2_36-.Ltmp17, $4  }
0x22c: {  	v3 =	vadd.s32 v5, v3;
	v5 =	vld [tilespmem:s0+$0x1680D]  }
0x22d: {  	v3 =	vadd.s32 v6, v3;
	v6 =	vld [tilespmem:s0+$0x1700E]  }
0x22e: {  	s2 =	sshra.s32 s30, $0x2;
	v8 =	vadd.s32 v7, v3;
	v7 =	vld [tilespmem:s0+$0x1780F]  }
0x22f: {  	s30 =	sadd.s32 $0x40, s30;
	v3 =	vld [tilespmem:s2+$0x10000];
	v8 =	vadd.s32 v9, v8  }
0x230: {  	v9 =	vld [tilespmem:s2+$0x10801];
	v4 =	vadd.s32 v4, v8  }
0x231: {  	v51 =	vld [tilespmem:s2+$0x11002];
	v4 =	vadd.s32 v5, v4  }
0x232: {  	v52 =	vld [tilespmem:s2+$0x11803];
	v4 =	vadd.s32 v6, v4  }
0x233: {  	v53 =	vld [tilespmem:s2+$0x12004];
	v4 =	vadd.s32 v7, v4  }
0x234: {  	v54 =	vld [tilespmem:s2+$0x12805];
	[tilespmem:s0+$0x18080] =	vst v4  }
0x235: {  	v3 =	vadd.s32 v3, v9;
	v4 =	vld [tilespmem:s2+$0x13006]  }
0x236: {  	v55 =	vld [tilespmem:s2+$0x13807];
	v3 =	vadd.s32 v51, v3  }
0x237: {  	v56 =	vld [tilespmem:s2+$0x14008];
	v3 =	vadd.s32 v52, v3  }
0x238: {  	v57 =	vld [tilespmem:s2+$0x14809];
	v3 =	vadd.s32 v53, v3  }
0x239: {  	v58 =	vld [tilespmem:s2+$0x1500A];
	v3 =	vadd.s32 v54, v3  }
0x23a: {  	v59 =	vld [tilespmem:s2+$0x1580B];
	v3 =	vadd.s32 v4, v3  }
0x23b: {  	v60 =	vld [tilespmem:s2+$0x1600C];
	v3 =	vadd.s32 v55, v3  }
0x23c: {  	v61 =	vld [tilespmem:s2+$0x1680D];
	v3 =	vadd.s32 v56, v3  }
0x23d: {  	v62 =	vld [tilespmem:s2+$0x1700E];
	v3 =	vadd.s32 v57, v3  }
0x23e: {  	v63 =	vld [tilespmem:s2+$0x1780F];
	v3 =	vadd.s32 v58, v3  }
0x23f: {  	v3 =	vadd.s32 v59, v3  }
0x240: {  	v3 =	vadd.s32 v60, v3  }
0x241: {  	v3 =	vadd.s32 v61, v3  }
0x242: {  	s29 =	sadd.s32 $0x1, s29;
	v3 =	vadd.s32 v62, v3  }
0x243: {  	p0 =	sne.s32 s29, s13;
	v3 =	vadd.s32 v63, v3  }
.Ltmp18:
0x244: {  	[tilespmem:s2+$0x18080] =	vst v3;
	(pc) =	sbr.rel @p0 .LBB2_1-.Ltmp18, $4  }
0x245: {  	[hbm4b:s12+s25] =	stream.strided.scatter [tilespmem:s28], [sflag:$0x2], $0x800, s26, s25, $0x38;
	[tilespmem:$0x18900] =	vst v63  }
0x246: {  	_ =	swait.ge [sflag:s15], $0x800  }
0x247: {  	[sflag:s15] =	ssyncset.done $0x0  }
0x248: {  	[sflag:s15] =	ssyncadd.s32 $0xFFFFF800  }
0x249: {  	_ =	sfence.sel $0x180000  }
0x24a: {  	[bflag:$0x0] =	sbarrier.arrive $0xFFFF  }
0x24b: {  	_ =	strace $0x9000004A  }
0x24c: {  	s0 =	stileid.u32;
	[bflag:$0x2] =	sbarrier.arrive $0xFFFF  }
0x24d: {  	p0 =	sne.s32 s0, $0x0;
	s0 =	rddreg [dreg:$0x2]  }
0x24e: {  	s0 =	sadd.s32 @!p0 $0x100000, s0  }
0x24f: {  	[sflag:s0] =	ssyncadd.tile.s32 @!p0 $0x1;
	_ =	shalt  }
.Lfunc_end2:
_tile_overlayer_lowered:
.L_overlay_start_2:
0x250: {  	(tag) =	ssettag $0x2  }
0x251: {  	s0 =	rddreg [dreg:$0x0];
	s2 =	stileid.u32  }
0x252: {  	s1 =	rddreg [dreg:$0x1];
	p0 =	sne.s32 s2, $0x0  }
0x253: {  	s3 =	rddreg [dreg:$0x2];
	[bflag:$0x3] =	sbarrier.arrive $0xFFFF;
	s2 =	simm.s32 @!p0 $0x1C02  }
0x254: {  	[timem:s3], [sflag:s2] =	dma.local @!p0 [hbm:s0], s1  }
0x255: {  	s0 =	simm.s32 @!p0 $0x2  }
0x256: {  	_ =	swait.ge @!p0 [sflag:s0], s1  }
0x257: {  	s1 =	ssub.s32 @!p0 $0x0, s1;
	[sflag:s0] =	ssyncset.done @!p0 $0x0  }
0x258: {  	[sflag:s0] =	ssyncadd.s32 @!p0 s1  }
0x259: {  	[bflag:$0x3] =	sbarrier.arrive $0xFFFF  }
0x25a: {  	_ =	shalt  }

// kernel: kernel.7.cloned.1.call-start
scs
__scs_entry_jumppad:
0x0: {  	(pc) =	sbr.rel $0x88, $3  }
0x1: {  	(tag) =	ssettag $0x0;
	lr =	simm.s32 $0x1  }
0x2: {  	[smem:$0x3F9F] =	sst lr;
	_ =	strace $0xD0000000  }
0x3: {  	_ = 	snop  }
0x4: {  	_ = 	snop  }
0x5: {  	_ = 	snop  }
0x6: {  	_ = 	snop  }
0x7: {  	_ = 	snop  }
__scs_overlays_trampoline_lowered:
0x8: {  	[smem:$0x3FAE] =	sst s0  }
0x9: {  	[smem:$0x3FAF] =	sst s1  }
0xa: {  	[smem:$0x3FB0] =	sst s2  }
0xb: {  	[smem:$0x3FB1] =	sst s3  }
0xc: {  	[smem:$0x3FB2] =	sst s4  }
0xd: {  	[smem:$0x3FB3] =	sst s5  }
0xe: {  	[smem:$0x3FB4] =	sst s6  }
0xf: {  	[smem:$0x3FB5] =	sst s7  }
0x10: {  	[smem:$0x3FB6] =	sst s8  }
0x11: {  	[smem:$0x3FB7] =	sst s9;
	s0 =	simm.s32 @!p0 $0x0  }
0x12: {  	s1 =	sld [smem:$0x3F9D];
	s0 =	simm.s32 @p0 $0x1  }
0x13: {  	[smem:$0x3FB8] =	sst s0;
	s0 =	simm.s32 @!p1 $0x0  }
0x14: {  	s2 =	sld [smem:$0x3F9C];
	s0 =	simm.s32 @p1 $0x1  }
0x15: {  	[smem:$0x3FB9] =	sst s0;
	s0 =	simm.s32 @!p2 $0x0  }
0x16: {  	s3 =	sld [smem:$0x3FDB];
	s0 =	simm.s32 @p2 $0x1  }
0x17: {  	s4 =	simm.s32 $0x1BF5;
	[smem:$0x3FBB] =	sst s0  }
0x18: {  	s0 =	sld [smem:$0x3F9E];
	_ =	swait.ge [sflag:s4], $0x0  }
0x19: {  	s7 =	sld [smem:$0x3F9F]  }
0x1a: {  	s8 =	sadd.s32 $0xFFFFE003, lr  }
0x1b: {  	s9 =	sadd.s32 $0xFFFFFEF7, lr;
	s5 =	simm.s32 $0xFFFFFFFF;
	p2 =	slt.u32 s8, $0xFFFFF086  }
0x1c: {  	p1 =	slt.u32 s9, $0xF7A;
	s5 =	simm.s32 @!p2 $0x0  }
0x1d: {  	s5 =	simm.s32 @p1 $0x1;
	p0 =	seq.s32 s7, s2  }
0x1e: {  	s7 =	smul.u32 @!p0 $0xF7A, s2;
	p2 =	seq.s32 @!p0 s5, $0x0  }
0x1f: {  	s9 =	smul.u32 $0xF7A, s1;
	s8 =	simm.s32 @!p0 $0x1BF5;
	p2 =	por !p2, p0  }
0x20: {  	[sflag:s8] =	ssyncset.s32 @!p0 $0xFFFFF086;
	s6 =	sadd.s32 @!p0 s3, s7;
	s7 =	simm.s32 @!p0 $0x108  }
0x21: {  	s3 =	sadd.s32 s3, s9;
	s6 =	sadd.s32 @!p0 $0x88, s6;
	s7 =	simm.s32 @p2 $0x1082  }
0x22: {  	[simem:s7], [sflag:s8] =	dma.local @!p0 [hbm:s6], $0xF7A  }
0x23: {  	s9 =	sor.u32 $0xD0000000, s2;
	s6 =	simm.s32 $0x108;
	_ =	swait.ge @!p0 [sflag:s8], $0x0  }
0x24: {  	s3 =	sadd.s32 $0x88, s3;
	s6 =	simm.s32 @!p1 $0x1082;
	[sflag:s4] =	ssyncset.s32 $0xFFFFF086  }
0x25: {  	[simem:s6], [sflag:s4] =	dma.local [hbm:s3], $0xF7A  }
0x26: {  	[smem:$0x3F9F] =	sst s1;
	(tag) =	ssettag s2;
	_ =	strace s9  }
0x27: {  	s1 =	sld [smem:$0x3FAF]  }
0x28: {  	s2 =	sld [smem:$0x3FB0]  }
0x29: {  	s4 =	sld [smem:$0x3FB2]  }
0x2a: {  	p0 =	seq.s32 s5, $0x0;
	s5 =	sld [smem:$0x3FB3]  }
0x2b: {  	s6 =	sld [smem:$0x3FB4]  }
0x2c: {  	s7 =	sld [smem:$0x3FB5]  }
0x2d: {  	s3 =	simm.s32 $0x108;
	s8 =	sld [smem:$0x3FB6]  }
0x2e: {  	s3 =	simm.s32 @!p0 $0x1082;
	s9 =	sld [smem:$0x3FB7]  }
0x2f: {  	lr =	sadd.s32 s0, s3;
	s0 =	sld [smem:$0x3FAE]  }
0x30: {  	s3 =	sld [smem:$0x3FB1]  }
0x31: {  	[smem:$0x3FBA] =	sst s10  }
0x32: {  	s10 =	sld [smem:$0x3FB8];
	_ =	sdelay $0x3  }
0x33: {  	p0 =	seq.s32 s10, $0x1;
	s10 =	sld [smem:$0x3FBA];
	_ =	sdelay $0x3  }
0x34: {  	[smem:$0x3FBA] =	sst s10  }
0x35: {  	s10 =	sld [smem:$0x3FB9];
	_ =	sdelay $0x3  }
0x36: {  	p1 =	seq.s32 s10, $0x1;
	s10 =	sld [smem:$0x3FBA];
	_ =	sdelay $0x3  }
0x37: {  	[smem:$0x3FBA] =	sst s10  }
0x38: {  	s10 =	sld [smem:$0x3FBB]  }
0x39: {  	_ = 	snop;
	(pc) =	sbr.ind lr, $3  }
0x3a: {  	_ = 	snop  }
0x3b: {  	_ = 	snop  }
0x3c: {  	p2 =	seq.s32 s10, $0x1;
	s10 =	sld [smem:$0x3FBA]  }
0x3d: {  	_ =	shalt  }
0x3e: {  	_ =	shalt  }
0x3f: {  	_ =	shalt  }
0x40: {  	_ =	shalt  }
0x41: {  	_ =	shalt  }
0x42: {  	_ =	shalt  }
0x43: {  	_ =	shalt  }
0x44: {  	_ =	shalt  }
0x45: {  	_ =	shalt  }
0x46: {  	_ =	shalt  }
0x47: {  	_ =	shalt  }
0x48: {  	_ =	shalt  }
0x49: {  	_ =	shalt  }
0x4a: {  	_ =	shalt  }
0x4b: {  	_ =	shalt  }
0x4c: {  	_ =	shalt  }
0x4d: {  	_ =	shalt  }
0x4e: {  	_ =	shalt  }
0x4f: {  	_ =	shalt  }
0x50: {  	_ =	shalt  }
0x51: {  	_ =	shalt  }
0x52: {  	_ =	shalt  }
0x53: {  	_ =	shalt  }
0x54: {  	_ =	shalt  }
0x55: {  	_ =	shalt  }
0x56: {  	_ =	shalt  }
0x57: {  	_ =	shalt  }
0x58: {  	_ =	shalt  }
0x59: {  	_ =	shalt  }
0x5a: {  	_ =	shalt  }
0x5b: {  	_ =	shalt  }
0x5c: {  	_ =	shalt  }
0x5d: {  	_ =	shalt  }
0x5e: {  	_ =	shalt  }
0x5f: {  	_ =	shalt  }
0x60: {  	_ =	shalt  }
0x61: {  	_ =	shalt  }
0x62: {  	_ =	shalt  }
0x63: {  	_ =	shalt  }
0x64: {  	_ =	shalt  }
0x65: {  	_ =	shalt  }
0x66: {  	_ =	shalt  }
0x67: {  	_ =	shalt  }
0x68: {  	_ =	shalt  }
0x69: {  	_ =	shalt  }
0x6a: {  	_ =	shalt  }
0x6b: {  	_ =	shalt  }
0x6c: {  	_ =	shalt  }
0x6d: {  	_ =	shalt  }
0x6e: {  	_ =	shalt  }
0x6f: {  	_ =	shalt  }
0x70: {  	_ =	shalt  }
0x71: {  	_ =	shalt  }
0x72: {  	_ =	shalt  }
0x73: {  	_ =	shalt  }
0x74: {  	_ =	shalt  }
0x75: {  	_ =	shalt  }
0x76: {  	_ =	shalt  }
0x77: {  	_ =	shalt  }
0x78: {  	_ =	shalt  }
0x79: {  	_ =	shalt  }
0x7a: {  	_ =	shalt  }
0x7b: {  	_ =	shalt  }
0x7c: {  	_ =	shalt  }
0x7d: {  	_ =	shalt  }
0x7e: {  	_ =	shalt  }
0x7f: {  	_ =	shalt  }
0x80: {  	_ =	shalt  }
0x81: {  	_ =	shalt  }
0x82: {  	_ =	shalt  }
0x83: {  	_ =	shalt  }
0x84: {  	_ =	shalt  }
0x85: {  	_ =	shalt  }
0x86: {  	_ =	shalt  }
0x87: {  	_ =	shalt  }
.Lfunc_end0:
.L_simem_size_0:
called_computation_lowered:
.L_overlay_start_0:
0x88: {  	s2 =	sld [smem:$0x3FD9]  }
0x89: {  	s3 =	sld [smem:$0x3FFE];
	_ =	sdelay $0x1  }
0x8a: {  	s1 =	srdreg.scid  }
0x8b: {  	s0 =	sand.u32 $0x1, s1  }
0x8c: {  	s17 =	sshll.u32 s0, $0xA;
	s2 =	sadd.s32 s3, s2  }
0x8d: {  	s2 =	sadd.s32 s2, s17  }
0x8e: {  	[smem:$0x3FC6] =	sst s2  }
0x8f: {  	_ = 	snop  }
0x90: {  	s2 =	sld [smem:$0x3FD0];
	(tm) =	ssettm $0x1  }
0x91: {  	s18 =	sld [smem:$0x3FFB];
	_ =	sdelay $0x3  }
0x92: {  	_ =	strace s18  }
0x93: {  	s3 =	sld [smem:$0x3FFC];
	_ =	sdelay $0x3  }
0x94: {  	_ =	strace s3  }
0x95: {  	s3 =	sld [smem:$0x3FFD];
	_ =	sdelay $0x3  }
0x96: {  	_ =	strace s3  }
0x97: {  	_ =	strace $0x8FFFFFFF  }
0x98: {  	s19 =	sld [smem:$0x3FDB];
	_ =	sdelay $0x1  }
0x99: {  	s4 =	simm.s32 $_scs_section_size  }
0x9a: {  	s5 =	simm.s32 $_size__tile_overlayer_lowered;
	s6 =	simm.s32 $_tile_overlayer_lowered  }
0x9b: {  	s22 =	simm.s32 $0x1BFF;
	s21 =	sshll.u32 s6, $0x1;
	s3 =	sadd.s32 s4, s19  }
0x9c: {  	s7 =	simm.s32 $0x0;
	s20 =	sshll.u32 s5, $0x1;
	s5 =	sadd.s32 s21, s3  }
0x9d: {  	[timem:s7], [sflag:s22] =	dma.local [hbm:s5], s20  }
0x9e: {  	_ =	swait.ge [sflag:s22], s20  }
0x9f: {  	s4 =	ssub.s32 $0x0, s20;
	[sflag:s22] =	ssyncset.done $0x0  }
0xa0: {  	[sflag:s22] =	ssyncadd.s32 s4;
	_ =	sdelay $0x1  }
0xa1: {  	s23 =	simm.s32 $0x1B8B  }
0xa2: {  	_ =	swait.ge [sflag:s23], $0x1  }
0xa3: {  	[sflag:s23] =	ssyncset.done $0x0  }
0xa4: {  	s25 =	simm.s32 $0x1B8E;
	s24 =	sld [smem:$0x3FFE];
	[sflag:s23] =	ssyncadd.s32 $0xFFFFFFFF  }
0xa5: {  	s26 =	simm.s32 $execute0_lowered;
	[smem:$0x3FD2] =	sst s25  }
0xa6: {  	s5 =	sshll.u32 s26, $0x1;
	_ =	strace $0x80000046;
	[dreg:$0x1] =	wrdreg $0xFFFFFFFF  }
0xa7: {  	s28 =	simm.s32 $_size_execute0_lowered;
	s3 =	sadd.s32 s3, s5;
	[dreg:$0x0] =	wrdreg $0x0  }
0xa8: {  	s5 =	sshll.u32 s28, $0x1;
	[dreg:$0x2] =	wrdreg s3  }
0xa9: {  	[dreg:$0x3] =	wrdreg s5  }
0xaa: {  	[dreg:$0x4] =	wrdreg $0xC0  }
0xab: {  	_ =	task [dreg:s7], $0x5FFFF  }
0xac: {  	[dreg:$0x1] =	wrdreg $0xFFFFFFFF  }
0xad: {  	[dreg:$0x0] =	wrdreg $0x60  }
0xae: {  	[dreg:$0x2] =	wrdreg s24  }
0xaf: {  	[dreg:$0x3] =	wrdreg s2  }
0xb0: {  	[dreg:$0x4] =	wrdreg $0x9  }
0xb1: {  	_ =	task.clear_ibuf [dreg:s7], $0x5FFFF;
	_ =	strace $0x90000046  }
0xb2: {  	s29 =	simm.s32 $0x9;
	_ =	strace $0x80000048  }
0xb3: {  	_ =	swait.ge [sflag:s29], $0x1  }
0xb4: {  	[sflag:s29] =	ssyncadd.s32 $0xFFFFFFFF  }
0xb5: {  	_ =	strace $0x90000048  }
0xb6: {  	_ =	sfence  }
0xb7: {  	s30 =	sld [smem:$0x0];
	_ =	sdelay $0x2  }
0xb8: {  	s31 =	sshll.u32 s1, $0xD;
	s1 =	sshrl.u32 s1, $0x2  }
0xb9: {  	s3 =	sand.u32 $0x4000, s31;
	s1 =	sadd.s32 s1, s30  }
0xba: {  	s0 =	sor.u32 s3, s0;
	s1 =	sshll.u32 s1, $0x11  }
0xbb: {  	s0 =	sor.u32 s1, s0  }
0xbc: {  	s0 =	sadd.s32 $0x8F2B, s0  }
0xbd: {  	[sflag:s0] =	ssyncadd.remote.s32 $0x1  }
0xbe: {  	_ =	sfence.sel $0xFFFF  }
0xbf: {  	[dreg:$0x0] =	wrdreg $0xFFFFFFFF;
	(pc) =	sbr.abs _section_cstart, $3  }
0xc0: {  	[dreg:$0x1] =	wrdreg $0xFFFFFFFF  }
0xc1: {  	_ =	task.clear_ibuf [dreg:s7], $0x2FFFF;
	_ =	strace $0x9FFFFFFF  }
0xc2: {  	(tm) =	ssettm $0x7FFFFFFF  }
0xc3: {  	_ =	shalt  }
tec
execute0_lowered:
.L_overlay_start_1:
0x0: {  	(tag) =	ssettag $0x1  }
0x1: {  	s0 =	rddreg [dreg:$0x0]  }
0x2: {  	s1 =	rddreg [dreg:$0x1];
	s2 =	srdreg.scid;
	s3 =	simm.s32 $0x0  }
0x3: {  	s26 =	stileid.u32;
	s14 =	simm.s32 $0x18880;
	s15 =	simm.s32 $0x2  }
0x4: {  	s16 =	simm.s32 $0x2000;
	s17 =	simm.s32 $0x4000;
	s18 =	simm.s32 $0x6000  }
0x5: {  	s19 =	simm.s32 $0x8000;
	s20 =	simm.s32 $0xA000;
	s21 =	simm.s32 $0xC000  }
0x6: {  	s22 =	simm.s32 $0xE000;
	s23 =	simm.s32 $0x1;
	s24 =	simm.s32 $0x10000  }
0x7: {  	s25 =	simm.s32 $0x80;
	s28 =	simm.s32 $0x18080;
	s29 =	simm.s32 $0x0  }
0x8: {  	s4 =	sand.u32 $0x1, s2;
	[smem:$0x7FF] =	sst s3;
	s6 =	sshll.u32 s26, $0x4  }
0x9: {  	s5 =	sshll.u32 s4, $0x4;
	_ =	strace $0x80000047;
	s4 =	ssub.s32 $0x2, s4  }
0xa: {  	s30 =	sand.u32 $0x70, s6;
	s7 =	sor.u32 s26, s5;
	s31 =	sshrl.u32 s4, $0x1  }
0xb: {  	s26 =	simm.s32 $0x400;
	s5 =	sshll.u32 s7, $0xD;
	s13 =	ssub.s32 s4, s31  }
0xc: {  	s9 =	sshll.u32 s7, $0x8;
	s11 =	sadd.s32 s5, s0;
	s0 =	sadd.s32 s30, s0  }
0xd: {  	s12 =	sand.u32 $0x1800, s9;
	s13 =	smax.u32 s13, $0x1;
	s4 =	sadd.s32 $0x1A00, s11  }
0xe: {  	s5 =	sadd.s32 $0x1E00, s11;
	s6 =	sadd.s32 $0x2200, s11;
	s7 =	sadd.s32 $0x2600, s11  }
0xf: {  	v1 =	vlaneseq.u32;
	s8 =	sadd.s32 $0x2A00, s11;
	s9 =	sadd.s32 $0x2E00, s11;
	s0 =	sadd.s32 s12, s0  }
0x10: {  	v0 =	vimm.s32 $0x0;
	v2 =	vimm.s32 $0x1;
	v1 =	vmul.u32 $0x801, v1;
	s10 =	sadd.s32 $0x3200, s11;
	s11 =	sadd.s32 $0x3600, s11;
	s12 =	sadd.s32 $0x41A00, s0  }
.LBB2_1:
0x11: {  	[tilespmem:s14], [sflag:$0x2] =	stream.linear.gather [hbm4b:s1+s3], $0x80, $0x38;
	[tilespmem:$0x18900] =	vst v63  }
0x12: {  	_ =	swait.ge [sflag:s15], $0x80  }
0x13: {  	[sflag:s15] =	ssyncset.done $0x0  }
0x14: {  	s30 =	simm.s32 $0x100;
	s0 =	simm.s32 $0x0;
	[sflag:s15] =	ssyncadd.s32 $0xFFFFFF80  }
.LBB2_2:
0x15: {  	p0 =	sne.s32 s30, $0x20000;
	[tilespmem:s0+$0x10030] =	vst v0;
	s31 =	smov.u32 s30;
	s30 =	sadd.s32 $0x100, s30  }
.Ltmp0:
0x16: {  	[tilespmem:s0+$0x10020] =	vst v0;
	(pc) =	sbr.rel @p0 .LBB2_2-.Ltmp0, $3  }
0x17: {  	[tilespmem:s0+$0x10000] =	vst v0  }
0x18: {  	[tilespmem:s0+$0x10010] =	vst v0;
	_ =	sdelay $0x1  }
0x19: {  	s0 =	sshra.s32 s31, $0x2  }
0x1a: {  	[tilespmem:s0+$0x10030] =	vst v0  }
0x1b: {  	[tilespmem:s0+$0x10020] =	vst v0  }
0x1c: {  	[tilespmem:s0+$0x10000] =	vst v0  }
0x1d: {  	[tilespmem:s0+$0x10010] =	vst v0;
	s30 =	simm.s32 $0x0  }
0x1e: {  	[tilespmem:s30], [sflag:$0x1] =	stream.linear.gather [hbm4b:s4+s30], $0x2000, $0x38;
	[tilespmem:$0x18900] =	vst v63  }
0x1f: {  	_ = 	snop  }
0x20: {  	[tilespmem:s16], [sflag:$0x1] =	stream.linear.gather [hbm4b:s5+s30], $0x2000, $0x38;
	[tilespmem:$0x18900] =	vst v63  }
0x21: {  	_ = 	snop  }
0x22: {  	[tilespmem:s17], [sflag:$0x1] =	stream.linear.gather [hbm4b:s6+s30], $0x2000, $0x38;
	[tilespmem:$0x18900] =	vst v63  }
0x23: {  	_ = 	snop  }
0x24: {  	[tilespmem:s18], [sflag:$0x1] =	stream.linear.gather [hbm4b:s7+s30], $0x2000, $0x38;
	[tilespmem:$0x18900] =	vst v63  }
0x25: {  	_ = 	snop  }
0x26: {  	[tilespmem:s19], [sflag:$0x1] =	stream.linear.gather [hbm4b:s8+s30], $0x2000, $0x38;
	[tilespmem:$0x18900] =	vst v63  }
0x27: {  	_ = 	snop  }
0x28: {  	[tilespmem:s20], [sflag:$0x1] =	stream.linear.gather [hbm4b:s9+s30], $0x2000, $0x38;
	[tilespmem:$0x18900] =	vst v63  }
0x29: {  	_ = 	snop  }
0x2a: {  	[tilespmem:s21], [sflag:$0x1] =	stream.linear.gather [hbm4b:s10+s30], $0x2000, $0x38;
	[tilespmem:$0x18900] =	vst v63  }
0x2b: {  	_ = 	snop  }
0x2c: {  	[tilespmem:s22], [sflag:$0x1] =	stream.linear.gather [hbm4b:s11+s30], $0x2000, $0x38;
	[tilespmem:$0x18900] =	vst v63  }
0x2d: {  	_ =	swait.ge [sflag:s23], $0x2000  }
0x2e: {  	[sflag:s23] =	ssyncset.done $0x0  }
0x2f: {  	s31 =	simm.s32 $0x0;
	[sflag:s23] =	ssyncadd.s32 $0xFFFFE000  }
.LBB2_4:
0x30: {  	s0 =	sand.u32 $0x1000, s31;
	s2 =	sand.u32 $0x380, s30  }
0x31: {  	s0 =	sor.u32 s2, s0  }
0x32: {  	v3 =	vld [tilespmem:s0+$0x0]  }
0x33: {  	v4 =	vld [tilespmem:s0+$0x10]  }
0x34: {  	v5 =	vld [tilespmem:s0+$0x20]  }
0x35: {  	v6 =	vld [tilespmem:s0+$0x30]  }
0x36: {  	v7 =	vld [tilespmem:s0+$0x40]  }
0x37: {  	v8 =	vld [tilespmem:s0+$0x50];
	v3 =	vshrl.u32 v3, $0x14  }
0x38: {  	v9 =	vld [tilespmem:s0+$0x60];
	v4 =	vshrl.u32 v4, $0x14;
	v3 =	vadd.s32 v1, v3  }
0x39: {  	v10 =	vld [tilespmem:s0+$0x70];
	v5 =	vshrl.u32 v5, $0x14;
	v4 =	vadd.s32 v1, v4  }
0x3a: {  	v6 =	vshrl.u32 v6, $0x14;
	v5 =	vadd.s32 v1, v5  }
0x3b: {  	v7 =	vshrl.u32 v7, $0x14;
	v6 =	vadd.s32 v1, v6  }
0x3c: {  	v8 =	vshrl.u32 v8, $0x14;
	v7 =	vadd.s32 v1, v7  }
0x3d: {  	v9 =	vshrl.u32 v9, $0x14;
	v8 =	vadd.s32 v1, v8;
	[tilespmem:v3+s24+$0x0] =	vst.idx.add.s32.msk $0xffff, v2  }
0x3e: {  	v9 =	vadd.s32 v1, v9;
	v3 =	vshrl.u32 v10, $0x14;
	[tilespmem:v4+s24+$0x0] =	vst.idx.add.s32.msk $0xffff, v2  }
0x3f: {  	v3 =	vadd.s32 v1, v3;
	[tilespmem:v5+s24+$0x0] =	vst.idx.add.s32.msk $0xffff, v2  }
0x40: {  	[tilespmem:v6+s24+$0x0] =	vst.idx.add.s32.msk $0xffff, v2  }
0x41: {  	[tilespmem:v7+s24+$0x0] =	vst.idx.add.s32.msk $0xffff, v2  }
0x42: {  	[tilespmem:v8+s24+$0x0] =	vst.idx.add.s32.msk $0xffff, v2  }
0x43: {  	[tilespmem:v9+s24+$0x0] =	vst.idx.add.s32.msk $0xffff, v2  }
0x44: {  	[tilespmem:v3+s24+$0x0] =	vst.idx.add.s32.msk $0xffff, v2  }
0x45: {  	v3 =	vld [tilespmem:s0+$0x400]  }
0x46: {  	v4 =	vld [tilespmem:s0+$0x410]  }
0x47: {  	v5 =	vld [tilespmem:s0+$0x420]  }
0x48: {  	v6 =	vld [tilespmem:s0+$0x430]  }
0x49: {  	v7 =	vld [tilespmem:s0+$0x440]  }
0x4a: {  	v8 =	vld [tilespmem:s0+$0x450];
	v3 =	vshrl.u32 v3, $0x14  }
0x4b: {  	v9 =	vld [tilespmem:s0+$0x460];
	v4 =	vshrl.u32 v4, $0x14;
	v3 =	vadd.s32 v1, v3  }
0x4c: {  	v61 =	vld [tilespmem:s0+$0x470];
	v5 =	vshrl.u32 v5, $0x14;
	v4 =	vadd.s32 v1, v4  }
0x4d: {  	v6 =	vshrl.u32 v6, $0x14;
	v5 =	vadd.s32 v1, v5  }
0x4e: {  	v7 =	vshrl.u32 v7, $0x14;
	v6 =	vadd.s32 v1, v6  }
0x4f: {  	v8 =	vshrl.u32 v8, $0x14;
	v7 =	vadd.s32 v1, v7  }
0x50: {  	v9 =	vshrl.u32 v9, $0x14;
	v8 =	vadd.s32 v1, v8;
	[tilespmem:v3+s24+$0x0] =	vst.idx.add.s32.msk $0xffff, v2  }
0x51: {  	v9 =	vadd.s32 v1, v9;
	v3 =	vshrl.u32 v61, $0x14;
	[tilespmem:v4+s24+$0x0] =	vst.idx.add.s32.msk $0xffff, v2  }
0x52: {  	v3 =	vadd.s32 v1, v3;
	[tilespmem:v5+s24+$0x0] =	vst.idx.add.s32.msk $0xffff, v2  }
0x53: {  	[tilespmem:v6+s24+$0x0] =	vst.idx.add.s32.msk $0xffff, v2  }
0x54: {  	[tilespmem:v7+s24+$0x0] =	vst.idx.add.s32.msk $0xffff, v2  }
0x55: {  	[tilespmem:v8+s24+$0x0] =	vst.idx.add.s32.msk $0xffff, v2  }
0x56: {  	[tilespmem:v9+s24+$0x0] =	vst.idx.add.s32.msk $0xffff, v2  }
0x57: {  	[tilespmem:v3+s24+$0x0] =	vst.idx.add.s32.msk $0xffff, v2  }
0x58: {  	v3 =	vld [tilespmem:s0+$0x800]  }
0x59: {  	v4 =	vld [tilespmem:s0+$0x810]  }
0x5a: {  	v5 =	vld [tilespmem:s0+$0x820]  }
0x5b: {  	v6 =	vld [tilespmem:s0+$0x830]  }
0x5c: {  	v7 =	vld [tilespmem:s0+$0x840]  }
0x5d: {  	v8 =	vld [tilespmem:s0+$0x850];
	v3 =	vshrl.u32 v3, $0x14  }
0x5e: {  	v9 =	vld [tilespmem:s0+$0x860];
	v4 =	vshrl.u32 v4, $0x14;
	v3 =	vadd.s32 v1, v3  }
0x5f: {  	v62 =	vld [tilespmem:s0+$0x870];
	v5 =	vshrl.u32 v5, $0x14;
	v4 =	vadd.s32 v1, v4  }
0x60: {  	v6 =	vshrl.u32 v6, $0x14;
	v5 =	vadd.s32 v1, v5  }
0x61: {  	v7 =	vshrl.u32 v7, $0x14;
	v6 =	vadd.s32 v1, v6  }
0x62: {  	v8 =	vshrl.u32 v8, $0x14;
	v7 =	vadd.s32 v1, v7  }
0x63: {  	v9 =	vshrl.u32 v9, $0x14;
	v8 =	vadd.s32 v1, v8;
	[tilespmem:v3+s24+$0x0] =	vst.idx.add.s32.msk $0xffff, v2  }
0x64: {  	v9 =	vadd.s32 v1, v9;
	v3 =	vshrl.u32 v62, $0x14;
	[tilespmem:v4+s24+$0x0] =	vst.idx.add.s32.msk $0xffff, v2  }
0x65: {  	v3 =	vadd.s32 v1, v3;
	[tilespmem:v5+s24+$0x0] =	vst.idx.add.s32.msk $0xffff, v2  }
0x66: {  	[tilespmem:v6+s24+$0x0] =	vst.idx.add.s32.msk $0xffff, v2  }
0x67: {  	[tilespmem:v7+s24+$0x0] =	vst.idx.add.s32.msk $0xffff, v2  }
0x68: {  	[tilespmem:v8+s24+$0x0] =	vst.idx.add.s32.msk $0xffff, v2  }
0x69: {  	[tilespmem:v9+s24+$0x0] =	vst.idx.add.s32.msk $0xffff, v2  }
0x6a: {  	[tilespmem:v3+s24+$0x0] =	vst.idx.add.s32.msk $0xffff, v2  }
0x6b: {  	v3 =	vld [tilespmem:s0+$0xC00]  }
0x6c: {  	v4 =	vld [tilespmem:s0+$0xC10]  }
0x6d: {  	v5 =	vld [tilespmem:s0+$0xC20]  }
0x6e: {  	v6 =	vld [tilespmem:s0+$0xC30]  }
0x6f: {  	v7 =	vld [tilespmem:s0+$0xC40]  }
0x70: {  	v8 =	vld [tilespmem:s0+$0xC50];
	v3 =	vshrl.u32 v3, $0x14  }
0x71: {  	v9 =	vld [tilespmem:s0+$0xC60];
	v4 =	vshrl.u32 v4, $0x14;
	v3 =	vadd.s32 v1, v3  }
0x72: {  	v63 =	vld [tilespmem:s0+$0xC70];
	v5 =	vshrl.u32 v5, $0x14;
	v4 =	vadd.s32 v1, v4  }
0x73: {  	v6 =	vshrl.u32 v6, $0x14;
	v5 =	vadd.s32 v1, v5  }
0x74: {  	v7 =	vshrl.u32 v7, $0x14;
	v6 =	vadd.s32 v1, v6  }
0x75: {  	v8 =	vshrl.u32 v8, $0x14;
	v7 =	vadd.s32 v1, v7  }
0x76: {  	v9 =	vshrl.u32 v9, $0x14;
	v8 =	vadd.s32 v1, v8;
	[tilespmem:v3+s24+$0x0] =	vst.idx.add.s32.msk $0xffff, v2  }
0x77: {  	v9 =	vadd.s32 v1, v9;
	v3 =	vshrl.u32 v63, $0x14;
	[tilespmem:v4+s24+$0x0] =	vst.idx.add.s32.msk $0xffff, v2  }
0x78: {  	p0 =	sne.s32 s31, $0x1E00;
	v3 =	vadd.s32 v1, v3;
	[tilespmem:v5+s24+$0x0] =	vst.idx.add.s32.msk $0xffff, v2  }
.Ltmp1:
0x79: {  	[tilespmem:v6+s24+$0x0] =	vst.idx.add.s32.msk $0xffff, v2;
	(pc) =	sbr.rel @p0 .LBB2_4-.Ltmp1, $4  }
0x7a: {  	[tilespmem:v7+s24+$0x0] =	vst.idx.add.s32.msk $0xffff, v2  }
0x7b: {  	[tilespmem:v8+s24+$0x0] =	vst.idx.add.s32.msk $0xffff, v2  }
0x7c: {  	[tilespmem:v9+s24+$0x0] =	vst.idx.add.s32.msk $0xffff, v2  }
0x7d: {  	s30 =	sadd.s32 $0x80, s30;
	s31 =	sadd.s32 $0x200, s31;
	[tilespmem:v3+s24+$0x0] =	vst.idx.add.s32.msk $0xffff, v2  }
0x7e: {  	_ =	swait.ge [sflag:s23], $0x2000  }
0x7f: {  	[sflag:s23] =	ssyncset.done $0x0  }
0x80: {  	s30 =	simm.s32 $0x0;
	s31 =	simm.s32 $0x0;
	[sflag:s23] =	ssyncadd.s32 $0xFFFFE000  }
.LBB2_6:
0x81: {  	s0 =	sand.u32 $0x1000, s31;
	s2 =	sand.u32 $0x380, s30  }
0x82: {  	s0 =	sor.u32 s2, s0  }
0x83: {  	v3 =	vld [tilespmem:s0+$0x2000]  }
0x84: {  	v4 =	vld [tilespmem:s0+$0x2010]  }
0x85: {  	v5 =	vld [tilespmem:s0+$0x2020]  }
0x86: {  	v6 =	vld [tilespmem:s0+$0x2030]  }
0x87: {  	v7 =	vld [tilespmem:s0+$0x2040]  }
0x88: {  	v8 =	vld [tilespmem:s0+$0x2050];
	v3 =	vshrl.u32 v3, $0x14  }
0x89: {  	v9 =	vld [tilespmem:s0+$0x2060];
	v4 =	vshrl.u32 v4, $0x14;
	v3 =	vadd.s32 v1, v3  }
0x8a: {  	v10 =	vld [tilespmem:s0+$0x2070];
	v5 =	vshrl.u32 v5, $0x14;
	v4 =	vadd.s32 v1, v4  }
0x8b: {  	v6 =	vshrl.u32 v6, $0x14;
	v5 =	vadd.s32 v1, v5  }
0x8c: {  	v7 =	vshrl.u32 v7, $0x14;
	v6 =	vadd.s32 v1, v6  }
0x8d: {  	v8 =	vshrl.u32 v8, $0x14;
	v7 =	vadd.s32 v1, v7  }
0x8e: {  	v9 =	vshrl.u32 v9, $0x14;
	v8 =	vadd.s32 v1, v8;
	[tilespmem:v3+s24+$0x0] =	vst.idx.add.s32.msk $0xffff, v2  }
0x8f: {  	v9 =	vadd.s32 v1, v9;
	v3 =	vshrl.u32 v10, $0x14;
	[tilespmem:v4+s24+$0x0] =	vst.idx.add.s32.msk $0xffff, v2  }
0x90: {  	v3 =	vadd.s32 v1, v3;
	[tilespmem:v5+s24+$0x0] =	vst.idx.add.s32.msk $0xffff, v2  }
0x91: {  	[tilespmem:v6+s24+$0x0] =	vst.idx.add.s32.msk $0xffff, v2  }
0x92: {  	[tilespmem:v7+s24+$0x0] =	vst.idx.add.s32.msk $0xffff, v2  }
0x93: {  	[tilespmem:v8+s24+$0x0] =	vst.idx.add.s32.msk $0xffff, v2  }
0x94: {  	[tilespmem:v9+s24+$0x0] =	vst.idx.add.s32.msk $0xffff, v2  }
0x95: {  	[tilespmem:v3+s24+$0x0] =	vst.idx.add.s32.msk $0xffff, v2  }
0x96: {  	v3 =	vld [tilespmem:s0+$0x2400]  }
0x97: {  	v4 =	vld [tilespmem:s0+$0x2410]  }
0x98: {  	v5 =	vld [tilespmem:s0+$0x2420]  }
0x99: {  	v6 =	vld [tilespmem:s0+$0x2430]  }
0x9a: {  	v7 =	vld [tilespmem:s0+$0x2440]  }
0x9b: {  	v8 =	vld [tilespmem:s0+$0x2450];
	v3 =	vshrl.u32 v3, $0x14  }
0x9c: {  	v9 =	vld [tilespmem:s0+$0x2460];
	v4 =	vshrl.u32 v4, $0x14;
	v3 =	vadd.s32 v1, v3  }
0x9d: {  	v61 =	vld [tilespmem:s0+$0x2470];
	v5 =	vshrl.u32 v5, $0x14;
	v4 =	vadd.s32 v1, v4  }
0x9e: {  	v6 =	vshrl.u32 v6, $0x14;
	v5 =	vadd.s32 v1, v5  }
0x9f: {  	v7 =	vshrl.u32 v7, $0x14;
	v6 =	vadd.s32 v1, v6  }
0xa0: {  	v8 =	vshrl.u32 v8, $0x14;
	v7 =	vadd.s32 v1, v7  }
0xa1: {  	v9 =	vshrl.u32 v9, $0x14;
	v8 =	vadd.s32 v1, v8;
	[tilespmem:v3+s24+$0x0] =	vst.idx.add.s32.msk $0xffff, v2  }
0xa2: {  	v9 =	vadd.s32 v1, v9;
	v3 =	vshrl.u32 v61, $0x14;
	[tilespmem:v4+s24+$0x0] =	vst.idx.add.s32.msk $0xffff, v2  }
0xa3: {  	v3 =	vadd.s32 v1, v3;
	[tilespmem:v5+s24+$0x0] =	vst.idx.add.s32.msk $0xffff, v2  }
0xa4: {  	[tilespmem:v6+s24+$0x0] =	vst.idx.add.s32.msk $0xffff, v2  }
0xa5: {  	[tilespmem:v7+s24+$0x0] =	vst.idx.add.s32.msk $0xffff, v2  }
0xa6: {  	[tilespmem:v8+s24+$0x0] =	vst.idx.add.s32.msk $0xffff, v2  }
0xa7: {  	[tilespmem:v9+s24+$0x0] =	vst.idx.add.s32.msk $0xffff, v2  }
0xa8: {  	[tilespmem:v3+s24+$0x0] =	vst.idx.add.s32.msk $0xffff, v2  }
0xa9: {  	v3 =	vld [tilespmem:s0+$0x2800]  }
0xaa: {  	v4 =	vld [tilespmem:s0+$0x2810]  }
0xab: {  	v5 =	vld [tilespmem:s0+$0x2820]  }
0xac: {  	v6 =	vld [tilespmem:s0+$0x2830]  }
0xad: {  	v7 =	vld [tilespmem:s0+$0x2840]  }
0xae: {  	v8 =	vld [tilespmem:s0+$0x2850];
	v3 =	vshrl.u32 v3, $0x14  }
0xaf: {  	v9 =	vld [tilespmem:s0+$0x2860];
	v4 =	vshrl.u32 v4, $0x14;
	v3 =	vadd.s32 v1, v3  }
0xb0: {  	v62 =	vld [tilespmem:s0+$0x2870];
	v5 =	vshrl.u32 v5, $0x14;
	v4 =	vadd.s32 v1, v4  }
0xb1: {  	v6 =	vshrl.u32 v6, $0x14;
	v5 =	vadd.s32 v1, v5  }
0xb2: {  	v7 =	vshrl.u32 v7, $0x14;
	v6 =	vadd.s32 v1, v6  }
0xb3: {  	v8 =	vshrl.u32 v8, $0x14;
	v7 =	vadd.s32 v1, v7  }
0xb4: {  	v9 =	vshrl.u32 v9, $0x14;
	v8 =	vadd.s32 v1, v8;
	[tilespmem:v3+s24+$0x0] =	vst.idx.add.s32.msk $0xffff, v2  }
0xb5: {  	v9 =	vadd.s32 v1, v9;
	v3 =	vshrl.u32 v62, $0x14;
	[tilespmem:v4+s24+$0x0] =	vst.idx.add.s32.msk $0xffff, v2  }
0xb6: {  	v3 =	vadd.s32 v1, v3;
	[tilespmem:v5+s24+$0x0] =	vst.idx.add.s32.msk $0xffff, v2  }
0xb7: {  	[tilespmem:v6+s24+$0x0] =	vst.idx.add.s32.msk $0xffff, v2  }
0xb8: {  	[tilespmem:v7+s24+$0x0] =	vst.idx.add.s32.msk $0xffff, v2  }
0xb9: {  	[tilespmem:v8+s24+$0x0] =	vst.idx.add.s32.msk $0xffff, v2  }
0xba: {  	[tilespmem:v9+s24+$0x0] =	vst.idx.add.s32.msk $0xffff, v2  }
0xbb: {  	[tilespmem:v3+s24+$0x0] =	vst.idx.add.s32.msk $0xffff, v2  }
0xbc: {  	v3 =	vld [tilespmem:s0+$0x2C00]  }
0xbd: {  	v4 =	vld [tilespmem:s0+$0x2C10]  }
0xbe: {  	v5 =	vld [tilespmem:s0+$0x2C20]  }
0xbf: {  	v6 =	vld [tilespmem:s0+$0x2C30]  }
0xc0: {  	v7 =	vld [tilespmem:s0+$0x2C40]  }
0xc1: {  	v8 =	vld [tilespmem:s0+$0x2C50];
	v3 =	vshrl.u32 v3, $0x14  }
0xc2: {  	v9 =	vld [tilespmem:s0+$0x2C60];
	v4 =	vshrl.u32 v4, $0x14;
	v3 =	vadd.s32 v1, v3  }
0xc3: {  	v63 =	vld [tilespmem:s0+$0x2C70];
	v5 =	vshrl.u32 v5, $0x14;
	v4 =	vadd.s32 v1, v4  }
0xc4: {  	v6 =	vshrl.u32 v6, $0x14;
	v5 =	vadd.s32 v1, v5  }
0xc5: {  	v7 =	vshrl.u32 v7, $0x14;
	v6 =	vadd.s32 v1, v6  }
0xc6: {  	v8 =	vshrl.u32 v8, $0x14;
	v7 =	vadd.s32 v1, v7  }
0xc7: {  	v9 =	vshrl.u32 v9, $0x14;
	v8 =	vadd.s32 v1, v8;
	[tilespmem:v3+s24+$0x0] =	vst.idx.add.s32.msk $0xffff, v2  }
0xc8: {  	v9 =	vadd.s32 v1, v9;
	v3 =	vshrl.u32 v63, $0x14;
	[tilespmem:v4+s24+$0x0] =	vst.idx.add.s32.msk $0xffff, v2  }
0xc9: {  	p0 =	sne.s32 s31, $0x1E00;
	v3 =	vadd.s32 v1, v3;
	[tilespmem:v5+s24+$0x0] =	vst.idx.add.s32.msk $0xffff, v2  }
.Ltmp2:
0xca: {  	[tilespmem:v6+s24+$0x0] =	vst.idx.add.s32.msk $0xffff, v2;
	(pc) =	sbr.rel @p0 .LBB2_6-.Ltmp2, $4  }
0xcb: {  	[tilespmem:v7+s24+$0x0] =	vst.idx.add.s32.msk $0xffff, v2  }
0xcc: {  	[tilespmem:v8+s24+$0x0] =	vst.idx.add.s32.msk $0xffff, v2  }
0xcd: {  	[tilespmem:v9+s24+$0x0] =	vst.idx.add.s32.msk $0xffff, v2  }
0xce: {  	s30 =	sadd.s32 $0x80, s30;
	s31 =	sadd.s32 $0x200, s31;
	[tilespmem:v3+s24+$0x0] =	vst.idx.add.s32.msk $0xffff, v2  }
0xcf: {  	_ =	swait.ge [sflag:s23], $0x2000  }
0xd0: {  	[sflag:s23] =	ssyncset.done $0x0  }
0xd1: {  	s30 =	simm.s32 $0x0;
	s31 =	simm.s32 $0x0;
	[sflag:s23] =	ssyncadd.s32 $0xFFFFE000  }
.LBB2_8:
0xd2: {  	s0 =	sand.u32 $0x1000, s31;
	s2 =	sand.u32 $0x380, s30  }
0xd3: {  	s0 =	sor.u32 s2, s0  }
0xd4: {  	v3 =	vld [tilespmem:s0+$0x4000]  }
0xd5: {  	v4 =	vld [tilespmem:s0+$0x4010]  }
0xd6: {  	v5 =	vld [tilespmem:s0+$0x4020]  }
0xd7: {  	v6 =	vld [tilespmem:s0+$0x4030]  }
0xd8: {  	v7 =	vld [tilespmem:s0+$0x4040]  }
0xd9: {  	v8 =	vld [tilespmem:s0+$0x4050];
	v3 =	vshrl.u32 v3, $0x14  }
0xda: {  	v9 =	vld [tilespmem:s0+$0x4060];
	v4 =	vshrl.u32 v4, $0x14;
	v3 =	vadd.s32 v1, v3  }
0xdb: {  	v10 =	vld [tilespmem:s0+$0x4070];
	v5 =	vshrl.u32 v5, $0x14;
	v4 =	vadd.s32 v1, v4  }
0xdc: {  	v6 =	vshrl.u32 v6, $0x14;
	v5 =	vadd.s32 v1, v5  }
0xdd: {  	v7 =	vshrl.u32 v7, $0x14;
	v6 =	vadd.s32 v1, v6  }
0xde: {  	v8 =	vshrl.u32 v8, $0x14;
	v7 =	vadd.s32 v1, v7  }
0xdf: {  	v9 =	vshrl.u32 v9, $0x14;
	v8 =	vadd.s32 v1, v8;
	[tilespmem:v3+s24+$0x0] =	vst.idx.add.s32.msk $0xffff, v2  }
0xe0: {  	v9 =	vadd.s32 v1, v9;
	v3 =	vshrl.u32 v10, $0x14;
	[tilespmem:v4+s24+$0x0] =	vst.idx.add.s32.msk $0xffff, v2  }
0xe1: {  	v3 =	vadd.s32 v1, v3;
	[tilespmem:v5+s24+$0x0] =	vst.idx.add.s32.msk $0xffff, v2  }
0xe2: {  	[tilespmem:v6+s24+$0x0] =	vst.idx.add.s32.msk $0xffff, v2  }
0xe3: {  	[tilespmem:v7+s24+$0x0] =	vst.idx.add.s32.msk $0xffff, v2  }
0xe4: {  	[tilespmem:v8+s24+$0x0] =	vst.idx.add.s32.msk $0xffff, v2  }
0xe5: {  	[tilespmem:v9+s24+$0x0] =	vst.idx.add.s32.msk $0xffff, v2  }
0xe6: {  	[tilespmem:v3+s24+$0x0] =	vst.idx.add.s32.msk $0xffff, v2  }
0xe7: {  	v3 =	vld [tilespmem:s0+$0x4400]  }
0xe8: {  	v4 =	vld [tilespmem:s0+$0x4410]  }
0xe9: {  	v5 =	vld [tilespmem:s0+$0x4420]  }
0xea: {  	v6 =	vld [tilespmem:s0+$0x4430]  }
0xeb: {  	v7 =	vld [tilespmem:s0+$0x4440]  }
0xec: {  	v8 =	vld [tilespmem:s0+$0x4450];
	v3 =	vshrl.u32 v3, $0x14  }
0xed: {  	v9 =	vld [tilespmem:s0+$0x4460];
	v4 =	vshrl.u32 v4, $0x14;
	v3 =	vadd.s32 v1, v3  }
0xee: {  	v61 =	vld [tilespmem:s0+$0x4470];
	v5 =	vshrl.u32 v5, $0x14;
	v4 =	vadd.s32 v1, v4  }
0xef: {  	v6 =	vshrl.u32 v6, $0x14;
	v5 =	vadd.s32 v1, v5  }
0xf0: {  	v7 =	vshrl.u32 v7, $0x14;
	v6 =	vadd.s32 v1, v6  }
0xf1: {  	v8 =	vshrl.u32 v8, $0x14;
	v7 =	vadd.s32 v1, v7  }
0xf2: {  	v9 =	vshrl.u32 v9, $0x14;
	v8 =	vadd.s32 v1, v8;
	[tilespmem:v3+s24+$0x0] =	vst.idx.add.s32.msk $0xffff, v2  }
0xf3: {  	v9 =	vadd.s32 v1, v9;
	v3 =	vshrl.u32 v61, $0x14;
	[tilespmem:v4+s24+$0x0] =	vst.idx.add.s32.msk $0xffff, v2  }
0xf4: {  	v3 =	vadd.s32 v1, v3;
	[tilespmem:v5+s24+$0x0] =	vst.idx.add.s32.msk $0xffff, v2  }
0xf5: {  	[tilespmem:v6+s24+$0x0] =	vst.idx.add.s32.msk $0xffff, v2  }
0xf6: {  	[tilespmem:v7+s24+$0x0] =	vst.idx.add.s32.msk $0xffff, v2  }
0xf7: {  	[tilespmem:v8+s24+$0x0] =	vst.idx.add.s32.msk $0xffff, v2  }
0xf8: {  	[tilespmem:v9+s24+$0x0] =	vst.idx.add.s32.msk $0xffff, v2  }
0xf9: {  	[tilespmem:v3+s24+$0x0] =	vst.idx.add.s32.msk $0xffff, v2  }
0xfa: {  	v3 =	vld [tilespmem:s0+$0x4800]  }
0xfb: {  	v4 =	vld [tilespmem:s0+$0x4810]  }
0xfc: {  	v5 =	vld [tilespmem:s0+$0x4820]  }
0xfd: {  	v6 =	vld [tilespmem:s0+$0x4830]  }
0xfe: {  	v7 =	vld [tilespmem:s0+$0x4840]  }
0xff: {  	v8 =	vld [tilespmem:s0+$0x4850];
	v3 =	vshrl.u32 v3, $0x14  }
0x100: {  	v9 =	vld [tilespmem:s0+$0x4860];
	v4 =	vshrl.u32 v4, $0x14;
	v3 =	vadd.s32 v1, v3  }
0x101: {  	v62 =	vld [tilespmem:s0+$0x4870];
	v5 =	vshrl.u32 v5, $0x14;
	v4 =	vadd.s32 v1, v4  }
0x102: {  	v6 =	vshrl.u32 v6, $0x14;
	v5 =	vadd.s32 v1, v5  }
0x103: {  	v7 =	vshrl.u32 v7, $0x14;
	v6 =	vadd.s32 v1, v6  }
0x104: {  	v8 =	vshrl.u32 v8, $0x14;
	v7 =	vadd.s32 v1, v7  }
0x105: {  	v9 =	vshrl.u32 v9, $0x14;
	v8 =	vadd.s32 v1, v8;
	[tilespmem:v3+s24+$0x0] =	vst.idx.add.s32.msk $0xffff, v2  }
0x106: {  	v9 =	vadd.s32 v1, v9;
	v3 =	vshrl.u32 v62, $0x14;
	[tilespmem:v4+s24+$0x0] =	vst.idx.add.s32.msk $0xffff, v2  }
0x107: {  	v3 =	vadd.s32 v1, v3;
	[tilespmem:v5+s24+$0x0] =	vst.idx.add.s32.msk $0xffff, v2  }
0x108: {  	[tilespmem:v6+s24+$0x0] =	vst.idx.add.s32.msk $0xffff, v2  }
0x109: {  	[tilespmem:v7+s24+$0x0] =	vst.idx.add.s32.msk $0xffff, v2  }
0x10a: {  	[tilespmem:v8+s24+$0x0] =	vst.idx.add.s32.msk $0xffff, v2  }
0x10b: {  	[tilespmem:v9+s24+$0x0] =	vst.idx.add.s32.msk $0xffff, v2  }
0x10c: {  	[tilespmem:v3+s24+$0x0] =	vst.idx.add.s32.msk $0xffff, v2  }
0x10d: {  	v3 =	vld [tilespmem:s0+$0x4C00]  }
0x10e: {  	v4 =	vld [tilespmem:s0+$0x4C10]  }
0x10f: {  	v5 =	vld [tilespmem:s0+$0x4C20]  }
0x110: {  	v6 =	vld [tilespmem:s0+$0x4C30]  }
0x111: {  	v7 =	vld [tilespmem:s0+$0x4C40]  }
0x112: {  	v8 =	vld [tilespmem:s0+$0x4C50];
	v3 =	vshrl.u32 v3, $0x14  }
0x113: {  	v9 =	vld [tilespmem:s0+$0x4C60];
	v4 =	vshrl.u32 v4, $0x14;
	v3 =	vadd.s32 v1, v3  }
0x114: {  	v63 =	vld [tilespmem:s0+$0x4C70];
	v5 =	vshrl.u32 v5, $0x14;
	v4 =	vadd.s32 v1, v4  }
0x115: {  	v6 =	vshrl.u32 v6, $0x14;
	v5 =	vadd.s32 v1, v5  }
0x116: {  	v7 =	vshrl.u32 v7, $0x14;
	v6 =	vadd.s32 v1, v6  }
0x117: {  	v8 =	vshrl.u32 v8, $0x14;
	v7 =	vadd.s32 v1, v7  }
0x118: {  	v9 =	vshrl.u32 v9, $0x14;
	v8 =	vadd.s32 v1, v8;
	[tilespmem:v3+s24+$0x0] =	vst.idx.add.s32.msk $0xffff, v2  }
0x119: {  	v9 =	vadd.s32 v1, v9;
	v3 =	vshrl.u32 v63, $0x14;
	[tilespmem:v4+s24+$0x0] =	vst.idx.add.s32.msk $0xffff, v2  }
0x11a: {  	p0 =	sne.s32 s31, $0x1E00;
	v3 =	vadd.s32 v1, v3;
	[tilespmem:v5+s24+$0x0] =	vst.idx.add.s32.msk $0xffff, v2  }
.Ltmp3:
0x11b: {  	[tilespmem:v6+s24+$0x0] =	vst.idx.add.s32.msk $0xffff, v2;
	(pc) =	sbr.rel @p0 .LBB2_8-.Ltmp3, $4  }
0x11c: {  	[tilespmem:v7+s24+$0x0] =	vst.idx.add.s32.msk $0xffff, v2  }
0x11d: {  	[tilespmem:v8+s24+$0x0] =	vst.idx.add.s32.msk $0xffff, v2  }
0x11e: {  	[tilespmem:v9+s24+$0x0] =	vst.idx.add.s32.msk $0xffff, v2  }
0x11f: {  	s30 =	sadd.s32 $0x80, s30;
	s31 =	sadd.s32 $0x200, s31;
	[tilespmem:v3+s24+$0x0] =	vst.idx.add.s32.msk $0xffff, v2  }
0x120: {  	_ =	swait.ge [sflag:s23], $0x2000  }
0x121: {  	[sflag:s23] =	ssyncset.done $0x0  }
0x122: {  	s30 =	simm.s32 $0x0;
	s31 =	simm.s32 $0x0;
	[sflag:s23] =	ssyncadd.s32 $0xFFFFE000  }
.LBB2_10:
0x123: {  	s0 =	sand.u32 $0x1000, s31;
	s2 =	sand.u32 $0x380, s30  }
0x124: {  	s0 =	sor.u32 s2, s0  }
0x125: {  	v3 =	vld [tilespmem:s0+$0x6000]  }
0x126: {  	v4 =	vld [tilespmem:s0+$0x6010]  }
0x127: {  	v5 =	vld [tilespmem:s0+$0x6020]  }
0x128: {  	v6 =	vld [tilespmem:s0+$0x6030]  }
0x129: {  	v7 =	vld [tilespmem:s0+$0x6040]  }
0x12a: {  	v8 =	vld [tilespmem:s0+$0x6050];
	v3 =	vshrl.u32 v3, $0x14  }
0x12b: {  	v9 =	vld [tilespmem:s0+$0x6060];
	v4 =	vshrl.u32 v4, $0x14;
	v3 =	vadd.s32 v1, v3  }
0x12c: {  	v10 =	vld [tilespmem:s0+$0x6070];
	v5 =	vshrl.u32 v5, $0x14;
	v4 =	vadd.s32 v1, v4  }
0x12d: {  	v6 =	vshrl.u32 v6, $0x14;
	v5 =	vadd.s32 v1, v5  }
0x12e: {  	v7 =	vshrl.u32 v7, $0x14;
	v6 =	vadd.s32 v1, v6  }
0x12f: {  	v8 =	vshrl.u32 v8, $0x14;
	v7 =	vadd.s32 v1, v7  }
0x130: {  	v9 =	vshrl.u32 v9, $0x14;
	v8 =	vadd.s32 v1, v8;
	[tilespmem:v3+s24+$0x0] =	vst.idx.add.s32.msk $0xffff, v2  }
0x131: {  	v9 =	vadd.s32 v1, v9;
	v3 =	vshrl.u32 v10, $0x14;
	[tilespmem:v4+s24+$0x0] =	vst.idx.add.s32.msk $0xffff, v2  }
0x132: {  	v3 =	vadd.s32 v1, v3;
	[tilespmem:v5+s24+$0x0] =	vst.idx.add.s32.msk $0xffff, v2  }
0x133: {  	[tilespmem:v6+s24+$0x0] =	vst.idx.add.s32.msk $0xffff, v2  }
0x134: {  	[tilespmem:v7+s24+$0x0] =	vst.idx.add.s32.msk $0xffff, v2  }
0x135: {  	[tilespmem:v8+s24+$0x0] =	vst.idx.add.s32.msk $0xffff, v2  }
0x136: {  	[tilespmem:v9+s24+$0x0] =	vst.idx.add.s32.msk $0xffff, v2  }
0x137: {  	[tilespmem:v3+s24+$0x0] =	vst.idx.add.s32.msk $0xffff, v2  }
0x138: {  	v3 =	vld [tilespmem:s0+$0x6400]  }
0x139: {  	v4 =	vld [tilespmem:s0+$0x6410]  }
0x13a: {  	v5 =	vld [tilespmem:s0+$0x6420]  }
0x13b: {  	v6 =	vld [tilespmem:s0+$0x6430]  }
0x13c: {  	v7 =	vld [tilespmem:s0+$0x6440]  }
0x13d: {  	v8 =	vld [tilespmem:s0+$0x6450];
	v3 =	vshrl.u32 v3, $0x14  }
0x13e: {  	v9 =	vld [tilespmem:s0+$0x6460];
	v4 =	vshrl.u32 v4, $0x14;
	v3 =	vadd.s32 v1, v3  }
0x13f: {  	v61 =	vld [tilespmem:s0+$0x6470];
	v5 =	vshrl.u32 v5, $0x14;
	v4 =	vadd.s32 v1, v4  }
0x140: {  	v6 =	vshrl.u32 v6, $0x14;
	v5 =	vadd.s32 v1, v5  }
0x141: {  	v7 =	vshrl.u32 v7, $0x14;
	v6 =	vadd.s32 v1, v6  }
0x142: {  	v8 =	vshrl.u32 v8, $0x14;
	v7 =	vadd.s32 v1, v7  }
0x143: {  	v9 =	vshrl.u32 v9, $0x14;
	v8 =	vadd.s32 v1, v8;
	[tilespmem:v3+s24+$0x0] =	vst.idx.add.s32.msk $0xffff, v2  }
0x144: {  	v9 =	vadd.s32 v1, v9;
	v3 =	vshrl.u32 v61, $0x14;
	[tilespmem:v4+s24+$0x0] =	vst.idx.add.s32.msk $0xffff, v2  }
0x145: {  	v3 =	vadd.s32 v1, v3;
	[tilespmem:v5+s24+$0x0] =	vst.idx.add.s32.msk $0xffff, v2  }
0x146: {  	[tilespmem:v6+s24+$0x0] =	vst.idx.add.s32.msk $0xffff, v2  }
0x147: {  	[tilespmem:v7+s24+$0x0] =	vst.idx.add.s32.msk $0xffff, v2  }
0x148: {  	[tilespmem:v8+s24+$0x0] =	vst.idx.add.s32.msk $0xffff, v2  }
0x149: {  	[tilespmem:v9+s24+$0x0] =	vst.idx.add.s32.msk $0xffff, v2  }
0x14a: {  	[tilespmem:v3+s24+$0x0] =	vst.idx.add.s32.msk $0xffff, v2  }
0x14b: {  	v3 =	vld [tilespmem:s0+$0x6800]  }
0x14c: {  	v4 =	vld [tilespmem:s0+$0x6810]  }
0x14d: {  	v5 =	vld [tilespmem:s0+$0x6820]  }
0x14e: {  	v6 =	vld [tilespmem:s0+$0x6830]  }
0x14f: {  	v7 =	vld [tilespmem:s0+$0x6840]  }
0x150: {  	v8 =	vld [tilespmem:s0+$0x6850];
	v3 =	vshrl.u32 v3, $0x14  }
0x151: {  	v9 =	vld [tilespmem:s0+$0x6860];
	v4 =	vshrl.u32 v4, $0x14;
	v3 =	vadd.s32 v1, v3  }
0x152: {  	v62 =	vld [tilespmem:s0+$0x6870];
	v5 =	vshrl.u32 v5, $0x14;
	v4 =	vadd.s32 v1, v4  }
0x153: {  	v6 =	vshrl.u32 v6, $0x14;
	v5 =	vadd.s32 v1, v5  }
0x154: {  	v7 =	vshrl.u32 v7, $0x14;
	v6 =	vadd.s32 v1, v6  }
0x155: {  	v8 =	vshrl.u32 v8, $0x14;
	v7 =	vadd.s32 v1, v7  }
0x156: {  	v9 =	vshrl.u32 v9, $0x14;
	v8 =	vadd.s32 v1, v8;
	[tilespmem:v3+s24+$0x0] =	vst.idx.add.s32.msk $0xffff, v2  }
0x157: {  	v9 =	vadd.s32 v1, v9;
	v3 =	vshrl.u32 v62, $0x14;
	[tilespmem:v4+s24+$0x0] =	vst.idx.add.s32.msk $0xffff, v2  }
0x158: {  	v3 =	vadd.s32 v1, v3;
	[tilespmem:v5+s24+$0x0] =	vst.idx.add.s32.msk $0xffff, v2  }
0x159: {  	[tilespmem:v6+s24+$0x0] =	vst.idx.add.s32.msk $0xffff, v2  }
0x15a: {  	[tilespmem:v7+s24+$0x0] =	vst.idx.add.s32.msk $0xffff, v2  }
0x15b: {  	[tilespmem:v8+s24+$0x0] =	vst.idx.add.s32.msk $0xffff, v2  }
0x15c: {  	[tilespmem:v9+s24+$0x0] =	vst.idx.add.s32.msk $0xffff, v2  }
0x15d: {  	[tilespmem:v3+s24+$0x0] =	vst.idx.add.s32.msk $0xffff, v2  }
0x15e: {  	v3 =	vld [tilespmem:s0+$0x6C00]  }
0x15f: {  	v4 =	vld [tilespmem:s0+$0x6C10]  }
0x160: {  	v5 =	vld [tilespmem:s0+$0x6C20]  }
0x161: {  	v6 =	vld [tilespmem:s0+$0x6C30]  }
0x162: {  	v7 =	vld [tilespmem:s0+$0x6C40]  }
0x163: {  	v8 =	vld [tilespmem:s0+$0x6C50];
	v3 =	vshrl.u32 v3, $0x14  }
0x164: {  	v9 =	vld [tilespmem:s0+$0x6C60];
	v4 =	vshrl.u32 v4, $0x14;
	v3 =	vadd.s32 v1, v3  }
0x165: {  	v63 =	vld [tilespmem:s0+$0x6C70];
	v5 =	vshrl.u32 v5, $0x14;
	v4 =	vadd.s32 v1, v4  }
0x166: {  	v6 =	vshrl.u32 v6, $0x14;
	v5 =	vadd.s32 v1, v5  }
0x167: {  	v7 =	vshrl.u32 v7, $0x14;
	v6 =	vadd.s32 v1, v6  }
0x168: {  	v8 =	vshrl.u32 v8, $0x14;
	v7 =	vadd.s32 v1, v7  }
0x169: {  	v9 =	vshrl.u32 v9, $0x14;
	v8 =	vadd.s32 v1, v8;
	[tilespmem:v3+s24+$0x0] =	vst.idx.add.s32.msk $0xffff, v2  }
0x16a: {  	v9 =	vadd.s32 v1, v9;
	v3 =	vshrl.u32 v63, $0x14;
	[tilespmem:v4+s24+$0x0] =	vst.idx.add.s32.msk $0xffff, v2  }
0x16b: {  	p0 =	sne.s32 s31, $0x1E00;
	v3 =	vadd.s32 v1, v3;
	[tilespmem:v5+s24+$0x0] =	vst.idx.add.s32.msk $0xffff, v2  }
.Ltmp4:
0x16c: {  	[tilespmem:v6+s24+$0x0] =	vst.idx.add.s32.msk $0xffff, v2;
	(pc) =	sbr.rel @p0 .LBB2_10-.Ltmp4, $4  }
0x16d: {  	[tilespmem:v7+s24+$0x0] =	vst.idx.add.s32.msk $0xffff, v2  }
0x16e: {  	[tilespmem:v8+s24+$0x0] =	vst.idx.add.s32.msk $0xffff, v2  }
0x16f: {  	[tilespmem:v9+s24+$0x0] =	vst.idx.add.s32.msk $0xffff, v2  }
0x170: {  	s30 =	sadd.s32 $0x80, s30;
	s31 =	sadd.s32 $0x200, s31;
	[tilespmem:v3+s24+$0x0] =	vst.idx.add.s32.msk $0xffff, v2  }
0x171: {  	_ =	swait.ge [sflag:s23], $0x2000  }
0x172: {  	[sflag:s23] =	ssyncset.done $0x0  }
0x173: {  	s30 =	simm.s32 $0x0;
	s31 =	simm.s32 $0x0;
	[sflag:s23] =	ssyncadd.s32 $0xFFFFE000  }
.LBB2_12:
0x174: {  	s0 =	sand.u32 $0x1000, s31;
	s2 =	sand.u32 $0x380, s30  }
0x175: {  	s0 =	sor.u32 s2, s0  }
0x176: {  	v3 =	vld [tilespmem:s0+$0x8000]  }
0x177: {  	v4 =	vld [tilespmem:s0+$0x8010]  }
0x178: {  	v5 =	vld [tilespmem:s0+$0x8020]  }
0x179: {  	v6 =	vld [tilespmem:s0+$0x8030]  }
0x17a: {  	v7 =	vld [tilespmem:s0+$0x8040]  }
0x17b: {  	v8 =	vld [tilespmem:s0+$0x8050];
	v3 =	vshrl.u32 v3, $0x14  }
0x17c: {  	v9 =	vld [tilespmem:s0+$0x8060];
	v4 =	vshrl.u32 v4, $0x14;
	v3 =	vadd.s32 v1, v3  }
0x17d: {  	v10 =	vld [tilespmem:s0+$0x8070];
	v5 =	vshrl.u32 v5, $0x14;
	v4 =	vadd.s32 v1, v4  }
0x17e: {  	v6 =	vshrl.u32 v6, $0x14;
	v5 =	vadd.s32 v1, v5  }
0x17f: {  	v7 =	vshrl.u32 v7, $0x14;
	v6 =	vadd.s32 v1, v6  }
0x180: {  	v8 =	vshrl.u32 v8, $0x14;
	v7 =	vadd.s32 v1, v7  }
0x181: {  	v9 =	vshrl.u32 v9, $0x14;
	v8 =	vadd.s32 v1, v8;
	[tilespmem:v3+s24+$0x0] =	vst.idx.add.s32.msk $0xffff, v2  }
0x182: {  	v9 =	vadd.s32 v1, v9;
	v3 =	vshrl.u32 v10, $0x14;
	[tilespmem:v4+s24+$0x0] =	vst.idx.add.s32.msk $0xffff, v2  }
0x183: {  	v3 =	vadd.s32 v1, v3;
	[tilespmem:v5+s24+$0x0] =	vst.idx.add.s32.msk $0xffff, v2  }
0x184: {  	[tilespmem:v6+s24+$0x0] =	vst.idx.add.s32.msk $0xffff, v2  }
0x185: {  	[tilespmem:v7+s24+$0x0] =	vst.idx.add.s32.msk $0xffff, v2  }
0x186: {  	[tilespmem:v8+s24+$0x0] =	vst.idx.add.s32.msk $0xffff, v2  }
0x187: {  	[tilespmem:v9+s24+$0x0] =	vst.idx.add.s32.msk $0xffff, v2  }
0x188: {  	[tilespmem:v3+s24+$0x0] =	vst.idx.add.s32.msk $0xffff, v2  }
0x189: {  	v3 =	vld [tilespmem:s0+$0x8400]  }
0x18a: {  	v4 =	vld [tilespmem:s0+$0x8410]  }
0x18b: {  	v5 =	vld [tilespmem:s0+$0x8420]  }
0x18c: {  	v6 =	vld [tilespmem:s0+$0x8430]  }
0x18d: {  	v7 =	vld [tilespmem:s0+$0x8440]  }
0x18e: {  	v8 =	vld [tilespmem:s0+$0x8450];
	v3 =	vshrl.u32 v3, $0x14  }
0x18f: {  	v9 =	vld [tilespmem:s0+$0x8460];
	v4 =	vshrl.u32 v4, $0x14;
	v3 =	vadd.s32 v1, v3  }
0x190: {  	v61 =	vld [tilespmem:s0+$0x8470];
	v5 =	vshrl.u32 v5, $0x14;
	v4 =	vadd.s32 v1, v4  }
0x191: {  	v6 =	vshrl.u32 v6, $0x14;
	v5 =	vadd.s32 v1, v5  }
0x192: {  	v7 =	vshrl.u32 v7, $0x14;
	v6 =	vadd.s32 v1, v6  }
0x193: {  	v8 =	vshrl.u32 v8, $0x14;
	v7 =	vadd.s32 v1, v7  }
0x194: {  	v9 =	vshrl.u32 v9, $0x14;
	v8 =	vadd.s32 v1, v8;
	[tilespmem:v3+s24+$0x0] =	vst.idx.add.s32.msk $0xffff, v2  }
0x195: {  	v9 =	vadd.s32 v1, v9;
	v3 =	vshrl.u32 v61, $0x14;
	[tilespmem:v4+s24+$0x0] =	vst.idx.add.s32.msk $0xffff, v2  }
0x196: {  	v3 =	vadd.s32 v1, v3;
	[tilespmem:v5+s24+$0x0] =	vst.idx.add.s32.msk $0xffff, v2  }
0x197: {  	[tilespmem:v6+s24+$0x0] =	vst.idx.add.s32.msk $0xffff, v2  }
0x198: {  	[tilespmem:v7+s24+$0x0] =	vst.idx.add.s32.msk $0xffff, v2  }
0x199: {  	[tilespmem:v8+s24+$0x0] =	vst.idx.add.s32.msk $0xffff, v2  }
0x19a: {  	[tilespmem:v9+s24+$0x0] =	vst.idx.add.s32.msk $0xffff, v2  }
0x19b: {  	[tilespmem:v3+s24+$0x0] =	vst.idx.add.s32.msk $0xffff, v2  }
0x19c: {  	v3 =	vld [tilespmem:s0+$0x8800]  }
0x19d: {  	v4 =	vld [tilespmem:s0+$0x8810]  }
0x19e: {  	v5 =	vld [tilespmem:s0+$0x8820]  }
0x19f: {  	v6 =	vld [tilespmem:s0+$0x8830]  }
0x1a0: {  	v7 =	vld [tilespmem:s0+$0x8840]  }
0x1a1: {  	v8 =	vld [tilespmem:s0+$0x8850];
	v3 =	vshrl.u32 v3, $0x14  }
0x1a2: {  	v9 =	vld [tilespmem:s0+$0x8860];
	v4 =	vshrl.u32 v4, $0x14;
	v3 =	vadd.s32 v1, v3  }
0x1a3: {  	v62 =	vld [tilespmem:s0+$0x8870];
	v5 =	vshrl.u32 v5, $0x14;
	v4 =	vadd.s32 v1, v4  }
0x1a4: {  	v6 =	vshrl.u32 v6, $0x14;
	v5 =	vadd.s32 v1, v5  }
0x1a5: {  	v7 =	vshrl.u32 v7, $0x14;
	v6 =	vadd.s32 v1, v6  }
0x1a6: {  	v8 =	vshrl.u32 v8, $0x14;
	v7 =	vadd.s32 v1, v7  }
0x1a7: {  	v9 =	vshrl.u32 v9, $0x14;
	v8 =	vadd.s32 v1, v8;
	[tilespmem:v3+s24+$0x0] =	vst.idx.add.s32.msk $0xffff, v2  }
0x1a8: {  	v9 =	vadd.s32 v1, v9;
	v3 =	vshrl.u32 v62, $0x14;
	[tilespmem:v4+s24+$0x0] =	vst.idx.add.s32.msk $0xffff, v2  }
0x1a9: {  	v3 =	vadd.s32 v1, v3;
	[tilespmem:v5+s24+$0x0] =	vst.idx.add.s32.msk $0xffff, v2  }
0x1aa: {  	[tilespmem:v6+s24+$0x0] =	vst.idx.add.s32.msk $0xffff, v2  }
0x1ab: {  	[tilespmem:v7+s24+$0x0] =	vst.idx.add.s32.msk $0xffff, v2  }
0x1ac: {  	[tilespmem:v8+s24+$0x0] =	vst.idx.add.s32.msk $0xffff, v2  }
0x1ad: {  	[tilespmem:v9+s24+$0x0] =	vst.idx.add.s32.msk $0xffff, v2  }
0x1ae: {  	[tilespmem:v3+s24+$0x0] =	vst.idx.add.s32.msk $0xffff, v2  }
0x1af: {  	v3 =	vld [tilespmem:s0+$0x8C00]  }
0x1b0: {  	v4 =	vld [tilespmem:s0+$0x8C10]  }
0x1b1: {  	v5 =	vld [tilespmem:s0+$0x8C20]  }
0x1b2: {  	v6 =	vld [tilespmem:s0+$0x8C30]  }
0x1b3: {  	v7 =	vld [tilespmem:s0+$0x8C40]  }
0x1b4: {  	v8 =	vld [tilespmem:s0+$0x8C50];
	v3 =	vshrl.u32 v3, $0x14  }
0x1b5: {  	v9 =	vld [tilespmem:s0+$0x8C60];
	v4 =	vshrl.u32 v4, $0x14;
	v3 =	vadd.s32 v1, v3  }
0x1b6: {  	v63 =	vld [tilespmem:s0+$0x8C70];
	v5 =	vshrl.u32 v5, $0x14;
	v4 =	vadd.s32 v1, v4  }
0x1b7: {  	v6 =	vshrl.u32 v6, $0x14;
	v5 =	vadd.s32 v1, v5  }
0x1b8: {  	v7 =	vshrl.u32 v7, $0x14;
	v6 =	vadd.s32 v1, v6  }
0x1b9: {  	v8 =	vshrl.u32 v8, $0x14;
	v7 =	vadd.s32 v1, v7  }
0x1ba: {  	v9 =	vshrl.u32 v9, $0x14;
	v8 =	vadd.s32 v1, v8;
	[tilespmem:v3+s24+$0x0] =	vst.idx.add.s32.msk $0xffff, v2  }
0x1bb: {  	v9 =	vadd.s32 v1, v9;
	v3 =	vshrl.u32 v63, $0x14;
	[tilespmem:v4+s24+$0x0] =	vst.idx.add.s32.msk $0xffff, v2  }
0x1bc: {  	p0 =	sne.s32 s31, $0x1E00;
	v3 =	vadd.s32 v1, v3;
	[tilespmem:v5+s24+$0x0] =	vst.idx.add.s32.msk $0xffff, v2  }
.Ltmp5:
0x1bd: {  	[tilespmem:v6+s24+$0x0] =	vst.idx.add.s32.msk $0xffff, v2;
	(pc) =	sbr.rel @p0 .LBB2_12-.Ltmp5, $4  }
0x1be: {  	[tilespmem:v7+s24+$0x0] =	vst.idx.add.s32.msk $0xffff, v2  }
0x1bf: {  	[tilespmem:v8+s24+$0x0] =	vst.idx.add.s32.msk $0xffff, v2  }
0x1c0: {  	[tilespmem:v9+s24+$0x0] =	vst.idx.add.s32.msk $0xffff, v2  }
0x1c1: {  	s30 =	sadd.s32 $0x80, s30;
	s31 =	sadd.s32 $0x200, s31;
	[tilespmem:v3+s24+$0x0] =	vst.idx.add.s32.msk $0xffff, v2  }
0x1c2: {  	_ =	swait.ge [sflag:s23], $0x2000  }
0x1c3: {  	[sflag:s23] =	ssyncset.done $0x0  }
0x1c4: {  	s30 =	simm.s32 $0x0;
	s31 =	simm.s32 $0x0;
	[sflag:s23] =	ssyncadd.s32 $0xFFFFE000  }
.LBB2_14:
0x1c5: {  	s0 =	sand.u32 $0x1000, s31;
	s2 =	sand.u32 $0x380, s30  }
0x1c6: {  	s0 =	sor.u32 s2, s0  }
0x1c7: {  	v3 =	vld [tilespmem:s0+$0xA000]  }
0x1c8: {  	v4 =	vld [tilespmem:s0+$0xA010]  }
0x1c9: {  	v5 =	vld [tilespmem:s0+$0xA020]  }
0x1ca: {  	v6 =	vld [tilespmem:s0+$0xA030]  }
0x1cb: {  	v7 =	vld [tilespmem:s0+$0xA040]  }
0x1cc: {  	v8 =	vld [tilespmem:s0+$0xA050];
	v3 =	vshrl.u32 v3, $0x14  }
0x1cd: {  	v9 =	vld [tilespmem:s0+$0xA060];
	v4 =	vshrl.u32 v4, $0x14;
	v3 =	vadd.s32 v1, v3  }
0x1ce: {  	v10 =	vld [tilespmem:s0+$0xA070];
	v5 =	vshrl.u32 v5, $0x14;
	v4 =	vadd.s32 v1, v4  }
0x1cf: {  	v6 =	vshrl.u32 v6, $0x14;
	v5 =	vadd.s32 v1, v5  }
0x1d0: {  	v7 =	vshrl.u32 v7, $0x14;
	v6 =	vadd.s32 v1, v6  }
0x1d1: {  	v8 =	vshrl.u32 v8, $0x14;
	v7 =	vadd.s32 v1, v7  }
0x1d2: {  	v9 =	vshrl.u32 v9, $0x14;
	v8 =	vadd.s32 v1, v8;
	[tilespmem:v3+s24+$0x0] =	vst.idx.add.s32.msk $0xffff, v2  }
0x1d3: {  	v9 =	vadd.s32 v1, v9;
	v3 =	vshrl.u32 v10, $0x14;
	[tilespmem:v4+s24+$0x0] =	vst.idx.add.s32.msk $0xffff, v2  }
0x1d4: {  	v3 =	vadd.s32 v1, v3;
	[tilespmem:v5+s24+$0x0] =	vst.idx.add.s32.msk $0xffff, v2  }
0x1d5: {  	[tilespmem:v6+s24+$0x0] =	vst.idx.add.s32.msk $0xffff, v2  }
0x1d6: {  	[tilespmem:v7+s24+$0x0] =	vst.idx.add.s32.msk $0xffff, v2  }
0x1d7: {  	[tilespmem:v8+s24+$0x0] =	vst.idx.add.s32.msk $0xffff, v2  }
0x1d8: {  	[tilespmem:v9+s24+$0x0] =	vst.idx.add.s32.msk $0xffff, v2  }
0x1d9: {  	[tilespmem:v3+s24+$0x0] =	vst.idx.add.s32.msk $0xffff, v2  }
0x1da: {  	v3 =	vld [tilespmem:s0+$0xA400]  }
0x1db: {  	v4 =	vld [tilespmem:s0+$0xA410]  }
0x1dc: {  	v5 =	vld [tilespmem:s0+$0xA420]  }
0x1dd: {  	v6 =	vld [tilespmem:s0+$0xA430]  }
0x1de: {  	v7 =	vld [tilespmem:s0+$0xA440]  }
0x1df: {  	v8 =	vld [tilespmem:s0+$0xA450];
	v3 =	vshrl.u32 v3, $0x14  }
0x1e0: {  	v9 =	vld [tilespmem:s0+$0xA460];
	v4 =	vshrl.u32 v4, $0x14;
	v3 =	vadd.s32 v1, v3  }
0x1e1: {  	v61 =	vld [tilespmem:s0+$0xA470];
	v5 =	vshrl.u32 v5, $0x14;
	v4 =	vadd.s32 v1, v4  }
0x1e2: {  	v6 =	vshrl.u32 v6, $0x14;
	v5 =	vadd.s32 v1, v5  }
0x1e3: {  	v7 =	vshrl.u32 v7, $0x14;
	v6 =	vadd.s32 v1, v6  }
0x1e4: {  	v8 =	vshrl.u32 v8, $0x14;
	v7 =	vadd.s32 v1, v7  }
0x1e5: {  	v9 =	vshrl.u32 v9, $0x14;
	v8 =	vadd.s32 v1, v8;
	[tilespmem:v3+s24+$0x0] =	vst.idx.add.s32.msk $0xffff, v2  }
0x1e6: {  	v9 =	vadd.s32 v1, v9;
	v3 =	vshrl.u32 v61, $0x14;
	[tilespmem:v4+s24+$0x0] =	vst.idx.add.s32.msk $0xffff, v2  }
0x1e7: {  	v3 =	vadd.s32 v1, v3;
	[tilespmem:v5+s24+$0x0] =	vst.idx.add.s32.msk $0xffff, v2  }
0x1e8: {  	[tilespmem:v6+s24+$0x0] =	vst.idx.add.s32.msk $0xffff, v2  }
0x1e9: {  	[tilespmem:v7+s24+$0x0] =	vst.idx.add.s32.msk $0xffff, v2  }
0x1ea: {  	[tilespmem:v8+s24+$0x0] =	vst.idx.add.s32.msk $0xffff, v2  }
0x1eb: {  	[tilespmem:v9+s24+$0x0] =	vst.idx.add.s32.msk $0xffff, v2  }
0x1ec: {  	[tilespmem:v3+s24+$0x0] =	vst.idx.add.s32.msk $0xffff, v2  }
0x1ed: {  	v3 =	vld [tilespmem:s0+$0xA800]  }
0x1ee: {  	v4 =	vld [tilespmem:s0+$0xA810]  }
0x1ef: {  	v5 =	vld [tilespmem:s0+$0xA820]  }
0x1f0: {  	v6 =	vld [tilespmem:s0+$0xA830]  }
0x1f1: {  	v7 =	vld [tilespmem:s0+$0xA840]  }
0x1f2: {  	v8 =	vld [tilespmem:s0+$0xA850];
	v3 =	vshrl.u32 v3, $0x14  }
0x1f3: {  	v9 =	vld [tilespmem:s0+$0xA860];
	v4 =	vshrl.u32 v4, $0x14;
	v3 =	vadd.s32 v1, v3  }
0x1f4: {  	v62 =	vld [tilespmem:s0+$0xA870];
	v5 =	vshrl.u32 v5, $0x14;
	v4 =	vadd.s32 v1, v4  }
0x1f5: {  	v6 =	vshrl.u32 v6, $0x14;
	v5 =	vadd.s32 v1, v5  }
0x1f6: {  	v7 =	vshrl.u32 v7, $0x14;
	v6 =	vadd.s32 v1, v6  }
0x1f7: {  	v8 =	vshrl.u32 v8, $0x14;
	v7 =	vadd.s32 v1, v7  }
0x1f8: {  	v9 =	vshrl.u32 v9, $0x14;
	v8 =	vadd.s32 v1, v8;
	[tilespmem:v3+s24+$0x0] =	vst.idx.add.s32.msk $0xffff, v2  }
0x1f9: {  	v9 =	vadd.s32 v1, v9;
	v3 =	vshrl.u32 v62, $0x14;
	[tilespmem:v4+s24+$0x0] =	vst.idx.add.s32.msk $0xffff, v2  }
0x1fa: {  	v3 =	vadd.s32 v1, v3;
	[tilespmem:v5+s24+$0x0] =	vst.idx.add.s32.msk $0xffff, v2  }
0x1fb: {  	[tilespmem:v6+s24+$0x0] =	vst.idx.add.s32.msk $0xffff, v2  }
0x1fc: {  	[tilespmem:v7+s24+$0x0] =	vst.idx.add.s32.msk $0xffff, v2  }
0x1fd: {  	[tilespmem:v8+s24+$0x0] =	vst.idx.add.s32.msk $0xffff, v2  }
0x1fe: {  	[tilespmem:v9+s24+$0x0] =	vst.idx.add.s32.msk $0xffff, v2  }
0x1ff: {  	[tilespmem:v3+s24+$0x0] =	vst.idx.add.s32.msk $0xffff, v2  }
0x200: {  	v3 =	vld [tilespmem:s0+$0xAC00]  }
0x201: {  	v4 =	vld [tilespmem:s0+$0xAC10]  }
0x202: {  	v5 =	vld [tilespmem:s0+$0xAC20]  }
0x203: {  	v6 =	vld [tilespmem:s0+$0xAC30]  }
0x204: {  	v7 =	vld [tilespmem:s0+$0xAC40]  }
0x205: {  	v8 =	vld [tilespmem:s0+$0xAC50];
	v3 =	vshrl.u32 v3, $0x14  }
0x206: {  	v9 =	vld [tilespmem:s0+$0xAC60];
	v4 =	vshrl.u32 v4, $0x14;
	v3 =	vadd.s32 v1, v3  }
0x207: {  	v63 =	vld [tilespmem:s0+$0xAC70];
	v5 =	vshrl.u32 v5, $0x14;
	v4 =	vadd.s32 v1, v4  }
0x208: {  	v6 =	vshrl.u32 v6, $0x14;
	v5 =	vadd.s32 v1, v5  }
0x209: {  	v7 =	vshrl.u32 v7, $0x14;
	v6 =	vadd.s32 v1, v6  }
0x20a: {  	v8 =	vshrl.u32 v8, $0x14;
	v7 =	vadd.s32 v1, v7  }
0x20b: {  	v9 =	vshrl.u32 v9, $0x14;
	v8 =	vadd.s32 v1, v8;
	[tilespmem:v3+s24+$0x0] =	vst.idx.add.s32.msk $0xffff, v2  }
0x20c: {  	v9 =	vadd.s32 v1, v9;
	v3 =	vshrl.u32 v63, $0x14;
	[tilespmem:v4+s24+$0x0] =	vst.idx.add.s32.msk $0xffff, v2  }
0x20d: {  	p0 =	sne.s32 s31, $0x1E00;
	v3 =	vadd.s32 v1, v3;
	[tilespmem:v5+s24+$0x0] =	vst.idx.add.s32.msk $0xffff, v2  }
.Ltmp6:
0x20e: {  	[tilespmem:v6+s24+$0x0] =	vst.idx.add.s32.msk $0xffff, v2;
	(pc) =	sbr.rel @p0 .LBB2_14-.Ltmp6, $4  }
0x20f: {  	[tilespmem:v7+s24+$0x0] =	vst.idx.add.s32.msk $0xffff, v2  }
0x210: {  	[tilespmem:v8+s24+$0x0] =	vst.idx.add.s32.msk $0xffff, v2  }
0x211: {  	[tilespmem:v9+s24+$0x0] =	vst.idx.add.s32.msk $0xffff, v2  }
0x212: {  	s30 =	sadd.s32 $0x80, s30;
	s31 =	sadd.s32 $0x200, s31;
	[tilespmem:v3+s24+$0x0] =	vst.idx.add.s32.msk $0xffff, v2  }
0x213: {  	_ =	swait.ge [sflag:s23], $0x2000  }
0x214: {  	[sflag:s23] =	ssyncset.done $0x0  }
0x215: {  	s30 =	simm.s32 $0x0;
	s31 =	simm.s32 $0x0;
	[sflag:s23] =	ssyncadd.s32 $0xFFFFE000  }
.LBB2_16:
0x216: {  	s0 =	sand.u32 $0x1000, s31;
	s2 =	sand.u32 $0x380, s30  }
0x217: {  	s0 =	sor.u32 s2, s0  }
0x218: {  	v3 =	vld [tilespmem:s0+$0xC000]  }
0x219: {  	v4 =	vld [tilespmem:s0+$0xC010]  }
0x21a: {  	v5 =	vld [tilespmem:s0+$0xC020]  }
0x21b: {  	v6 =	vld [tilespmem:s0+$0xC030]  }
0x21c: {  	v7 =	vld [tilespmem:s0+$0xC040]  }
0x21d: {  	v8 =	vld [tilespmem:s0+$0xC050];
	v3 =	vshrl.u32 v3, $0x14  }
0x21e: {  	v9 =	vld [tilespmem:s0+$0xC060];
	v4 =	vshrl.u32 v4, $0x14;
	v3 =	vadd.s32 v1, v3  }
0x21f: {  	v10 =	vld [tilespmem:s0+$0xC070];
	v5 =	vshrl.u32 v5, $0x14;
	v4 =	vadd.s32 v1, v4  }
0x220: {  	v6 =	vshrl.u32 v6, $0x14;
	v5 =	vadd.s32 v1, v5  }
0x221: {  	v7 =	vshrl.u32 v7, $0x14;
	v6 =	vadd.s32 v1, v6  }
0x222: {  	v8 =	vshrl.u32 v8, $0x14;
	v7 =	vadd.s32 v1, v7  }
0x223: {  	v9 =	vshrl.u32 v9, $0x14;
	v8 =	vadd.s32 v1, v8;
	[tilespmem:v3+s24+$0x0] =	vst.idx.add.s32.msk $0xffff, v2  }
0x224: {  	v9 =	vadd.s32 v1, v9;
	v3 =	vshrl.u32 v10, $0x14;
	[tilespmem:v4+s24+$0x0] =	vst.idx.add.s32.msk $0xffff, v2  }
0x225: {  	v3 =	vadd.s32 v1, v3;
	[tilespmem:v5+s24+$0x0] =	vst.idx.add.s32.msk $0xffff, v2  }
0x226: {  	[tilespmem:v6+s24+$0x0] =	vst.idx.add.s32.msk $0xffff, v2  }
0x227: {  	[tilespmem:v7+s24+$0x0] =	vst.idx.add.s32.msk $0xffff, v2  }
0x228: {  	[tilespmem:v8+s24+$0x0] =	vst.idx.add.s32.msk $0xffff, v2  }
0x229: {  	[tilespmem:v9+s24+$0x0] =	vst.idx.add.s32.msk $0xffff, v2  }
0x22a: {  	[tilespmem:v3+s24+$0x0] =	vst.idx.add.s32.msk $0xffff, v2  }
0x22b: {  	v3 =	vld [tilespmem:s0+$0xC400]  }
0x22c: {  	v4 =	vld [tilespmem:s0+$0xC410]  }
0x22d: {  	v5 =	vld [tilespmem:s0+$0xC420]  }
0x22e: {  	v6 =	vld [tilespmem:s0+$0xC430]  }
0x22f: {  	v7 =	vld [tilespmem:s0+$0xC440]  }
0x230: {  	v8 =	vld [tilespmem:s0+$0xC450];
	v3 =	vshrl.u32 v3, $0x14  }
0x231: {  	v9 =	vld [tilespmem:s0+$0xC460];
	v4 =	vshrl.u32 v4, $0x14;
	v3 =	vadd.s32 v1, v3  }
0x232: {  	v61 =	vld [tilespmem:s0+$0xC470];
	v5 =	vshrl.u32 v5, $0x14;
	v4 =	vadd.s32 v1, v4  }
0x233: {  	v6 =	vshrl.u32 v6, $0x14;
	v5 =	vadd.s32 v1, v5  }
0x234: {  	v7 =	vshrl.u32 v7, $0x14;
	v6 =	vadd.s32 v1, v6  }
0x235: {  	v8 =	vshrl.u32 v8, $0x14;
	v7 =	vadd.s32 v1, v7  }
0x236: {  	v9 =	vshrl.u32 v9, $0x14;
	v8 =	vadd.s32 v1, v8;
	[tilespmem:v3+s24+$0x0] =	vst.idx.add.s32.msk $0xffff, v2  }
0x237: {  	v9 =	vadd.s32 v1, v9;
	v3 =	vshrl.u32 v61, $0x14;
	[tilespmem:v4+s24+$0x0] =	vst.idx.add.s32.msk $0xffff, v2  }
0x238: {  	v3 =	vadd.s32 v1, v3;
	[tilespmem:v5+s24+$0x0] =	vst.idx.add.s32.msk $0xffff, v2  }
0x239: {  	[tilespmem:v6+s24+$0x0] =	vst.idx.add.s32.msk $0xffff, v2  }
0x23a: {  	[tilespmem:v7+s24+$0x0] =	vst.idx.add.s32.msk $0xffff, v2  }
0x23b: {  	[tilespmem:v8+s24+$0x0] =	vst.idx.add.s32.msk $0xffff, v2  }
0x23c: {  	[tilespmem:v9+s24+$0x0] =	vst.idx.add.s32.msk $0xffff, v2  }
0x23d: {  	[tilespmem:v3+s24+$0x0] =	vst.idx.add.s32.msk $0xffff, v2  }
0x23e: {  	v3 =	vld [tilespmem:s0+$0xC800]  }
0x23f: {  	v4 =	vld [tilespmem:s0+$0xC810]  }
0x240: {  	v5 =	vld [tilespmem:s0+$0xC820]  }
0x241: {  	v6 =	vld [tilespmem:s0+$0xC830]  }
0x242: {  	v7 =	vld [tilespmem:s0+$0xC840]  }
0x243: {  	v8 =	vld [tilespmem:s0+$0xC850];
	v3 =	vshrl.u32 v3, $0x14  }
0x244: {  	v9 =	vld [tilespmem:s0+$0xC860];
	v4 =	vshrl.u32 v4, $0x14;
	v3 =	vadd.s32 v1, v3  }
0x245: {  	v62 =	vld [tilespmem:s0+$0xC870];
	v5 =	vshrl.u32 v5, $0x14;
	v4 =	vadd.s32 v1, v4  }
0x246: {  	v6 =	vshrl.u32 v6, $0x14;
	v5 =	vadd.s32 v1, v5  }
0x247: {  	v7 =	vshrl.u32 v7, $0x14;
	v6 =	vadd.s32 v1, v6  }
0x248: {  	v8 =	vshrl.u32 v8, $0x14;
	v7 =	vadd.s32 v1, v7  }
0x249: {  	v9 =	vshrl.u32 v9, $0x14;
	v8 =	vadd.s32 v1, v8;
	[tilespmem:v3+s24+$0x0] =	vst.idx.add.s32.msk $0xffff, v2  }
0x24a: {  	v9 =	vadd.s32 v1, v9;
	v3 =	vshrl.u32 v62, $0x14;
	[tilespmem:v4+s24+$0x0] =	vst.idx.add.s32.msk $0xffff, v2  }
0x24b: {  	v3 =	vadd.s32 v1, v3;
	[tilespmem:v5+s24+$0x0] =	vst.idx.add.s32.msk $0xffff, v2  }
0x24c: {  	[tilespmem:v6+s24+$0x0] =	vst.idx.add.s32.msk $0xffff, v2  }
0x24d: {  	[tilespmem:v7+s24+$0x0] =	vst.idx.add.s32.msk $0xffff, v2  }
0x24e: {  	[tilespmem:v8+s24+$0x0] =	vst.idx.add.s32.msk $0xffff, v2  }
0x24f: {  	[tilespmem:v9+s24+$0x0] =	vst.idx.add.s32.msk $0xffff, v2  }
0x250: {  	[tilespmem:v3+s24+$0x0] =	vst.idx.add.s32.msk $0xffff, v2  }
0x251: {  	v3 =	vld [tilespmem:s0+$0xCC00]  }
0x252: {  	v4 =	vld [tilespmem:s0+$0xCC10]  }
0x253: {  	v5 =	vld [tilespmem:s0+$0xCC20]  }
0x254: {  	v6 =	vld [tilespmem:s0+$0xCC30]  }
0x255: {  	v7 =	vld [tilespmem:s0+$0xCC40]  }
0x256: {  	v8 =	vld [tilespmem:s0+$0xCC50];
	v3 =	vshrl.u32 v3, $0x14  }
0x257: {  	v9 =	vld [tilespmem:s0+$0xCC60];
	v4 =	vshrl.u32 v4, $0x14;
	v3 =	vadd.s32 v1, v3  }
0x258: {  	v63 =	vld [tilespmem:s0+$0xCC70];
	v5 =	vshrl.u32 v5, $0x14;
	v4 =	vadd.s32 v1, v4  }
0x259: {  	v6 =	vshrl.u32 v6, $0x14;
	v5 =	vadd.s32 v1, v5  }
0x25a: {  	v7 =	vshrl.u32 v7, $0x14;
	v6 =	vadd.s32 v1, v6  }
0x25b: {  	v8 =	vshrl.u32 v8, $0x14;
	v7 =	vadd.s32 v1, v7  }
0x25c: {  	v9 =	vshrl.u32 v9, $0x14;
	v8 =	vadd.s32 v1, v8;
	[tilespmem:v3+s24+$0x0] =	vst.idx.add.s32.msk $0xffff, v2  }
0x25d: {  	v9 =	vadd.s32 v1, v9;
	v3 =	vshrl.u32 v63, $0x14;
	[tilespmem:v4+s24+$0x0] =	vst.idx.add.s32.msk $0xffff, v2  }
0x25e: {  	p0 =	sne.s32 s31, $0x1E00;
	v3 =	vadd.s32 v1, v3;
	[tilespmem:v5+s24+$0x0] =	vst.idx.add.s32.msk $0xffff, v2  }
.Ltmp7:
0x25f: {  	[tilespmem:v6+s24+$0x0] =	vst.idx.add.s32.msk $0xffff, v2;
	(pc) =	sbr.rel @p0 .LBB2_16-.Ltmp7, $4  }
0x260: {  	[tilespmem:v7+s24+$0x0] =	vst.idx.add.s32.msk $0xffff, v2  }
0x261: {  	[tilespmem:v8+s24+$0x0] =	vst.idx.add.s32.msk $0xffff, v2  }
0x262: {  	[tilespmem:v9+s24+$0x0] =	vst.idx.add.s32.msk $0xffff, v2  }
0x263: {  	s30 =	sadd.s32 $0x80, s30;
	s31 =	sadd.s32 $0x200, s31;
	[tilespmem:v3+s24+$0x0] =	vst.idx.add.s32.msk $0xffff, v2  }
0x264: {  	_ =	swait.ge [sflag:s23], $0x2000  }
0x265: {  	[sflag:s23] =	ssyncset.done $0x0  }
0x266: {  	s30 =	simm.s32 $0x0;
	s31 =	simm.s32 $0x0;
	[sflag:s23] =	ssyncadd.s32 $0xFFFFE000  }
.LBB2_18:
0x267: {  	s0 =	sand.u32 $0x1000, s31;
	s2 =	sand.u32 $0x380, s30  }
0x268: {  	s0 =	sor.u32 s2, s0  }
0x269: {  	v3 =	vld [tilespmem:s0+$0xE000]  }
0x26a: {  	v4 =	vld [tilespmem:s0+$0xE010]  }
0x26b: {  	v5 =	vld [tilespmem:s0+$0xE020]  }
0x26c: {  	v6 =	vld [tilespmem:s0+$0xE030]  }
0x26d: {  	v7 =	vld [tilespmem:s0+$0xE040]  }
0x26e: {  	v8 =	vld [tilespmem:s0+$0xE050];
	v3 =	vshrl.u32 v3, $0x14  }
0x26f: {  	v9 =	vld [tilespmem:s0+$0xE060];
	v4 =	vshrl.u32 v4, $0x14;
	v3 =	vadd.s32 v1, v3  }
0x270: {  	v10 =	vld [tilespmem:s0+$0xE070];
	v5 =	vshrl.u32 v5, $0x14;
	v4 =	vadd.s32 v1, v4  }
0x271: {  	v6 =	vshrl.u32 v6, $0x14;
	v5 =	vadd.s32 v1, v5  }
0x272: {  	v7 =	vshrl.u32 v7, $0x14;
	v6 =	vadd.s32 v1, v6  }
0x273: {  	v8 =	vshrl.u32 v8, $0x14;
	v7 =	vadd.s32 v1, v7  }
0x274: {  	v9 =	vshrl.u32 v9, $0x14;
	v8 =	vadd.s32 v1, v8;
	[tilespmem:v3+s24+$0x0] =	vst.idx.add.s32.msk $0xffff, v2  }
0x275: {  	v9 =	vadd.s32 v1, v9;
	v3 =	vshrl.u32 v10, $0x14;
	[tilespmem:v4+s24+$0x0] =	vst.idx.add.s32.msk $0xffff, v2  }
0x276: {  	v3 =	vadd.s32 v1, v3;
	[tilespmem:v5+s24+$0x0] =	vst.idx.add.s32.msk $0xffff, v2  }
0x277: {  	[tilespmem:v6+s24+$0x0] =	vst.idx.add.s32.msk $0xffff, v2  }
0x278: {  	[tilespmem:v7+s24+$0x0] =	vst.idx.add.s32.msk $0xffff, v2  }
0x279: {  	[tilespmem:v8+s24+$0x0] =	vst.idx.add.s32.msk $0xffff, v2  }
0x27a: {  	[tilespmem:v9+s24+$0x0] =	vst.idx.add.s32.msk $0xffff, v2  }
0x27b: {  	[tilespmem:v3+s24+$0x0] =	vst.idx.add.s32.msk $0xffff, v2  }
0x27c: {  	v3 =	vld [tilespmem:s0+$0xE400]  }
0x27d: {  	v4 =	vld [tilespmem:s0+$0xE410]  }
0x27e: {  	v5 =	vld [tilespmem:s0+$0xE420]  }
0x27f: {  	v6 =	vld [tilespmem:s0+$0xE430]  }
0x280: {  	v7 =	vld [tilespmem:s0+$0xE440]  }
0x281: {  	v8 =	vld [tilespmem:s0+$0xE450];
	v3 =	vshrl.u32 v3, $0x14  }
0x282: {  	v9 =	vld [tilespmem:s0+$0xE460];
	v4 =	vshrl.u32 v4, $0x14;
	v3 =	vadd.s32 v1, v3  }
0x283: {  	v61 =	vld [tilespmem:s0+$0xE470];
	v5 =	vshrl.u32 v5, $0x14;
	v4 =	vadd.s32 v1, v4  }
0x284: {  	v6 =	vshrl.u32 v6, $0x14;
	v5 =	vadd.s32 v1, v5  }
0x285: {  	v7 =	vshrl.u32 v7, $0x14;
	v6 =	vadd.s32 v1, v6  }
0x286: {  	v8 =	vshrl.u32 v8, $0x14;
	v7 =	vadd.s32 v1, v7  }
0x287: {  	v9 =	vshrl.u32 v9, $0x14;
	v8 =	vadd.s32 v1, v8;
	[tilespmem:v3+s24+$0x0] =	vst.idx.add.s32.msk $0xffff, v2  }
0x288: {  	v9 =	vadd.s32 v1, v9;
	v3 =	vshrl.u32 v61, $0x14;
	[tilespmem:v4+s24+$0x0] =	vst.idx.add.s32.msk $0xffff, v2  }
0x289: {  	v3 =	vadd.s32 v1, v3;
	[tilespmem:v5+s24+$0x0] =	vst.idx.add.s32.msk $0xffff, v2  }
0x28a: {  	[tilespmem:v6+s24+$0x0] =	vst.idx.add.s32.msk $0xffff, v2  }
0x28b: {  	[tilespmem:v7+s24+$0x0] =	vst.idx.add.s32.msk $0xffff, v2  }
0x28c: {  	[tilespmem:v8+s24+$0x0] =	vst.idx.add.s32.msk $0xffff, v2  }
0x28d: {  	[tilespmem:v9+s24+$0x0] =	vst.idx.add.s32.msk $0xffff, v2  }
0x28e: {  	[tilespmem:v3+s24+$0x0] =	vst.idx.add.s32.msk $0xffff, v2  }
0x28f: {  	v3 =	vld [tilespmem:s0+$0xE800]  }
0x290: {  	v4 =	vld [tilespmem:s0+$0xE810]  }
0x291: {  	v5 =	vld [tilespmem:s0+$0xE820]  }
0x292: {  	v6 =	vld [tilespmem:s0+$0xE830]  }
0x293: {  	v7 =	vld [tilespmem:s0+$0xE840]  }
0x294: {  	v8 =	vld [tilespmem:s0+$0xE850];
	v3 =	vshrl.u32 v3, $0x14  }
0x295: {  	v9 =	vld [tilespmem:s0+$0xE860];
	v4 =	vshrl.u32 v4, $0x14;
	v3 =	vadd.s32 v1, v3  }
0x296: {  	v62 =	vld [tilespmem:s0+$0xE870];
	v5 =	vshrl.u32 v5, $0x14;
	v4 =	vadd.s32 v1, v4  }
0x297: {  	v6 =	vshrl.u32 v6, $0x14;
	v5 =	vadd.s32 v1, v5  }
0x298: {  	v7 =	vshrl.u32 v7, $0x14;
	v6 =	vadd.s32 v1, v6  }
0x299: {  	v8 =	vshrl.u32 v8, $0x14;
	v7 =	vadd.s32 v1, v7  }
0x29a: {  	v9 =	vshrl.u32 v9, $0x14;
	v8 =	vadd.s32 v1, v8;
	[tilespmem:v3+s24+$0x0] =	vst.idx.add.s32.msk $0xffff, v2  }
0x29b: {  	v9 =	vadd.s32 v1, v9;
	v3 =	vshrl.u32 v62, $0x14;
	[tilespmem:v4+s24+$0x0] =	vst.idx.add.s32.msk $0xffff, v2  }
0x29c: {  	v3 =	vadd.s32 v1, v3;
	[tilespmem:v5+s24+$0x0] =	vst.idx.add.s32.msk $0xffff, v2  }
0x29d: {  	[tilespmem:v6+s24+$0x0] =	vst.idx.add.s32.msk $0xffff, v2  }
0x29e: {  	[tilespmem:v7+s24+$0x0] =	vst.idx.add.s32.msk $0xffff, v2  }
0x29f: {  	[tilespmem:v8+s24+$0x0] =	vst.idx.add.s32.msk $0xffff, v2  }
0x2a0: {  	[tilespmem:v9+s24+$0x0] =	vst.idx.add.s32.msk $0xffff, v2  }
0x2a1: {  	[tilespmem:v3+s24+$0x0] =	vst.idx.add.s32.msk $0xffff, v2  }
0x2a2: {  	v3 =	vld [tilespmem:s0+$0xEC00]  }
0x2a3: {  	v4 =	vld [tilespmem:s0+$0xEC10]  }
0x2a4: {  	v5 =	vld [tilespmem:s0+$0xEC20]  }
0x2a5: {  	v6 =	vld [tilespmem:s0+$0xEC30]  }
0x2a6: {  	v7 =	vld [tilespmem:s0+$0xEC40]  }
0x2a7: {  	v8 =	vld [tilespmem:s0+$0xEC50];
	v3 =	vshrl.u32 v3, $0x14  }
0x2a8: {  	v9 =	vld [tilespmem:s0+$0xEC60];
	v4 =	vshrl.u32 v4, $0x14;
	v3 =	vadd.s32 v1, v3  }
0x2a9: {  	v63 =	vld [tilespmem:s0+$0xEC70];
	v5 =	vshrl.u32 v5, $0x14;
	v4 =	vadd.s32 v1, v4  }
0x2aa: {  	v6 =	vshrl.u32 v6, $0x14;
	v5 =	vadd.s32 v1, v5  }
0x2ab: {  	v7 =	vshrl.u32 v7, $0x14;
	v6 =	vadd.s32 v1, v6  }
0x2ac: {  	v8 =	vshrl.u32 v8, $0x14;
	v7 =	vadd.s32 v1, v7  }
0x2ad: {  	v9 =	vshrl.u32 v9, $0x14;
	v8 =	vadd.s32 v1, v8;
	[tilespmem:v3+s24+$0x0] =	vst.idx.add.s32.msk $0xffff, v2  }
0x2ae: {  	v9 =	vadd.s32 v1, v9;
	v3 =	vshrl.u32 v63, $0x14;
	[tilespmem:v4+s24+$0x0] =	vst.idx.add.s32.msk $0xffff, v2  }
0x2af: {  	p0 =	sne.s32 s31, $0x1E00;
	v3 =	vadd.s32 v1, v3;
	[tilespmem:v5+s24+$0x0] =	vst.idx.add.s32.msk $0xffff, v2  }
.Ltmp8:
0x2b0: {  	[tilespmem:v6+s24+$0x0] =	vst.idx.add.s32.msk $0xffff, v2;
	(pc) =	sbr.rel @p0 .LBB2_18-.Ltmp8, $4  }
0x2b1: {  	[tilespmem:v7+s24+$0x0] =	vst.idx.add.s32.msk $0xffff, v2  }
0x2b2: {  	[tilespmem:v8+s24+$0x0] =	vst.idx.add.s32.msk $0xffff, v2  }
0x2b3: {  	[tilespmem:v9+s24+$0x0] =	vst.idx.add.s32.msk $0xffff, v2  }
0x2b4: {  	s30 =	sadd.s32 $0x80, s30;
	s31 =	sadd.s32 $0x200, s31;
	[tilespmem:v3+s24+$0x0] =	vst.idx.add.s32.msk $0xffff, v2  }
0x2b5: {  	s0 =	simm.s32 $0x0  }
0x2b6: {  	v3 =	vld [tilespmem:s0+$0x10000]  }
0x2b7: {  	v4 =	vld [tilespmem:s0+$0x10801]  }
0x2b8: {  	v5 =	vld [tilespmem:s0+$0x11002]  }
0x2b9: {  	v6 =	vld [tilespmem:s0+$0x11803]  }
0x2ba: {  	v7 =	vld [tilespmem:s0+$0x12004]  }
0x2bb: {  	v8 =	vld [tilespmem:s0+$0x12805]  }
0x2bc: {  	v3 =	vadd.s32 v3, v4;
	v4 =	vld [tilespmem:s0+$0x13006]  }
0x2bd: {  	v3 =	vadd.s32 v5, v3;
	v5 =	vld [tilespmem:s0+$0x13807]  }
0x2be: {  	v3 =	vadd.s32 v6, v3;
	v6 =	vld [tilespmem:s0+$0x14008]  }
0x2bf: {  	v3 =	vadd.s32 v7, v3;
	v7 =	vld [tilespmem:s0+$0x14809]  }
0x2c0: {  	v3 =	vadd.s32 v8, v3;
	v8 =	vld [tilespmem:s0+$0x1500A]  }
0x2c1: {  	v9 =	vld [tilespmem:s0+$0x1580B];
	v3 =	vadd.s32 v4, v3  }
0x2c2: {  	v4 =	vld [tilespmem:s0+$0x1600C];
	v3 =	vadd.s32 v5, v3  }
0x2c3: {  	v5 =	vld [tilespmem:s0+$0x1680D];
	v3 =	vadd.s32 v6, v3  }
0x2c4: {  	v6 =	vld [tilespmem:s0+$0x1700E];
	v3 =	vadd.s32 v7, v3  }
0x2c5: {  	s30 =	simm.s32 $0x10;
	v7 =	vld [tilespmem:s0+$0x1780F];
	v8 =	vadd.s32 v8, v3  }
0x2c6: {  	s31 =	simm.s32 $0x80;
	v3 =	vld [tilespmem:s30+$0x10000];
	v8 =	vadd.s32 v9, v8  }
.LBB2_20:
0x2c7: {  	p0 =	sne.s32 s31, $0x1FC0;
	v9 =	vld [tilespmem:s30+$0x10801];
	v4 =	vadd.s32 v4, v8  }
0x2c8: {  	v8 =	vld [tilespmem:s30+$0x11002];
	v4 =	vadd.s32 v5, v4  }
0x2c9: {  	v5 =	vld [tilespmem:s30+$0x11803];
	v4 =	vadd.s32 v6, v4  }
0x2ca: {  	v6 =	vld [tilespmem:s30+$0x12004];
	v4 =	vadd.s32 v7, v4  }
0x2cb: {  	v7 =	vld [tilespmem:s30+$0x12805];
	[tilespmem:s0+$0x18080] =	vst v4;
	s0 =	smov.u32 s30  }
0x2cc: {  	v3 =	vadd.s32 v3, v9;
	v4 =	vld [tilespmem:s0+$0x13006]  }
0x2cd: {  	v3 =	vadd.s32 v8, v3;
	v8 =	vld [tilespmem:s0+$0x13807]  }
0x2ce: {  	v3 =	vadd.s32 v5, v3;
	v5 =	vld [tilespmem:s0+$0x14008]  }
0x2cf: {  	v3 =	vadd.s32 v6, v3;
	v6 =	vld [tilespmem:s0+$0x14809]  }
0x2d0: {  	v3 =	vadd.s32 v7, v3;
	v7 =	vld [tilespmem:s0+$0x1500A]  }
0x2d1: {  	v3 =	vadd.s32 v4, v3;
	v9 =	vld [tilespmem:s0+$0x1580B]  }
.Ltmp9:
0x2d2: {  	v3 =	vadd.s32 v8, v3;
	v4 =	vld [tilespmem:s0+$0x1600C];
	(pc) =	sbr.rel @p0 .LBB2_20-.Ltmp9, $4  }
0x2d3: {  	v3 =	vadd.s32 v5, v3;
	v5 =	vld [tilespmem:s0+$0x1680D]  }
0x2d4: {  	v3 =	vadd.s32 v6, v3;
	v6 =	vld [tilespmem:s0+$0x1700E]  }
0x2d5: {  	s30 =	sshra.s32 s31, $0x2;
	v8 =	vadd.s32 v7, v3;
	v7 =	vld [tilespmem:s0+$0x1780F]  }
0x2d6: {  	s31 =	sadd.s32 $0x40, s31;
	v3 =	vld [tilespmem:s30+$0x10000];
	v8 =	vadd.s32 v9, v8  }
0x2d7: {  	v9 =	vld [tilespmem:s30+$0x10801];
	v4 =	vadd.s32 v4, v8  }
0x2d8: {  	v51 =	vld [tilespmem:s30+$0x11002];
	v4 =	vadd.s32 v5, v4  }
0x2d9: {  	v52 =	vld [tilespmem:s30+$0x11803];
	v4 =	vadd.s32 v6, v4  }
0x2da: {  	v53 =	vld [tilespmem:s30+$0x12004];
	v4 =	vadd.s32 v7, v4  }
0x2db: {  	v54 =	vld [tilespmem:s30+$0x12805];
	[tilespmem:s0+$0x18080] =	vst v4  }
0x2dc: {  	v3 =	vadd.s32 v3, v9;
	v4 =	vld [tilespmem:s30+$0x13006]  }
0x2dd: {  	v55 =	vld [tilespmem:s30+$0x13807];
	v3 =	vadd.s32 v51, v3  }
0x2de: {  	v56 =	vld [tilespmem:s30+$0x14008];
	v3 =	vadd.s32 v52, v3  }
0x2df: {  	v57 =	vld [tilespmem:s30+$0x14809];
	v3 =	vadd.s32 v53, v3  }
0x2e0: {  	v58 =	vld [tilespmem:s30+$0x1500A];
	v3 =	vadd.s32 v54, v3  }
0x2e1: {  	v59 =	vld [tilespmem:s30+$0x1580B];
	v3 =	vadd.s32 v4, v3  }
0x2e2: {  	v60 =	vld [tilespmem:s30+$0x1600C];
	v3 =	vadd.s32 v55, v3  }
0x2e3: {  	v61 =	vld [tilespmem:s30+$0x1680D];
	v3 =	vadd.s32 v56, v3  }
0x2e4: {  	v62 =	vld [tilespmem:s30+$0x1700E];
	v3 =	vadd.s32 v57, v3  }
0x2e5: {  	v63 =	vld [tilespmem:s30+$0x1780F];
	v3 =	vadd.s32 v58, v3  }
0x2e6: {  	v3 =	vadd.s32 v59, v3  }
0x2e7: {  	v3 =	vadd.s32 v60, v3  }
0x2e8: {  	v3 =	vadd.s32 v61, v3  }
0x2e9: {  	s29 =	sadd.s32 $0x1, s29;
	v3 =	vadd.s32 v62, v3  }
0x2ea: {  	p0 =	sne.s32 s29, s13;
	v3 =	vadd.s32 v63, v3  }
.Ltmp10:
0x2eb: {  	[tilespmem:s30+$0x18080] =	vst v3;
	(pc) =	sbr.rel @p0 .LBB2_1-.Ltmp10, $4  }
0x2ec: {  	[hbm4b:s12+s25] =	stream.strided.scatter [tilespmem:s28], [sflag:$0x2], $0x800, s26, s25, $0x38;
	[tilespmem:$0x18900] =	vst v63  }
0x2ed: {  	_ =	swait.ge [sflag:s15], $0x800  }
0x2ee: {  	[sflag:s15] =	ssyncset.done $0x0  }
0x2ef: {  	[sflag:s15] =	ssyncadd.s32 $0xFFFFF800  }
0x2f0: {  	_ =	sfence.sel $0x180000  }
0x2f1: {  	[bflag:$0x0] =	sbarrier.arrive $0xFFFF  }
0x2f2: {  	_ =	strace $0x90000047  }
0x2f3: {  	s0 =	stileid.u32;
	[bflag:$0x2] =	sbarrier.arrive $0xFFFF  }
0x2f4: {  	p0 =	sne.s32 s0, $0x0;
	s0 =	rddreg [dreg:$0x2]  }
0x2f5: {  	s0 =	sadd.s32 @!p0 $0x100000, s0  }
0x2f6: {  	[sflag:s0] =	ssyncadd.tile.s32 @!p0 $0x1;
	_ =	shalt  }
.Lfunc_end2:
_tile_overlayer_lowered:
.L_overlay_start_2:
0x2f7: {  	(tag) =	ssettag $0x2  }
0x2f8: {  	s0 =	rddreg [dreg:$0x0];
	s2 =	stileid.u32  }
0x2f9: {  	s1 =	rddreg [dreg:$0x1];
	p0 =	sne.s32 s2, $0x0  }
0x2fa: {  	s3 =	rddreg [dreg:$0x2];
	[bflag:$0x3] =	sbarrier.arrive $0xFFFF;
	s2 =	simm.s32 @!p0 $0x1C02  }
0x2fb: {  	[timem:s3], [sflag:s2] =	dma.local @!p0 [hbm:s0], s1  }
0x2fc: {  	s0 =	simm.s32 @!p0 $0x2  }
0x2fd: {  	_ =	swait.ge @!p0 [sflag:s0], s1  }
0x2fe: {  	s1 =	ssub.s32 @!p0 $0x0, s1;
	[sflag:s0] =	ssyncset.done @!p0 $0x0  }
0x2ff: {  	[sflag:s0] =	ssyncadd.s32 @!p0 s1  }
0x300: {  	[bflag:$0x3] =	sbarrier.arrive $0xFFFF  }
0x301: {  	_ =	shalt  }

</sc_bundles>
